<compile_context>
chip_gen: v7x
topology: tpu7x:2x2x1
jax: 0.10.2.dev20260603
libtpu: 0.0.44.dev20260713+nightly
codegen_flags: <defaults>
</compile_context>

<pallas_src>
import functools

import jax
import jax.numpy as jnp
from jax import lax
from jax.experimental import pallas as pl
from jax.experimental.pallas import tpu as pltpu
from jax.experimental.pallas import tpu_sc as plsc

N = 10000
D = 128
E = 320000
NC = 2
NS = 16
NW = NC * NS
CHUNK = 128
T = -(-E // (NW * CHUNK))
E_PAD = NW * T * CHUNK
N_PAD = 10240
RPT = N_PAD // NS
ZROWS = 128

_MESH = dict(core_axis_name="c", subcore_axis_name="s")


def _fill(ref, rows, cols, vec):
    def row(i, c):
        for j in range(cols // 16):
            ref[i, pl.ds(j * 16, 16)] = vec
        return c
    lax.fori_loop(0, rows, row, 0)


def _make_sc_agg():
    def body(u_hbm, src_hbm, dst_hbm, out_hbm, src_v, dst_v, rows_v, agg_sh,
             sem):
        cid = lax.axis_index("c")
        sid = lax.axis_index("s")
        wid = sid * NC + cid
        _fill(rows_v, ZROWS, D, jnp.zeros((16,), jnp.float32))
        r0 = sid * RPT
        for k in range(RPT // ZROWS):
            pltpu.sync_copy(rows_v, agg_sh.at[pl.ds(r0 + k * ZROWS, ZROWS)])
        plsc.subcore_barrier()

        def step(i, c):
            base = (wid * T + i) * CHUNK
            pltpu.sync_copy(src_hbm.at[pl.ds(base, CHUNK)], src_v)
            pltpu.sync_copy(dst_hbm.at[pl.ds(base, CHUNK)], dst_v)
            pltpu.async_copy(u_hbm.at[src_v], rows_v, sem).wait()
            pltpu.sync_copy(rows_v, agg_sh.at[dst_v], add=True)
            return c
        lax.fori_loop(0, T, step, 0)
        plsc.subcore_barrier()
        for k in range(RPT // ZROWS):
            r = r0 + k * ZROWS
            pltpu.sync_copy(agg_sh.at[pl.ds(r, ZROWS)], rows_v)
            pltpu.sync_copy(rows_v, out_hbm.at[cid, pl.ds(r, ZROWS)])

    return pl.kernel(
        body,
        out_type=jax.ShapeDtypeStruct((NC, N_PAD, D), jnp.float32),
        scratch_types=[
            pltpu.VMEM((CHUNK,), jnp.int32),
            pltpu.VMEM((CHUNK,), jnp.int32),
            pltpu.VMEM((ZROWS, D), jnp.float32),
            pltpu.VMEM_SHARED((N_PAD, D), jnp.float32),
            pltpu.SemaphoreType.DMA,
        ],
        mesh=plsc.VectorSubcoreMesh(**_MESH),
    )


def _make_sc_deg():
    def body(dst_hbm, out_hbm, dst_v, ones_v, deg_sh):
        cid = lax.axis_index("c")
        sid = lax.axis_index("s")
        wid = sid * NC + cid
        _fill(ones_v, ZROWS, D, jnp.zeros((16,), jnp.float32))
        r0 = sid * RPT
        for k in range(RPT // ZROWS):
            pltpu.sync_copy(ones_v, deg_sh.at[pl.ds(r0 + k * ZROWS, ZROWS)])
        _fill(ones_v, CHUNK, D, jnp.ones((16,), jnp.float32))
        plsc.subcore_barrier()

        def step(i, c):
            base = (wid * T + i) * CHUNK
            pltpu.sync_copy(dst_hbm.at[pl.ds(base, CHUNK)], dst_v)
            pltpu.sync_copy(ones_v, deg_sh.at[dst_v], add=True)
            return c
        lax.fori_loop(0, T, step, 0)
        plsc.subcore_barrier()
        for k in range(RPT // ZROWS):
            r = r0 + k * ZROWS
            pltpu.sync_copy(deg_sh.at[pl.ds(r, ZROWS)], ones_v)
            pltpu.sync_copy(ones_v, out_hbm.at[cid, pl.ds(r, ZROWS)])

    return pl.kernel(
        body,
        out_type=jax.ShapeDtypeStruct((NC, N_PAD, D), jnp.float32),
        scratch_types=[
            pltpu.VMEM((CHUNK,), jnp.int32),
            pltpu.VMEM((ZROWS, D), jnp.float32),
            pltpu.VMEM_SHARED((N_PAD, D), jnp.float32),
        ],
        mesh=plsc.VectorSubcoreMesh(**_MESH),
    )


_SC_AGG = _make_sc_agg()
_SC_DEG = _make_sc_deg()

BN = 2000
GRID = N // BN


def _tc_pre(x, wlT, wrT, b):
    def body(x_ref, wl_ref, wr_ref, b_ref, u_ref, v_ref):
        xb = x_ref[...]
        u_ref[...] = jnp.dot(xb, wl_ref[...], preferred_element_type=jnp.float32)
        v_ref[...] = jnp.dot(xb, wr_ref[...], preferred_element_type=jnp.float32) + b_ref[...]
    return pl.pallas_call(
        body,
        grid=(GRID,),
        in_specs=[
            pl.BlockSpec((BN, D), lambda i: (i, 0)),
            pl.BlockSpec((D, D), lambda i: (0, 0)),
            pl.BlockSpec((D, D), lambda i: (0, 0)),
            pl.BlockSpec((1, D), lambda i: (0, 0)),
        ],
        out_specs=[
            pl.BlockSpec((BN, D), lambda i: (i, 0)),
            pl.BlockSpec((BN, D), lambda i: (i, 0)),
        ],
        out_shape=[jax.ShapeDtypeStruct((N, D), jnp.float32)] * 2,
    )(x, wlT, wrT, b)


def _combine(p_ref, dg_ref, v_ref):
    ps = p_ref[0] + p_ref[1]
    dg = dg_ref[0, :, 0:1] + dg_ref[1, :, 0:1]
    inv = 1.0 / jnp.maximum(dg, 1.0)
    return jnp.maximum(ps * inv + v_ref[...], 0.0)


def _tc_mid(p, degp, v, wlT, wrT, b):
    def body(p_ref, dg_ref, v_ref, wl_ref, wr_ref, b_ref, u_ref, v2_ref):
        h = _combine(p_ref, dg_ref, v_ref)
        u_ref[...] = jnp.dot(h, wl_ref[...], preferred_element_type=jnp.float32)
        v2_ref[...] = jnp.dot(h, wr_ref[...], preferred_element_type=jnp.float32) + b_ref[...]
    return pl.pallas_call(
        body,
        grid=(GRID,),
        in_specs=[
            pl.BlockSpec((NC, BN, D), lambda i: (0, i, 0)),
            pl.BlockSpec((NC, BN, D), lambda i: (0, i, 0)),
            pl.BlockSpec((BN, D), lambda i: (i, 0)),
            pl.BlockSpec((D, D), lambda i: (0, 0)),
            pl.BlockSpec((D, D), lambda i: (0, 0)),
            pl.BlockSpec((1, D), lambda i: (0, 0)),
        ],
        out_specs=[
            pl.BlockSpec((BN, D), lambda i: (i, 0)),
            pl.BlockSpec((BN, D), lambda i: (i, 0)),
        ],
        out_shape=[jax.ShapeDtypeStruct((N, D), jnp.float32)] * 2,
    )(p, degp, v, wlT, wrT, b)


def _tc_final(p, degp, v):
    def body(p_ref, dg_ref, v_ref, o_ref):
        h = _combine(p_ref, dg_ref, v_ref)
        o_ref[...] = h[:, :17]
    return pl.pallas_call(
        body,
        grid=(GRID,),
        in_specs=[
            pl.BlockSpec((NC, BN, D), lambda i: (0, i, 0)),
            pl.BlockSpec((NC, BN, D), lambda i: (0, i, 0)),
            pl.BlockSpec((BN, D), lambda i: (i, 0)),
        ],
        out_specs=pl.BlockSpec((BN, 17), lambda i: (i, 0)),
        out_shape=jax.ShapeDtypeStruct((N, 17), jnp.float32),
    )(p, degp, v)


def kernel(x, edge_index, W1l, b1, W1r, W2l, b2, W2r, W3l, b3, W3r,
           W4l, b4, W4r, W5l, b5, W5r):
    pad = E_PAD - E
    srcp = jnp.concatenate([edge_index[0], jnp.zeros((pad,), jnp.int32)])
    dstp = jnp.concatenate([edge_index[1], jnp.full((pad,), N, jnp.int32)])

    degp = _SC_DEG(dstp)

    w5lT = jnp.zeros((D, D), jnp.float32).at[:, :17].set(W5l.T)
    w5rT = jnp.zeros((D, D), jnp.float32).at[:, :17].set(W5r.T)
    b5p = jnp.zeros((1, D), jnp.float32).at[0, :17].set(b5)

    u, v = _tc_pre(x, W1l.T, W1r.T, b1.reshape(1, D))
    for wl, wr, b in ((W2l, W2r, b2), (W3l, W3r, b3), (W4l, W4r, b4)):
        p = _SC_AGG(u, srcp, dstp)
        u, v = _tc_mid(p, degp, v, wl.T, wr.T, b.reshape(1, D))
    p = _SC_AGG(u, srcp, dstp)
    u, v = _tc_mid(p, degp, v, w5lT, w5rT, b5p)
    p = _SC_AGG(u, srcp, dstp)
    return _tc_final(p, degp, v)

# --- scband reference (transcript-rebuilt; emitter-appended) ---
"""Pipeline reference for scband-graph-sage-node-classfication-gaussion-77180562309273 (READ-ONLY COPY).

The authoritative reference and input builder live on the scoring server;
editing this copy changes nothing except your own understanding.
"""

import jax, jax.numpy as jnp
import numpy as np

N = 10000
E = 320000
D_IN = 128
D_H = 128
D_OUT = 17


def _sage_conv(x, edge_index, Wl, bl, Wr):
    # PyG SAGEConv with mean aggregation:
    #   out = lin_l(mean_{j in N(i)} x_j) + lin_r(x_i), bias lives in lin_l
    src = edge_index[0]
    dst = edge_index[1]
    n = x.shape[0]
    msg = jnp.take(x, src, axis=0)
    agg = jax.ops.segment_sum(msg, dst, num_segments=n)
    deg = jax.ops.segment_sum(jnp.ones((src.shape[0],), x.dtype), dst, num_segments=n)
    mean = agg / jnp.clip(deg, 1.0, None)[:, None]
    return mean @ Wl.T + bl + x @ Wr.T


def setup_inputs(seed: int = 0) -> dict:
    key = jax.random.key(seed)
    ks = jax.random.split(key, 16)
    x = jax.random.normal(ks[0], (N, D_IN), dtype=jnp.float32)
    edge_index = jax.random.randint(ks[1], (2, E), 0, N, dtype=jnp.int32)
    dims = [(D_H, D_IN), (D_H, D_H), (D_H, D_H), (D_H, D_H), (D_OUT, D_H)]
    inp = {"x": x, "edge_index": edge_index}
    ki = 2
    for li, (o, i_) in enumerate(dims, 1):
        s = 1.0 / np.sqrt(i_)
        inp[f"W{li}l"] = jax.random.normal(ks[ki], (o, i_), dtype=jnp.float32) * s
        ki += 1
        inp[f"b{li}"] = jnp.zeros((o,), dtype=jnp.float32)
        inp[f"W{li}r"] = jax.random.normal(ks[ki], (o, i_), dtype=jnp.float32) * s
        ki += 1
    return inp


def reference(x, edge_index, W1l, b1, W1r, W2l, b2, W2r, W3l, b3, W3r, W4l, b4, W4r, W5l, b5, W5r):
    h = jax.nn.relu(_sage_conv(x, edge_index, W1l, b1, W1r))
    h = jax.nn.relu(_sage_conv(h, edge_index, W2l, b2, W2r))
    h = jax.nn.relu(_sage_conv(h, edge_index, W3l, b3, W3r))
    h = jax.nn.relu(_sage_conv(h, edge_index, W4l, b4, W4r))
    h = jax.nn.relu(_sage_conv(h, edge_index, W5l, b5, W5r))
    return h.reshape(N, 17)

if __name__ == "__main__":
    import jax
    _d = setup_inputs()
    print(jax.jit(kernel)(*tuple(_d.values())))

</pallas_src>

<mosaic_0001>
#map = affine_map<(d0, d1) -> (0)>
#map1 = affine_map<(d0, d1) -> (0, 0, 0)>
module attributes {stable_mosaic.version = 14 : i64} {
  func.func @body(%arg0: i32, %arg1: i32, %arg2: memref<323584xi32, #tpu.memory_space<hbm>>, %arg3: memref<2x10240x128xf32, #tpu.memory_space<hbm>>, %arg4: memref<128xi32, #tpu.memory_space<vmem>>, %arg5: memref<128x128xf32, #tpu.memory_space<vmem>>, %arg6: memref<10240x128xf32, #tpu.memory_space<vmem_shared>>) attributes {dimension_semantics = [#tpu.dimension_semantics<core_parallel>, #tpu.dimension_semantics<subcore_parallel>], iteration_bounds = array<i64: 2, 16>, scalar_prefetch = 0 : i64, scratch_operands = 3 : i64, tpu.core_type = #tpu.core_type<sc_vector_subcore>, window_params = [{transform_indices = #map}, {transform_indices = #map1}]} {
    %mul3A = arith.constant 2 : i32
    %mul3A_0 = arith.muli %arg1, %mul3A : i32
    %add3A = arith.addi %mul3A_0, %arg0 : i32
    %broadcast_in_dim3A = arith.constant 0.000000e+00 : f32
    %broadcast_in_dim3A_1 = vector.broadcast %broadcast_in_dim3A : f32 to vector<16xf32>
    %scan3A = arith.constant 0 : i32
    %scan3A_2 = arith.constant 0 : i32
    %scan3A_3 = arith.constant 128 : i32
    %scan3A_4 = arith.addi %scan3A_2, %scan3A_3 : i32
    %scan3A_5 = arith.constant 1 : i32
    scf.for %scan3A_44 = %scan3A_2 to %scan3A_4 step %scan3A_5  : i32 {
      %swap3A = arith.index_cast %scan3A_44 : i32 to index
      %swap3A_45 = arith.constant 0 : index
      %swap3A_46 = tpu.vector_load %arg5[%swap3A, %swap3A_45] {strides = array<i32>} : memref<128x128xf32, #tpu.memory_space<vmem>>, vector<1x16xf32>,
      %swap3A_47 = vector.shape_cast %swap3A_46 : vector<1x16xf32> to vector<16xf32>
      %swap3A_48 = vector.shape_cast %broadcast_in_dim3A_1 : vector<16xf32> to vector<1x16xf32>
      tpu.vector_store %arg5[%swap3A, %swap3A_45], %swap3A_48 {strides = array<i32>} : memref<128x128xf32, #tpu.memory_space<vmem>>, vector<1x16xf32>,
      %swap3A_49 = arith.index_cast %scan3A_44 : i32 to index
      %swap3A_50 = arith.constant 16 : index
      %swap3A_51 = tpu.vector_load %arg5[%swap3A_49, %swap3A_50] {strides = array<i32>} : memref<128x128xf32, #tpu.memory_space<vmem>>, vector<1x16xf32>,
      %swap3A_52 = vector.shape_cast %swap3A_51 : vector<1x16xf32> to vector<16xf32>
      %swap3A_53 = vector.shape_cast %broadcast_in_dim3A_1 : vector<16xf32> to vector<1x16xf32>
      tpu.vector_store %arg5[%swap3A_49, %swap3A_50], %swap3A_53 {strides = array<i32>} : memref<128x128xf32, #tpu.memory_space<vmem>>, vector<1x16xf32>,
      %swap3A_54 = arith.index_cast %scan3A_44 : i32 to index
      %swap3A_55 = arith.constant 32 : index
      %swap3A_56 = tpu.vector_load %arg5[%swap3A_54, %swap3A_55] {strides = array<i32>} : memref<128x128xf32, #tpu.memory_space<vmem>>, vector<1x16xf32>,
      %swap3A_57 = vector.shape_cast %swap3A_56 : vector<1x16xf32> to vector<16xf32>
      %swap3A_58 = vector.shape_cast %broadcast_in_dim3A_1 : vector<16xf32> to vector<1x16xf32>
      tpu.vector_store %arg5[%swap3A_54, %swap3A_55], %swap3A_58 {strides = array<i32>} : memref<128x128xf32, #tpu.memory_space<vmem>>, vector<1x16xf32>,
      %swap3A_59 = arith.index_cast %scan3A_44 : i32 to index
      %swap3A_60 = arith.constant 48 : index
      %swap3A_61 = tpu.vector_load %arg5[%swap3A_59, %swap3A_60] {strides = array<i32>} : memref<128x128xf32, #tpu.memory_space<vmem>>, vector<1x16xf32>,
      %swap3A_62 = vector.shape_cast %swap3A_61 : vector<1x16xf32> to vector<16xf32>
      %swap3A_63 = vector.shape_cast %broadcast_in_dim3A_1 : vector<16xf32> to vector<1x16xf32>
      tpu.vector_store %arg5[%swap3A_59, %swap3A_60], %swap3A_63 {strides = array<i32>} : memref<128x128xf32, #tpu.memory_space<vmem>>, vector<1x16xf32>,
      %swap3A_64 = arith.index_cast %scan3A_44 : i32 to index
      %swap3A_65 = arith.constant 64 : index
      %swap3A_66 = tpu.vector_load %arg5[%swap3A_64, %swap3A_65] {strides = array<i32>} : memref<128x128xf32, #tpu.memory_space<vmem>>, vector<1x16xf32>,
      %swap3A_67 = vector.shape_cast %swap3A_66 : vector<1x16xf32> to vector<16xf32>
      %swap3A_68 = vector.shape_cast %broadcast_in_dim3A_1 : vector<16xf32> to vector<1x16xf32>
      tpu.vector_store %arg5[%swap3A_64, %swap3A_65], %swap3A_68 {strides = array<i32>} : memref<128x128xf32, #tpu.memory_space<vmem>>, vector<1x16xf32>,
      %swap3A_69 = arith.index_cast %scan3A_44 : i32 to index
      %swap3A_70 = arith.constant 80 : index
      %swap3A_71 = tpu.vector_load %arg5[%swap3A_69, %swap3A_70] {strides = array<i32>} : memref<128x128xf32, #tpu.memory_space<vmem>>, vector<1x16xf32>,
      %swap3A_72 = vector.shape_cast %swap3A_71 : vector<1x16xf32> to vector<16xf32>
      %swap3A_73 = vector.shape_cast %broadcast_in_dim3A_1 : vector<16xf32> to vector<1x16xf32>
      tpu.vector_store %arg5[%swap3A_69, %swap3A_70], %swap3A_73 {strides = array<i32>} : memref<128x128xf32, #tpu.memory_space<vmem>>, vector<1x16xf32>,
      %swap3A_74 = arith.index_cast %scan3A_44 : i32 to index
      %swap3A_75 = arith.constant 96 : index
      %swap3A_76 = tpu.vector_load %arg5[%swap3A_74, %swap3A_75] {strides = array<i32>} : memref<128x128xf32, #tpu.memory_space<vmem>>, vector<1x16xf32>,
      %swap3A_77 = vector.shape_cast %swap3A_76 : vector<1x16xf32> to vector<16xf32>
      %swap3A_78 = vector.shape_cast %broadcast_in_dim3A_1 : vector<16xf32> to vector<1x16xf32>
      tpu.vector_store %arg5[%swap3A_74, %swap3A_75], %swap3A_78 {strides = array<i32>} : memref<128x128xf32, #tpu.memory_space<vmem>>, vector<1x16xf32>,
      %swap3A_79 = arith.index_cast %scan3A_44 : i32 to index
      %swap3A_80 = arith.constant 112 : index
      %swap3A_81 = tpu.vector_load %arg5[%swap3A_79, %swap3A_80] {strides = array<i32>} : memref<128x128xf32, #tpu.memory_space<vmem>>, vector<1x16xf32>,
      %swap3A_82 = vector.shape_cast %swap3A_81 : vector<1x16xf32> to vector<16xf32>
      %swap3A_83 = vector.shape_cast %broadcast_in_dim3A_1 : vector<16xf32> to vector<1x16xf32>
      tpu.vector_store %arg5[%swap3A_79, %swap3A_80], %swap3A_83 {strides = array<i32>} : memref<128x128xf32, #tpu.memory_space<vmem>>, vector<1x16xf32>,
    }
    %scan3A_6 = arith.constant 128 : i32
    %mul3A_7 = arith.constant 640 : i32
    %mul3A_8 = arith.muli %arg1, %mul3A_7 : i32
    %add3A_9 = arith.constant 0 : i32
    %add3A_10 = arith.addi %mul3A_8, %add3A_9 : i32
    "tpu.region"() ({
      %run_scoped3A = tpu.sem_alloc : memref<!tpu.dma_semaphore, #tpu.memory_space<semaphore_mem>>
      %dma_start3A = arith.constant 0 : i32
      %dma_start3A_44 = tpu.memref_slice %arg6[%add3A_10, %dma_start3A] : memref<10240x128xf32, #tpu.memory_space<vmem_shared>> -> memref<128x128xf32, #tpu.memory_space<vmem_shared>>
      %dma_start3A_45 = arith.constant 0 : i32
      %dma_start3A_46 = tpu.memref_slice %arg6[%add3A_10, %dma_start3A_45] : memref<10240x128xf32, #tpu.memory_space<vmem_shared>> -> memref<128x128xf32, #tpu.memory_space<vmem_shared>>
      tpu.enqueue_dma source(%arg5 : memref<128x128xf32, #tpu.memory_space<vmem>>) target(%dma_start3A_46 : memref<128x128xf32, #tpu.memory_space<vmem_shared>>) target_semaphore(%run_scoped3A : memref<!tpu.dma_semaphore, #tpu.memory_space<semaphore_mem>>)
      %dma_wait3A = arith.constant 0 : i32
      %dma_wait3A_47 = tpu.memref_slice %arg6[%add3A_10, %dma_wait3A] : memref<10240x128xf32, #tpu.memory_space<vmem_shared>> -> memref<128x128xf32, #tpu.memory_space<vmem_shared>>
      %dma_wait3A_48 = arith.constant 0 : i32
      %dma_wait3A_49 = tpu.memref_slice %arg6[%add3A_10, %dma_wait3A_48] : memref<10240x128xf32, #tpu.memory_space<vmem_shared>> -> memref<128x128xf32, #tpu.memory_space<vmem_shared>>
      tpu.wait_dma2 semaphore(%run_scoped3A : memref<!tpu.dma_semaphore, #tpu.memory_space<semaphore_mem>>) src(%arg5 : memref<128x128xf32, #tpu.memory_space<vmem>>) dst(%dma_wait3A_49 : memref<128x128xf32, #tpu.memory_space<vmem_shared>>)
      tpu.yield
    }) : () -> ()
    %add3A_11 = arith.constant 128 : i32
    %add3A_12 = arith.addi %mul3A_8, %add3A_11 : i32
    "tpu.region"() ({
      %run_scoped3A = tpu.sem_alloc : memref<!tpu.dma_semaphore, #tpu.memory_space<semaphore_mem>>
      %dma_start3A = arith.constant 0 : i32
      %dma_start3A_44 = tpu.memref_slice %arg6[%add3A_12, %dma_start3A] : memref<10240x128xf32, #tpu.memory_space<vmem_shared>> -> memref<128x128xf32, #tpu.memory_space<vmem_shared>>
      %dma_start3A_45 = arith.constant 0 : i32
      %dma_start3A_46 = tpu.memref_slice %arg6[%add3A_12, %dma_start3A_45] : memref<10240x128xf32, #tpu.memory_space<vmem_shared>> -> memref<128x128xf32, #tpu.memory_space<vmem_shared>>
      tpu.enqueue_dma source(%arg5 : memref<128x128xf32, #tpu.memory_space<vmem>>) target(%dma_start3A_46 : memref<128x128xf32, #tpu.memory_space<vmem_shared>>) target_semaphore(%run_scoped3A : memref<!tpu.dma_semaphore, #tpu.memory_space<semaphore_mem>>)
      %dma_wait3A = arith.constant 0 : i32
      %dma_wait3A_47 = tpu.memref_slice %arg6[%add3A_12, %dma_wait3A] : memref<10240x128xf32, #tpu.memory_space<vmem_shared>> -> memref<128x128xf32, #tpu.memory_space<vmem_shared>>
      %dma_wait3A_48 = arith.constant 0 : i32
      %dma_wait3A_49 = tpu.memref_slice %arg6[%add3A_12, %dma_wait3A_48] : memref<10240x128xf32, #tpu.memory_space<vmem_shared>> -> memref<128x128xf32, #tpu.memory_space<vmem_shared>>
      tpu.wait_dma2 semaphore(%run_scoped3A : memref<!tpu.dma_semaphore, #tpu.memory_space<semaphore_mem>>) src(%arg5 : memref<128x128xf32, #tpu.memory_space<vmem>>) dst(%dma_wait3A_49 : memref<128x128xf32, #tpu.memory_space<vmem_shared>>)
      tpu.yield
    }) : () -> ()
    %add3A_13 = arith.constant 256 : i32
    %add3A_14 = arith.addi %mul3A_8, %add3A_13 : i32
    "tpu.region"() ({
      %run_scoped3A = tpu.sem_alloc : memref<!tpu.dma_semaphore, #tpu.memory_space<semaphore_mem>>
      %dma_start3A = arith.constant 0 : i32
      %dma_start3A_44 = tpu.memref_slice %arg6[%add3A_14, %dma_start3A] : memref<10240x128xf32, #tpu.memory_space<vmem_shared>> -> memref<128x128xf32, #tpu.memory_space<vmem_shared>>
      %dma_start3A_45 = arith.constant 0 : i32
      %dma_start3A_46 = tpu.memref_slice %arg6[%add3A_14, %dma_start3A_45] : memref<10240x128xf32, #tpu.memory_space<vmem_shared>> -> memref<128x128xf32, #tpu.memory_space<vmem_shared>>
      tpu.enqueue_dma source(%arg5 : memref<128x128xf32, #tpu.memory_space<vmem>>) target(%dma_start3A_46 : memref<128x128xf32, #tpu.memory_space<vmem_shared>>) target_semaphore(%run_scoped3A : memref<!tpu.dma_semaphore, #tpu.memory_space<semaphore_mem>>)
      %dma_wait3A = arith.constant 0 : i32
      %dma_wait3A_47 = tpu.memref_slice %arg6[%add3A_14, %dma_wait3A] : memref<10240x128xf32, #tpu.memory_space<vmem_shared>> -> memref<128x128xf32, #tpu.memory_space<vmem_shared>>
      %dma_wait3A_48 = arith.constant 0 : i32
      %dma_wait3A_49 = tpu.memref_slice %arg6[%add3A_14, %dma_wait3A_48] : memref<10240x128xf32, #tpu.memory_space<vmem_shared>> -> memref<128x128xf32, #tpu.memory_space<vmem_shared>>
      tpu.wait_dma2 semaphore(%run_scoped3A : memref<!tpu.dma_semaphore, #tpu.memory_space<semaphore_mem>>) src(%arg5 : memref<128x128xf32, #tpu.memory_space<vmem>>) dst(%dma_wait3A_49 : memref<128x128xf32, #tpu.memory_space<vmem_shared>>)
      tpu.yield
    }) : () -> ()
    %add3A_15 = arith.constant 384 : i32
    %add3A_16 = arith.addi %mul3A_8, %add3A_15 : i32
    "tpu.region"() ({
      %run_scoped3A = tpu.sem_alloc : memref<!tpu.dma_semaphore, #tpu.memory_space<semaphore_mem>>
      %dma_start3A = arith.constant 0 : i32
      %dma_start3A_44 = tpu.memref_slice %arg6[%add3A_16, %dma_start3A] : memref<10240x128xf32, #tpu.memory_space<vmem_shared>> -> memref<128x128xf32, #tpu.memory_space<vmem_shared>>
      %dma_start3A_45 = arith.constant 0 : i32
      %dma_start3A_46 = tpu.memref_slice %arg6[%add3A_16, %dma_start3A_45] : memref<10240x128xf32, #tpu.memory_space<vmem_shared>> -> memref<128x128xf32, #tpu.memory_space<vmem_shared>>
      tpu.enqueue_dma source(%arg5 : memref<128x128xf32, #tpu.memory_space<vmem>>) target(%dma_start3A_46 : memref<128x128xf32, #tpu.memory_space<vmem_shared>>) target_semaphore(%run_scoped3A : memref<!tpu.dma_semaphore, #tpu.memory_space<semaphore_mem>>)
      %dma_wait3A = arith.constant 0 : i32
      %dma_wait3A_47 = tpu.memref_slice %arg6[%add3A_16, %dma_wait3A] : memref<10240x128xf32, #tpu.memory_space<vmem_shared>> -> memref<128x128xf32, #tpu.memory_space<vmem_shared>>
      %dma_wait3A_48 = arith.constant 0 : i32
      %dma_wait3A_49 = tpu.memref_slice %arg6[%add3A_16, %dma_wait3A_48] : memref<10240x128xf32, #tpu.memory_space<vmem_shared>> -> memref<128x128xf32, #tpu.memory_space<vmem_shared>>
      tpu.wait_dma2 semaphore(%run_scoped3A : memref<!tpu.dma_semaphore, #tpu.memory_space<semaphore_mem>>) src(%arg5 : memref<128x128xf32, #tpu.memory_space<vmem>>) dst(%dma_wait3A_49 : memref<128x128xf32, #tpu.memory_space<vmem_shared>>)
      tpu.yield
    }) : () -> ()
    %add3A_17 = arith.constant 512 : i32
    %add3A_18 = arith.addi %mul3A_8, %add3A_17 : i32
    "tpu.region"() ({
      %run_scoped3A = tpu.sem_alloc : memref<!tpu.dma_semaphore, #tpu.memory_space<semaphore_mem>>
      %dma_start3A = arith.constant 0 : i32
      %dma_start3A_44 = tpu.memref_slice %arg6[%add3A_18, %dma_start3A] : memref<10240x128xf32, #tpu.memory_space<vmem_shared>> -> memref<128x128xf32, #tpu.memory_space<vmem_shared>>
      %dma_start3A_45 = arith.constant 0 : i32
      %dma_start3A_46 = tpu.memref_slice %arg6[%add3A_18, %dma_start3A_45] : memref<10240x128xf32, #tpu.memory_space<vmem_shared>> -> memref<128x128xf32, #tpu.memory_space<vmem_shared>>
      tpu.enqueue_dma source(%arg5 : memref<128x128xf32, #tpu.memory_space<vmem>>) target(%dma_start3A_46 : memref<128x128xf32, #tpu.memory_space<vmem_shared>>) target_semaphore(%run_scoped3A : memref<!tpu.dma_semaphore, #tpu.memory_space<semaphore_mem>>)
      %dma_wait3A = arith.constant 0 : i32
      %dma_wait3A_47 = tpu.memref_slice %arg6[%add3A_18, %dma_wait3A] : memref<10240x128xf32, #tpu.memory_space<vmem_shared>> -> memref<128x128xf32, #tpu.memory_space<vmem_shared>>
      %dma_wait3A_48 = arith.constant 0 : i32
      %dma_wait3A_49 = tpu.memref_slice %arg6[%add3A_18, %dma_wait3A_48] : memref<10240x128xf32, #tpu.memory_space<vmem_shared>> -> memref<128x128xf32, #tpu.memory_space<vmem_shared>>
      tpu.wait_dma2 semaphore(%run_scoped3A : memref<!tpu.dma_semaphore, #tpu.memory_space<semaphore_mem>>) src(%arg5 : memref<128x128xf32, #tpu.memory_space<vmem>>) dst(%dma_wait3A_49 : memref<128x128xf32, #tpu.memory_space<vmem_shared>>)
      tpu.yield
    }) : () -> ()
    %broadcast_in_dim3A_19 = arith.constant 1.000000e+00 : f32
    %broadcast_in_dim3A_20 = vector.broadcast %broadcast_in_dim3A_19 : f32 to vector<16xf32>
    %scan3A_21 = arith.constant 0 : i32
    %scan3A_22 = arith.constant 0 : i32
    %scan3A_23 = arith.constant 128 : i32
    %scan3A_24 = arith.addi %scan3A_22, %scan3A_23 : i32
    %scan3A_25 = arith.constant 1 : i32
    scf.for %scan3A_44 = %scan3A_22 to %scan3A_24 step %scan3A_25  : i32 {
      %swap3A = arith.index_cast %scan3A_44 : i32 to index
      %swap3A_45 = arith.constant 0 : index
      %swap3A_46 = tpu.vector_load %arg5[%swap3A, %swap3A_45] {strides = array<i32>} : memref<128x128xf32, #tpu.memory_space<vmem>>, vector<1x16xf32>,
      %swap3A_47 = vector.shape_cast %swap3A_46 : vector<1x16xf32> to vector<16xf32>
      %swap3A_48 = vector.shape_cast %broadcast_in_dim3A_20 : vector<16xf32> to vector<1x16xf32>
      tpu.vector_store %arg5[%swap3A, %swap3A_45], %swap3A_48 {strides = array<i32>} : memref<128x128xf32, #tpu.memory_space<vmem>>, vector<1x16xf32>,
      %swap3A_49 = arith.index_cast %scan3A_44 : i32 to index
      %swap3A_50 = arith.constant 16 : index
      %swap3A_51 = tpu.vector_load %arg5[%swap3A_49, %swap3A_50] {strides = array<i32>} : memref<128x128xf32, #tpu.memory_space<vmem>>, vector<1x16xf32>,
      %swap3A_52 = vector.shape_cast %swap3A_51 : vector<1x16xf32> to vector<16xf32>
      %swap3A_53 = vector.shape_cast %broadcast_in_dim3A_20 : vector<16xf32> to vector<1x16xf32>
      tpu.vector_store %arg5[%swap3A_49, %swap3A_50], %swap3A_53 {strides = array<i32>} : memref<128x128xf32, #tpu.memory_space<vmem>>, vector<1x16xf32>,
      %swap3A_54 = arith.index_cast %scan3A_44 : i32 to index
      %swap3A_55 = arith.constant 32 : index
      %swap3A_56 = tpu.vector_load %arg5[%swap3A_54, %swap3A_55] {strides = array<i32>} : memref<128x128xf32, #tpu.memory_space<vmem>>, vector<1x16xf32>,
      %swap3A_57 = vector.shape_cast %swap3A_56 : vector<1x16xf32> to vector<16xf32>
      %swap3A_58 = vector.shape_cast %broadcast_in_dim3A_20 : vector<16xf32> to vector<1x16xf32>
      tpu.vector_store %arg5[%swap3A_54, %swap3A_55], %swap3A_58 {strides = array<i32>} : memref<128x128xf32, #tpu.memory_space<vmem>>, vector<1x16xf32>,
      %swap3A_59 = arith.index_cast %scan3A_44 : i32 to index
      %swap3A_60 = arith.constant 48 : index
      %swap3A_61 = tpu.vector_load %arg5[%swap3A_59, %swap3A_60] {strides = array<i32>} : memref<128x128xf32, #tpu.memory_space<vmem>>, vector<1x16xf32>,
      %swap3A_62 = vector.shape_cast %swap3A_61 : vector<1x16xf32> to vector<16xf32>
      %swap3A_63 = vector.shape_cast %broadcast_in_dim3A_20 : vector<16xf32> to vector<1x16xf32>
      tpu.vector_store %arg5[%swap3A_59, %swap3A_60], %swap3A_63 {strides = array<i32>} : memref<128x128xf32, #tpu.memory_space<vmem>>, vector<1x16xf32>,
      %swap3A_64 = arith.index_cast %scan3A_44 : i32 to index
      %swap3A_65 = arith.constant 64 : index
      %swap3A_66 = tpu.vector_load %arg5[%swap3A_64, %swap3A_65] {strides = array<i32>} : memref<128x128xf32, #tpu.memory_space<vmem>>, vector<1x16xf32>,
      %swap3A_67 = vector.shape_cast %swap3A_66 : vector<1x16xf32> to vector<16xf32>
      %swap3A_68 = vector.shape_cast %broadcast_in_dim3A_20 : vector<16xf32> to vector<1x16xf32>
      tpu.vector_store %arg5[%swap3A_64, %swap3A_65], %swap3A_68 {strides = array<i32>} : memref<128x128xf32, #tpu.memory_space<vmem>>, vector<1x16xf32>,
      %swap3A_69 = arith.index_cast %scan3A_44 : i32 to index
      %swap3A_70 = arith.constant 80 : index
      %swap3A_71 = tpu.vector_load %arg5[%swap3A_69, %swap3A_70] {strides = array<i32>} : memref<128x128xf32, #tpu.memory_space<vmem>>, vector<1x16xf32>,
      %swap3A_72 = vector.shape_cast %swap3A_71 : vector<1x16xf32> to vector<16xf32>
      %swap3A_73 = vector.shape_cast %broadcast_in_dim3A_20 : vector<16xf32> to vector<1x16xf32>
      tpu.vector_store %arg5[%swap3A_69, %swap3A_70], %swap3A_73 {strides = array<i32>} : memref<128x128xf32, #tpu.memory_space<vmem>>, vector<1x16xf32>,
      %swap3A_74 = arith.index_cast %scan3A_44 : i32 to index
      %swap3A_75 = arith.constant 96 : index
      %swap3A_76 = tpu.vector_load %arg5[%swap3A_74, %swap3A_75] {strides = array<i32>} : memref<128x128xf32, #tpu.memory_space<vmem>>, vector<1x16xf32>,
      %swap3A_77 = vector.shape_cast %swap3A_76 : vector<1x16xf32> to vector<16xf32>
      %swap3A_78 = vector.shape_cast %broadcast_in_dim3A_20 : vector<16xf32> to vector<1x16xf32>
      tpu.vector_store %arg5[%swap3A_74, %swap3A_75], %swap3A_78 {strides = array<i32>} : memref<128x128xf32, #tpu.memory_space<vmem>>, vector<1x16xf32>,
      %swap3A_79 = arith.index_cast %scan3A_44 : i32 to index
      %swap3A_80 = arith.constant 112 : index
      %swap3A_81 = tpu.vector_load %arg5[%swap3A_79, %swap3A_80] {strides = array<i32>} : memref<128x128xf32, #tpu.memory_space<vmem>>, vector<1x16xf32>,
      %swap3A_82 = vector.shape_cast %swap3A_81 : vector<1x16xf32> to vector<16xf32>
      %swap3A_83 = vector.shape_cast %broadcast_in_dim3A_20 : vector<16xf32> to vector<1x16xf32>
      tpu.vector_store %arg5[%swap3A_79, %swap3A_80], %swap3A_83 {strides = array<i32>} : memref<128x128xf32, #tpu.memory_space<vmem>>, vector<1x16xf32>,
    }
    %scan3A_26 = arith.constant 128 : i32
    %barrier3A = arith.constant 0 : index
    tpu.barrier barrier_id(%barrier3A)
    %scan3A_27 = arith.constant 0 : i32
    %scan3A_28 = arith.constant 0 : i32
    %scan3A_29 = arith.constant 79 : i32
    %scan3A_30 = arith.addi %scan3A_28, %scan3A_29 : i32
    %scan3A_31 = arith.constant 1 : i32
    scf.for %scan3A_44 = %scan3A_28 to %scan3A_30 step %scan3A_31  : i32 {
      %mul3A_45 = arith.constant 79 : i32
      %mul3A_46 = arith.muli %add3A, %mul3A_45 : i32
      %add3A_47 = arith.addi %mul3A_46, %scan3A_44 : i32
      %mul3A_48 = arith.constant 128 : i32
      %mul3A_49 = arith.muli %add3A_47, %mul3A_48 : i32
      "tpu.region"() ({
        %run_scoped3A = tpu.sem_alloc : memref<!tpu.dma_semaphore, #tpu.memory_space<semaphore_mem>>
        %dma_start3A = tpu.memref_slice %arg2[%mul3A_49] : memref<323584xi32, #tpu.memory_space<hbm>> -> memref<128xi32, #tpu.memory_space<hbm>>
        %dma_start3A_50 = tpu.memref_slice %arg2[%mul3A_49] : memref<323584xi32, #tpu.memory_space<hbm>> -> memref<128xi32, #tpu.memory_space<hbm>>
        tpu.enqueue_dma source(%dma_start3A_50 : memref<128xi32, #tpu.memory_space<hbm>>) target(%arg4 : memref<128xi32, #tpu.memory_space<vmem>>) target_semaphore(%run_scoped3A : memref<!tpu.dma_semaphore, #tpu.memory_space<semaphore_mem>>)
        %dma_wait3A = tpu.memref_slice %arg2[%mul3A_49] : memref<323584xi32, #tpu.memory_space<hbm>> -> memref<128xi32, #tpu.memory_space<hbm>>
        %dma_wait3A_51 = tpu.memref_slice %arg2[%mul3A_49] : memref<323584xi32, #tpu.memory_space<hbm>> -> memref<128xi32, #tpu.memory_space<hbm>>
        tpu.wait_dma2 semaphore(%run_scoped3A : memref<!tpu.dma_semaphore, #tpu.memory_space<semaphore_mem>>) src(%dma_wait3A_51 : memref<128xi32, #tpu.memory_space<hbm>>) dst(%arg4 : memref<128xi32, #tpu.memory_space<vmem>>)
        tpu.yield
      }) : () -> ()
      "tpu.region"() ({
        %run_scoped3A = tpu.sem_alloc : memref<!tpu.dma_semaphore, #tpu.memory_space<semaphore_mem>>
        %dma_start3A = arith.constant 0 : i32
        %dma_start3A_50 = arith.constant 0 : i32
        %dma_start3A_51 = tpu.memref_slice %arg6[%dma_start3A, %dma_start3A_50] : memref<10240x128xf32, #tpu.memory_space<vmem_shared>> -> memref<10240x128xf32, #tpu.memory_space<vmem_shared>>
        tpu.enqueue_indirect_dma source(%arg5 : memref<128x128xf32, #tpu.memory_space<vmem>>) target(%dma_start3A_51 : memref<10240x128xf32, #tpu.memory_space<vmem_shared>>) offsets(%arg4 : memref<128xi32, #tpu.memory_space<vmem>>) semaphore(%run_scoped3A : memref<!tpu.dma_semaphore, #tpu.memory_space<semaphore_mem>>) {add = true}
        %dma_wait3A = arith.constant 0 : i32
        %dma_wait3A_52 = arith.constant 0 : i32
        %dma_wait3A_53 = tpu.memref_slice %arg6[%dma_wait3A, %dma_wait3A_52] : memref<10240x128xf32, #tpu.memory_space<vmem_shared>> -> memref<10240x128xf32, #tpu.memory_space<vmem_shared>>
        tpu.wait_indirect_dma semaphore(%run_scoped3A : memref<!tpu.dma_semaphore, #tpu.memory_space<semaphore_mem>>) src(%arg5 : memref<128x128xf32, #tpu.memory_space<vmem>>) dst(%dma_wait3A_53 : memref<10240x128xf32, #tpu.memory_space<vmem_shared>>)
        tpu.yield
      }) : () -> ()
    }
    %scan3A_32 = arith.constant 79 : i32
    %barrier3A_33 = arith.constant 0 : index
    tpu.barrier barrier_id(%barrier3A_33)
    %add3A_34 = arith.constant 0 : i32
    %add3A_35 = arith.addi %mul3A_8, %add3A_34 : i32
    "tpu.region"() ({
      %run_scoped3A = tpu.sem_alloc : memref<!tpu.dma_semaphore, #tpu.memory_space<semaphore_mem>>
      %dma_start3A = arith.constant 0 : i32
      %dma_start3A_44 = tpu.memref_slice %arg6[%add3A_35, %dma_start3A] : memref<10240x128xf32, #tpu.memory_space<vmem_shared>> -> memref<128x128xf32, #tpu.memory_space<vmem_shared>>
      %dma_start3A_45 = arith.constant 0 : i32
      %dma_start3A_46 = tpu.memref_slice %arg6[%add3A_35, %dma_start3A_45] : memref<10240x128xf32, #tpu.memory_space<vmem_shared>> -> memref<128x128xf32, #tpu.memory_space<vmem_shared>>
      tpu.enqueue_dma source(%dma_start3A_46 : memref<128x128xf32, #tpu.memory_space<vmem_shared>>) target(%arg5 : memref<128x128xf32, #tpu.memory_space<vmem>>) target_semaphore(%run_scoped3A : memref<!tpu.dma_semaphore, #tpu.memory_space<semaphore_mem>>)
      %dma_wait3A = arith.constant 0 : i32
      %dma_wait3A_47 = tpu.memref_slice %arg6[%add3A_35, %dma_wait3A] : memref<10240x128xf32, #tpu.memory_space<vmem_shared>> -> memref<128x128xf32, #tpu.memory_space<vmem_shared>>
      %dma_wait3A_48 = arith.constant 0 : i32
      %dma_wait3A_49 = tpu.memref_slice %arg6[%add3A_35, %dma_wait3A_48] : memref<10240x128xf32, #tpu.memory_space<vmem_shared>> -> memref<128x128xf32, #tpu.memory_space<vmem_shared>>
      tpu.wait_dma2 semaphore(%run_scoped3A : memref<!tpu.dma_semaphore, #tpu.memory_space<semaphore_mem>>) src(%dma_wait3A_49 : memref<128x128xf32, #tpu.memory_space<vmem_shared>>) dst(%arg5 : memref<128x128xf32, #tpu.memory_space<vmem>>)
      tpu.yield
    }) : () -> ()
    "tpu.region"() ({
      %run_scoped3A = tpu.sem_alloc : memref<!tpu.dma_semaphore, #tpu.memory_space<semaphore_mem>>
      %dma_start3A = arith.constant 0 : i32
      %dma_start3A_44 = tpu.memref_slice %arg3[%arg0, %add3A_35, %dma_start3A] : memref<2x10240x128xf32, #tpu.memory_space<hbm>> -> memref<1x128x128xf32, #tpu.memory_space<hbm>>
      %dma_start3A_45 = tpu.memref_squeeze %dma_start3A_44 : memref<1x128x128xf32, #tpu.memory_space<hbm>> -> memref<128x128xf32, #tpu.memory_space<hbm>>
      %dma_start3A_46 = arith.constant 0 : i32
      %dma_start3A_47 = tpu.memref_slice %arg3[%arg0, %add3A_35, %dma_start3A_46] : memref<2x10240x128xf32, #tpu.memory_space<hbm>> -> memref<1x128x128xf32, #tpu.memory_space<hbm>>
      %dma_start3A_48 = tpu.memref_squeeze %dma_start3A_47 : memref<1x128x128xf32, #tpu.memory_space<hbm>> -> memref<128x128xf32, #tpu.memory_space<hbm>>
      tpu.enqueue_dma source(%arg5 : memref<128x128xf32, #tpu.memory_space<vmem>>) target(%dma_start3A_48 : memref<128x128xf32, #tpu.memory_space<hbm>>) target_semaphore(%run_scoped3A : memref<!tpu.dma_semaphore, #tpu.memory_space<semaphore_mem>>)
      %dma_wait3A = arith.constant 0 : i32
      %dma_wait3A_49 = tpu.memref_slice %arg3[%arg0, %add3A_35, %dma_wait3A] : memref<2x10240x128xf32, #tpu.memory_space<hbm>> -> memref<1x128x128xf32, #tpu.memory_space<hbm>>
      %dma_wait3A_50 = tpu.memref_squeeze %dma_wait3A_49 : memref<1x128x128xf32, #tpu.memory_space<hbm>> -> memref<128x128xf32, #tpu.memory_space<hbm>>
      %dma_wait3A_51 = arith.constant 0 : i32
      %dma_wait3A_52 = tpu.memref_slice %arg3[%arg0, %add3A_35, %dma_wait3A_51] : memref<2x10240x128xf32, #tpu.memory_space<hbm>> -> memref<1x128x128xf32, #tpu.memory_space<hbm>>
      %dma_wait3A_53 = tpu.memref_squeeze %dma_wait3A_52 : memref<1x128x128xf32, #tpu.memory_space<hbm>> -> memref<128x128xf32, #tpu.memory_space<hbm>>
      tpu.wait_dma2 semaphore(%run_scoped3A : memref<!tpu.dma_semaphore, #tpu.memory_space<semaphore_mem>>) src(%arg5 : memref<128x128xf32, #tpu.memory_space<vmem>>) dst(%dma_wait3A_53 : memref<128x128xf32, #tpu.memory_space<hbm>>)
      tpu.yield
    }) : () -> ()
    %add3A_36 = arith.constant 128 : i32
    %add3A_37 = arith.addi %mul3A_8, %add3A_36 : i32
    "tpu.region"() ({
      %run_scoped3A = tpu.sem_alloc : memref<!tpu.dma_semaphore, #tpu.memory_space<semaphore_mem>>
      %dma_start3A = arith.constant 0 : i32
      %dma_start3A_44 = tpu.memref_slice %arg6[%add3A_37, %dma_start3A] : memref<10240x128xf32, #tpu.memory_space<vmem_shared>> -> memref<128x128xf32, #tpu.memory_space<vmem_shared>>
      %dma_start3A_45 = arith.constant 0 : i32
      %dma_start3A_46 = tpu.memref_slice %arg6[%add3A_37, %dma_start3A_45] : memref<10240x128xf32, #tpu.memory_space<vmem_shared>> -> memref<128x128xf32, #tpu.memory_space<vmem_shared>>
      tpu.enqueue_dma source(%dma_start3A_46 : memref<128x128xf32, #tpu.memory_space<vmem_shared>>) target(%arg5 : memref<128x128xf32, #tpu.memory_space<vmem>>) target_semaphore(%run_scoped3A : memref<!tpu.dma_semaphore, #tpu.memory_space<semaphore_mem>>)
      %dma_wait3A = arith.constant 0 : i32
      %dma_wait3A_47 = tpu.memref_slice %arg6[%add3A_37, %dma_wait3A] : memref<10240x128xf32, #tpu.memory_space<vmem_shared>> -> memref<128x128xf32, #tpu.memory_space<vmem_shared>>
      %dma_wait3A_48 = arith.constant 0 : i32
      %dma_wait3A_49 = tpu.memref_slice %arg6[%add3A_37, %dma_wait3A_48] : memref<10240x128xf32, #tpu.memory_space<vmem_shared>> -> memref<128x128xf32, #tpu.memory_space<vmem_shared>>
      tpu.wait_dma2 semaphore(%run_scoped3A : memref<!tpu.dma_semaphore, #tpu.memory_space<semaphore_mem>>) src(%dma_wait3A_49 : memref<128x128xf32, #tpu.memory_space<vmem_shared>>) dst(%arg5 : memref<128x128xf32, #tpu.memory_space<vmem>>)
      tpu.yield
    }) : () -> ()
    "tpu.region"() ({
      %run_scoped3A = tpu.sem_alloc : memref<!tpu.dma_semaphore, #tpu.memory_space<semaphore_mem>>
      %dma_start3A = arith.constant 0 : i32
      %dma_start3A_44 = tpu.memref_slice %arg3[%arg0, %add3A_37, %dma_start3A] : memref<2x10240x128xf32, #tpu.memory_space<hbm>> -> memref<1x128x128xf32, #tpu.memory_space<hbm>>
      %dma_start3A_45 = tpu.memref_squeeze %dma_start3A_44 : memref<1x128x128xf32, #tpu.memory_space<hbm>> -> memref<128x128xf32, #tpu.memory_space<hbm>>
      %dma_start3A_46 = arith.constant 0 : i32
      %dma_start3A_47 = tpu.memref_slice %arg3[%arg0, %add3A_37, %dma_start3A_46] : memref<2x10240x128xf32, #tpu.memory_space<hbm>> -> memref<1x128x128xf32, #tpu.memory_space<hbm>>
      %dma_start3A_48 = tpu.memref_squeeze %dma_start3A_47 : memref<1x128x128xf32, #tpu.memory_space<hbm>> -> memref<128x128xf32, #tpu.memory_space<hbm>>
      tpu.enqueue_dma source(%arg5 : memref<128x128xf32, #tpu.memory_space<vmem>>) target(%dma_start3A_48 : memref<128x128xf32, #tpu.memory_space<hbm>>) target_semaphore(%run_scoped3A : memref<!tpu.dma_semaphore, #tpu.memory_space<semaphore_mem>>)
      %dma_wait3A = arith.constant 0 : i32
      %dma_wait3A_49 = tpu.memref_slice %arg3[%arg0, %add3A_37, %dma_wait3A] : memref<2x10240x128xf32, #tpu.memory_space<hbm>> -> memref<1x128x128xf32, #tpu.memory_space<hbm>>
      %dma_wait3A_50 = tpu.memref_squeeze %dma_wait3A_49 : memref<1x128x128xf32, #tpu.memory_space<hbm>> -> memref<128x128xf32, #tpu.memory_space<hbm>>
      %dma_wait3A_51 = arith.constant 0 : i32
      %dma_wait3A_52 = tpu.memref_slice %arg3[%arg0, %add3A_37, %dma_wait3A_51] : memref<2x10240x128xf32, #tpu.memory_space<hbm>> -> memref<1x128x128xf32, #tpu.memory_space<hbm>>
      %dma_wait3A_53 = tpu.memref_squeeze %dma_wait3A_52 : memref<1x128x128xf32, #tpu.memory_space<hbm>> -> memref<128x128xf32, #tpu.memory_space<hbm>>
      tpu.wait_dma2 semaphore(%run_scoped3A : memref<!tpu.dma_semaphore, #tpu.memory_space<semaphore_mem>>) src(%arg5 : memref<128x128xf32, #tpu.memory_space<vmem>>) dst(%dma_wait3A_53 : memref<128x128xf32, #tpu.memory_space<hbm>>)
      tpu.yield
    }) : () -> ()
    %add3A_38 = arith.constant 256 : i32
    %add3A_39 = arith.addi %mul3A_8, %add3A_38 : i32
    "tpu.region"() ({
      %run_scoped3A = tpu.sem_alloc : memref<!tpu.dma_semaphore, #tpu.memory_space<semaphore_mem>>
      %dma_start3A = arith.constant 0 : i32
      %dma_start3A_44 = tpu.memref_slice %arg6[%add3A_39, %dma_start3A] : memref<10240x128xf32, #tpu.memory_space<vmem_shared>> -> memref<128x128xf32, #tpu.memory_space<vmem_shared>>
      %dma_start3A_45 = arith.constant 0 : i32
      %dma_start3A_46 = tpu.memref_slice %arg6[%add3A_39, %dma_start3A_45] : memref<10240x128xf32, #tpu.memory_space<vmem_shared>> -> memref<128x128xf32, #tpu.memory_space<vmem_shared>>
      tpu.enqueue_dma source(%dma_start3A_46 : memref<128x128xf32, #tpu.memory_space<vmem_shared>>) target(%arg5 : memref<128x128xf32, #tpu.memory_space<vmem>>) target_semaphore(%run_scoped3A : memref<!tpu.dma_semaphore, #tpu.memory_space<semaphore_mem>>)
      %dma_wait3A = arith.constant 0 : i32
      %dma_wait3A_47 = tpu.memref_slice %arg6[%add3A_39, %dma_wait3A] : memref<10240x128xf32, #tpu.memory_space<vmem_shared>> -> memref<128x128xf32, #tpu.memory_space<vmem_shared>>
      %dma_wait3A_48 = arith.constant 0 : i32
      %dma_wait3A_49 = tpu.memref_slice %arg6[%add3A_39, %dma_wait3A_48] : memref<10240x128xf32, #tpu.memory_space<vmem_shared>> -> memref<128x128xf32, #tpu.memory_space<vmem_shared>>
      tpu.wait_dma2 semaphore(%run_scoped3A : memref<!tpu.dma_semaphore, #tpu.memory_space<semaphore_mem>>) src(%dma_wait3A_49 : memref<128x128xf32, #tpu.memory_space<vmem_shared>>) dst(%arg5 : memref<128x128xf32, #tpu.memory_space<vmem>>)
      tpu.yield
    }) : () -> ()
    "tpu.region"() ({
      %run_scoped3A = tpu.sem_alloc : memref<!tpu.dma_semaphore, #tpu.memory_space<semaphore_mem>>
      %dma_start3A = arith.constant 0 : i32
      %dma_start3A_44 = tpu.memref_slice %arg3[%arg0, %add3A_39, %dma_start3A] : memref<2x10240x128xf32, #tpu.memory_space<hbm>> -> memref<1x128x128xf32, #tpu.memory_space<hbm>>
      %dma_start3A_45 = tpu.memref_squeeze %dma_start3A_44 : memref<1x128x128xf32, #tpu.memory_space<hbm>> -> memref<128x128xf32, #tpu.memory_space<hbm>>
      %dma_start3A_46 = arith.constant 0 : i32
      %dma_start3A_47 = tpu.memref_slice %arg3[%arg0, %add3A_39, %dma_start3A_46] : memref<2x10240x128xf32, #tpu.memory_space<hbm>> -> memref<1x128x128xf32, #tpu.memory_space<hbm>>
      %dma_start3A_48 = tpu.memref_squeeze %dma_start3A_47 : memref<1x128x128xf32, #tpu.memory_space<hbm>> -> memref<128x128xf32, #tpu.memory_space<hbm>>
      tpu.enqueue_dma source(%arg5 : memref<128x128xf32, #tpu.memory_space<vmem>>) target(%dma_start3A_48 : memref<128x128xf32, #tpu.memory_space<hbm>>) target_semaphore(%run_scoped3A : memref<!tpu.dma_semaphore, #tpu.memory_space<semaphore_mem>>)
      %dma_wait3A = arith.constant 0 : i32
      %dma_wait3A_49 = tpu.memref_slice %arg3[%arg0, %add3A_39, %dma_wait3A] : memref<2x10240x128xf32, #tpu.memory_space<hbm>> -> memref<1x128x128xf32, #tpu.memory_space<hbm>>
      %dma_wait3A_50 = tpu.memref_squeeze %dma_wait3A_49 : memref<1x128x128xf32, #tpu.memory_space<hbm>> -> memref<128x128xf32, #tpu.memory_space<hbm>>
      %dma_wait3A_51 = arith.constant 0 : i32
      %dma_wait3A_52 = tpu.memref_slice %arg3[%arg0, %add3A_39, %dma_wait3A_51] : memref<2x10240x128xf32, #tpu.memory_space<hbm>> -> memref<1x128x128xf32, #tpu.memory_space<hbm>>
      %dma_wait3A_53 = tpu.memref_squeeze %dma_wait3A_52 : memref<1x128x128xf32, #tpu.memory_space<hbm>> -> memref<128x128xf32, #tpu.memory_space<hbm>>
      tpu.wait_dma2 semaphore(%run_scoped3A : memref<!tpu.dma_semaphore, #tpu.memory_space<semaphore_mem>>) src(%arg5 : memref<128x128xf32, #tpu.memory_space<vmem>>) dst(%dma_wait3A_53 : memref<128x128xf32, #tpu.memory_space<hbm>>)
      tpu.yield
    }) : () -> ()
    %add3A_40 = arith.constant 384 : i32
    %add3A_41 = arith.addi %mul3A_8, %add3A_40 : i32
    "tpu.region"() ({
      %run_scoped3A = tpu.sem_alloc : memref<!tpu.dma_semaphore, #tpu.memory_space<semaphore_mem>>
      %dma_start3A = arith.constant 0 : i32
      %dma_start3A_44 = tpu.memref_slice %arg6[%add3A_41, %dma_start3A] : memref<10240x128xf32, #tpu.memory_space<vmem_shared>> -> memref<128x128xf32, #tpu.memory_space<vmem_shared>>
      %dma_start3A_45 = arith.constant 0 : i32
      %dma_start3A_46 = tpu.memref_slice %arg6[%add3A_41, %dma_start3A_45] : memref<10240x128xf32, #tpu.memory_space<vmem_shared>> -> memref<128x128xf32, #tpu.memory_space<vmem_shared>>
      tpu.enqueue_dma source(%dma_start3A_46 : memref<128x128xf32, #tpu.memory_space<vmem_shared>>) target(%arg5 : memref<128x128xf32, #tpu.memory_space<vmem>>) target_semaphore(%run_scoped3A : memref<!tpu.dma_semaphore, #tpu.memory_space<semaphore_mem>>)
      %dma_wait3A = arith.constant 0 : i32
      %dma_wait3A_47 = tpu.memref_slice %arg6[%add3A_41, %dma_wait3A] : memref<10240x128xf32, #tpu.memory_space<vmem_shared>> -> memref<128x128xf32, #tpu.memory_space<vmem_shared>>
      %dma_wait3A_48 = arith.constant 0 : i32
      %dma_wait3A_49 = tpu.memref_slice %arg6[%add3A_41, %dma_wait3A_48] : memref<10240x128xf32, #tpu.memory_space<vmem_shared>> -> memref<128x128xf32, #tpu.memory_space<vmem_shared>>
      tpu.wait_dma2 semaphore(%run_scoped3A : memref<!tpu.dma_semaphore, #tpu.memory_space<semaphore_mem>>) src(%dma_wait3A_49 : memref<128x128xf32, #tpu.memory_space<vmem_shared>>) dst(%arg5 : memref<128x128xf32, #tpu.memory_space<vmem>>)
      tpu.yield
    }) : () -> ()
    "tpu.region"() ({
      %run_scoped3A = tpu.sem_alloc : memref<!tpu.dma_semaphore, #tpu.memory_space<semaphore_mem>>
      %dma_start3A = arith.constant 0 : i32
      %dma_start3A_44 = tpu.memref_slice %arg3[%arg0, %add3A_41, %dma_start3A] : memref<2x10240x128xf32, #tpu.memory_space<hbm>> -> memref<1x128x128xf32, #tpu.memory_space<hbm>>
      %dma_start3A_45 = tpu.memref_squeeze %dma_start3A_44 : memref<1x128x128xf32, #tpu.memory_space<hbm>> -> memref<128x128xf32, #tpu.memory_space<hbm>>
      %dma_start3A_46 = arith.constant 0 : i32
      %dma_start3A_47 = tpu.memref_slice %arg3[%arg0, %add3A_41, %dma_start3A_46] : memref<2x10240x128xf32, #tpu.memory_space<hbm>> -> memref<1x128x128xf32, #tpu.memory_space<hbm>>
      %dma_start3A_48 = tpu.memref_squeeze %dma_start3A_47 : memref<1x128x128xf32, #tpu.memory_space<hbm>> -> memref<128x128xf32, #tpu.memory_space<hbm>>
      tpu.enqueue_dma source(%arg5 : memref<128x128xf32, #tpu.memory_space<vmem>>) target(%dma_start3A_48 : memref<128x128xf32, #tpu.memory_space<hbm>>) target_semaphore(%run_scoped3A : memref<!tpu.dma_semaphore, #tpu.memory_space<semaphore_mem>>)
      %dma_wait3A = arith.constant 0 : i32
      %dma_wait3A_49 = tpu.memref_slice %arg3[%arg0, %add3A_41, %dma_wait3A] : memref<2x10240x128xf32, #tpu.memory_space<hbm>> -> memref<1x128x128xf32, #tpu.memory_space<hbm>>
      %dma_wait3A_50 = tpu.memref_squeeze %dma_wait3A_49 : memref<1x128x128xf32, #tpu.memory_space<hbm>> -> memref<128x128xf32, #tpu.memory_space<hbm>>
      %dma_wait3A_51 = arith.constant 0 : i32
      %dma_wait3A_52 = tpu.memref_slice %arg3[%arg0, %add3A_41, %dma_wait3A_51] : memref<2x10240x128xf32, #tpu.memory_space<hbm>> -> memref<1x128x128xf32, #tpu.memory_space<hbm>>
      %dma_wait3A_53 = tpu.memref_squeeze %dma_wait3A_52 : memref<1x128x128xf32, #tpu.memory_space<hbm>> -> memref<128x128xf32, #tpu.memory_space<hbm>>
      tpu.wait_dma2 semaphore(%run_scoped3A : memref<!tpu.dma_semaphore, #tpu.memory_space<semaphore_mem>>) src(%arg5 : memref<128x128xf32, #tpu.memory_space<vmem>>) dst(%dma_wait3A_53 : memref<128x128xf32, #tpu.memory_space<hbm>>)
      tpu.yield
    }) : () -> ()
    %add3A_42 = arith.constant 512 : i32
    %add3A_43 = arith.addi %mul3A_8, %add3A_42 : i32
    "tpu.region"() ({
      %run_scoped3A = tpu.sem_alloc : memref<!tpu.dma_semaphore, #tpu.memory_space<semaphore_mem>>
      %dma_start3A = arith.constant 0 : i32
      %dma_start3A_44 = tpu.memref_slice %arg6[%add3A_43, %dma_start3A] : memref<10240x128xf32, #tpu.memory_space<vmem_shared>> -> memref<128x128xf32, #tpu.memory_space<vmem_shared>>
      %dma_start3A_45 = arith.constant 0 : i32
      %dma_start3A_46 = tpu.memref_slice %arg6[%add3A_43, %dma_start3A_45] : memref<10240x128xf32, #tpu.memory_space<vmem_shared>> -> memref<128x128xf32, #tpu.memory_space<vmem_shared>>
      tpu.enqueue_dma source(%dma_start3A_46 : memref<128x128xf32, #tpu.memory_space<vmem_shared>>) target(%arg5 : memref<128x128xf32, #tpu.memory_space<vmem>>) target_semaphore(%run_scoped3A : memref<!tpu.dma_semaphore, #tpu.memory_space<semaphore_mem>>)
      %dma_wait3A = arith.constant 0 : i32
      %dma_wait3A_47 = tpu.memref_slice %arg6[%add3A_43, %dma_wait3A] : memref<10240x128xf32, #tpu.memory_space<vmem_shared>> -> memref<128x128xf32, #tpu.memory_space<vmem_shared>>
      %dma_wait3A_48 = arith.constant 0 : i32
      %dma_wait3A_49 = tpu.memref_slice %arg6[%add3A_43, %dma_wait3A_48] : memref<10240x128xf32, #tpu.memory_space<vmem_shared>> -> memref<128x128xf32, #tpu.memory_space<vmem_shared>>
      tpu.wait_dma2 semaphore(%run_scoped3A : memref<!tpu.dma_semaphore, #tpu.memory_space<semaphore_mem>>) src(%dma_wait3A_49 : memref<128x128xf32, #tpu.memory_space<vmem_shared>>) dst(%arg5 : memref<128x128xf32, #tpu.memory_space<vmem>>)
      tpu.yield
    }) : () -> ()
    "tpu.region"() ({
      %run_scoped3A = tpu.sem_alloc : memref<!tpu.dma_semaphore, #tpu.memory_space<semaphore_mem>>
      %dma_start3A = arith.constant 0 : i32
      %dma_start3A_44 = tpu.memref_slice %arg3[%arg0, %add3A_43, %dma_start3A] : memref<2x10240x128xf32, #tpu.memory_space<hbm>> -> memref<1x128x128xf32, #tpu.memory_space<hbm>>
      %dma_start3A_45 = tpu.memref_squeeze %dma_start3A_44 : memref<1x128x128xf32, #tpu.memory_space<hbm>> -> memref<128x128xf32, #tpu.memory_space<hbm>>
      %dma_start3A_46 = arith.constant 0 : i32
      %dma_start3A_47 = tpu.memref_slice %arg3[%arg0, %add3A_43, %dma_start3A_46] : memref<2x10240x128xf32, #tpu.memory_space<hbm>> -> memref<1x128x128xf32, #tpu.memory_space<hbm>>
      %dma_start3A_48 = tpu.memref_squeeze %dma_start3A_47 : memref<1x128x128xf32, #tpu.memory_space<hbm>> -> memref<128x128xf32, #tpu.memory_space<hbm>>
      tpu.enqueue_dma source(%arg5 : memref<128x128xf32, #tpu.memory_space<vmem>>) target(%dma_start3A_48 : memref<128x128xf32, #tpu.memory_space<hbm>>) target_semaphore(%run_scoped3A : memref<!tpu.dma_semaphore, #tpu.memory_space<semaphore_mem>>)
      %dma_wait3A = arith.constant 0 : i32
      %dma_wait3A_49 = tpu.memref_slice %arg3[%arg0, %add3A_43, %dma_wait3A] : memref<2x10240x128xf32, #tpu.memory_space<hbm>> -> memref<1x128x128xf32, #tpu.memory_space<hbm>>
      %dma_wait3A_50 = tpu.memref_squeeze %dma_wait3A_49 : memref<1x128x128xf32, #tpu.memory_space<hbm>> -> memref<128x128xf32, #tpu.memory_space<hbm>>
      %dma_wait3A_51 = arith.constant 0 : i32
      %dma_wait3A_52 = tpu.memref_slice %arg3[%arg0, %add3A_43, %dma_wait3A_51] : memref<2x10240x128xf32, #tpu.memory_space<hbm>> -> memref<1x128x128xf32, #tpu.memory_space<hbm>>
      %dma_wait3A_53 = tpu.memref_squeeze %dma_wait3A_52 : memref<1x128x128xf32, #tpu.memory_space<hbm>> -> memref<128x128xf32, #tpu.memory_space<hbm>>
      tpu.wait_dma2 semaphore(%run_scoped3A : memref<!tpu.dma_semaphore, #tpu.memory_space<semaphore_mem>>) src(%arg5 : memref<128x128xf32, #tpu.memory_space<vmem>>) dst(%dma_wait3A_53 : memref<128x128xf32, #tpu.memory_space<hbm>>)
      tpu.yield
    }) : () -> ()
    return
  }
}

#map = affine_map<(d0, d1) -> (0, 0)>
#map1 = affine_map<(d0, d1) -> (0)>
#map2 = affine_map<(d0, d1) -> (0, 0, 0)>
module attributes {stable_mosaic.version = 14 : i64} {
  func.func @body(%arg0: i32, %arg1: i32, %arg2: memref<10000x128xf32, #tpu.memory_space<hbm>>, %arg3: memref<323584xi32, #tpu.memory_space<hbm>>, %arg4: memref<323584xi32, #tpu.memory_space<hbm>>, %arg5: memref<2x10240x128xf32, #tpu.memory_space<hbm>>, %arg6: memref<128xi32, #tpu.memory_space<vmem>>, %arg7: memref<128xi32, #tpu.memory_space<vmem>>, %arg8: memref<128x128xf32, #tpu.memory_space<vmem>>, %arg9: memref<10240x128xf32, #tpu.memory_space<vmem_shared>>, %arg10: memref<!tpu.dma_semaphore, #tpu.memory_space<semaphore_mem>>) attributes {dimension_semantics = [#tpu.dimension_semantics<core_parallel>, #tpu.dimension_semantics<subcore_parallel>], iteration_bounds = array<i64: 2, 16>, scalar_prefetch = 0 : i64, scratch_operands = 5 : i64, tpu.core_type = #tpu.core_type<sc_vector_subcore>, window_params = [{transform_indices = #map}, {transform_indices = #map1}, {transform_indices = #map1}, {transform_indices = #map2}]} {
    %mul3A = arith.constant 2 : i32
    %mul3A_0 = arith.muli %arg1, %mul3A : i32
    %add3A = arith.addi %mul3A_0, %arg0 : i32
    %broadcast_in_dim3A = arith.constant 0.000000e+00 : f32
    %broadcast_in_dim3A_1 = vector.broadcast %broadcast_in_dim3A : f32 to vector<16xf32>
    %scan3A = arith.constant 0 : i32
    %scan3A_2 = arith.constant 0 : i32
    %scan3A_3 = arith.constant 128 : i32
    %scan3A_4 = arith.addi %scan3A_2, %scan3A_3 : i32
    %scan3A_5 = arith.constant 1 : i32
    scf.for %scan3A_36 = %scan3A_2 to %scan3A_4 step %scan3A_5  : i32 {
      %swap3A = arith.index_cast %scan3A_36 : i32 to index
      %swap3A_37 = arith.constant 0 : index
      %swap3A_38 = tpu.vector_load %arg8[%swap3A, %swap3A_37] {strides = array<i32>} : memref<128x128xf32, #tpu.memory_space<vmem>>, vector<1x16xf32>,
      %swap3A_39 = vector.shape_cast %swap3A_38 : vector<1x16xf32> to vector<16xf32>
      %swap3A_40 = vector.shape_cast %broadcast_in_dim3A_1 : vector<16xf32> to vector<1x16xf32>
      tpu.vector_store %arg8[%swap3A, %swap3A_37], %swap3A_40 {strides = array<i32>} : memref<128x128xf32, #tpu.memory_space<vmem>>, vector<1x16xf32>,
      %swap3A_41 = arith.index_cast %scan3A_36 : i32 to index
      %swap3A_42 = arith.constant 16 : index
      %swap3A_43 = tpu.vector_load %arg8[%swap3A_41, %swap3A_42] {strides = array<i32>} : memref<128x128xf32, #tpu.memory_space<vmem>>, vector<1x16xf32>,
      %swap3A_44 = vector.shape_cast %swap3A_43 : vector<1x16xf32> to vector<16xf32>
      %swap3A_45 = vector.shape_cast %broadcast_in_dim3A_1 : vector<16xf32> to vector<1x16xf32>
      tpu.vector_store %arg8[%swap3A_41, %swap3A_42], %swap3A_45 {strides = array<i32>} : memref<128x128xf32, #tpu.memory_space<vmem>>, vector<1x16xf32>,
      %swap3A_46 = arith.index_cast %scan3A_36 : i32 to index
      %swap3A_47 = arith.constant 32 : index
      %swap3A_48 = tpu.vector_load %arg8[%swap3A_46, %swap3A_47] {strides = array<i32>} : memref<128x128xf32, #tpu.memory_space<vmem>>, vector<1x16xf32>,
      %swap3A_49 = vector.shape_cast %swap3A_48 : vector<1x16xf32> to vector<16xf32>
      %swap3A_50 = vector.shape_cast %broadcast_in_dim3A_1 : vector<16xf32> to vector<1x16xf32>
      tpu.vector_store %arg8[%swap3A_46, %swap3A_47], %swap3A_50 {strides = array<i32>} : memref<128x128xf32, #tpu.memory_space<vmem>>, vector<1x16xf32>,
      %swap3A_51 = arith.index_cast %scan3A_36 : i32 to index
      %swap3A_52 = arith.constant 48 : index
      %swap3A_53 = tpu.vector_load %arg8[%swap3A_51, %swap3A_52] {strides = array<i32>} : memref<128x128xf32, #tpu.memory_space<vmem>>, vector<1x16xf32>,
      %swap3A_54 = vector.shape_cast %swap3A_53 : vector<1x16xf32> to vector<16xf32>
      %swap3A_55 = vector.shape_cast %broadcast_in_dim3A_1 : vector<16xf32> to vector<1x16xf32>
      tpu.vector_store %arg8[%swap3A_51, %swap3A_52], %swap3A_55 {strides = array<i32>} : memref<128x128xf32, #tpu.memory_space<vmem>>, vector<1x16xf32>,
      %swap3A_56 = arith.index_cast %scan3A_36 : i32 to index
      %swap3A_57 = arith.constant 64 : index
      %swap3A_58 = tpu.vector_load %arg8[%swap3A_56, %swap3A_57] {strides = array<i32>} : memref<128x128xf32, #tpu.memory_space<vmem>>, vector<1x16xf32>,
      %swap3A_59 = vector.shape_cast %swap3A_58 : vector<1x16xf32> to vector<16xf32>
      %swap3A_60 = vector.shape_cast %broadcast_in_dim3A_1 : vector<16xf32> to vector<1x16xf32>
      tpu.vector_store %arg8[%swap3A_56, %swap3A_57], %swap3A_60 {strides = array<i32>} : memref<128x128xf32, #tpu.memory_space<vmem>>, vector<1x16xf32>,
      %swap3A_61 = arith.index_cast %scan3A_36 : i32 to index
      %swap3A_62 = arith.constant 80 : index
      %swap3A_63 = tpu.vector_load %arg8[%swap3A_61, %swap3A_62] {strides = array<i32>} : memref<128x128xf32, #tpu.memory_space<vmem>>, vector<1x16xf32>,
      %swap3A_64 = vector.shape_cast %swap3A_63 : vector<1x16xf32> to vector<16xf32>
      %swap3A_65 = vector.shape_cast %broadcast_in_dim3A_1 : vector<16xf32> to vector<1x16xf32>
      tpu.vector_store %arg8[%swap3A_61, %swap3A_62], %swap3A_65 {strides = array<i32>} : memref<128x128xf32, #tpu.memory_space<vmem>>, vector<1x16xf32>,
      %swap3A_66 = arith.index_cast %scan3A_36 : i32 to index
      %swap3A_67 = arith.constant 96 : index
      %swap3A_68 = tpu.vector_load %arg8[%swap3A_66, %swap3A_67] {strides = array<i32>} : memref<128x128xf32, #tpu.memory_space<vmem>>, vector<1x16xf32>,
      %swap3A_69 = vector.shape_cast %swap3A_68 : vector<1x16xf32> to vector<16xf32>
      %swap3A_70 = vector.shape_cast %broadcast_in_dim3A_1 : vector<16xf32> to vector<1x16xf32>
      tpu.vector_store %arg8[%swap3A_66, %swap3A_67], %swap3A_70 {strides = array<i32>} : memref<128x128xf32, #tpu.memory_space<vmem>>, vector<1x16xf32>,
      %swap3A_71 = arith.index_cast %scan3A_36 : i32 to index
      %swap3A_72 = arith.constant 112 : index
      %swap3A_73 = tpu.vector_load %arg8[%swap3A_71, %swap3A_72] {strides = array<i32>} : memref<128x128xf32, #tpu.memory_space<vmem>>, vector<1x16xf32>,
      %swap3A_74 = vector.shape_cast %swap3A_73 : vector<1x16xf32> to vector<16xf32>
      %swap3A_75 = vector.shape_cast %broadcast_in_dim3A_1 : vector<16xf32> to vector<1x16xf32>
      tpu.vector_store %arg8[%swap3A_71, %swap3A_72], %swap3A_75 {strides = array<i32>} : memref<128x128xf32, #tpu.memory_space<vmem>>, vector<1x16xf32>,
    }
    %scan3A_6 = arith.constant 128 : i32
    %mul3A_7 = arith.constant 640 : i32
    %mul3A_8 = arith.muli %arg1, %mul3A_7 : i32
    %add3A_9 = arith.constant 0 : i32
    %add3A_10 = arith.addi %mul3A_8, %add3A_9 : i32
    "tpu.region"() ({
      %run_scoped3A = tpu.sem_alloc : memref<!tpu.dma_semaphore, #tpu.memory_space<semaphore_mem>>
      %dma_start3A = arith.constant 0 : i32
      %dma_start3A_36 = tpu.memref_slice %arg9[%add3A_10, %dma_start3A] : memref<10240x128xf32, #tpu.memory_space<vmem_shared>> -> memref<128x128xf32, #tpu.memory_space<vmem_shared>>
      %dma_start3A_37 = arith.constant 0 : i32
      %dma_start3A_38 = tpu.memref_slice %arg9[%add3A_10, %dma_start3A_37] : memref<10240x128xf32, #tpu.memory_space<vmem_shared>> -> memref<128x128xf32, #tpu.memory_space<vmem_shared>>
      tpu.enqueue_dma source(%arg8 : memref<128x128xf32, #tpu.memory_space<vmem>>) target(%dma_start3A_38 : memref<128x128xf32, #tpu.memory_space<vmem_shared>>) target_semaphore(%run_scoped3A : memref<!tpu.dma_semaphore, #tpu.memory_space<semaphore_mem>>)
      %dma_wait3A = arith.constant 0 : i32
      %dma_wait3A_39 = tpu.memref_slice %arg9[%add3A_10, %dma_wait3A] : memref<10240x128xf32, #tpu.memory_space<vmem_shared>> -> memref<128x128xf32, #tpu.memory_space<vmem_shared>>
      %dma_wait3A_40 = arith.constant 0 : i32
      %dma_wait3A_41 = tpu.memref_slice %arg9[%add3A_10, %dma_wait3A_40] : memref<10240x128xf32, #tpu.memory_space<vmem_shared>> -> memref<128x128xf32, #tpu.memory_space<vmem_shared>>
      tpu.wait_dma2 semaphore(%run_scoped3A : memref<!tpu.dma_semaphore, #tpu.memory_space<semaphore_mem>>) src(%arg8 : memref<128x128xf32, #tpu.memory_space<vmem>>) dst(%dma_wait3A_41 : memref<128x128xf32, #tpu.memory_space<vmem_shared>>)
      tpu.yield
    }) : () -> ()
    %add3A_11 = arith.constant 128 : i32
    %add3A_12 = arith.addi %mul3A_8, %add3A_11 : i32
    "tpu.region"() ({
      %run_scoped3A = tpu.sem_alloc : memref<!tpu.dma_semaphore, #tpu.memory_space<semaphore_mem>>
      %dma_start3A = arith.constant 0 : i32
      %dma_start3A_36 = tpu.memref_slice %arg9[%add3A_12, %dma_start3A] : memref<10240x128xf32, #tpu.memory_space<vmem_shared>> -> memref<128x128xf32, #tpu.memory_space<vmem_shared>>
      %dma_start3A_37 = arith.constant 0 : i32
      %dma_start3A_38 = tpu.memref_slice %arg9[%add3A_12, %dma_start3A_37] : memref<10240x128xf32, #tpu.memory_space<vmem_shared>> -> memref<128x128xf32, #tpu.memory_space<vmem_shared>>
      tpu.enqueue_dma source(%arg8 : memref<128x128xf32, #tpu.memory_space<vmem>>) target(%dma_start3A_38 : memref<128x128xf32, #tpu.memory_space<vmem_shared>>) target_semaphore(%run_scoped3A : memref<!tpu.dma_semaphore, #tpu.memory_space<semaphore_mem>>)
      %dma_wait3A = arith.constant 0 : i32
      %dma_wait3A_39 = tpu.memref_slice %arg9[%add3A_12, %dma_wait3A] : memref<10240x128xf32, #tpu.memory_space<vmem_shared>> -> memref<128x128xf32, #tpu.memory_space<vmem_shared>>
      %dma_wait3A_40 = arith.constant 0 : i32
      %dma_wait3A_41 = tpu.memref_slice %arg9[%add3A_12, %dma_wait3A_40] : memref<10240x128xf32, #tpu.memory_space<vmem_shared>> -> memref<128x128xf32, #tpu.memory_space<vmem_shared>>
      tpu.wait_dma2 semaphore(%run_scoped3A : memref<!tpu.dma_semaphore, #tpu.memory_space<semaphore_mem>>) src(%arg8 : memref<128x128xf32, #tpu.memory_space<vmem>>) dst(%dma_wait3A_41 : memref<128x128xf32, #tpu.memory_space<vmem_shared>>)
      tpu.yield
    }) : () -> ()
    %add3A_13 = arith.constant 256 : i32
    %add3A_14 = arith.addi %mul3A_8, %add3A_13 : i32
    "tpu.region"() ({
      %run_scoped3A = tpu.sem_alloc : memref<!tpu.dma_semaphore, #tpu.memory_space<semaphore_mem>>
      %dma_start3A = arith.constant 0 : i32
      %dma_start3A_36 = tpu.memref_slice %arg9[%add3A_14, %dma_start3A] : memref<10240x128xf32, #tpu.memory_space<vmem_shared>> -> memref<128x128xf32, #tpu.memory_space<vmem_shared>>
      %dma_start3A_37 = arith.constant 0 : i32
      %dma_start3A_38 = tpu.memref_slice %arg9[%add3A_14, %dma_start3A_37] : memref<10240x128xf32, #tpu.memory_space<vmem_shared>> -> memref<128x128xf32, #tpu.memory_space<vmem_shared>>
      tpu.enqueue_dma source(%arg8 : memref<128x128xf32, #tpu.memory_space<vmem>>) target(%dma_start3A_38 : memref<128x128xf32, #tpu.memory_space<vmem_shared>>) target_semaphore(%run_scoped3A : memref<!tpu.dma_semaphore, #tpu.memory_space<semaphore_mem>>)
      %dma_wait3A = arith.constant 0 : i32
      %dma_wait3A_39 = tpu.memref_slice %arg9[%add3A_14, %dma_wait3A] : memref<10240x128xf32, #tpu.memory_space<vmem_shared>> -> memref<128x128xf32, #tpu.memory_space<vmem_shared>>
      %dma_wait3A_40 = arith.constant 0 : i32
      %dma_wait3A_41 = tpu.memref_slice %arg9[%add3A_14, %dma_wait3A_40] : memref<10240x128xf32, #tpu.memory_space<vmem_shared>> -> memref<128x128xf32, #tpu.memory_space<vmem_shared>>
      tpu.wait_dma2 semaphore(%run_scoped3A : memref<!tpu.dma_semaphore, #tpu.memory_space<semaphore_mem>>) src(%arg8 : memref<128x128xf32, #tpu.memory_space<vmem>>) dst(%dma_wait3A_41 : memref<128x128xf32, #tpu.memory_space<vmem_shared>>)
      tpu.yield
    }) : () -> ()
    %add3A_15 = arith.constant 384 : i32
    %add3A_16 = arith.addi %mul3A_8, %add3A_15 : i32
    "tpu.region"() ({
      %run_scoped3A = tpu.sem_alloc : memref<!tpu.dma_semaphore, #tpu.memory_space<semaphore_mem>>
      %dma_start3A = arith.constant 0 : i32
      %dma_start3A_36 = tpu.memref_slice %arg9[%add3A_16, %dma_start3A] : memref<10240x128xf32, #tpu.memory_space<vmem_shared>> -> memref<128x128xf32, #tpu.memory_space<vmem_shared>>
      %dma_start3A_37 = arith.constant 0 : i32
      %dma_start3A_38 = tpu.memref_slice %arg9[%add3A_16, %dma_start3A_37] : memref<10240x128xf32, #tpu.memory_space<vmem_shared>> -> memref<128x128xf32, #tpu.memory_space<vmem_shared>>
      tpu.enqueue_dma source(%arg8 : memref<128x128xf32, #tpu.memory_space<vmem>>) target(%dma_start3A_38 : memref<128x128xf32, #tpu.memory_space<vmem_shared>>) target_semaphore(%run_scoped3A : memref<!tpu.dma_semaphore, #tpu.memory_space<semaphore_mem>>)
      %dma_wait3A = arith.constant 0 : i32
      %dma_wait3A_39 = tpu.memref_slice %arg9[%add3A_16, %dma_wait3A] : memref<10240x128xf32, #tpu.memory_space<vmem_shared>> -> memref<128x128xf32, #tpu.memory_space<vmem_shared>>
      %dma_wait3A_40 = arith.constant 0 : i32
      %dma_wait3A_41 = tpu.memref_slice %arg9[%add3A_16, %dma_wait3A_40] : memref<10240x128xf32, #tpu.memory_space<vmem_shared>> -> memref<128x128xf32, #tpu.memory_space<vmem_shared>>
      tpu.wait_dma2 semaphore(%run_scoped3A : memref<!tpu.dma_semaphore, #tpu.memory_space<semaphore_mem>>) src(%arg8 : memref<128x128xf32, #tpu.memory_space<vmem>>) dst(%dma_wait3A_41 : memref<128x128xf32, #tpu.memory_space<vmem_shared>>)
      tpu.yield
    }) : () -> ()
    %add3A_17 = arith.constant 512 : i32
    %add3A_18 = arith.addi %mul3A_8, %add3A_17 : i32
    "tpu.region"() ({
      %run_scoped3A = tpu.sem_alloc : memref<!tpu.dma_semaphore, #tpu.memory_space<semaphore_mem>>
      %dma_start3A = arith.constant 0 : i32
      %dma_start3A_36 = tpu.memref_slice %arg9[%add3A_18, %dma_start3A] : memref<10240x128xf32, #tpu.memory_space<vmem_shared>> -> memref<128x128xf32, #tpu.memory_space<vmem_shared>>
      %dma_start3A_37 = arith.constant 0 : i32
      %dma_start3A_38 = tpu.memref_slice %arg9[%add3A_18, %dma_start3A_37] : memref<10240x128xf32, #tpu.memory_space<vmem_shared>> -> memref<128x128xf32, #tpu.memory_space<vmem_shared>>
      tpu.enqueue_dma source(%arg8 : memref<128x128xf32, #tpu.memory_space<vmem>>) target(%dma_start3A_38 : memref<128x128xf32, #tpu.memory_space<vmem_shared>>) target_semaphore(%run_scoped3A : memref<!tpu.dma_semaphore, #tpu.memory_space<semaphore_mem>>)
      %dma_wait3A = arith.constant 0 : i32
      %dma_wait3A_39 = tpu.memref_slice %arg9[%add3A_18, %dma_wait3A] : memref<10240x128xf32, #tpu.memory_space<vmem_shared>> -> memref<128x128xf32, #tpu.memory_space<vmem_shared>>
      %dma_wait3A_40 = arith.constant 0 : i32
      %dma_wait3A_41 = tpu.memref_slice %arg9[%add3A_18, %dma_wait3A_40] : memref<10240x128xf32, #tpu.memory_space<vmem_shared>> -> memref<128x128xf32, #tpu.memory_space<vmem_shared>>
      tpu.wait_dma2 semaphore(%run_scoped3A : memref<!tpu.dma_semaphore, #tpu.memory_space<semaphore_mem>>) src(%arg8 : memref<128x128xf32, #tpu.memory_space<vmem>>) dst(%dma_wait3A_41 : memref<128x128xf32, #tpu.memory_space<vmem_shared>>)
      tpu.yield
    }) : () -> ()
    %barrier3A = arith.constant 0 : index
    tpu.barrier barrier_id(%barrier3A)
    %scan3A_19 = arith.constant 0 : i32
    %scan3A_20 = arith.constant 0 : i32
    %scan3A_21 = arith.constant 79 : i32
    %scan3A_22 = arith.addi %scan3A_20, %scan3A_21 : i32
    %scan3A_23 = arith.constant 1 : i32
    scf.for %scan3A_36 = %scan3A_20 to %scan3A_22 step %scan3A_23  : i32 {
      %mul3A_37 = arith.constant 79 : i32
      %mul3A_38 = arith.muli %add3A, %mul3A_37 : i32
      %add3A_39 = arith.addi %mul3A_38, %scan3A_36 : i32
      %mul3A_40 = arith.constant 128 : i32
      %mul3A_41 = arith.muli %add3A_39, %mul3A_40 : i32
      "tpu.region"() ({
        %run_scoped3A = tpu.sem_alloc : memref<!tpu.dma_semaphore, #tpu.memory_space<semaphore_mem>>
        %dma_start3A_46 = tpu.memref_slice %arg3[%mul3A_41] : memref<323584xi32, #tpu.memory_space<hbm>> -> memref<128xi32, #tpu.memory_space<hbm>>
        %dma_start3A_47 = tpu.memref_slice %arg3[%mul3A_41] : memref<323584xi32, #tpu.memory_space<hbm>> -> memref<128xi32, #tpu.memory_space<hbm>>
        tpu.enqueue_dma source(%dma_start3A_47 : memref<128xi32, #tpu.memory_space<hbm>>) target(%arg6 : memref<128xi32, #tpu.memory_space<vmem>>) target_semaphore(%run_scoped3A : memref<!tpu.dma_semaphore, #tpu.memory_space<semaphore_mem>>)
        %dma_wait3A_48 = tpu.memref_slice %arg3[%mul3A_41] : memref<323584xi32, #tpu.memory_space<hbm>> -> memref<128xi32, #tpu.memory_space<hbm>>
        %dma_wait3A_49 = tpu.memref_slice %arg3[%mul3A_41] : memref<323584xi32, #tpu.memory_space<hbm>> -> memref<128xi32, #tpu.memory_space<hbm>>
        tpu.wait_dma2 semaphore(%run_scoped3A : memref<!tpu.dma_semaphore, #tpu.memory_space<semaphore_mem>>) src(%dma_wait3A_49 : memref<128xi32, #tpu.memory_space<hbm>>) dst(%arg6 : memref<128xi32, #tpu.memory_space<vmem>>)
        tpu.yield
      }) : () -> ()
      "tpu.region"() ({
        %run_scoped3A = tpu.sem_alloc : memref<!tpu.dma_semaphore, #tpu.memory_space<semaphore_mem>>
        %dma_start3A_46 = tpu.memref_slice %arg4[%mul3A_41] : memref<323584xi32, #tpu.memory_space<hbm>> -> memref<128xi32, #tpu.memory_space<hbm>>
        %dma_start3A_47 = tpu.memref_slice %arg4[%mul3A_41] : memref<323584xi32, #tpu.memory_space<hbm>> -> memref<128xi32, #tpu.memory_space<hbm>>
        tpu.enqueue_dma source(%dma_start3A_47 : memref<128xi32, #tpu.memory_space<hbm>>) target(%arg7 : memref<128xi32, #tpu.memory_space<vmem>>) target_semaphore(%run_scoped3A : memref<!tpu.dma_semaphore, #tpu.memory_space<semaphore_mem>>)
        %dma_wait3A_48 = tpu.memref_slice %arg4[%mul3A_41] : memref<323584xi32, #tpu.memory_space<hbm>> -> memref<128xi32, #tpu.memory_space<hbm>>
        %dma_wait3A_49 = tpu.memref_slice %arg4[%mul3A_41] : memref<323584xi32, #tpu.memory_space<hbm>> -> memref<128xi32, #tpu.memory_space<hbm>>
        tpu.wait_dma2 semaphore(%run_scoped3A : memref<!tpu.dma_semaphore, #tpu.memory_space<semaphore_mem>>) src(%dma_wait3A_49 : memref<128xi32, #tpu.memory_space<hbm>>) dst(%arg7 : memref<128xi32, #tpu.memory_space<vmem>>)
        tpu.yield
      }) : () -> ()
      %dma_start3A = arith.constant 0 : i32
      %dma_start3A_42 = arith.constant 0 : i32
      %dma_start3A_43 = tpu.memref_slice %arg2[%dma_start3A, %dma_start3A_42] : memref<10000x128xf32, #tpu.memory_space<hbm>> -> memref<10000x128xf32, #tpu.memory_space<hbm>>
      tpu.enqueue_indirect_dma source(%dma_start3A_43 : memref<10000x128xf32, #tpu.memory_space<hbm>>) target(%arg8 : memref<128x128xf32, #tpu.memory_space<vmem>>) offsets(%arg6 : memref<128xi32, #tpu.memory_space<vmem>>) semaphore(%arg10 : memref<!tpu.dma_semaphore, #tpu.memory_space<semaphore_mem>>)
      %dma_wait3A = arith.constant 0 : i32
      %dma_wait3A_44 = arith.constant 0 : i32
      %dma_wait3A_45 = tpu.memref_slice %arg2[%dma_wait3A, %dma_wait3A_44] : memref<10000x128xf32, #tpu.memory_space<hbm>> -> memref<10000x128xf32, #tpu.memory_space<hbm>>
      tpu.wait_indirect_dma semaphore(%arg10 : memref<!tpu.dma_semaphore, #tpu.memory_space<semaphore_mem>>) src(%dma_wait3A_45 : memref<10000x128xf32, #tpu.memory_space<hbm>>) dst(%arg8 : memref<128x128xf32, #tpu.memory_space<vmem>>)
      "tpu.region"() ({
        %run_scoped3A = tpu.sem_alloc : memref<!tpu.dma_semaphore, #tpu.memory_space<semaphore_mem>>
        %dma_start3A_46 = arith.constant 0 : i32
        %dma_start3A_47 = arith.constant 0 : i32
        %dma_start3A_48 = tpu.memref_slice %arg9[%dma_start3A_46, %dma_start3A_47] : memref<10240x128xf32, #tpu.memory_space<vmem_shared>> -> memref<10240x128xf32, #tpu.memory_space<vmem_shared>>
        tpu.enqueue_indirect_dma source(%arg8 : memref<128x128xf32, #tpu.memory_space<vmem>>) target(%dma_start3A_48 : memref<10240x128xf32, #tpu.memory_space<vmem_shared>>) offsets(%arg7 : memref<128xi32, #tpu.memory_space<vmem>>) semaphore(%run_scoped3A : memref<!tpu.dma_semaphore, #tpu.memory_space<semaphore_mem>>) {add = true}
        %dma_wait3A_49 = arith.constant 0 : i32
        %dma_wait3A_50 = arith.constant 0 : i32
        %dma_wait3A_51 = tpu.memref_slice %arg9[%dma_wait3A_49, %dma_wait3A_50] : memref<10240x128xf32, #tpu.memory_space<vmem_shared>> -> memref<10240x128xf32, #tpu.memory_space<vmem_shared>>
        tpu.wait_indirect_dma semaphore(%run_scoped3A : memref<!tpu.dma_semaphore, #tpu.memory_space<semaphore_mem>>) src(%arg8 : memref<128x128xf32, #tpu.memory_space<vmem>>) dst(%dma_wait3A_51 : memref<10240x128xf32, #tpu.memory_space<vmem_shared>>)
        tpu.yield
      }) : () -> ()
    }
    %scan3A_24 = arith.constant 79 : i32
    %barrier3A_25 = arith.constant 0 : index
    tpu.barrier barrier_id(%barrier3A_25)
    %add3A_26 = arith.constant 0 : i32
    %add3A_27 = arith.addi %mul3A_8, %add3A_26 : i32
    "tpu.region"() ({
      %run_scoped3A = tpu.sem_alloc : memref<!tpu.dma_semaphore, #tpu.memory_space<semaphore_mem>>
      %dma_start3A = arith.constant 0 : i32
      %dma_start3A_36 = tpu.memref_slice %arg9[%add3A_27, %dma_start3A] : memref<10240x128xf32, #tpu.memory_space<vmem_shared>> -> memref<128x128xf32, #tpu.memory_space<vmem_shared>>
      %dma_start3A_37 = arith.constant 0 : i32
      %dma_start3A_38 = tpu.memref_slice %arg9[%add3A_27, %dma_start3A_37] : memref<10240x128xf32, #tpu.memory_space<vmem_shared>> -> memref<128x128xf32, #tpu.memory_space<vmem_shared>>
      tpu.enqueue_dma source(%dma_start3A_38 : memref<128x128xf32, #tpu.memory_space<vmem_shared>>) target(%arg8 : memref<128x128xf32, #tpu.memory_space<vmem>>) target_semaphore(%run_scoped3A : memref<!tpu.dma_semaphore, #tpu.memory_space<semaphore_mem>>)
      %dma_wait3A = arith.constant 0 : i32
      %dma_wait3A_39 = tpu.memref_slice %arg9[%add3A_27, %dma_wait3A] : memref<10240x128xf32, #tpu.memory_space<vmem_shared>> -> memref<128x128xf32, #tpu.memory_space<vmem_shared>>
      %dma_wait3A_40 = arith.constant 0 : i32
      %dma_wait3A_41 = tpu.memref_slice %arg9[%add3A_27, %dma_wait3A_40] : memref<10240x128xf32, #tpu.memory_space<vmem_shared>> -> memref<128x128xf32, #tpu.memory_space<vmem_shared>>
      tpu.wait_dma2 semaphore(%run_scoped3A : memref<!tpu.dma_semaphore, #tpu.memory_space<semaphore_mem>>) src(%dma_wait3A_41 : memref<128x128xf32, #tpu.memory_space<vmem_shared>>) dst(%arg8 : memref<128x128xf32, #tpu.memory_space<vmem>>)
      tpu.yield
    }) : () -> ()
    "tpu.region"() ({
      %run_scoped3A = tpu.sem_alloc : memref<!tpu.dma_semaphore, #tpu.memory_space<semaphore_mem>>
      %dma_start3A = arith.constant 0 : i32
      %dma_start3A_36 = tpu.memref_slice %arg5[%arg0, %add3A_27, %dma_start3A] : memref<2x10240x128xf32, #tpu.memory_space<hbm>> -> memref<1x128x128xf32, #tpu.memory_space<hbm>>
      %dma_start3A_37 = tpu.memref_squeeze %dma_start3A_36 : memref<1x128x128xf32, #tpu.memory_space<hbm>> -> memref<128x128xf32, #tpu.memory_space<hbm>>
      %dma_start3A_38 = arith.constant 0 : i32
      %dma_start3A_39 = tpu.memref_slice %arg5[%arg0, %add3A_27, %dma_start3A_38] : memref<2x10240x128xf32, #tpu.memory_space<hbm>> -> memref<1x128x128xf32, #tpu.memory_space<hbm>>
      %dma_start3A_40 = tpu.memref_squeeze %dma_start3A_39 : memref<1x128x128xf32, #tpu.memory_space<hbm>> -> memref<128x128xf32, #tpu.memory_space<hbm>>
      tpu.enqueue_dma source(%arg8 : memref<128x128xf32, #tpu.memory_space<vmem>>) target(%dma_start3A_40 : memref<128x128xf32, #tpu.memory_space<hbm>>) target_semaphore(%run_scoped3A : memref<!tpu.dma_semaphore, #tpu.memory_space<semaphore_mem>>)
      %dma_wait3A = arith.constant 0 : i32
      %dma_wait3A_41 = tpu.memref_slice %arg5[%arg0, %add3A_27, %dma_wait3A] : memref<2x10240x128xf32, #tpu.memory_space<hbm>> -> memref<1x128x128xf32, #tpu.memory_space<hbm>>
      %dma_wait3A_42 = tpu.memref_squeeze %dma_wait3A_41 : memref<1x128x128xf32, #tpu.memory_space<hbm>> -> memref<128x128xf32, #tpu.memory_space<hbm>>
      %dma_wait3A_43 = arith.constant 0 : i32
      %dma_wait3A_44 = tpu.memref_slice %arg5[%arg0, %add3A_27, %dma_wait3A_43] : memref<2x10240x128xf32, #tpu.memory_space<hbm>> -> memref<1x128x128xf32, #tpu.memory_space<hbm>>
      %dma_wait3A_45 = tpu.memref_squeeze %dma_wait3A_44 : memref<1x128x128xf32, #tpu.memory_space<hbm>> -> memref<128x128xf32, #tpu.memory_space<hbm>>
      tpu.wait_dma2 semaphore(%run_scoped3A : memref<!tpu.dma_semaphore, #tpu.memory_space<semaphore_mem>>) src(%arg8 : memref<128x128xf32, #tpu.memory_space<vmem>>) dst(%dma_wait3A_45 : memref<128x128xf32, #tpu.memory_space<hbm>>)
      tpu.yield
    }) : () -> ()
    %add3A_28 = arith.constant 128 : i32
    %add3A_29 = arith.addi %mul3A_8, %add3A_28 : i32
    "tpu.region"() ({
      %run_scoped3A = tpu.sem_alloc : memref<!tpu.dma_semaphore, #tpu.memory_space<semaphore_mem>>
      %dma_start3A = arith.constant 0 : i32
      %dma_start3A_36 = tpu.memref_slice %arg9[%add3A_29, %dma_start3A] : memref<10240x128xf32, #tpu.memory_space<vmem_shared>> -> memref<128x128xf32, #tpu.memory_space<vmem_shared>>
      %dma_start3A_37 = arith.constant 0 : i32
      %dma_start3A_38 = tpu.memref_slice %arg9[%add3A_29, %dma_start3A_37] : memref<10240x128xf32, #tpu.memory_space<vmem_shared>> -> memref<128x128xf32, #tpu.memory_space<vmem_shared>>
      tpu.enqueue_dma source(%dma_start3A_38 : memref<128x128xf32, #tpu.memory_space<vmem_shared>>) target(%arg8 : memref<128x128xf32, #tpu.memory_space<vmem>>) target_semaphore(%run_scoped3A : memref<!tpu.dma_semaphore, #tpu.memory_space<semaphore_mem>>)
      %dma_wait3A = arith.constant 0 : i32
      %dma_wait3A_39 = tpu.memref_slice %arg9[%add3A_29, %dma_wait3A] : memref<10240x128xf32, #tpu.memory_space<vmem_shared>> -> memref<128x128xf32, #tpu.memory_space<vmem_shared>>
      %dma_wait3A_40 = arith.constant 0 : i32
      %dma_wait3A_41 = tpu.memref_slice %arg9[%add3A_29, %dma_wait3A_40] : memref<10240x128xf32, #tpu.memory_space<vmem_shared>> -> memref<128x128xf32, #tpu.memory_space<vmem_shared>>
      tpu.wait_dma2 semaphore(%run_scoped3A : memref<!tpu.dma_semaphore, #tpu.memory_space<semaphore_mem>>) src(%dma_wait3A_41 : memref<128x128xf32, #tpu.memory_space<vmem_shared>>) dst(%arg8 : memref<128x128xf32, #tpu.memory_space<vmem>>)
      tpu.yield
    }) : () -> ()
    "tpu.region"() ({
      %run_scoped3A = tpu.sem_alloc : memref<!tpu.dma_semaphore, #tpu.memory_space<semaphore_mem>>
      %dma_start3A = arith.constant 0 : i32
      %dma_start3A_36 = tpu.memref_slice %arg5[%arg0, %add3A_29, %dma_start3A] : memref<2x10240x128xf32, #tpu.memory_space<hbm>> -> memref<1x128x128xf32, #tpu.memory_space<hbm>>
      %dma_start3A_37 = tpu.memref_squeeze %dma_start3A_36 : memref<1x128x128xf32, #tpu.memory_space<hbm>> -> memref<128x128xf32, #tpu.memory_space<hbm>>
      %dma_start3A_38 = arith.constant 0 : i32
      %dma_start3A_39 = tpu.memref_slice %arg5[%arg0, %add3A_29, %dma_start3A_38] : memref<2x10240x128xf32, #tpu.memory_space<hbm>> -> memref<1x128x128xf32, #tpu.memory_space<hbm>>
      %dma_start3A_40 = tpu.memref_squeeze %dma_start3A_39 : memref<1x128x128xf32, #tpu.memory_space<hbm>> -> memref<128x128xf32, #tpu.memory_space<hbm>>
      tpu.enqueue_dma source(%arg8 : memref<128x128xf32, #tpu.memory_space<vmem>>) target(%dma_start3A_40 : memref<128x128xf32, #tpu.memory_space<hbm>>) target_semaphore(%run_scoped3A : memref<!tpu.dma_semaphore, #tpu.memory_space<semaphore_mem>>)
      %dma_wait3A = arith.constant 0 : i32
      %dma_wait3A_41 = tpu.memref_slice %arg5[%arg0, %add3A_29, %dma_wait3A] : memref<2x10240x128xf32, #tpu.memory_space<hbm>> -> memref<1x128x128xf32, #tpu.memory_space<hbm>>
      %dma_wait3A_42 = tpu.memref_squeeze %dma_wait3A_41 : memref<1x128x128xf32, #tpu.memory_space<hbm>> -> memref<128x128xf32, #tpu.memory_space<hbm>>
      %dma_wait3A_43 = arith.constant 0 : i32
      %dma_wait3A_44 = tpu.memref_slice %arg5[%arg0, %add3A_29, %dma_wait3A_43] : memref<2x10240x128xf32, #tpu.memory_space<hbm>> -> memref<1x128x128xf32, #tpu.memory_space<hbm>>
      %dma_wait3A_45 = tpu.memref_squeeze %dma_wait3A_44 : memref<1x128x128xf32, #tpu.memory_space<hbm>> -> memref<128x128xf32, #tpu.memory_space<hbm>>
      tpu.wait_dma2 semaphore(%run_scoped3A : memref<!tpu.dma_semaphore, #tpu.memory_space<semaphore_mem>>) src(%arg8 : memref<128x128xf32, #tpu.memory_space<vmem>>) dst(%dma_wait3A_45 : memref<128x128xf32, #tpu.memory_space<hbm>>)
      tpu.yield
    }) : () -> ()
    %add3A_30 = arith.constant 256 : i32
    %add3A_31 = arith.addi %mul3A_8, %add3A_30 : i32
    "tpu.region"() ({
      %run_scoped3A = tpu.sem_alloc : memref<!tpu.dma_semaphore, #tpu.memory_space<semaphore_mem>>
      %dma_start3A = arith.constant 0 : i32
      %dma_start3A_36 = tpu.memref_slice %arg9[%add3A_31, %dma_start3A] : memref<10240x128xf32, #tpu.memory_space<vmem_shared>> -> memref<128x128xf32, #tpu.memory_space<vmem_shared>>
      %dma_start3A_37 = arith.constant 0 : i32
      %dma_start3A_38 = tpu.memref_slice %arg9[%add3A_31, %dma_start3A_37] : memref<10240x128xf32, #tpu.memory_space<vmem_shared>> -> memref<128x128xf32, #tpu.memory_space<vmem_shared>>
      tpu.enqueue_dma source(%dma_start3A_38 : memref<128x128xf32, #tpu.memory_space<vmem_shared>>) target(%arg8 : memref<128x128xf32, #tpu.memory_space<vmem>>) target_semaphore(%run_scoped3A : memref<!tpu.dma_semaphore, #tpu.memory_space<semaphore_mem>>)
      %dma_wait3A = arith.constant 0 : i32
      %dma_wait3A_39 = tpu.memref_slice %arg9[%add3A_31, %dma_wait3A] : memref<10240x128xf32, #tpu.memory_space<vmem_shared>> -> memref<128x128xf32, #tpu.memory_space<vmem_shared>>
      %dma_wait3A_40 = arith.constant 0 : i32
      %dma_wait3A_41 = tpu.memref_slice %arg9[%add3A_31, %dma_wait3A_40] : memref<10240x128xf32, #tpu.memory_space<vmem_shared>> -> memref<128x128xf32, #tpu.memory_space<vmem_shared>>
      tpu.wait_dma2 semaphore(%run_scoped3A : memref<!tpu.dma_semaphore, #tpu.memory_space<semaphore_mem>>) src(%dma_wait3A_41 : memref<128x128xf32, #tpu.memory_space<vmem_shared>>) dst(%arg8 : memref<128x128xf32, #tpu.memory_space<vmem>>)
      tpu.yield
    }) : () -> ()
    "tpu.region"() ({
      %run_scoped3A = tpu.sem_alloc : memref<!tpu.dma_semaphore, #tpu.memory_space<semaphore_mem>>
      %dma_start3A = arith.constant 0 : i32
      %dma_start3A_36 = tpu.memref_slice %arg5[%arg0, %add3A_31, %dma_start3A] : memref<2x10240x128xf32, #tpu.memory_space<hbm>> -> memref<1x128x128xf32, #tpu.memory_space<hbm>>
      %dma_start3A_37 = tpu.memref_squeeze %dma_start3A_36 : memref<1x128x128xf32, #tpu.memory_space<hbm>> -> memref<128x128xf32, #tpu.memory_space<hbm>>
      %dma_start3A_38 = arith.constant 0 : i32
      %dma_start3A_39 = tpu.memref_slice %arg5[%arg0, %add3A_31, %dma_start3A_38] : memref<2x10240x128xf32, #tpu.memory_space<hbm>> -> memref<1x128x128xf32, #tpu.memory_space<hbm>>
      %dma_start3A_40 = tpu.memref_squeeze %dma_start3A_39 : memref<1x128x128xf32, #tpu.memory_space<hbm>> -> memref<128x128xf32, #tpu.memory_space<hbm>>
      tpu.enqueue_dma source(%arg8 : memref<128x128xf32, #tpu.memory_space<vmem>>) target(%dma_start3A_40 : memref<128x128xf32, #tpu.memory_space<hbm>>) target_semaphore(%run_scoped3A : memref<!tpu.dma_semaphore, #tpu.memory_space<semaphore_mem>>)
      %dma_wait3A = arith.constant 0 : i32
      %dma_wait3A_41 = tpu.memref_slice %arg5[%arg0, %add3A_31, %dma_wait3A] : memref<2x10240x128xf32, #tpu.memory_space<hbm>> -> memref<1x128x128xf32, #tpu.memory_space<hbm>>
      %dma_wait3A_42 = tpu.memref_squeeze %dma_wait3A_41 : memref<1x128x128xf32, #tpu.memory_space<hbm>> -> memref<128x128xf32, #tpu.memory_space<hbm>>
      %dma_wait3A_43 = arith.constant 0 : i32
      %dma_wait3A_44 = tpu.memref_slice %arg5[%arg0, %add3A_31, %dma_wait3A_43] : memref<2x10240x128xf32, #tpu.memory_space<hbm>> -> memref<1x128x128xf32, #tpu.memory_space<hbm>>
      %dma_wait3A_45 = tpu.memref_squeeze %dma_wait3A_44 : memref<1x128x128xf32, #tpu.memory_space<hbm>> -> memref<128x128xf32, #tpu.memory_space<hbm>>
      tpu.wait_dma2 semaphore(%run_scoped3A : memref<!tpu.dma_semaphore, #tpu.memory_space<semaphore_mem>>) src(%arg8 : memref<128x128xf32, #tpu.memory_space<vmem>>) dst(%dma_wait3A_45 : memref<128x128xf32, #tpu.memory_space<hbm>>)
      tpu.yield
    }) : () -> ()
    %add3A_32 = arith.constant 384 : i32
    %add3A_33 = arith.addi %mul3A_8, %add3A_32 : i32
    "tpu.region"() ({
      %run_scoped3A = tpu.sem_alloc : memref<!tpu.dma_semaphore, #tpu.memory_space<semaphore_mem>>
      %dma_start3A = arith.constant 0 : i32
      %dma_start3A_36 = tpu.memref_slice %arg9[%add3A_33, %dma_start3A] : memref<10240x128xf32, #tpu.memory_space<vmem_shared>> -> memref<128x128xf32, #tpu.memory_space<vmem_shared>>
      %dma_start3A_37 = arith.constant 0 : i32
      %dma_start3A_38 = tpu.memref_slice %arg9[%add3A_33, %dma_start3A_37] : memref<10240x128xf32, #tpu.memory_space<vmem_shared>> -> memref<128x128xf32, #tpu.memory_space<vmem_shared>>
      tpu.enqueue_dma source(%dma_start3A_38 : memref<128x128xf32, #tpu.memory_space<vmem_shared>>) target(%arg8 : memref<128x128xf32, #tpu.memory_space<vmem>>) target_semaphore(%run_scoped3A : memref<!tpu.dma_semaphore, #tpu.memory_space<semaphore_mem>>)
      %dma_wait3A = arith.constant 0 : i32
      %dma_wait3A_39 = tpu.memref_slice %arg9[%add3A_33, %dma_wait3A] : memref<10240x128xf32, #tpu.memory_space<vmem_shared>> -> memref<128x128xf32, #tpu.memory_space<vmem_shared>>
      %dma_wait3A_40 = arith.constant 0 : i32
      %dma_wait3A_41 = tpu.memref_slice %arg9[%add3A_33, %dma_wait3A_40] : memref<10240x128xf32, #tpu.memory_space<vmem_shared>> -> memref<128x128xf32, #tpu.memory_space<vmem_shared>>
      tpu.wait_dma2 semaphore(%run_scoped3A : memref<!tpu.dma_semaphore, #tpu.memory_space<semaphore_mem>>) src(%dma_wait3A_41 : memref<128x128xf32, #tpu.memory_space<vmem_shared>>) dst(%arg8 : memref<128x128xf32, #tpu.memory_space<vmem>>)
      tpu.yield
    }) : () -> ()
    "tpu.region"() ({
      %run_scoped3A = tpu.sem_alloc : memref<!tpu.dma_semaphore, #tpu.memory_space<semaphore_mem>>
      %dma_start3A = arith.constant 0 : i32
      %dma_start3A_36 = tpu.memref_slice %arg5[%arg0, %add3A_33, %dma_start3A] : memref<2x10240x128xf32, #tpu.memory_space<hbm>> -> memref<1x128x128xf32, #tpu.memory_space<hbm>>
      %dma_start3A_37 = tpu.memref_squeeze %dma_start3A_36 : memref<1x128x128xf32, #tpu.memory_space<hbm>> -> memref<128x128xf32, #tpu.memory_space<hbm>>
      %dma_start3A_38 = arith.constant 0 : i32
      %dma_start3A_39 = tpu.memref_slice %arg5[%arg0, %add3A_33, %dma_start3A_38] : memref<2x10240x128xf32, #tpu.memory_space<hbm>> -> memref<1x128x128xf32, #tpu.memory_space<hbm>>
      %dma_start3A_40 = tpu.memref_squeeze %dma_start3A_39 : memref<1x128x128xf32, #tpu.memory_space<hbm>> -> memref<128x128xf32, #tpu.memory_space<hbm>>
      tpu.enqueue_dma source(%arg8 : memref<128x128xf32, #tpu.memory_space<vmem>>) target(%dma_start3A_40 : memref<128x128xf32, #tpu.memory_space<hbm>>) target_semaphore(%run_scoped3A : memref<!tpu.dma_semaphore, #tpu.memory_space<semaphore_mem>>)
      %dma_wait3A = arith.constant 0 : i32
      %dma_wait3A_41 = tpu.memref_slice %arg5[%arg0, %add3A_33, %dma_wait3A] : memref<2x10240x128xf32, #tpu.memory_space<hbm>> -> memref<1x128x128xf32, #tpu.memory_space<hbm>>
      %dma_wait3A_42 = tpu.memref_squeeze %dma_wait3A_41 : memref<1x128x128xf32, #tpu.memory_space<hbm>> -> memref<128x128xf32, #tpu.memory_space<hbm>>
      %dma_wait3A_43 = arith.constant 0 : i32
      %dma_wait3A_44 = tpu.memref_slice %arg5[%arg0, %add3A_33, %dma_wait3A_43] : memref<2x10240x128xf32, #tpu.memory_space<hbm>> -> memref<1x128x128xf32, #tpu.memory_space<hbm>>
      %dma_wait3A_45 = tpu.memref_squeeze %dma_wait3A_44 : memref<1x128x128xf32, #tpu.memory_space<hbm>> -> memref<128x128xf32, #tpu.memory_space<hbm>>
      tpu.wait_dma2 semaphore(%run_scoped3A : memref<!tpu.dma_semaphore, #tpu.memory_space<semaphore_mem>>) src(%arg8 : memref<128x128xf32, #tpu.memory_space<vmem>>) dst(%dma_wait3A_45 : memref<128x128xf32, #tpu.memory_space<hbm>>)
      tpu.yield
    }) : () -> ()
    %add3A_34 = arith.constant 512 : i32
    %add3A_35 = arith.addi %mul3A_8, %add3A_34 : i32
    "tpu.region"() ({
      %run_scoped3A = tpu.sem_alloc : memref<!tpu.dma_semaphore, #tpu.memory_space<semaphore_mem>>
      %dma_start3A = arith.constant 0 : i32
      %dma_start3A_36 = tpu.memref_slice %arg9[%add3A_35, %dma_start3A] : memref<10240x128xf32, #tpu.memory_space<vmem_shared>> -> memref<128x128xf32, #tpu.memory_space<vmem_shared>>
      %dma_start3A_37 = arith.constant 0 : i32
      %dma_start3A_38 = tpu.memref_slice %arg9[%add3A_35, %dma_start3A_37] : memref<10240x128xf32, #tpu.memory_space<vmem_shared>> -> memref<128x128xf32, #tpu.memory_space<vmem_shared>>
      tpu.enqueue_dma source(%dma_start3A_38 : memref<128x128xf32, #tpu.memory_space<vmem_shared>>) target(%arg8 : memref<128x128xf32, #tpu.memory_space<vmem>>) target_semaphore(%run_scoped3A : memref<!tpu.dma_semaphore, #tpu.memory_space<semaphore_mem>>)
      %dma_wait3A = arith.constant 0 : i32
      %dma_wait3A_39 = tpu.memref_slice %arg9[%add3A_35, %dma_wait3A] : memref<10240x128xf32, #tpu.memory_space<vmem_shared>> -> memref<128x128xf32, #tpu.memory_space<vmem_shared>>
      %dma_wait3A_40 = arith.constant 0 : i32
      %dma_wait3A_41 = tpu.memref_slice %arg9[%add3A_35, %dma_wait3A_40] : memref<10240x128xf32, #tpu.memory_space<vmem_shared>> -> memref<128x128xf32, #tpu.memory_space<vmem_shared>>
      tpu.wait_dma2 semaphore(%run_scoped3A : memref<!tpu.dma_semaphore, #tpu.memory_space<semaphore_mem>>) src(%dma_wait3A_41 : memref<128x128xf32, #tpu.memory_space<vmem_shared>>) dst(%arg8 : memref<128x128xf32, #tpu.memory_space<vmem>>)
      tpu.yield
    }) : () -> ()
    "tpu.region"() ({
      %run_scoped3A = tpu.sem_alloc : memref<!tpu.dma_semaphore, #tpu.memory_space<semaphore_mem>>
      %dma_start3A = arith.constant 0 : i32
      %dma_start3A_36 = tpu.memref_slice %arg5[%arg0, %add3A_35, %dma_start3A] : memref<2x10240x128xf32, #tpu.memory_space<hbm>> -> memref<1x128x128xf32, #tpu.memory_space<hbm>>
      %dma_start3A_37 = tpu.memref_squeeze %dma_start3A_36 : memref<1x128x128xf32, #tpu.memory_space<hbm>> -> memref<128x128xf32, #tpu.memory_space<hbm>>
      %dma_start3A_38 = arith.constant 0 : i32
      %dma_start3A_39 = tpu.memref_slice %arg5[%arg0, %add3A_35, %dma_start3A_38] : memref<2x10240x128xf32, #tpu.memory_space<hbm>> -> memref<1x128x128xf32, #tpu.memory_space<hbm>>
      %dma_start3A_40 = tpu.memref_squeeze %dma_start3A_39 : memref<1x128x128xf32, #tpu.memory_space<hbm>> -> memref<128x128xf32, #tpu.memory_space<hbm>>
      tpu.enqueue_dma source(%arg8 : memref<128x128xf32, #tpu.memory_space<vmem>>) target(%dma_start3A_40 : memref<128x128xf32, #tpu.memory_space<hbm>>) target_semaphore(%run_scoped3A : memref<!tpu.dma_semaphore, #tpu.memory_space<semaphore_mem>>)
      %dma_wait3A = arith.constant 0 : i32
      %dma_wait3A_41 = tpu.memref_slice %arg5[%arg0, %add3A_35, %dma_wait3A] : memref<2x10240x128xf32, #tpu.memory_space<hbm>> -> memref<1x128x128xf32, #tpu.memory_space<hbm>>
      %dma_wait3A_42 = tpu.memref_squeeze %dma_wait3A_41 : memref<1x128x128xf32, #tpu.memory_space<hbm>> -> memref<128x128xf32, #tpu.memory_space<hbm>>
      %dma_wait3A_43 = arith.constant 0 : i32
      %dma_wait3A_44 = tpu.memref_slice %arg5[%arg0, %add3A_35, %dma_wait3A_43] : memref<2x10240x128xf32, #tpu.memory_space<hbm>> -> memref<1x128x128xf32, #tpu.memory_space<hbm>>
      %dma_wait3A_45 = tpu.memref_squeeze %dma_wait3A_44 : memref<1x128x128xf32, #tpu.memory_space<hbm>> -> memref<128x128xf32, #tpu.memory_space<hbm>>
      tpu.wait_dma2 semaphore(%run_scoped3A : memref<!tpu.dma_semaphore, #tpu.memory_space<semaphore_mem>>) src(%arg8 : memref<128x128xf32, #tpu.memory_space<vmem>>) dst(%dma_wait3A_45 : memref<128x128xf32, #tpu.memory_space<hbm>>)
      tpu.yield
    }) : () -> ()
    return
  }
}

#map = affine_map<(d0, d1) -> (0, 0)>
#map1 = affine_map<(d0, d1) -> (0)>
#map2 = affine_map<(d0, d1) -> (0, 0, 0)>
module attributes {stable_mosaic.version = 14 : i64} {
  func.func @body(%arg0: i32, %arg1: i32, %arg2: memref<10000x128xf32, #tpu.memory_space<hbm>>, %arg3: memref<323584xi32, #tpu.memory_space<hbm>>, %arg4: memref<323584xi32, #tpu.memory_space<hbm>>, %arg5: memref<2x10240x128xf32, #tpu.memory_space<hbm>>, %arg6: memref<128xi32, #tpu.memory_space<vmem>>, %arg7: memref<128xi32, #tpu.memory_space<vmem>>, %arg8: memref<128x128xf32, #tpu.memory_space<vmem>>, %arg9: memref<10240x128xf32, #tpu.memory_space<vmem_shared>>, %arg10: memref<!tpu.dma_semaphore, #tpu.memory_space<semaphore_mem>>) attributes {dimension_semantics = [#tpu.dimension_semantics<core_parallel>, #tpu.dimension_semantics<subcore_parallel>], iteration_bounds = array<i64: 2, 16>, scalar_prefetch = 0 : i64, scratch_operands = 5 : i64, tpu.core_type = #tpu.core_type<sc_vector_subcore>, window_params = [{transform_indices = #map}, {transform_indices = #map1}, {transform_indices = #map1}, {transform_indices = #map2}]} {
    %mul3A = arith.constant 2 : i32
    %mul3A_0 = arith.muli %arg1, %mul3A : i32
    %add3A = arith.addi %mul3A_0, %arg0 : i32
    %broadcast_in_dim3A = arith.constant 0.000000e+00 : f32
    %broadcast_in_dim3A_1 = vector.broadcast %broadcast_in_dim3A : f32 to vector<16xf32>
    %scan3A = arith.constant 0 : i32
    %scan3A_2 = arith.constant 0 : i32
    %scan3A_3 = arith.constant 128 : i32
    %scan3A_4 = arith.addi %scan3A_2, %scan3A_3 : i32
    %scan3A_5 = arith.constant 1 : i32
    scf.for %scan3A_36 = %scan3A_2 to %scan3A_4 step %scan3A_5  : i32 {
      %swap3A = arith.index_cast %scan3A_36 : i32 to index
      %swap3A_37 = arith.constant 0 : index
      %swap3A_38 = tpu.vector_load %arg8[%swap3A, %swap3A_37] {strides = array<i32>} : memref<128x128xf32, #tpu.memory_space<vmem>>, vector<1x16xf32>,
      %swap3A_39 = vector.shape_cast %swap3A_38 : vector<1x16xf32> to vector<16xf32>
      %swap3A_40 = vector.shape_cast %broadcast_in_dim3A_1 : vector<16xf32> to vector<1x16xf32>
      tpu.vector_store %arg8[%swap3A, %swap3A_37], %swap3A_40 {strides = array<i32>} : memref<128x128xf32, #tpu.memory_space<vmem>>, vector<1x16xf32>,
      %swap3A_41 = arith.index_cast %scan3A_36 : i32 to index
      %swap3A_42 = arith.constant 16 : index
      %swap3A_43 = tpu.vector_load %arg8[%swap3A_41, %swap3A_42] {strides = array<i32>} : memref<128x128xf32, #tpu.memory_space<vmem>>, vector<1x16xf32>,
      %swap3A_44 = vector.shape_cast %swap3A_43 : vector<1x16xf32> to vector<16xf32>
      %swap3A_45 = vector.shape_cast %broadcast_in_dim3A_1 : vector<16xf32> to vector<1x16xf32>
      tpu.vector_store %arg8[%swap3A_41, %swap3A_42], %swap3A_45 {strides = array<i32>} : memref<128x128xf32, #tpu.memory_space<vmem>>, vector<1x16xf32>,
      %swap3A_46 = arith.index_cast %scan3A_36 : i32 to index
      %swap3A_47 = arith.constant 32 : index
      %swap3A_48 = tpu.vector_load %arg8[%swap3A_46, %swap3A_47] {strides = array<i32>} : memref<128x128xf32, #tpu.memory_space<vmem>>, vector<1x16xf32>,
      %swap3A_49 = vector.shape_cast %swap3A_48 : vector<1x16xf32> to vector<16xf32>
      %swap3A_50 = vector.shape_cast %broadcast_in_dim3A_1 : vector<16xf32> to vector<1x16xf32>
      tpu.vector_store %arg8[%swap3A_46, %swap3A_47], %swap3A_50 {strides = array<i32>} : memref<128x128xf32, #tpu.memory_space<vmem>>, vector<1x16xf32>,
      %swap3A_51 = arith.index_cast %scan3A_36 : i32 to index
      %swap3A_52 = arith.constant 48 : index
      %swap3A_53 = tpu.vector_load %arg8[%swap3A_51, %swap3A_52] {strides = array<i32>} : memref<128x128xf32, #tpu.memory_space<vmem>>, vector<1x16xf32>,
      %swap3A_54 = vector.shape_cast %swap3A_53 : vector<1x16xf32> to vector<16xf32>
      %swap3A_55 = vector.shape_cast %broadcast_in_dim3A_1 : vector<16xf32> to vector<1x16xf32>
      tpu.vector_store %arg8[%swap3A_51, %swap3A_52], %swap3A_55 {strides = array<i32>} : memref<128x128xf32, #tpu.memory_space<vmem>>, vector<1x16xf32>,
      %swap3A_56 = arith.index_cast %scan3A_36 : i32 to index
      %swap3A_57 = arith.constant 64 : index
      %swap3A_58 = tpu.vector_load %arg8[%swap3A_56, %swap3A_57] {strides = array<i32>} : memref<128x128xf32, #tpu.memory_space<vmem>>, vector<1x16xf32>,
      %swap3A_59 = vector.shape_cast %swap3A_58 : vector<1x16xf32> to vector<16xf32>
      %swap3A_60 = vector.shape_cast %broadcast_in_dim3A_1 : vector<16xf32> to vector<1x16xf32>
      tpu.vector_store %arg8[%swap3A_56, %swap3A_57], %swap3A_60 {strides = array<i32>} : memref<128x128xf32, #tpu.memory_space<vmem>>, vector<1x16xf32>,
      %swap3A_61 = arith.index_cast %scan3A_36 : i32 to index
      %swap3A_62 = arith.constant 80 : index
      %swap3A_63 = tpu.vector_load %arg8[%swap3A_61, %swap3A_62] {strides = array<i32>} : memref<128x128xf32, #tpu.memory_space<vmem>>, vector<1x16xf32>,
      %swap3A_64 = vector.shape_cast %swap3A_63 : vector<1x16xf32> to vector<16xf32>
      %swap3A_65 = vector.shape_cast %broadcast_in_dim3A_1 : vector<16xf32> to vector<1x16xf32>
      tpu.vector_store %arg8[%swap3A_61, %swap3A_62], %swap3A_65 {strides = array<i32>} : memref<128x128xf32, #tpu.memory_space<vmem>>, vector<1x16xf32>,
      %swap3A_66 = arith.index_cast %scan3A_36 : i32 to index
      %swap3A_67 = arith.constant 96 : index
      %swap3A_68 = tpu.vector_load %arg8[%swap3A_66, %swap3A_67] {strides = array<i32>} : memref<128x128xf32, #tpu.memory_space<vmem>>, vector<1x16xf32>,
      %swap3A_69 = vector.shape_cast %swap3A_68 : vector<1x16xf32> to vector<16xf32>
      %swap3A_70 = vector.shape_cast %broadcast_in_dim3A_1 : vector<16xf32> to vector<1x16xf32>
      tpu.vector_store %arg8[%swap3A_66, %swap3A_67], %swap3A_70 {strides = array<i32>} : memref<128x128xf32, #tpu.memory_space<vmem>>, vector<1x16xf32>,
      %swap3A_71 = arith.index_cast %scan3A_36 : i32 to index
      %swap3A_72 = arith.constant 112 : index
      %swap3A_73 = tpu.vector_load %arg8[%swap3A_71, %swap3A_72] {strides = array<i32>} : memref<128x128xf32, #tpu.memory_space<vmem>>, vector<1x16xf32>,
      %swap3A_74 = vector.shape_cast %swap3A_73 : vector<1x16xf32> to vector<16xf32>
      %swap3A_75 = vector.shape_cast %broadcast_in_dim3A_1 : vector<16xf32> to vector<1x16xf32>
      tpu.vector_store %arg8[%swap3A_71, %swap3A_72], %swap3A_75 {strides = array<i32>} : memref<128x128xf32, #tpu.memory_space<vmem>>, vector<1x16xf32>,
    }
    %scan3A_6 = arith.constant 128 : i32
    %mul3A_7 = arith.constant 640 : i32
    %mul3A_8 = arith.muli %arg1, %mul3A_7 : i32
    %add3A_9 = arith.constant 0 : i32
    %add3A_10 = arith.addi %mul3A_8, %add3A_9 : i32
    "tpu.region"() ({
      %run_scoped3A = tpu.sem_alloc : memref<!tpu.dma_semaphore, #tpu.memory_space<semaphore_mem>>
      %dma_start3A = arith.constant 0 : i32
      %dma_start3A_36 = tpu.memref_slice %arg9[%add3A_10, %dma_start3A] : memref<10240x128xf32, #tpu.memory_space<vmem_shared>> -> memref<128x128xf32, #tpu.memory_space<vmem_shared>>
      %dma_start3A_37 = arith.constant 0 : i32
      %dma_start3A_38 = tpu.memref_slice %arg9[%add3A_10, %dma_start3A_37] : memref<10240x128xf32, #tpu.memory_space<vmem_shared>> -> memref<128x128xf32, #tpu.memory_space<vmem_shared>>
      tpu.enqueue_dma source(%arg8 : memref<128x128xf32, #tpu.memory_space<vmem>>) target(%dma_start3A_38 : memref<128x128xf32, #tpu.memory_space<vmem_shared>>) target_semaphore(%run_scoped3A : memref<!tpu.dma_semaphore, #tpu.memory_space<semaphore_mem>>)
      %dma_wait3A = arith.constant 0 : i32
      %dma_wait3A_39 = tpu.memref_slice %arg9[%add3A_10, %dma_wait3A] : memref<10240x128xf32, #tpu.memory_space<vmem_shared>> -> memref<128x128xf32, #tpu.memory_space<vmem_shared>>
      %dma_wait3A_40 = arith.constant 0 : i32
      %dma_wait3A_41 = tpu.memref_slice %arg9[%add3A_10, %dma_wait3A_40] : memref<10240x128xf32, #tpu.memory_space<vmem_shared>> -> memref<128x128xf32, #tpu.memory_space<vmem_shared>>
      tpu.wait_dma2 semaphore(%run_scoped3A : memref<!tpu.dma_semaphore, #tpu.memory_space<semaphore_mem>>) src(%arg8 : memref<128x128xf32, #tpu.memory_space<vmem>>) dst(%dma_wait3A_41 : memref<128x128xf32, #tpu.memory_space<vmem_shared>>)
      tpu.yield
    }) : () -> ()
    %add3A_11 = arith.constant 128 : i32
    %add3A_12 = arith.addi %mul3A_8, %add3A_11 : i32
    "tpu.region"() ({
      %run_scoped3A = tpu.sem_alloc : memref<!tpu.dma_semaphore, #tpu.memory_space<semaphore_mem>>
      %dma_start3A = arith.constant 0 : i32
      %dma_start3A_36 = tpu.memref_slice %arg9[%add3A_12, %dma_start3A] : memref<10240x128xf32, #tpu.memory_space<vmem_shared>> -> memref<128x128xf32, #tpu.memory_space<vmem_shared>>
      %dma_start3A_37 = arith.constant 0 : i32
      %dma_start3A_38 = tpu.memref_slice %arg9[%add3A_12, %dma_start3A_37] : memref<10240x128xf32, #tpu.memory_space<vmem_shared>> -> memref<128x128xf32, #tpu.memory_space<vmem_shared>>
      tpu.enqueue_dma source(%arg8 : memref<128x128xf32, #tpu.memory_space<vmem>>) target(%dma_start3A_38 : memref<128x128xf32, #tpu.memory_space<vmem_shared>>) target_semaphore(%run_scoped3A : memref<!tpu.dma_semaphore, #tpu.memory_space<semaphore_mem>>)
      %dma_wait3A = arith.constant 0 : i32
      %dma_wait3A_39 = tpu.memref_slice %arg9[%add3A_12, %dma_wait3A] : memref<10240x128xf32, #tpu.memory_space<vmem_shared>> -> memref<128x128xf32, #tpu.memory_space<vmem_shared>>
      %dma_wait3A_40 = arith.constant 0 : i32
      %dma_wait3A_41 = tpu.memref_slice %arg9[%add3A_12, %dma_wait3A_40] : memref<10240x128xf32, #tpu.memory_space<vmem_shared>> -> memref<128x128xf32, #tpu.memory_space<vmem_shared>>
      tpu.wait_dma2 semaphore(%run_scoped3A : memref<!tpu.dma_semaphore, #tpu.memory_space<semaphore_mem>>) src(%arg8 : memref<128x128xf32, #tpu.memory_space<vmem>>) dst(%dma_wait3A_41 : memref<128x128xf32, #tpu.memory_space<vmem_shared>>)
      tpu.yield
    }) : () -> ()
    %add3A_13 = arith.constant 256 : i32
    %add3A_14 = arith.addi %mul3A_8, %add3A_13 : i32
    "tpu.region"() ({
      %run_scoped3A = tpu.sem_alloc : memref<!tpu.dma_semaphore, #tpu.memory_space<semaphore_mem>>
      %dma_start3A = arith.constant 0 : i32
      %dma_start3A_36 = tpu.memref_slice %arg9[%add3A_14, %dma_start3A] : memref<10240x128xf32, #tpu.memory_space<vmem_shared>> -> memref<128x128xf32, #tpu.memory_space<vmem_shared>>
      %dma_start3A_37 = arith.constant 0 : i32
      %dma_start3A_38 = tpu.memref_slice %arg9[%add3A_14, %dma_start3A_37] : memref<10240x128xf32, #tpu.memory_space<vmem_shared>> -> memref<128x128xf32, #tpu.memory_space<vmem_shared>>
      tpu.enqueue_dma source(%arg8 : memref<128x128xf32, #tpu.memory_space<vmem>>) target(%dma_start3A_38 : memref<128x128xf32, #tpu.memory_space<vmem_shared>>) target_semaphore(%run_scoped3A : memref<!tpu.dma_semaphore, #tpu.memory_space<semaphore_mem>>)
      %dma_wait3A = arith.constant 0 : i32
      %dma_wait3A_39 = tpu.memref_slice %arg9[%add3A_14, %dma_wait3A] : memref<10240x128xf32, #tpu.memory_space<vmem_shared>> -> memref<128x128xf32, #tpu.memory_space<vmem_shared>>
      %dma_wait3A_40 = arith.constant 0 : i32
      %dma_wait3A_41 = tpu.memref_slice %arg9[%add3A_14, %dma_wait3A_40] : memref<10240x128xf32, #tpu.memory_space<vmem_shared>> -> memref<128x128xf32, #tpu.memory_space<vmem_shared>>
      tpu.wait_dma2 semaphore(%run_scoped3A : memref<!tpu.dma_semaphore, #tpu.memory_space<semaphore_mem>>) src(%arg8 : memref<128x128xf32, #tpu.memory_space<vmem>>) dst(%dma_wait3A_41 : memref<128x128xf32, #tpu.memory_space<vmem_shared>>)
      tpu.yield
    }) : () -> ()
    %add3A_15 = arith.constant 384 : i32
    %add3A_16 = arith.addi %mul3A_8, %add3A_15 : i32
    "tpu.region"() ({
      %run_scoped3A = tpu.sem_alloc : memref<!tpu.dma_semaphore, #tpu.memory_space<semaphore_mem>>
      %dma_start3A = arith.constant 0 : i32
      %dma_start3A_36 = tpu.memref_slice %arg9[%add3A_16, %dma_start3A] : memref<10240x128xf32, #tpu.memory_space<vmem_shared>> -> memref<128x128xf32, #tpu.memory_space<vmem_shared>>
      %dma_start3A_37 = arith.constant 0 : i32
      %dma_start3A_38 = tpu.memref_slice %arg9[%add3A_16, %dma_start3A_37] : memref<10240x128xf32, #tpu.memory_space<vmem_shared>> -> memref<128x128xf32, #tpu.memory_space<vmem_shared>>
      tpu.enqueue_dma source(%arg8 : memref<128x128xf32, #tpu.memory_space<vmem>>) target(%dma_start3A_38 : memref<128x128xf32, #tpu.memory_space<vmem_shared>>) target_semaphore(%run_scoped3A : memref<!tpu.dma_semaphore, #tpu.memory_space<semaphore_mem>>)
      %dma_wait3A = arith.constant 0 : i32
      %dma_wait3A_39 = tpu.memref_slice %arg9[%add3A_16, %dma_wait3A] : memref<10240x128xf32, #tpu.memory_space<vmem_shared>> -> memref<128x128xf32, #tpu.memory_space<vmem_shared>>
      %dma_wait3A_40 = arith.constant 0 : i32
      %dma_wait3A_41 = tpu.memref_slice %arg9[%add3A_16, %dma_wait3A_40] : memref<10240x128xf32, #tpu.memory_space<vmem_shared>> -> memref<128x128xf32, #tpu.memory_space<vmem_shared>>
      tpu.wait_dma2 semaphore(%run_scoped3A : memref<!tpu.dma_semaphore, #tpu.memory_space<semaphore_mem>>) src(%arg8 : memref<128x128xf32, #tpu.memory_space<vmem>>) dst(%dma_wait3A_41 : memref<128x128xf32, #tpu.memory_space<vmem_shared>>)
      tpu.yield
    }) : () -> ()
    %add3A_17 = arith.constant 512 : i32
    %add3A_18 = arith.addi %mul3A_8, %add3A_17 : i32
    "tpu.region"() ({
      %run_scoped3A = tpu.sem_alloc : memref<!tpu.dma_semaphore, #tpu.memory_space<semaphore_mem>>
      %dma_start3A = arith.constant 0 : i32
      %dma_start3A_36 = tpu.memref_slice %arg9[%add3A_18, %dma_start3A] : memref<10240x128xf32, #tpu.memory_space<vmem_shared>> -> memref<128x128xf32, #tpu.memory_space<vmem_shared>>
      %dma_start3A_37 = arith.constant 0 : i32
      %dma_start3A_38 = tpu.memref_slice %arg9[%add3A_18, %dma_start3A_37] : memref<10240x128xf32, #tpu.memory_space<vmem_shared>> -> memref<128x128xf32, #tpu.memory_space<vmem_shared>>
      tpu.enqueue_dma source(%arg8 : memref<128x128xf32, #tpu.memory_space<vmem>>) target(%dma_start3A_38 : memref<128x128xf32, #tpu.memory_space<vmem_shared>>) target_semaphore(%run_scoped3A : memref<!tpu.dma_semaphore, #tpu.memory_space<semaphore_mem>>)
      %dma_wait3A = arith.constant 0 : i32
      %dma_wait3A_39 = tpu.memref_slice %arg9[%add3A_18, %dma_wait3A] : memref<10240x128xf32, #tpu.memory_space<vmem_shared>> -> memref<128x128xf32, #tpu.memory_space<vmem_shared>>
      %dma_wait3A_40 = arith.constant 0 : i32
      %dma_wait3A_41 = tpu.memref_slice %arg9[%add3A_18, %dma_wait3A_40] : memref<10240x128xf32, #tpu.memory_space<vmem_shared>> -> memref<128x128xf32, #tpu.memory_space<vmem_shared>>
      tpu.wait_dma2 semaphore(%run_scoped3A : memref<!tpu.dma_semaphore, #tpu.memory_space<semaphore_mem>>) src(%arg8 : memref<128x128xf32, #tpu.memory_space<vmem>>) dst(%dma_wait3A_41 : memref<128x128xf32, #tpu.memory_space<vmem_shared>>)
      tpu.yield
    }) : () -> ()
    %barrier3A = arith.constant 0 : index
    tpu.barrier barrier_id(%barrier3A)
    %scan3A_19 = arith.constant 0 : i32
    %scan3A_20 = arith.constant 0 : i32
    %scan3A_21 = arith.constant 79 : i32
    %scan3A_22 = arith.addi %scan3A_20, %scan3A_21 : i32
    %scan3A_23 = arith.constant 1 : i32
    scf.for %scan3A_36 = %scan3A_20 to %scan3A_22 step %scan3A_23  : i32 {
      %mul3A_37 = arith.constant 79 : i32
      %mul3A_38 = arith.muli %add3A, %mul3A_37 : i32
      %add3A_39 = arith.addi %mul3A_38, %scan3A_36 : i32
      %mul3A_40 = arith.constant 128 : i32
      %mul3A_41 = arith.muli %add3A_39, %mul3A_40 : i32
      "tpu.region"() ({
        %run_scoped3A = tpu.sem_alloc : memref<!tpu.dma_semaphore, #tpu.memory_space<semaphore_mem>>
        %dma_start3A_46 = tpu.memref_slice %arg3[%mul3A_41] : memref<323584xi32, #tpu.memory_space<hbm>> -> memref<128xi32, #tpu.memory_space<hbm>>
        %dma_start3A_47 = tpu.memref_slice %arg3[%mul3A_41] : memref<323584xi32, #tpu.memory_space<hbm>> -> memref<128xi32, #tpu.memory_space<hbm>>
        tpu.enqueue_dma source(%dma_start3A_47 : memref<128xi32, #tpu.memory_space<hbm>>) target(%arg6 : memref<128xi32, #tpu.memory_space<vmem>>) target_semaphore(%run_scoped3A : memref<!tpu.dma_semaphore, #tpu.memory_space<semaphore_mem>>)
        %dma_wait3A_48 = tpu.memref_slice %arg3[%mul3A_41] : memref<323584xi32, #tpu.memory_space<hbm>> -> memref<128xi32, #tpu.memory_space<hbm>>
        %dma_wait3A_49 = tpu.memref_slice %arg3[%mul3A_41] : memref<323584xi32, #tpu.memory_space<hbm>> -> memref<128xi32, #tpu.memory_space<hbm>>
        tpu.wait_dma2 semaphore(%run_scoped3A : memref<!tpu.dma_semaphore, #tpu.memory_space<semaphore_mem>>) src(%dma_wait3A_49 : memref<128xi32, #tpu.memory_space<hbm>>) dst(%arg6 : memref<128xi32, #tpu.memory_space<vmem>>)
        tpu.yield
      }) : () -> ()
      "tpu.region"() ({
        %run_scoped3A = tpu.sem_alloc : memref<!tpu.dma_semaphore, #tpu.memory_space<semaphore_mem>>
        %dma_start3A_46 = tpu.memref_slice %arg4[%mul3A_41] : memref<323584xi32, #tpu.memory_space<hbm>> -> memref<128xi32, #tpu.memory_space<hbm>>
        %dma_start3A_47 = tpu.memref_slice %arg4[%mul3A_41] : memref<323584xi32, #tpu.memory_space<hbm>> -> memref<128xi32, #tpu.memory_space<hbm>>
        tpu.enqueue_dma source(%dma_start3A_47 : memref<128xi32, #tpu.memory_space<hbm>>) target(%arg7 : memref<128xi32, #tpu.memory_space<vmem>>) target_semaphore(%run_scoped3A : memref<!tpu.dma_semaphore, #tpu.memory_space<semaphore_mem>>)
        %dma_wait3A_48 = tpu.memref_slice %arg4[%mul3A_41] : memref<323584xi32, #tpu.memory_space<hbm>> -> memref<128xi32, #tpu.memory_space<hbm>>
        %dma_wait3A_49 = tpu.memref_slice %arg4[%mul3A_41] : memref<323584xi32, #tpu.memory_space<hbm>> -> memref<128xi32, #tpu.memory_space<hbm>>
        tpu.wait_dma2 semaphore(%run_scoped3A : memref<!tpu.dma_semaphore, #tpu.memory_space<semaphore_mem>>) src(%dma_wait3A_49 : memref<128xi32, #tpu.memory_space<hbm>>) dst(%arg7 : memref<128xi32, #tpu.memory_space<vmem>>)
        tpu.yield
      }) : () -> ()
      %dma_start3A = arith.constant 0 : i32
      %dma_start3A_42 = arith.constant 0 : i32
      %dma_start3A_43 = tpu.memref_slice %arg2[%dma_start3A, %dma_start3A_42] : memref<10000x128xf32, #tpu.memory_space<hbm>> -> memref<10000x128xf32, #tpu.memory_space<hbm>>
      tpu.enqueue_indirect_dma source(%dma_start3A_43 : memref<10000x128xf32, #tpu.memory_space<hbm>>) target(%arg8 : memref<128x128xf32, #tpu.memory_space<vmem>>) offsets(%arg6 : memref<128xi32, #tpu.memory_space<vmem>>) semaphore(%arg10 : memref<!tpu.dma_semaphore, #tpu.memory_space<semaphore_mem>>)
      %dma_wait3A = arith.constant 0 : i32
      %dma_wait3A_44 = arith.constant 0 : i32
      %dma_wait3A_45 = tpu.memref_slice %arg2[%dma_wait3A, %dma_wait3A_44] : memref<10000x128xf32, #tpu.memory_space<hbm>> -> memref<10000x128xf32, #tpu.memory_space<hbm>>
      tpu.wait_indirect_dma semaphore(%arg10 : memref<!tpu.dma_semaphore, #tpu.memory_space<semaphore_mem>>) src(%dma_wait3A_45 : memref<10000x128xf32, #tpu.memory_space<hbm>>) dst(%arg8 : memref<128x128xf32, #tpu.memory_space<vmem>>)
      "tpu.region"() ({
        %run_scoped3A = tpu.sem_alloc : memref<!tpu.dma_semaphore, #tpu.memory_space<semaphore_mem>>
        %dma_start3A_46 = arith.constant 0 : i32
        %dma_start3A_47 = arith.constant 0 : i32
        %dma_start3A_48 = tpu.memref_slice %arg9[%dma_start3A_46, %dma_start3A_47] : memref<10240x128xf32, #tpu.memory_space<vmem_shared>> -> memref<10240x128xf32, #tpu.memory_space<vmem_shared>>
        tpu.enqueue_indirect_dma source(%arg8 : memref<128x128xf32, #tpu.memory_space<vmem>>) target(%dma_start3A_48 : memref<10240x128xf32, #tpu.memory_space<vmem_shared>>) offsets(%arg7 : memref<128xi32, #tpu.memory_space<vmem>>) semaphore(%run_scoped3A : memref<!tpu.dma_semaphore, #tpu.memory_space<semaphore_mem>>) {add = true}
        %dma_wait3A_49 = arith.constant 0 : i32
        %dma_wait3A_50 = arith.constant 0 : i32
        %dma_wait3A_51 = tpu.memref_slice %arg9[%dma_wait3A_49, %dma_wait3A_50] : memref<10240x128xf32, #tpu.memory_space<vmem_shared>> -> memref<10240x128xf32, #tpu.memory_space<vmem_shared>>
        tpu.wait_indirect_dma semaphore(%run_scoped3A : memref<!tpu.dma_semaphore, #tpu.memory_space<semaphore_mem>>) src(%arg8 : memref<128x128xf32, #tpu.memory_space<vmem>>) dst(%dma_wait3A_51 : memref<10240x128xf32, #tpu.memory_space<vmem_shared>>)
        tpu.yield
      }) : () -> ()
    }
    %scan3A_24 = arith.constant 79 : i32
    %barrier3A_25 = arith.constant 0 : index
    tpu.barrier barrier_id(%barrier3A_25)
    %add3A_26 = arith.constant 0 : i32
    %add3A_27 = arith.addi %mul3A_8, %add3A_26 : i32
    "tpu.region"() ({
      %run_scoped3A = tpu.sem_alloc : memref<!tpu.dma_semaphore, #tpu.memory_space<semaphore_mem>>
      %dma_start3A = arith.constant 0 : i32
      %dma_start3A_36 = tpu.memref_slice %arg9[%add3A_27, %dma_start3A] : memref<10240x128xf32, #tpu.memory_space<vmem_shared>> -> memref<128x128xf32, #tpu.memory_space<vmem_shared>>
      %dma_start3A_37 = arith.constant 0 : i32
      %dma_start3A_38 = tpu.memref_slice %arg9[%add3A_27, %dma_start3A_37] : memref<10240x128xf32, #tpu.memory_space<vmem_shared>> -> memref<128x128xf32, #tpu.memory_space<vmem_shared>>
      tpu.enqueue_dma source(%dma_start3A_38 : memref<128x128xf32, #tpu.memory_space<vmem_shared>>) target(%arg8 : memref<128x128xf32, #tpu.memory_space<vmem>>) target_semaphore(%run_scoped3A : memref<!tpu.dma_semaphore, #tpu.memory_space<semaphore_mem>>)
      %dma_wait3A = arith.constant 0 : i32
      %dma_wait3A_39 = tpu.memref_slice %arg9[%add3A_27, %dma_wait3A] : memref<10240x128xf32, #tpu.memory_space<vmem_shared>> -> memref<128x128xf32, #tpu.memory_space<vmem_shared>>
      %dma_wait3A_40 = arith.constant 0 : i32
      %dma_wait3A_41 = tpu.memref_slice %arg9[%add3A_27, %dma_wait3A_40] : memref<10240x128xf32, #tpu.memory_space<vmem_shared>> -> memref<128x128xf32, #tpu.memory_space<vmem_shared>>
      tpu.wait_dma2 semaphore(%run_scoped3A : memref<!tpu.dma_semaphore, #tpu.memory_space<semaphore_mem>>) src(%dma_wait3A_41 : memref<128x128xf32, #tpu.memory_space<vmem_shared>>) dst(%arg8 : memref<128x128xf32, #tpu.memory_space<vmem>>)
      tpu.yield
    }) : () -> ()
    "tpu.region"() ({
      %run_scoped3A = tpu.sem_alloc : memref<!tpu.dma_semaphore, #tpu.memory_space<semaphore_mem>>
      %dma_start3A = arith.constant 0 : i32
      %dma_start3A_36 = tpu.memref_slice %arg5[%arg0, %add3A_27, %dma_start3A] : memref<2x10240x128xf32, #tpu.memory_space<hbm>> -> memref<1x128x128xf32, #tpu.memory_space<hbm>>
      %dma_start3A_37 = tpu.memref_squeeze %dma_start3A_36 : memref<1x128x128xf32, #tpu.memory_space<hbm>> -> memref<128x128xf32, #tpu.memory_space<hbm>>
      %dma_start3A_38 = arith.constant 0 : i32
      %dma_start3A_39 = tpu.memref_slice %arg5[%arg0, %add3A_27, %dma_start3A_38] : memref<2x10240x128xf32, #tpu.memory_space<hbm>> -> memref<1x128x128xf32, #tpu.memory_space<hbm>>
      %dma_start3A_40 = tpu.memref_squeeze %dma_start3A_39 : memref<1x128x128xf32, #tpu.memory_space<hbm>> -> memref<128x128xf32, #tpu.memory_space<hbm>>
      tpu.enqueue_dma source(%arg8 : memref<128x128xf32, #tpu.memory_space<vmem>>) target(%dma_start3A_40 : memref<128x128xf32, #tpu.memory_space<hbm>>) target_semaphore(%run_scoped3A : memref<!tpu.dma_semaphore, #tpu.memory_space<semaphore_mem>>)
      %dma_wait3A = arith.constant 0 : i32
      %dma_wait3A_41 = tpu.memref_slice %arg5[%arg0, %add3A_27, %dma_wait3A] : memref<2x10240x128xf32, #tpu.memory_space<hbm>> -> memref<1x128x128xf32, #tpu.memory_space<hbm>>
      %dma_wait3A_42 = tpu.memref_squeeze %dma_wait3A_41 : memref<1x128x128xf32, #tpu.memory_space<hbm>> -> memref<128x128xf32, #tpu.memory_space<hbm>>
      %dma_wait3A_43 = arith.constant 0 : i32
      %dma_wait3A_44 = tpu.memref_slice %arg5[%arg0, %add3A_27, %dma_wait3A_43] : memref<2x10240x128xf32, #tpu.memory_space<hbm>> -> memref<1x128x128xf32, #tpu.memory_space<hbm>>
      %dma_wait3A_45 = tpu.memref_squeeze %dma_wait3A_44 : memref<1x128x128xf32, #tpu.memory_space<hbm>> -> memref<128x128xf32, #tpu.memory_space<hbm>>
      tpu.wait_dma2 semaphore(%run_scoped3A : memref<!tpu.dma_semaphore, #tpu.memory_space<semaphore_mem>>) src(%arg8 : memref<128x128xf32, #tpu.memory_space<vmem>>) dst(%dma_wait3A_45 : memref<128x128xf32, #tpu.memory_space<hbm>>)
      tpu.yield
    }) : () -> ()
    %add3A_28 = arith.constant 128 : i32
    %add3A_29 = arith.addi %mul3A_8, %add3A_28 : i32
    "tpu.region"() ({
      %run_scoped3A = tpu.sem_alloc : memref<!tpu.dma_semaphore, #tpu.memory_space<semaphore_mem>>
      %dma_start3A = arith.constant 0 : i32
      %dma_start3A_36 = tpu.memref_slice %arg9[%add3A_29, %dma_start3A] : memref<10240x128xf32, #tpu.memory_space<vmem_shared>> -> memref<128x128xf32, #tpu.memory_space<vmem_shared>>
      %dma_start3A_37 = arith.constant 0 : i32
      %dma_start3A_38 = tpu.memref_slice %arg9[%add3A_29, %dma_start3A_37] : memref<10240x128xf32, #tpu.memory_space<vmem_shared>> -> memref<128x128xf32, #tpu.memory_space<vmem_shared>>
      tpu.enqueue_dma source(%dma_start3A_38 : memref<128x128xf32, #tpu.memory_space<vmem_shared>>) target(%arg8 : memref<128x128xf32, #tpu.memory_space<vmem>>) target_semaphore(%run_scoped3A : memref<!tpu.dma_semaphore, #tpu.memory_space<semaphore_mem>>)
      %dma_wait3A = arith.constant 0 : i32
      %dma_wait3A_39 = tpu.memref_slice %arg9[%add3A_29, %dma_wait3A] : memref<10240x128xf32, #tpu.memory_space<vmem_shared>> -> memref<128x128xf32, #tpu.memory_space<vmem_shared>>
      %dma_wait3A_40 = arith.constant 0 : i32
      %dma_wait3A_41 = tpu.memref_slice %arg9[%add3A_29, %dma_wait3A_40] : memref<10240x128xf32, #tpu.memory_space<vmem_shared>> -> memref<128x128xf32, #tpu.memory_space<vmem_shared>>
      tpu.wait_dma2 semaphore(%run_scoped3A : memref<!tpu.dma_semaphore, #tpu.memory_space<semaphore_mem>>) src(%dma_wait3A_41 : memref<128x128xf32, #tpu.memory_space<vmem_shared>>) dst(%arg8 : memref<128x128xf32, #tpu.memory_space<vmem>>)
      tpu.yield
    }) : () -> ()
    "tpu.region"() ({
      %run_scoped3A = tpu.sem_alloc : memref<!tpu.dma_semaphore, #tpu.memory_space<semaphore_mem>>
      %dma_start3A = arith.constant 0 : i32
      %dma_start3A_36 = tpu.memref_slice %arg5[%arg0, %add3A_29, %dma_start3A] : memref<2x10240x128xf32, #tpu.memory_space<hbm>> -> memref<1x128x128xf32, #tpu.memory_space<hbm>>
      %dma_start3A_37 = tpu.memref_squeeze %dma_start3A_36 : memref<1x128x128xf32, #tpu.memory_space<hbm>> -> memref<128x128xf32, #tpu.memory_space<hbm>>
      %dma_start3A_38 = arith.constant 0 : i32
      %dma_start3A_39 = tpu.memref_slice %arg5[%arg0, %add3A_29, %dma_start3A_38] : memref<2x10240x128xf32, #tpu.memory_space<hbm>> -> memref<1x128x128xf32, #tpu.memory_space<hbm>>
      %dma_start3A_40 = tpu.memref_squeeze %dma_start3A_39 : memref<1x128x128xf32, #tpu.memory_space<hbm>> -> memref<128x128xf32, #tpu.memory_space<hbm>>
      tpu.enqueue_dma source(%arg8 : memref<128x128xf32, #tpu.memory_space<vmem>>) target(%dma_start3A_40 : memref<128x128xf32, #tpu.memory_space<hbm>>) target_semaphore(%run_scoped3A : memref<!tpu.dma_semaphore, #tpu.memory_space<semaphore_mem>>)
      %dma_wait3A = arith.constant 0 : i32
      %dma_wait3A_41 = tpu.memref_slice %arg5[%arg0, %add3A_29, %dma_wait3A] : memref<2x10240x128xf32, #tpu.memory_space<hbm>> -> memref<1x128x128xf32, #tpu.memory_space<hbm>>
      %dma_wait3A_42 = tpu.memref_squeeze %dma_wait3A_41 : memref<1x128x128xf32, #tpu.memory_space<hbm>> -> memref<128x128xf32, #tpu.memory_space<hbm>>
      %dma_wait3A_43 = arith.constant 0 : i32
      %dma_wait3A_44 = tpu.memref_slice %arg5[%arg0, %add3A_29, %dma_wait3A_43] : memref<2x10240x128xf32, #tpu.memory_space<hbm>> -> memref<1x128x128xf32, #tpu.memory_space<hbm>>
      %dma_wait3A_45 = tpu.memref_squeeze %dma_wait3A_44 : memref<1x128x128xf32, #tpu.memory_space<hbm>> -> memref<128x128xf32, #tpu.memory_space<hbm>>
      tpu.wait_dma2 semaphore(%run_scoped3A : memref<!tpu.dma_semaphore, #tpu.memory_space<semaphore_mem>>) src(%arg8 : memref<128x128xf32, #tpu.memory_space<vmem>>) dst(%dma_wait3A_45 : memref<128x128xf32, #tpu.memory_space<hbm>>)
      tpu.yield
    }) : () -> ()
    %add3A_30 = arith.constant 256 : i32
    %add3A_31 = arith.addi %mul3A_8, %add3A_30 : i32
    "tpu.region"() ({
      %run_scoped3A = tpu.sem_alloc : memref<!tpu.dma_semaphore, #tpu.memory_space<semaphore_mem>>
      %dma_start3A = arith.constant 0 : i32
      %dma_start3A_36 = tpu.memref_slice %arg9[%add3A_31, %dma_start3A] : memref<10240x128xf32, #tpu.memory_space<vmem_shared>> -> memref<128x128xf32, #tpu.memory_space<vmem_shared>>
      %dma_start3A_37 = arith.constant 0 : i32
      %dma_start3A_38 = tpu.memref_slice %arg9[%add3A_31, %dma_start3A_37] : memref<10240x128xf32, #tpu.memory_space<vmem_shared>> -> memref<128x128xf32, #tpu.memory_space<vmem_shared>>
      tpu.enqueue_dma source(%dma_start3A_38 : memref<128x128xf32, #tpu.memory_space<vmem_shared>>) target(%arg8 : memref<128x128xf32, #tpu.memory_space<vmem>>) target_semaphore(%run_scoped3A : memref<!tpu.dma_semaphore, #tpu.memory_space<semaphore_mem>>)
      %dma_wait3A = arith.constant 0 : i32
      %dma_wait3A_39 = tpu.memref_slice %arg9[%add3A_31, %dma_wait3A] : memref<10240x128xf32, #tpu.memory_space<vmem_shared>> -> memref<128x128xf32, #tpu.memory_space<vmem_shared>>
      %dma_wait3A_40 = arith.constant 0 : i32
      %dma_wait3A_41 = tpu.memref_slice %arg9[%add3A_31, %dma_wait3A_40] : memref<10240x128xf32, #tpu.memory_space<vmem_shared>> -> memref<128x128xf32, #tpu.memory_space<vmem_shared>>
      tpu.wait_dma2 semaphore(%run_scoped3A : memref<!tpu.dma_semaphore, #tpu.memory_space<semaphore_mem>>) src(%dma_wait3A_41 : memref<128x128xf32, #tpu.memory_space<vmem_shared>>) dst(%arg8 : memref<128x128xf32, #tpu.memory_space<vmem>>)
      tpu.yield
    }) : () -> ()
    "tpu.region"() ({
      %run_scoped3A = tpu.sem_alloc : memref<!tpu.dma_semaphore, #tpu.memory_space<semaphore_mem>>
      %dma_start3A = arith.constant 0 : i32
      %dma_start3A_36 = tpu.memref_slice %arg5[%arg0, %add3A_31, %dma_start3A] : memref<2x10240x128xf32, #tpu.memory_space<hbm>> -> memref<1x128x128xf32, #tpu.memory_space<hbm>>
      %dma_start3A_37 = tpu.memref_squeeze %dma_start3A_36 : memref<1x128x128xf32, #tpu.memory_space<hbm>> -> memref<128x128xf32, #tpu.memory_space<hbm>>
      %dma_start3A_38 = arith.constant 0 : i32
      %dma_start3A_39 = tpu.memref_slice %arg5[%arg0, %add3A_31, %dma_start3A_38] : memref<2x10240x128xf32, #tpu.memory_space<hbm>> -> memref<1x128x128xf32, #tpu.memory_space<hbm>>
      %dma_start3A_40 = tpu.memref_squeeze %dma_start3A_39 : memref<1x128x128xf32, #tpu.memory_space<hbm>> -> memref<128x128xf32, #tpu.memory_space<hbm>>
      tpu.enqueue_dma source(%arg8 : memref<128x128xf32, #tpu.memory_space<vmem>>) target(%dma_start3A_40 : memref<128x128xf32, #tpu.memory_space<hbm>>) target_semaphore(%run_scoped3A : memref<!tpu.dma_semaphore, #tpu.memory_space<semaphore_mem>>)
      %dma_wait3A = arith.constant 0 : i32
      %dma_wait3A_41 = tpu.memref_slice %arg5[%arg0, %add3A_31, %dma_wait3A] : memref<2x10240x128xf32, #tpu.memory_space<hbm>> -> memref<1x128x128xf32, #tpu.memory_space<hbm>>
      %dma_wait3A_42 = tpu.memref_squeeze %dma_wait3A_41 : memref<1x128x128xf32, #tpu.memory_space<hbm>> -> memref<128x128xf32, #tpu.memory_space<hbm>>
      %dma_wait3A_43 = arith.constant 0 : i32
      %dma_wait3A_44 = tpu.memref_slice %arg5[%arg0, %add3A_31, %dma_wait3A_43] : memref<2x10240x128xf32, #tpu.memory_space<hbm>> -> memref<1x128x128xf32, #tpu.memory_space<hbm>>
      %dma_wait3A_45 = tpu.memref_squeeze %dma_wait3A_44 : memref<1x128x128xf32, #tpu.memory_space<hbm>> -> memref<128x128xf32, #tpu.memory_space<hbm>>
      tpu.wait_dma2 semaphore(%run_scoped3A : memref<!tpu.dma_semaphore, #tpu.memory_space<semaphore_mem>>) src(%arg8 : memref<128x128xf32, #tpu.memory_space<vmem>>) dst(%dma_wait3A_45 : memref<128x128xf32, #tpu.memory_space<hbm>>)
      tpu.yield
    }) : () -> ()
    %add3A_32 = arith.constant 384 : i32
    %add3A_33 = arith.addi %mul3A_8, %add3A_32 : i32
    "tpu.region"() ({
      %run_scoped3A = tpu.sem_alloc : memref<!tpu.dma_semaphore, #tpu.memory_space<semaphore_mem>>
      %dma_start3A = arith.constant 0 : i32
      %dma_start3A_36 = tpu.memref_slice %arg9[%add3A_33, %dma_start3A] : memref<10240x128xf32, #tpu.memory_space<vmem_shared>> -> memref<128x128xf32, #tpu.memory_space<vmem_shared>>
      %dma_start3A_37 = arith.constant 0 : i32
      %dma_start3A_38 = tpu.memref_slice %arg9[%add3A_33, %dma_start3A_37] : memref<10240x128xf32, #tpu.memory_space<vmem_shared>> -> memref<128x128xf32, #tpu.memory_space<vmem_shared>>
      tpu.enqueue_dma source(%dma_start3A_38 : memref<128x128xf32, #tpu.memory_space<vmem_shared>>) target(%arg8 : memref<128x128xf32, #tpu.memory_space<vmem>>) target_semaphore(%run_scoped3A : memref<!tpu.dma_semaphore, #tpu.memory_space<semaphore_mem>>)
      %dma_wait3A = arith.constant 0 : i32
      %dma_wait3A_39 = tpu.memref_slice %arg9[%add3A_33, %dma_wait3A] : memref<10240x128xf32, #tpu.memory_space<vmem_shared>> -> memref<128x128xf32, #tpu.memory_space<vmem_shared>>
      %dma_wait3A_40 = arith.constant 0 : i32
      %dma_wait3A_41 = tpu.memref_slice %arg9[%add3A_33, %dma_wait3A_40] : memref<10240x128xf32, #tpu.memory_space<vmem_shared>> -> memref<128x128xf32, #tpu.memory_space<vmem_shared>>
      tpu.wait_dma2 semaphore(%run_scoped3A : memref<!tpu.dma_semaphore, #tpu.memory_space<semaphore_mem>>) src(%dma_wait3A_41 : memref<128x128xf32, #tpu.memory_space<vmem_shared>>) dst(%arg8 : memref<128x128xf32, #tpu.memory_space<vmem>>)
      tpu.yield
    }) : () -> ()
    "tpu.region"() ({
      %run_scoped3A = tpu.sem_alloc : memref<!tpu.dma_semaphore, #tpu.memory_space<semaphore_mem>>
      %dma_start3A = arith.constant 0 : i32
      %dma_start3A_36 = tpu.memref_slice %arg5[%arg0, %add3A_33, %dma_start3A] : memref<2x10240x128xf32, #tpu.memory_space<hbm>> -> memref<1x128x128xf32, #tpu.memory_space<hbm>>
      %dma_start3A_37 = tpu.memref_squeeze %dma_start3A_36 : memref<1x128x128xf32, #tpu.memory_space<hbm>> -> memref<128x128xf32, #tpu.memory_space<hbm>>
      %dma_start3A_38 = arith.constant 0 : i32
      %dma_start3A_39 = tpu.memref_slice %arg5[%arg0, %add3A_33, %dma_start3A_38] : memref<2x10240x128xf32, #tpu.memory_space<hbm>> -> memref<1x128x128xf32, #tpu.memory_space<hbm>>
      %dma_start3A_40 = tpu.memref_squeeze %dma_start3A_39 : memref<1x128x128xf32, #tpu.memory_space<hbm>> -> memref<128x128xf32, #tpu.memory_space<hbm>>
      tpu.enqueue_dma source(%arg8 : memref<128x128xf32, #tpu.memory_space<vmem>>) target(%dma_start3A_40 : memref<128x128xf32, #tpu.memory_space<hbm>>) target_semaphore(%run_scoped3A : memref<!tpu.dma_semaphore, #tpu.memory_space<semaphore_mem>>)
      %dma_wait3A = arith.constant 0 : i32
      %dma_wait3A_41 = tpu.memref_slice %arg5[%arg0, %add3A_33, %dma_wait3A] : memref<2x10240x128xf32, #tpu.memory_space<hbm>> -> memref<1x128x128xf32, #tpu.memory_space<hbm>>
      %dma_wait3A_42 = tpu.memref_squeeze %dma_wait3A_41 : memref<1x128x128xf32, #tpu.memory_space<hbm>> -> memref<128x128xf32, #tpu.memory_space<hbm>>
      %dma_wait3A_43 = arith.constant 0 : i32
      %dma_wait3A_44 = tpu.memref_slice %arg5[%arg0, %add3A_33, %dma_wait3A_43] : memref<2x10240x128xf32, #tpu.memory_space<hbm>> -> memref<1x128x128xf32, #tpu.memory_space<hbm>>
      %dma_wait3A_45 = tpu.memref_squeeze %dma_wait3A_44 : memref<1x128x128xf32, #tpu.memory_space<hbm>> -> memref<128x128xf32, #tpu.memory_space<hbm>>
      tpu.wait_dma2 semaphore(%run_scoped3A : memref<!tpu.dma_semaphore, #tpu.memory_space<semaphore_mem>>) src(%arg8 : memref<128x128xf32, #tpu.memory_space<vmem>>) dst(%dma_wait3A_45 : memref<128x128xf32, #tpu.memory_space<hbm>>)
      tpu.yield
    }) : () -> ()
    %add3A_34 = arith.constant 512 : i32
    %add3A_35 = arith.addi %mul3A_8, %add3A_34 : i32
    "tpu.region"() ({
      %run_scoped3A = tpu.sem_alloc : memref<!tpu.dma_semaphore, #tpu.memory_space<semaphore_mem>>
      %dma_start3A = arith.constant 0 : i32
      %dma_start3A_36 = tpu.memref_slice %arg9[%add3A_35, %dma_start3A] : memref<10240x128xf32, #tpu.memory_space<vmem_shared>> -> memref<128x128xf32, #tpu.memory_space<vmem_shared>>
      %dma_start3A_37 = arith.constant 0 : i32
      %dma_start3A_38 = tpu.memref_slice %arg9[%add3A_35, %dma_start3A_37] : memref<10240x128xf32, #tpu.memory_space<vmem_shared>> -> memref<128x128xf32, #tpu.memory_space<vmem_shared>>
      tpu.enqueue_dma source(%dma_start3A_38 : memref<128x128xf32, #tpu.memory_space<vmem_shared>>) target(%arg8 : memref<128x128xf32, #tpu.memory_space<vmem>>) target_semaphore(%run_scoped3A : memref<!tpu.dma_semaphore, #tpu.memory_space<semaphore_mem>>)
      %dma_wait3A = arith.constant 0 : i32
      %dma_wait3A_39 = tpu.memref_slice %arg9[%add3A_35, %dma_wait3A] : memref<10240x128xf32, #tpu.memory_space<vmem_shared>> -> memref<128x128xf32, #tpu.memory_space<vmem_shared>>
      %dma_wait3A_40 = arith.constant 0 : i32
      %dma_wait3A_41 = tpu.memref_slice %arg9[%add3A_35, %dma_wait3A_40] : memref<10240x128xf32, #tpu.memory_space<vmem_shared>> -> memref<128x128xf32, #tpu.memory_space<vmem_shared>>
      tpu.wait_dma2 semaphore(%run_scoped3A : memref<!tpu.dma_semaphore, #tpu.memory_space<semaphore_mem>>) src(%dma_wait3A_41 : memref<128x128xf32, #tpu.memory_space<vmem_shared>>) dst(%arg8 : memref<128x128xf32, #tpu.memory_space<vmem>>)
      tpu.yield
    }) : () -> ()
    "tpu.region"() ({
      %run_scoped3A = tpu.sem_alloc : memref<!tpu.dma_semaphore, #tpu.memory_space<semaphore_mem>>
      %dma_start3A = arith.constant 0 : i32
      %dma_start3A_36 = tpu.memref_slice %arg5[%arg0, %add3A_35, %dma_start3A] : memref<2x10240x128xf32, #tpu.memory_space<hbm>> -> memref<1x128x128xf32, #tpu.memory_space<hbm>>
      %dma_start3A_37 = tpu.memref_squeeze %dma_start3A_36 : memref<1x128x128xf32, #tpu.memory_space<hbm>> -> memref<128x128xf32, #tpu.memory_space<hbm>>
      %dma_start3A_38 = arith.constant 0 : i32
      %dma_start3A_39 = tpu.memref_slice %arg5[%arg0, %add3A_35, %dma_start3A_38] : memref<2x10240x128xf32, #tpu.memory_space<hbm>> -> memref<1x128x128xf32, #tpu.memory_space<hbm>>
      %dma_start3A_40 = tpu.memref_squeeze %dma_start3A_39 : memref<1x128x128xf32, #tpu.memory_space<hbm>> -> memref<128x128xf32, #tpu.memory_space<hbm>>
      tpu.enqueue_dma source(%arg8 : memref<128x128xf32, #tpu.memory_space<vmem>>) target(%dma_start3A_40 : memref<128x128xf32, #tpu.memory_space<hbm>>) target_semaphore(%run_scoped3A : memref<!tpu.dma_semaphore, #tpu.memory_space<semaphore_mem>>)
      %dma_wait3A = arith.constant 0 : i32
      %dma_wait3A_41 = tpu.memref_slice %arg5[%arg0, %add3A_35, %dma_wait3A] : memref<2x10240x128xf32, #tpu.memory_space<hbm>> -> memref<1x128x128xf32, #tpu.memory_space<hbm>>
      %dma_wait3A_42 = tpu.memref_squeeze %dma_wait3A_41 : memref<1x128x128xf32, #tpu.memory_space<hbm>> -> memref<128x128xf32, #tpu.memory_space<hbm>>
      %dma_wait3A_43 = arith.constant 0 : i32
      %dma_wait3A_44 = tpu.memref_slice %arg5[%arg0, %add3A_35, %dma_wait3A_43] : memref<2x10240x128xf32, #tpu.memory_space<hbm>> -> memref<1x128x128xf32, #tpu.memory_space<hbm>>
      %dma_wait3A_45 = tpu.memref_squeeze %dma_wait3A_44 : memref<1x128x128xf32, #tpu.memory_space<hbm>> -> memref<128x128xf32, #tpu.memory_space<hbm>>
      tpu.wait_dma2 semaphore(%run_scoped3A : memref<!tpu.dma_semaphore, #tpu.memory_space<semaphore_mem>>) src(%arg8 : memref<128x128xf32, #tpu.memory_space<vmem>>) dst(%dma_wait3A_45 : memref<128x128xf32, #tpu.memory_space<hbm>>)
      tpu.yield
    }) : () -> ()
    return
  }
}

#map = affine_map<(d0, d1) -> (0, 0)>
#map1 = affine_map<(d0, d1) -> (0)>
#map2 = affine_map<(d0, d1) -> (0, 0, 0)>
module attributes {stable_mosaic.version = 14 : i64} {
  func.func @body(%arg0: i32, %arg1: i32, %arg2: memref<10000x128xf32, #tpu.memory_space<hbm>>, %arg3: memref<323584xi32, #tpu.memory_space<hbm>>, %arg4: memref<323584xi32, #tpu.memory_space<hbm>>, %arg5: memref<2x10240x128xf32, #tpu.memory_space<hbm>>, %arg6: memref<128xi32, #tpu.memory_space<vmem>>, %arg7: memref<128xi32, #tpu.memory_space<vmem>>, %arg8: memref<128x128xf32, #tpu.memory_space<vmem>>, %arg9: memref<10240x128xf32, #tpu.memory_space<vmem_shared>>, %arg10: memref<!tpu.dma_semaphore, #tpu.memory_space<semaphore_mem>>) attributes {dimension_semantics = [#tpu.dimension_semantics<core_parallel>, #tpu.dimension_semantics<subcore_parallel>], iteration_bounds = array<i64: 2, 16>, scalar_prefetch = 0 : i64, scratch_operands = 5 : i64, tpu.core_type = #tpu.core_type<sc_vector_subcore>, window_params = [{transform_indices = #map}, {transform_indices = #map1}, {transform_indices = #map1}, {transform_indices = #map2}]} {
    %mul3A = arith.constant 2 : i32
    %mul3A_0 = arith.muli %arg1, %mul3A : i32
    %add3A = arith.addi %mul3A_0, %arg0 : i32
    %broadcast_in_dim3A = arith.constant 0.000000e+00 : f32
    %broadcast_in_dim3A_1 = vector.broadcast %broadcast_in_dim3A : f32 to vector<16xf32>
    %scan3A = arith.constant 0 : i32
    %scan3A_2 = arith.constant 0 : i32
    %scan3A_3 = arith.constant 128 : i32
    %scan3A_4 = arith.addi %scan3A_2, %scan3A_3 : i32
    %scan3A_5 = arith.constant 1 : i32
    scf.for %scan3A_36 = %scan3A_2 to %scan3A_4 step %scan3A_5  : i32 {
      %swap3A = arith.index_cast %scan3A_36 : i32 to index
      %swap3A_37 = arith.constant 0 : index
      %swap3A_38 = tpu.vector_load %arg8[%swap3A, %swap3A_37] {strides = array<i32>} : memref<128x128xf32, #tpu.memory_space<vmem>>, vector<1x16xf32>,
      %swap3A_39 = vector.shape_cast %swap3A_38 : vector<1x16xf32> to vector<16xf32>
      %swap3A_40 = vector.shape_cast %broadcast_in_dim3A_1 : vector<16xf32> to vector<1x16xf32>
      tpu.vector_store %arg8[%swap3A, %swap3A_37], %swap3A_40 {strides = array<i32>} : memref<128x128xf32, #tpu.memory_space<vmem>>, vector<1x16xf32>,
      %swap3A_41 = arith.index_cast %scan3A_36 : i32 to index
      %swap3A_42 = arith.constant 16 : index
      %swap3A_43 = tpu.vector_load %arg8[%swap3A_41, %swap3A_42] {strides = array<i32>} : memref<128x128xf32, #tpu.memory_space<vmem>>, vector<1x16xf32>,
      %swap3A_44 = vector.shape_cast %swap3A_43 : vector<1x16xf32> to vector<16xf32>
      %swap3A_45 = vector.shape_cast %broadcast_in_dim3A_1 : vector<16xf32> to vector<1x16xf32>
      tpu.vector_store %arg8[%swap3A_41, %swap3A_42], %swap3A_45 {strides = array<i32>} : memref<128x128xf32, #tpu.memory_space<vmem>>, vector<1x16xf32>,
      %swap3A_46 = arith.index_cast %scan3A_36 : i32 to index
      %swap3A_47 = arith.constant 32 : index
      %swap3A_48 = tpu.vector_load %arg8[%swap3A_46, %swap3A_47] {strides = array<i32>} : memref<128x128xf32, #tpu.memory_space<vmem>>, vector<1x16xf32>,
      %swap3A_49 = vector.shape_cast %swap3A_48 : vector<1x16xf32> to vector<16xf32>
      %swap3A_50 = vector.shape_cast %broadcast_in_dim3A_1 : vector<16xf32> to vector<1x16xf32>
      tpu.vector_store %arg8[%swap3A_46, %swap3A_47], %swap3A_50 {strides = array<i32>} : memref<128x128xf32, #tpu.memory_space<vmem>>, vector<1x16xf32>,
      %swap3A_51 = arith.index_cast %scan3A_36 : i32 to index
      %swap3A_52 = arith.constant 48 : index
      %swap3A_53 = tpu.vector_load %arg8[%swap3A_51, %swap3A_52] {strides = array<i32>} : memref<128x128xf32, #tpu.memory_space<vmem>>, vector<1x16xf32>,
      %swap3A_54 = vector.shape_cast %swap3A_53 : vector<1x16xf32> to vector<16xf32>
      %swap3A_55 = vector.shape_cast %broadcast_in_dim3A_1 : vector<16xf32> to vector<1x16xf32>
      tpu.vector_store %arg8[%swap3A_51, %swap3A_52], %swap3A_55 {strides = array<i32>} : memref<128x128xf32, #tpu.memory_space<vmem>>, vector<1x16xf32>,
      %swap3A_56 = arith.index_cast %scan3A_36 : i32 to index
      %swap3A_57 = arith.constant 64 : index
      %swap3A_58 = tpu.vector_load %arg8[%swap3A_56, %swap3A_57] {strides = array<i32>} : memref<128x128xf32, #tpu.memory_space<vmem>>, vector<1x16xf32>,
      %swap3A_59 = vector.shape_cast %swap3A_58 : vector<1x16xf32> to vector<16xf32>
      %swap3A_60 = vector.shape_cast %broadcast_in_dim3A_1 : vector<16xf32> to vector<1x16xf32>
      tpu.vector_store %arg8[%swap3A_56, %swap3A_57], %swap3A_60 {strides = array<i32>} : memref<128x128xf32, #tpu.memory_space<vmem>>, vector<1x16xf32>,
      %swap3A_61 = arith.index_cast %scan3A_36 : i32 to index
      %swap3A_62 = arith.constant 80 : index
      %swap3A_63 = tpu.vector_load %arg8[%swap3A_61, %swap3A_62] {strides = array<i32>} : memref<128x128xf32, #tpu.memory_space<vmem>>, vector<1x16xf32>,
      %swap3A_64 = vector.shape_cast %swap3A_63 : vector<1x16xf32> to vector<16xf32>
      %swap3A_65 = vector.shape_cast %broadcast_in_dim3A_1 : vector<16xf32> to vector<1x16xf32>
      tpu.vector_store %arg8[%swap3A_61, %swap3A_62], %swap3A_65 {strides = array<i32>} : memref<128x128xf32, #tpu.memory_space<vmem>>, vector<1x16xf32>,
      %swap3A_66 = arith.index_cast %scan3A_36 : i32 to index
      %swap3A_67 = arith.constant 96 : index
      %swap3A_68 = tpu.vector_load %arg8[%swap3A_66, %swap3A_67] {strides = array<i32>} : memref<128x128xf32, #tpu.memory_space<vmem>>, vector<1x16xf32>,
      %swap3A_69 = vector.shape_cast %swap3A_68 : vector<1x16xf32> to vector<16xf32>
      %swap3A_70 = vector.shape_cast %broadcast_in_dim3A_1 : vector<16xf32> to vector<1x16xf32>
      tpu.vector_store %arg8[%swap3A_66, %swap3A_67], %swap3A_70 {strides = array<i32>} : memref<128x128xf32, #tpu.memory_space<vmem>>, vector<1x16xf32>,
      %swap3A_71 = arith.index_cast %scan3A_36 : i32 to index
      %swap3A_72 = arith.constant 112 : index
      %swap3A_73 = tpu.vector_load %arg8[%swap3A_71, %swap3A_72] {strides = array<i32>} : memref<128x128xf32, #tpu.memory_space<vmem>>, vector<1x16xf32>,
      %swap3A_74 = vector.shape_cast %swap3A_73 : vector<1x16xf32> to vector<16xf32>
      %swap3A_75 = vector.shape_cast %broadcast_in_dim3A_1 : vector<16xf32> to vector<1x16xf32>
      tpu.vector_store %arg8[%swap3A_71, %swap3A_72], %swap3A_75 {strides = array<i32>} : memref<128x128xf32, #tpu.memory_space<vmem>>, vector<1x16xf32>,
    }
    %scan3A_6 = arith.constant 128 : i32
    %mul3A_7 = arith.constant 640 : i32
    %mul3A_8 = arith.muli %arg1, %mul3A_7 : i32
    %add3A_9 = arith.constant 0 : i32
    %add3A_10 = arith.addi %mul3A_8, %add3A_9 : i32
    "tpu.region"() ({
      %run_scoped3A = tpu.sem_alloc : memref<!tpu.dma_semaphore, #tpu.memory_space<semaphore_mem>>
      %dma_start3A = arith.constant 0 : i32
      %dma_start3A_36 = tpu.memref_slice %arg9[%add3A_10, %dma_start3A] : memref<10240x128xf32, #tpu.memory_space<vmem_shared>> -> memref<128x128xf32, #tpu.memory_space<vmem_shared>>
      %dma_start3A_37 = arith.constant 0 : i32
      %dma_start3A_38 = tpu.memref_slice %arg9[%add3A_10, %dma_start3A_37] : memref<10240x128xf32, #tpu.memory_space<vmem_shared>> -> memref<128x128xf32, #tpu.memory_space<vmem_shared>>
      tpu.enqueue_dma source(%arg8 : memref<128x128xf32, #tpu.memory_space<vmem>>) target(%dma_start3A_38 : memref<128x128xf32, #tpu.memory_space<vmem_shared>>) target_semaphore(%run_scoped3A : memref<!tpu.dma_semaphore, #tpu.memory_space<semaphore_mem>>)
      %dma_wait3A = arith.constant 0 : i32
      %dma_wait3A_39 = tpu.memref_slice %arg9[%add3A_10, %dma_wait3A] : memref<10240x128xf32, #tpu.memory_space<vmem_shared>> -> memref<128x128xf32, #tpu.memory_space<vmem_shared>>
      %dma_wait3A_40 = arith.constant 0 : i32
      %dma_wait3A_41 = tpu.memref_slice %arg9[%add3A_10, %dma_wait3A_40] : memref<10240x128xf32, #tpu.memory_space<vmem_shared>> -> memref<128x128xf32, #tpu.memory_space<vmem_shared>>
      tpu.wait_dma2 semaphore(%run_scoped3A : memref<!tpu.dma_semaphore, #tpu.memory_space<semaphore_mem>>) src(%arg8 : memref<128x128xf32, #tpu.memory_space<vmem>>) dst(%dma_wait3A_41 : memref<128x128xf32, #tpu.memory_space<vmem_shared>>)
      tpu.yield
    }) : () -> ()
    %add3A_11 = arith.constant 128 : i32
    %add3A_12 = arith.addi %mul3A_8, %add3A_11 : i32
    "tpu.region"() ({
      %run_scoped3A = tpu.sem_alloc : memref<!tpu.dma_semaphore, #tpu.memory_space<semaphore_mem>>
      %dma_start3A = arith.constant 0 : i32
      %dma_start3A_36 = tpu.memref_slice %arg9[%add3A_12, %dma_start3A] : memref<10240x128xf32, #tpu.memory_space<vmem_shared>> -> memref<128x128xf32, #tpu.memory_space<vmem_shared>>
      %dma_start3A_37 = arith.constant 0 : i32
      %dma_start3A_38 = tpu.memref_slice %arg9[%add3A_12, %dma_start3A_37] : memref<10240x128xf32, #tpu.memory_space<vmem_shared>> -> memref<128x128xf32, #tpu.memory_space<vmem_shared>>
      tpu.enqueue_dma source(%arg8 : memref<128x128xf32, #tpu.memory_space<vmem>>) target(%dma_start3A_38 : memref<128x128xf32, #tpu.memory_space<vmem_shared>>) target_semaphore(%run_scoped3A : memref<!tpu.dma_semaphore, #tpu.memory_space<semaphore_mem>>)
      %dma_wait3A = arith.constant 0 : i32
      %dma_wait3A_39 = tpu.memref_slice %arg9[%add3A_12, %dma_wait3A] : memref<10240x128xf32, #tpu.memory_space<vmem_shared>> -> memref<128x128xf32, #tpu.memory_space<vmem_shared>>
      %dma_wait3A_40 = arith.constant 0 : i32
      %dma_wait3A_41 = tpu.memref_slice %arg9[%add3A_12, %dma_wait3A_40] : memref<10240x128xf32, #tpu.memory_space<vmem_shared>> -> memref<128x128xf32, #tpu.memory_space<vmem_shared>>
      tpu.wait_dma2 semaphore(%run_scoped3A : memref<!tpu.dma_semaphore, #tpu.memory_space<semaphore_mem>>) src(%arg8 : memref<128x128xf32, #tpu.memory_space<vmem>>) dst(%dma_wait3A_41 : memref<128x128xf32, #tpu.memory_space<vmem_shared>>)
      tpu.yield
    }) : () -> ()
    %add3A_13 = arith.constant 256 : i32
    %add3A_14 = arith.addi %mul3A_8, %add3A_13 : i32
    "tpu.region"() ({
      %run_scoped3A = tpu.sem_alloc : memref<!tpu.dma_semaphore, #tpu.memory_space<semaphore_mem>>
      %dma_start3A = arith.constant 0 : i32
      %dma_start3A_36 = tpu.memref_slice %arg9[%add3A_14, %dma_start3A] : memref<10240x128xf32, #tpu.memory_space<vmem_shared>> -> memref<128x128xf32, #tpu.memory_space<vmem_shared>>
      %dma_start3A_37 = arith.constant 0 : i32
      %dma_start3A_38 = tpu.memref_slice %arg9[%add3A_14, %dma_start3A_37] : memref<10240x128xf32, #tpu.memory_space<vmem_shared>> -> memref<128x128xf32, #tpu.memory_space<vmem_shared>>
      tpu.enqueue_dma source(%arg8 : memref<128x128xf32, #tpu.memory_space<vmem>>) target(%dma_start3A_38 : memref<128x128xf32, #tpu.memory_space<vmem_shared>>) target_semaphore(%run_scoped3A : memref<!tpu.dma_semaphore, #tpu.memory_space<semaphore_mem>>)
      %dma_wait3A = arith.constant 0 : i32
      %dma_wait3A_39 = tpu.memref_slice %arg9[%add3A_14, %dma_wait3A] : memref<10240x128xf32, #tpu.memory_space<vmem_shared>> -> memref<128x128xf32, #tpu.memory_space<vmem_shared>>
      %dma_wait3A_40 = arith.constant 0 : i32
      %dma_wait3A_41 = tpu.memref_slice %arg9[%add3A_14, %dma_wait3A_40] : memref<10240x128xf32, #tpu.memory_space<vmem_shared>> -> memref<128x128xf32, #tpu.memory_space<vmem_shared>>
      tpu.wait_dma2 semaphore(%run_scoped3A : memref<!tpu.dma_semaphore, #tpu.memory_space<semaphore_mem>>) src(%arg8 : memref<128x128xf32, #tpu.memory_space<vmem>>) dst(%dma_wait3A_41 : memref<128x128xf32, #tpu.memory_space<vmem_shared>>)
      tpu.yield
    }) : () -> ()
    %add3A_15 = arith.constant 384 : i32
    %add3A_16 = arith.addi %mul3A_8, %add3A_15 : i32
    "tpu.region"() ({
      %run_scoped3A = tpu.sem_alloc : memref<!tpu.dma_semaphore, #tpu.memory_space<semaphore_mem>>
      %dma_start3A = arith.constant 0 : i32
      %dma_start3A_36 = tpu.memref_slice %arg9[%add3A_16, %dma_start3A] : memref<10240x128xf32, #tpu.memory_space<vmem_shared>> -> memref<128x128xf32, #tpu.memory_space<vmem_shared>>
      %dma_start3A_37 = arith.constant 0 : i32
      %dma_start3A_38 = tpu.memref_slice %arg9[%add3A_16, %dma_start3A_37] : memref<10240x128xf32, #tpu.memory_space<vmem_shared>> -> memref<128x128xf32, #tpu.memory_space<vmem_shared>>
      tpu.enqueue_dma source(%arg8 : memref<128x128xf32, #tpu.memory_space<vmem>>) target(%dma_start3A_38 : memref<128x128xf32, #tpu.memory_space<vmem_shared>>) target_semaphore(%run_scoped3A : memref<!tpu.dma_semaphore, #tpu.memory_space<semaphore_mem>>)
      %dma_wait3A = arith.constant 0 : i32
      %dma_wait3A_39 = tpu.memref_slice %arg9[%add3A_16, %dma_wait3A] : memref<10240x128xf32, #tpu.memory_space<vmem_shared>> -> memref<128x128xf32, #tpu.memory_space<vmem_shared>>
      %dma_wait3A_40 = arith.constant 0 : i32
      %dma_wait3A_41 = tpu.memref_slice %arg9[%add3A_16, %dma_wait3A_40] : memref<10240x128xf32, #tpu.memory_space<vmem_shared>> -> memref<128x128xf32, #tpu.memory_space<vmem_shared>>
      tpu.wait_dma2 semaphore(%run_scoped3A : memref<!tpu.dma_semaphore, #tpu.memory_space<semaphore_mem>>) src(%arg8 : memref<128x128xf32, #tpu.memory_space<vmem>>) dst(%dma_wait3A_41 : memref<128x128xf32, #tpu.memory_space<vmem_shared>>)
      tpu.yield
    }) : () -> ()
    %add3A_17 = arith.constant 512 : i32
    %add3A_18 = arith.addi %mul3A_8, %add3A_17 : i32
    "tpu.region"() ({
      %run_scoped3A = tpu.sem_alloc : memref<!tpu.dma_semaphore, #tpu.memory_space<semaphore_mem>>
      %dma_start3A = arith.constant 0 : i32
      %dma_start3A_36 = tpu.memref_slice %arg9[%add3A_18, %dma_start3A] : memref<10240x128xf32, #tpu.memory_space<vmem_shared>> -> memref<128x128xf32, #tpu.memory_space<vmem_shared>>
      %dma_start3A_37 = arith.constant 0 : i32
      %dma_start3A_38 = tpu.memref_slice %arg9[%add3A_18, %dma_start3A_37] : memref<10240x128xf32, #tpu.memory_space<vmem_shared>> -> memref<128x128xf32, #tpu.memory_space<vmem_shared>>
      tpu.enqueue_dma source(%arg8 : memref<128x128xf32, #tpu.memory_space<vmem>>) target(%dma_start3A_38 : memref<128x128xf32, #tpu.memory_space<vmem_shared>>) target_semaphore(%run_scoped3A : memref<!tpu.dma_semaphore, #tpu.memory_space<semaphore_mem>>)
      %dma_wait3A = arith.constant 0 : i32
      %dma_wait3A_39 = tpu.memref_slice %arg9[%add3A_18, %dma_wait3A] : memref<10240x128xf32, #tpu.memory_space<vmem_shared>> -> memref<128x128xf32, #tpu.memory_space<vmem_shared>>
      %dma_wait3A_40 = arith.constant 0 : i32
      %dma_wait3A_41 = tpu.memref_slice %arg9[%add3A_18, %dma_wait3A_40] : memref<10240x128xf32, #tpu.memory_space<vmem_shared>> -> memref<128x128xf32, #tpu.memory_space<vmem_shared>>
      tpu.wait_dma2 semaphore(%run_scoped3A : memref<!tpu.dma_semaphore, #tpu.memory_space<semaphore_mem>>) src(%arg8 : memref<128x128xf32, #tpu.memory_space<vmem>>) dst(%dma_wait3A_41 : memref<128x128xf32, #tpu.memory_space<vmem_shared>>)
      tpu.yield
    }) : () -> ()
    %barrier3A = arith.constant 0 : index
    tpu.barrier barrier_id(%barrier3A)
    %scan3A_19 = arith.constant 0 : i32
    %scan3A_20 = arith.constant 0 : i32
    %scan3A_21 = arith.constant 79 : i32
    %scan3A_22 = arith.addi %scan3A_20, %scan3A_21 : i32
    %scan3A_23 = arith.constant 1 : i32
    scf.for %scan3A_36 = %scan3A_20 to %scan3A_22 step %scan3A_23  : i32 {
      %mul3A_37 = arith.constant 79 : i32
      %mul3A_38 = arith.muli %add3A, %mul3A_37 : i32
      %add3A_39 = arith.addi %mul3A_38, %scan3A_36 : i32
      %mul3A_40 = arith.constant 128 : i32
      %mul3A_41 = arith.muli %add3A_39, %mul3A_40 : i32
      "tpu.region"() ({
        %run_scoped3A = tpu.sem_alloc : memref<!tpu.dma_semaphore, #tpu.memory_space<semaphore_mem>>
        %dma_start3A_46 = tpu.memref_slice %arg3[%mul3A_41] : memref<323584xi32, #tpu.memory_space<hbm>> -> memref<128xi32, #tpu.memory_space<hbm>>
        %dma_start3A_47 = tpu.memref_slice %arg3[%mul3A_41] : memref<323584xi32, #tpu.memory_space<hbm>> -> memref<128xi32, #tpu.memory_space<hbm>>
        tpu.enqueue_dma source(%dma_start3A_47 : memref<128xi32, #tpu.memory_space<hbm>>) target(%arg6 : memref<128xi32, #tpu.memory_space<vmem>>) target_semaphore(%run_scoped3A : memref<!tpu.dma_semaphore, #tpu.memory_space<semaphore_mem>>)
        %dma_wait3A_48 = tpu.memref_slice %arg3[%mul3A_41] : memref<323584xi32, #tpu.memory_space<hbm>> -> memref<128xi32, #tpu.memory_space<hbm>>
        %dma_wait3A_49 = tpu.memref_slice %arg3[%mul3A_41] : memref<323584xi32, #tpu.memory_space<hbm>> -> memref<128xi32, #tpu.memory_space<hbm>>
        tpu.wait_dma2 semaphore(%run_scoped3A : memref<!tpu.dma_semaphore, #tpu.memory_space<semaphore_mem>>) src(%dma_wait3A_49 : memref<128xi32, #tpu.memory_space<hbm>>) dst(%arg6 : memref<128xi32, #tpu.memory_space<vmem>>)
        tpu.yield
      }) : () -> ()
      "tpu.region"() ({
        %run_scoped3A = tpu.sem_alloc : memref<!tpu.dma_semaphore, #tpu.memory_space<semaphore_mem>>
        %dma_start3A_46 = tpu.memref_slice %arg4[%mul3A_41] : memref<323584xi32, #tpu.memory_space<hbm>> -> memref<128xi32, #tpu.memory_space<hbm>>
        %dma_start3A_47 = tpu.memref_slice %arg4[%mul3A_41] : memref<323584xi32, #tpu.memory_space<hbm>> -> memref<128xi32, #tpu.memory_space<hbm>>
        tpu.enqueue_dma source(%dma_start3A_47 : memref<128xi32, #tpu.memory_space<hbm>>) target(%arg7 : memref<128xi32, #tpu.memory_space<vmem>>) target_semaphore(%run_scoped3A : memref<!tpu.dma_semaphore, #tpu.memory_space<semaphore_mem>>)
        %dma_wait3A_48 = tpu.memref_slice %arg4[%mul3A_41] : memref<323584xi32, #tpu.memory_space<hbm>> -> memref<128xi32, #tpu.memory_space<hbm>>
        %dma_wait3A_49 = tpu.memref_slice %arg4[%mul3A_41] : memref<323584xi32, #tpu.memory_space<hbm>> -> memref<128xi32, #tpu.memory_space<hbm>>
        tpu.wait_dma2 semaphore(%run_scoped3A : memref<!tpu.dma_semaphore, #tpu.memory_space<semaphore_mem>>) src(%dma_wait3A_49 : memref<128xi32, #tpu.memory_space<hbm>>) dst(%arg7 : memref<128xi32, #tpu.memory_space<vmem>>)
        tpu.yield
      }) : () -> ()
      %dma_start3A = arith.constant 0 : i32
      %dma_start3A_42 = arith.constant 0 : i32
      %dma_start3A_43 = tpu.memref_slice %arg2[%dma_start3A, %dma_start3A_42] : memref<10000x128xf32, #tpu.memory_space<hbm>> -> memref<10000x128xf32, #tpu.memory_space<hbm>>
      tpu.enqueue_indirect_dma source(%dma_start3A_43 : memref<10000x128xf32, #tpu.memory_space<hbm>>) target(%arg8 : memref<128x128xf32, #tpu.memory_space<vmem>>) offsets(%arg6 : memref<128xi32, #tpu.memory_space<vmem>>) semaphore(%arg10 : memref<!tpu.dma_semaphore, #tpu.memory_space<semaphore_mem>>)
      %dma_wait3A = arith.constant 0 : i32
      %dma_wait3A_44 = arith.constant 0 : i32
      %dma_wait3A_45 = tpu.memref_slice %arg2[%dma_wait3A, %dma_wait3A_44] : memref<10000x128xf32, #tpu.memory_space<hbm>> -> memref<10000x128xf32, #tpu.memory_space<hbm>>
      tpu.wait_indirect_dma semaphore(%arg10 : memref<!tpu.dma_semaphore, #tpu.memory_space<semaphore_mem>>) src(%dma_wait3A_45 : memref<10000x128xf32, #tpu.memory_space<hbm>>) dst(%arg8 : memref<128x128xf32, #tpu.memory_space<vmem>>)
      "tpu.region"() ({
        %run_scoped3A = tpu.sem_alloc : memref<!tpu.dma_semaphore, #tpu.memory_space<semaphore_mem>>
        %dma_start3A_46 = arith.constant 0 : i32
        %dma_start3A_47 = arith.constant 0 : i32
        %dma_start3A_48 = tpu.memref_slice %arg9[%dma_start3A_46, %dma_start3A_47] : memref<10240x128xf32, #tpu.memory_space<vmem_shared>> -> memref<10240x128xf32, #tpu.memory_space<vmem_shared>>
        tpu.enqueue_indirect_dma source(%arg8 : memref<128x128xf32, #tpu.memory_space<vmem>>) target(%dma_start3A_48 : memref<10240x128xf32, #tpu.memory_space<vmem_shared>>) offsets(%arg7 : memref<128xi32, #tpu.memory_space<vmem>>) semaphore(%run_scoped3A : memref<!tpu.dma_semaphore, #tpu.memory_space<semaphore_mem>>) {add = true}
        %dma_wait3A_49 = arith.constant 0 : i32
        %dma_wait3A_50 = arith.constant 0 : i32
        %dma_wait3A_51 = tpu.memref_slice %arg9[%dma_wait3A_49, %dma_wait3A_50] : memref<10240x128xf32, #tpu.memory_space<vmem_shared>> -> memref<10240x128xf32, #tpu.memory_space<vmem_shared>>
        tpu.wait_indirect_dma semaphore(%run_scoped3A : memref<!tpu.dma_semaphore, #tpu.memory_space<semaphore_mem>>) src(%arg8 : memref<128x128xf32, #tpu.memory_space<vmem>>) dst(%dma_wait3A_51 : memref<10240x128xf32, #tpu.memory_space<vmem_shared>>)
        tpu.yield
      }) : () -> ()
    }
    %scan3A_24 = arith.constant 79 : i32
    %barrier3A_25 = arith.constant 0 : index
    tpu.barrier barrier_id(%barrier3A_25)
    %add3A_26 = arith.constant 0 : i32
    %add3A_27 = arith.addi %mul3A_8, %add3A_26 : i32
    "tpu.region"() ({
      %run_scoped3A = tpu.sem_alloc : memref<!tpu.dma_semaphore, #tpu.memory_space<semaphore_mem>>
      %dma_start3A = arith.constant 0 : i32
      %dma_start3A_36 = tpu.memref_slice %arg9[%add3A_27, %dma_start3A] : memref<10240x128xf32, #tpu.memory_space<vmem_shared>> -> memref<128x128xf32, #tpu.memory_space<vmem_shared>>
      %dma_start3A_37 = arith.constant 0 : i32
      %dma_start3A_38 = tpu.memref_slice %arg9[%add3A_27, %dma_start3A_37] : memref<10240x128xf32, #tpu.memory_space<vmem_shared>> -> memref<128x128xf32, #tpu.memory_space<vmem_shared>>
      tpu.enqueue_dma source(%dma_start3A_38 : memref<128x128xf32, #tpu.memory_space<vmem_shared>>) target(%arg8 : memref<128x128xf32, #tpu.memory_space<vmem>>) target_semaphore(%run_scoped3A : memref<!tpu.dma_semaphore, #tpu.memory_space<semaphore_mem>>)
      %dma_wait3A = arith.constant 0 : i32
      %dma_wait3A_39 = tpu.memref_slice %arg9[%add3A_27, %dma_wait3A] : memref<10240x128xf32, #tpu.memory_space<vmem_shared>> -> memref<128x128xf32, #tpu.memory_space<vmem_shared>>
      %dma_wait3A_40 = arith.constant 0 : i32
      %dma_wait3A_41 = tpu.memref_slice %arg9[%add3A_27, %dma_wait3A_40] : memref<10240x128xf32, #tpu.memory_space<vmem_shared>> -> memref<128x128xf32, #tpu.memory_space<vmem_shared>>
      tpu.wait_dma2 semaphore(%run_scoped3A : memref<!tpu.dma_semaphore, #tpu.memory_space<semaphore_mem>>) src(%dma_wait3A_41 : memref<128x128xf32, #tpu.memory_space<vmem_shared>>) dst(%arg8 : memref<128x128xf32, #tpu.memory_space<vmem>>)
      tpu.yield
    }) : () -> ()
    "tpu.region"() ({
      %run_scoped3A = tpu.sem_alloc : memref<!tpu.dma_semaphore, #tpu.memory_space<semaphore_mem>>
      %dma_start3A = arith.constant 0 : i32
      %dma_start3A_36 = tpu.memref_slice %arg5[%arg0, %add3A_27, %dma_start3A] : memref<2x10240x128xf32, #tpu.memory_space<hbm>> -> memref<1x128x128xf32, #tpu.memory_space<hbm>>
      %dma_start3A_37 = tpu.memref_squeeze %dma_start3A_36 : memref<1x128x128xf32, #tpu.memory_space<hbm>> -> memref<128x128xf32, #tpu.memory_space<hbm>>
      %dma_start3A_38 = arith.constant 0 : i32
      %dma_start3A_39 = tpu.memref_slice %arg5[%arg0, %add3A_27, %dma_start3A_38] : memref<2x10240x128xf32, #tpu.memory_space<hbm>> -> memref<1x128x128xf32, #tpu.memory_space<hbm>>
      %dma_start3A_40 = tpu.memref_squeeze %dma_start3A_39 : memref<1x128x128xf32, #tpu.memory_space<hbm>> -> memref<128x128xf32, #tpu.memory_space<hbm>>
      tpu.enqueue_dma source(%arg8 : memref<128x128xf32, #tpu.memory_space<vmem>>) target(%dma_start3A_40 : memref<128x128xf32, #tpu.memory_space<hbm>>) target_semaphore(%run_scoped3A : memref<!tpu.dma_semaphore, #tpu.memory_space<semaphore_mem>>)
      %dma_wait3A = arith.constant 0 : i32
      %dma_wait3A_41 = tpu.memref_slice %arg5[%arg0, %add3A_27, %dma_wait3A] : memref<2x10240x128xf32, #tpu.memory_space<hbm>> -> memref<1x128x128xf32, #tpu.memory_space<hbm>>
      %dma_wait3A_42 = tpu.memref_squeeze %dma_wait3A_41 : memref<1x128x128xf32, #tpu.memory_space<hbm>> -> memref<128x128xf32, #tpu.memory_space<hbm>>
      %dma_wait3A_43 = arith.constant 0 : i32
      %dma_wait3A_44 = tpu.memref_slice %arg5[%arg0, %add3A_27, %dma_wait3A_43] : memref<2x10240x128xf32, #tpu.memory_space<hbm>> -> memref<1x128x128xf32, #tpu.memory_space<hbm>>
      %dma_wait3A_45 = tpu.memref_squeeze %dma_wait3A_44 : memref<1x128x128xf32, #tpu.memory_space<hbm>> -> memref<128x128xf32, #tpu.memory_space<hbm>>
      tpu.wait_dma2 semaphore(%run_scoped3A : memref<!tpu.dma_semaphore, #tpu.memory_space<semaphore_mem>>) src(%arg8 : memref<128x128xf32, #tpu.memory_space<vmem>>) dst(%dma_wait3A_45 : memref<128x128xf32, #tpu.memory_space<hbm>>)
      tpu.yield
    }) : () -> ()
    %add3A_28 = arith.constant 128 : i32
    %add3A_29 = arith.addi %mul3A_8, %add3A_28 : i32
    "tpu.region"() ({
      %run_scoped3A = tpu.sem_alloc : memref<!tpu.dma_semaphore, #tpu.memory_space<semaphore_mem>>
      %dma_start3A = arith.constant 0 : i32
      %dma_start3A_36 = tpu.memref_slice %arg9[%add3A_29, %dma_start3A] : memref<10240x128xf32, #tpu.memory_space<vmem_shared>> -> memref<128x128xf32, #tpu.memory_space<vmem_shared>>
      %dma_start3A_37 = arith.constant 0 : i32
      %dma_start3A_38 = tpu.memref_slice %arg9[%add3A_29, %dma_start3A_37] : memref<10240x128xf32, #tpu.memory_space<vmem_shared>> -> memref<128x128xf32, #tpu.memory_space<vmem_shared>>
      tpu.enqueue_dma source(%dma_start3A_38 : memref<128x128xf32, #tpu.memory_space<vmem_shared>>) target(%arg8 : memref<128x128xf32, #tpu.memory_space<vmem>>) target_semaphore(%run_scoped3A : memref<!tpu.dma_semaphore, #tpu.memory_space<semaphore_mem>>)
      %dma_wait3A = arith.constant 0 : i32
      %dma_wait3A_39 = tpu.memref_slice %arg9[%add3A_29, %dma_wait3A] : memref<10240x128xf32, #tpu.memory_space<vmem_shared>> -> memref<128x128xf32, #tpu.memory_space<vmem_shared>>
      %dma_wait3A_40 = arith.constant 0 : i32
      %dma_wait3A_41 = tpu.memref_slice %arg9[%add3A_29, %dma_wait3A_40] : memref<10240x128xf32, #tpu.memory_space<vmem_shared>> -> memref<128x128xf32, #tpu.memory_space<vmem_shared>>
      tpu.wait_dma2 semaphore(%run_scoped3A : memref<!tpu.dma_semaphore, #tpu.memory_space<semaphore_mem>>) src(%dma_wait3A_41 : memref<128x128xf32, #tpu.memory_space<vmem_shared>>) dst(%arg8 : memref<128x128xf32, #tpu.memory_space<vmem>>)
      tpu.yield
    }) : () -> ()
    "tpu.region"() ({
      %run_scoped3A = tpu.sem_alloc : memref<!tpu.dma_semaphore, #tpu.memory_space<semaphore_mem>>
      %dma_start3A = arith.constant 0 : i32
      %dma_start3A_36 = tpu.memref_slice %arg5[%arg0, %add3A_29, %dma_start3A] : memref<2x10240x128xf32, #tpu.memory_space<hbm>> -> memref<1x128x128xf32, #tpu.memory_space<hbm>>
      %dma_start3A_37 = tpu.memref_squeeze %dma_start3A_36 : memref<1x128x128xf32, #tpu.memory_space<hbm>> -> memref<128x128xf32, #tpu.memory_space<hbm>>
      %dma_start3A_38 = arith.constant 0 : i32
      %dma_start3A_39 = tpu.memref_slice %arg5[%arg0, %add3A_29, %dma_start3A_38] : memref<2x10240x128xf32, #tpu.memory_space<hbm>> -> memref<1x128x128xf32, #tpu.memory_space<hbm>>
      %dma_start3A_40 = tpu.memref_squeeze %dma_start3A_39 : memref<1x128x128xf32, #tpu.memory_space<hbm>> -> memref<128x128xf32, #tpu.memory_space<hbm>>
      tpu.enqueue_dma source(%arg8 : memref<128x128xf32, #tpu.memory_space<vmem>>) target(%dma_start3A_40 : memref<128x128xf32, #tpu.memory_space<hbm>>) target_semaphore(%run_scoped3A : memref<!tpu.dma_semaphore, #tpu.memory_space<semaphore_mem>>)
      %dma_wait3A = arith.constant 0 : i32
      %dma_wait3A_41 = tpu.memref_slice %arg5[%arg0, %add3A_29, %dma_wait3A] : memref<2x10240x128xf32, #tpu.memory_space<hbm>> -> memref<1x128x128xf32, #tpu.memory_space<hbm>>
      %dma_wait3A_42 = tpu.memref_squeeze %dma_wait3A_41 : memref<1x128x128xf32, #tpu.memory_space<hbm>> -> memref<128x128xf32, #tpu.memory_space<hbm>>
      %dma_wait3A_43 = arith.constant 0 : i32
      %dma_wait3A_44 = tpu.memref_slice %arg5[%arg0, %add3A_29, %dma_wait3A_43] : memref<2x10240x128xf32, #tpu.memory_space<hbm>> -> memref<1x128x128xf32, #tpu.memory_space<hbm>>
      %dma_wait3A_45 = tpu.memref_squeeze %dma_wait3A_44 : memref<1x128x128xf32, #tpu.memory_space<hbm>> -> memref<128x128xf32, #tpu.memory_space<hbm>>
      tpu.wait_dma2 semaphore(%run_scoped3A : memref<!tpu.dma_semaphore, #tpu.memory_space<semaphore_mem>>) src(%arg8 : memref<128x128xf32, #tpu.memory_space<vmem>>) dst(%dma_wait3A_45 : memref<128x128xf32, #tpu.memory_space<hbm>>)
      tpu.yield
    }) : () -> ()
    %add3A_30 = arith.constant 256 : i32
    %add3A_31 = arith.addi %mul3A_8, %add3A_30 : i32
    "tpu.region"() ({
      %run_scoped3A = tpu.sem_alloc : memref<!tpu.dma_semaphore, #tpu.memory_space<semaphore_mem>>
      %dma_start3A = arith.constant 0 : i32
      %dma_start3A_36 = tpu.memref_slice %arg9[%add3A_31, %dma_start3A] : memref<10240x128xf32, #tpu.memory_space<vmem_shared>> -> memref<128x128xf32, #tpu.memory_space<vmem_shared>>
      %dma_start3A_37 = arith.constant 0 : i32
      %dma_start3A_38 = tpu.memref_slice %arg9[%add3A_31, %dma_start3A_37] : memref<10240x128xf32, #tpu.memory_space<vmem_shared>> -> memref<128x128xf32, #tpu.memory_space<vmem_shared>>
      tpu.enqueue_dma source(%dma_start3A_38 : memref<128x128xf32, #tpu.memory_space<vmem_shared>>) target(%arg8 : memref<128x128xf32, #tpu.memory_space<vmem>>) target_semaphore(%run_scoped3A : memref<!tpu.dma_semaphore, #tpu.memory_space<semaphore_mem>>)
      %dma_wait3A = arith.constant 0 : i32
      %dma_wait3A_39 = tpu.memref_slice %arg9[%add3A_31, %dma_wait3A] : memref<10240x128xf32, #tpu.memory_space<vmem_shared>> -> memref<128x128xf32, #tpu.memory_space<vmem_shared>>
      %dma_wait3A_40 = arith.constant 0 : i32
      %dma_wait3A_41 = tpu.memref_slice %arg9[%add3A_31, %dma_wait3A_40] : memref<10240x128xf32, #tpu.memory_space<vmem_shared>> -> memref<128x128xf32, #tpu.memory_space<vmem_shared>>
      tpu.wait_dma2 semaphore(%run_scoped3A : memref<!tpu.dma_semaphore, #tpu.memory_space<semaphore_mem>>) src(%dma_wait3A_41 : memref<128x128xf32, #tpu.memory_space<vmem_shared>>) dst(%arg8 : memref<128x128xf32, #tpu.memory_space<vmem>>)
      tpu.yield
    }) : () -> ()
    "tpu.region"() ({
      %run_scoped3A = tpu.sem_alloc : memref<!tpu.dma_semaphore, #tpu.memory_space<semaphore_mem>>
      %dma_start3A = arith.constant 0 : i32
      %dma_start3A_36 = tpu.memref_slice %arg5[%arg0, %add3A_31, %dma_start3A] : memref<2x10240x128xf32, #tpu.memory_space<hbm>> -> memref<1x128x128xf32, #tpu.memory_space<hbm>>
      %dma_start3A_37 = tpu.memref_squeeze %dma_start3A_36 : memref<1x128x128xf32, #tpu.memory_space<hbm>> -> memref<128x128xf32, #tpu.memory_space<hbm>>
      %dma_start3A_38 = arith.constant 0 : i32
      %dma_start3A_39 = tpu.memref_slice %arg5[%arg0, %add3A_31, %dma_start3A_38] : memref<2x10240x128xf32, #tpu.memory_space<hbm>> -> memref<1x128x128xf32, #tpu.memory_space<hbm>>
      %dma_start3A_40 = tpu.memref_squeeze %dma_start3A_39 : memref<1x128x128xf32, #tpu.memory_space<hbm>> -> memref<128x128xf32, #tpu.memory_space<hbm>>
      tpu.enqueue_dma source(%arg8 : memref<128x128xf32, #tpu.memory_space<vmem>>) target(%dma_start3A_40 : memref<128x128xf32, #tpu.memory_space<hbm>>) target_semaphore(%run_scoped3A : memref<!tpu.dma_semaphore, #tpu.memory_space<semaphore_mem>>)
      %dma_wait3A = arith.constant 0 : i32
      %dma_wait3A_41 = tpu.memref_slice %arg5[%arg0, %add3A_31, %dma_wait3A] : memref<2x10240x128xf32, #tpu.memory_space<hbm>> -> memref<1x128x128xf32, #tpu.memory_space<hbm>>
      %dma_wait3A_42 = tpu.memref_squeeze %dma_wait3A_41 : memref<1x128x128xf32, #tpu.memory_space<hbm>> -> memref<128x128xf32, #tpu.memory_space<hbm>>
      %dma_wait3A_43 = arith.constant 0 : i32
      %dma_wait3A_44 = tpu.memref_slice %arg5[%arg0, %add3A_31, %dma_wait3A_43] : memref<2x10240x128xf32, #tpu.memory_space<hbm>> -> memref<1x128x128xf32, #tpu.memory_space<hbm>>
      %dma_wait3A_45 = tpu.memref_squeeze %dma_wait3A_44 : memref<1x128x128xf32, #tpu.memory_space<hbm>> -> memref<128x128xf32, #tpu.memory_space<hbm>>
      tpu.wait_dma2 semaphore(%run_scoped3A : memref<!tpu.dma_semaphore, #tpu.memory_space<semaphore_mem>>) src(%arg8 : memref<128x128xf32, #tpu.memory_space<vmem>>) dst(%dma_wait3A_45 : memref<128x128xf32, #tpu.memory_space<hbm>>)
      tpu.yield
    }) : () -> ()
    %add3A_32 = arith.constant 384 : i32
    %add3A_33 = arith.addi %mul3A_8, %add3A_32 : i32
    "tpu.region"() ({
      %run_scoped3A = tpu.sem_alloc : memref<!tpu.dma_semaphore, #tpu.memory_space<semaphore_mem>>
      %dma_start3A = arith.constant 0 : i32
      %dma_start3A_36 = tpu.memref_slice %arg9[%add3A_33, %dma_start3A] : memref<10240x128xf32, #tpu.memory_space<vmem_shared>> -> memref<128x128xf32, #tpu.memory_space<vmem_shared>>
      %dma_start3A_37 = arith.constant 0 : i32
      %dma_start3A_38 = tpu.memref_slice %arg9[%add3A_33, %dma_start3A_37] : memref<10240x128xf32, #tpu.memory_space<vmem_shared>> -> memref<128x128xf32, #tpu.memory_space<vmem_shared>>
      tpu.enqueue_dma source(%dma_start3A_38 : memref<128x128xf32, #tpu.memory_space<vmem_shared>>) target(%arg8 : memref<128x128xf32, #tpu.memory_space<vmem>>) target_semaphore(%run_scoped3A : memref<!tpu.dma_semaphore, #tpu.memory_space<semaphore_mem>>)
      %dma_wait3A = arith.constant 0 : i32
      %dma_wait3A_39 = tpu.memref_slice %arg9[%add3A_33, %dma_wait3A] : memref<10240x128xf32, #tpu.memory_space<vmem_shared>> -> memref<128x128xf32, #tpu.memory_space<vmem_shared>>
      %dma_wait3A_40 = arith.constant 0 : i32
      %dma_wait3A_41 = tpu.memref_slice %arg9[%add3A_33, %dma_wait3A_40] : memref<10240x128xf32, #tpu.memory_space<vmem_shared>> -> memref<128x128xf32, #tpu.memory_space<vmem_shared>>
      tpu.wait_dma2 semaphore(%run_scoped3A : memref<!tpu.dma_semaphore, #tpu.memory_space<semaphore_mem>>) src(%dma_wait3A_41 : memref<128x128xf32, #tpu.memory_space<vmem_shared>>) dst(%arg8 : memref<128x128xf32, #tpu.memory_space<vmem>>)
      tpu.yield
    }) : () -> ()
    "tpu.region"() ({
      %run_scoped3A = tpu.sem_alloc : memref<!tpu.dma_semaphore, #tpu.memory_space<semaphore_mem>>
      %dma_start3A = arith.constant 0 : i32
      %dma_start3A_36 = tpu.memref_slice %arg5[%arg0, %add3A_33, %dma_start3A] : memref<2x10240x128xf32, #tpu.memory_space<hbm>> -> memref<1x128x128xf32, #tpu.memory_space<hbm>>
      %dma_start3A_37 = tpu.memref_squeeze %dma_start3A_36 : memref<1x128x128xf32, #tpu.memory_space<hbm>> -> memref<128x128xf32, #tpu.memory_space<hbm>>
      %dma_start3A_38 = arith.constant 0 : i32
      %dma_start3A_39 = tpu.memref_slice %arg5[%arg0, %add3A_33, %dma_start3A_38] : memref<2x10240x128xf32, #tpu.memory_space<hbm>> -> memref<1x128x128xf32, #tpu.memory_space<hbm>>
      %dma_start3A_40 = tpu.memref_squeeze %dma_start3A_39 : memref<1x128x128xf32, #tpu.memory_space<hbm>> -> memref<128x128xf32, #tpu.memory_space<hbm>>
      tpu.enqueue_dma source(%arg8 : memref<128x128xf32, #tpu.memory_space<vmem>>) target(%dma_start3A_40 : memref<128x128xf32, #tpu.memory_space<hbm>>) target_semaphore(%run_scoped3A : memref<!tpu.dma_semaphore, #tpu.memory_space<semaphore_mem>>)
      %dma_wait3A = arith.constant 0 : i32
      %dma_wait3A_41 = tpu.memref_slice %arg5[%arg0, %add3A_33, %dma_wait3A] : memref<2x10240x128xf32, #tpu.memory_space<hbm>> -> memref<1x128x128xf32, #tpu.memory_space<hbm>>
      %dma_wait3A_42 = tpu.memref_squeeze %dma_wait3A_41 : memref<1x128x128xf32, #tpu.memory_space<hbm>> -> memref<128x128xf32, #tpu.memory_space<hbm>>
      %dma_wait3A_43 = arith.constant 0 : i32
      %dma_wait3A_44 = tpu.memref_slice %arg5[%arg0, %add3A_33, %dma_wait3A_43] : memref<2x10240x128xf32, #tpu.memory_space<hbm>> -> memref<1x128x128xf32, #tpu.memory_space<hbm>>
      %dma_wait3A_45 = tpu.memref_squeeze %dma_wait3A_44 : memref<1x128x128xf32, #tpu.memory_space<hbm>> -> memref<128x128xf32, #tpu.memory_space<hbm>>
      tpu.wait_dma2 semaphore(%run_scoped3A : memref<!tpu.dma_semaphore, #tpu.memory_space<semaphore_mem>>) src(%arg8 : memref<128x128xf32, #tpu.memory_space<vmem>>) dst(%dma_wait3A_45 : memref<128x128xf32, #tpu.memory_space<hbm>>)
      tpu.yield
    }) : () -> ()
    %add3A_34 = arith.constant 512 : i32
    %add3A_35 = arith.addi %mul3A_8, %add3A_34 : i32
    "tpu.region"() ({
      %run_scoped3A = tpu.sem_alloc : memref<!tpu.dma_semaphore, #tpu.memory_space<semaphore_mem>>
      %dma_start3A = arith.constant 0 : i32
      %dma_start3A_36 = tpu.memref_slice %arg9[%add3A_35, %dma_start3A] : memref<10240x128xf32, #tpu.memory_space<vmem_shared>> -> memref<128x128xf32, #tpu.memory_space<vmem_shared>>
      %dma_start3A_37 = arith.constant 0 : i32
      %dma_start3A_38 = tpu.memref_slice %arg9[%add3A_35, %dma_start3A_37] : memref<10240x128xf32, #tpu.memory_space<vmem_shared>> -> memref<128x128xf32, #tpu.memory_space<vmem_shared>>
      tpu.enqueue_dma source(%dma_start3A_38 : memref<128x128xf32, #tpu.memory_space<vmem_shared>>) target(%arg8 : memref<128x128xf32, #tpu.memory_space<vmem>>) target_semaphore(%run_scoped3A : memref<!tpu.dma_semaphore, #tpu.memory_space<semaphore_mem>>)
      %dma_wait3A = arith.constant 0 : i32
      %dma_wait3A_39 = tpu.memref_slice %arg9[%add3A_35, %dma_wait3A] : memref<10240x128xf32, #tpu.memory_space<vmem_shared>> -> memref<128x128xf32, #tpu.memory_space<vmem_shared>>
      %dma_wait3A_40 = arith.constant 0 : i32
      %dma_wait3A_41 = tpu.memref_slice %arg9[%add3A_35, %dma_wait3A_40] : memref<10240x128xf32, #tpu.memory_space<vmem_shared>> -> memref<128x128xf32, #tpu.memory_space<vmem_shared>>
      tpu.wait_dma2 semaphore(%run_scoped3A : memref<!tpu.dma_semaphore, #tpu.memory_space<semaphore_mem>>) src(%dma_wait3A_41 : memref<128x128xf32, #tpu.memory_space<vmem_shared>>) dst(%arg8 : memref<128x128xf32, #tpu.memory_space<vmem>>)
      tpu.yield
    }) : () -> ()
    "tpu.region"() ({
      %run_scoped3A = tpu.sem_alloc : memref<!tpu.dma_semaphore, #tpu.memory_space<semaphore_mem>>
      %dma_start3A = arith.constant 0 : i32
      %dma_start3A_36 = tpu.memref_slice %arg5[%arg0, %add3A_35, %dma_start3A] : memref<2x10240x128xf32, #tpu.memory_space<hbm>> -> memref<1x128x128xf32, #tpu.memory_space<hbm>>
      %dma_start3A_37 = tpu.memref_squeeze %dma_start3A_36 : memref<1x128x128xf32, #tpu.memory_space<hbm>> -> memref<128x128xf32, #tpu.memory_space<hbm>>
      %dma_start3A_38 = arith.constant 0 : i32
      %dma_start3A_39 = tpu.memref_slice %arg5[%arg0, %add3A_35, %dma_start3A_38] : memref<2x10240x128xf32, #tpu.memory_space<hbm>> -> memref<1x128x128xf32, #tpu.memory_space<hbm>>
      %dma_start3A_40 = tpu.memref_squeeze %dma_start3A_39 : memref<1x128x128xf32, #tpu.memory_space<hbm>> -> memref<128x128xf32, #tpu.memory_space<hbm>>
      tpu.enqueue_dma source(%arg8 : memref<128x128xf32, #tpu.memory_space<vmem>>) target(%dma_start3A_40 : memref<128x128xf32, #tpu.memory_space<hbm>>) target_semaphore(%run_scoped3A : memref<!tpu.dma_semaphore, #tpu.memory_space<semaphore_mem>>)
      %dma_wait3A = arith.constant 0 : i32
      %dma_wait3A_41 = tpu.memref_slice %arg5[%arg0, %add3A_35, %dma_wait3A] : memref<2x10240x128xf32, #tpu.memory_space<hbm>> -> memref<1x128x128xf32, #tpu.memory_space<hbm>>
      %dma_wait3A_42 = tpu.memref_squeeze %dma_wait3A_41 : memref<1x128x128xf32, #tpu.memory_space<hbm>> -> memref<128x128xf32, #tpu.memory_space<hbm>>
      %dma_wait3A_43 = arith.constant 0 : i32
      %dma_wait3A_44 = tpu.memref_slice %arg5[%arg0, %add3A_35, %dma_wait3A_43] : memref<2x10240x128xf32, #tpu.memory_space<hbm>> -> memref<1x128x128xf32, #tpu.memory_space<hbm>>
      %dma_wait3A_45 = tpu.memref_squeeze %dma_wait3A_44 : memref<1x128x128xf32, #tpu.memory_space<hbm>> -> memref<128x128xf32, #tpu.memory_space<hbm>>
      tpu.wait_dma2 semaphore(%run_scoped3A : memref<!tpu.dma_semaphore, #tpu.memory_space<semaphore_mem>>) src(%arg8 : memref<128x128xf32, #tpu.memory_space<vmem>>) dst(%dma_wait3A_45 : memref<128x128xf32, #tpu.memory_space<hbm>>)
      tpu.yield
    }) : () -> ()
    return
  }
}

#map = affine_map<(d0, d1) -> (0, 0)>
#map1 = affine_map<(d0, d1) -> (0)>
#map2 = affine_map<(d0, d1) -> (0, 0, 0)>
module attributes {stable_mosaic.version = 14 : i64} {
  func.func @body(%arg0: i32, %arg1: i32, %arg2: memref<10000x128xf32, #tpu.memory_space<hbm>>, %arg3: memref<323584xi32, #tpu.memory_space<hbm>>, %arg4: memref<323584xi32, #tpu.memory_space<hbm>>, %arg5: memref<2x10240x128xf32, #tpu.memory_space<hbm>>, %arg6: memref<128xi32, #tpu.memory_space<vmem>>, %arg7: memref<128xi32, #tpu.memory_space<vmem>>, %arg8: memref<128x128xf32, #tpu.memory_space<vmem>>, %arg9: memref<10240x128xf32, #tpu.memory_space<vmem_shared>>, %arg10: memref<!tpu.dma_semaphore, #tpu.memory_space<semaphore_mem>>) attributes {dimension_semantics = [#tpu.dimension_semantics<core_parallel>, #tpu.dimension_semantics<subcore_parallel>], iteration_bounds = array<i64: 2, 16>, scalar_prefetch = 0 : i64, scratch_operands = 5 : i64, tpu.core_type = #tpu.core_type<sc_vector_subcore>, window_params = [{transform_indices = #map}, {transform_indices = #map1}, {transform_indices = #map1}, {transform_indices = #map2}]} {
    %mul3A = arith.constant 2 : i32
    %mul3A_0 = arith.muli %arg1, %mul3A : i32
    %add3A = arith.addi %mul3A_0, %arg0 : i32
    %broadcast_in_dim3A = arith.constant 0.000000e+00 : f32
    %broadcast_in_dim3A_1 = vector.broadcast %broadcast_in_dim3A : f32 to vector<16xf32>
    %scan3A = arith.constant 0 : i32
    %scan3A_2 = arith.constant 0 : i32
    %scan3A_3 = arith.constant 128 : i32
    %scan3A_4 = arith.addi %scan3A_2, %scan3A_3 : i32
    %scan3A_5 = arith.constant 1 : i32
    scf.for %scan3A_36 = %scan3A_2 to %scan3A_4 step %scan3A_5  : i32 {
      %swap3A = arith.index_cast %scan3A_36 : i32 to index
      %swap3A_37 = arith.constant 0 : index
      %swap3A_38 = tpu.vector_load %arg8[%swap3A, %swap3A_37] {strides = array<i32>} : memref<128x128xf32, #tpu.memory_space<vmem>>, vector<1x16xf32>,
      %swap3A_39 = vector.shape_cast %swap3A_38 : vector<1x16xf32> to vector<16xf32>
      %swap3A_40 = vector.shape_cast %broadcast_in_dim3A_1 : vector<16xf32> to vector<1x16xf32>
      tpu.vector_store %arg8[%swap3A, %swap3A_37], %swap3A_40 {strides = array<i32>} : memref<128x128xf32, #tpu.memory_space<vmem>>, vector<1x16xf32>,
      %swap3A_41 = arith.index_cast %scan3A_36 : i32 to index
      %swap3A_42 = arith.constant 16 : index
      %swap3A_43 = tpu.vector_load %arg8[%swap3A_41, %swap3A_42] {strides = array<i32>} : memref<128x128xf32, #tpu.memory_space<vmem>>, vector<1x16xf32>,
      %swap3A_44 = vector.shape_cast %swap3A_43 : vector<1x16xf32> to vector<16xf32>
      %swap3A_45 = vector.shape_cast %broadcast_in_dim3A_1 : vector<16xf32> to vector<1x16xf32>
      tpu.vector_store %arg8[%swap3A_41, %swap3A_42], %swap3A_45 {strides = array<i32>} : memref<128x128xf32, #tpu.memory_space<vmem>>, vector<1x16xf32>,
      %swap3A_46 = arith.index_cast %scan3A_36 : i32 to index
      %swap3A_47 = arith.constant 32 : index
      %swap3A_48 = tpu.vector_load %arg8[%swap3A_46, %swap3A_47] {strides = array<i32>} : memref<128x128xf32, #tpu.memory_space<vmem>>, vector<1x16xf32>,
      %swap3A_49 = vector.shape_cast %swap3A_48 : vector<1x16xf32> to vector<16xf32>
      %swap3A_50 = vector.shape_cast %broadcast_in_dim3A_1 : vector<16xf32> to vector<1x16xf32>
      tpu.vector_store %arg8[%swap3A_46, %swap3A_47], %swap3A_50 {strides = array<i32>} : memref<128x128xf32, #tpu.memory_space<vmem>>, vector<1x16xf32>,
      %swap3A_51 = arith.index_cast %scan3A_36 : i32 to index
      %swap3A_52 = arith.constant 48 : index
      %swap3A_53 = tpu.vector_load %arg8[%swap3A_51, %swap3A_52] {strides = array<i32>} : memref<128x128xf32, #tpu.memory_space<vmem>>, vector<1x16xf32>,
      %swap3A_54 = vector.shape_cast %swap3A_53 : vector<1x16xf32> to vector<16xf32>
      %swap3A_55 = vector.shape_cast %broadcast_in_dim3A_1 : vector<16xf32> to vector<1x16xf32>
      tpu.vector_store %arg8[%swap3A_51, %swap3A_52], %swap3A_55 {strides = array<i32>} : memref<128x128xf32, #tpu.memory_space<vmem>>, vector<1x16xf32>,
      %swap3A_56 = arith.index_cast %scan3A_36 : i32 to index
      %swap3A_57 = arith.constant 64 : index
      %swap3A_58 = tpu.vector_load %arg8[%swap3A_56, %swap3A_57] {strides = array<i32>} : memref<128x128xf32, #tpu.memory_space<vmem>>, vector<1x16xf32>,
      %swap3A_59 = vector.shape_cast %swap3A_58 : vector<1x16xf32> to vector<16xf32>
      %swap3A_60 = vector.shape_cast %broadcast_in_dim3A_1 : vector<16xf32> to vector<1x16xf32>
      tpu.vector_store %arg8[%swap3A_56, %swap3A_57], %swap3A_60 {strides = array<i32>} : memref<128x128xf32, #tpu.memory_space<vmem>>, vector<1x16xf32>,
      %swap3A_61 = arith.index_cast %scan3A_36 : i32 to index
      %swap3A_62 = arith.constant 80 : index
      %swap3A_63 = tpu.vector_load %arg8[%swap3A_61, %swap3A_62] {strides = array<i32>} : memref<128x128xf32, #tpu.memory_space<vmem>>, vector<1x16xf32>,
      %swap3A_64 = vector.shape_cast %swap3A_63 : vector<1x16xf32> to vector<16xf32>
      %swap3A_65 = vector.shape_cast %broadcast_in_dim3A_1 : vector<16xf32> to vector<1x16xf32>
      tpu.vector_store %arg8[%swap3A_61, %swap3A_62], %swap3A_65 {strides = array<i32>} : memref<128x128xf32, #tpu.memory_space<vmem>>, vector<1x16xf32>,
      %swap3A_66 = arith.index_cast %scan3A_36 : i32 to index
      %swap3A_67 = arith.constant 96 : index
      %swap3A_68 = tpu.vector_load %arg8[%swap3A_66, %swap3A_67] {strides = array<i32>} : memref<128x128xf32, #tpu.memory_space<vmem>>, vector<1x16xf32>,
      %swap3A_69 = vector.shape_cast %swap3A_68 : vector<1x16xf32> to vector<16xf32>
      %swap3A_70 = vector.shape_cast %broadcast_in_dim3A_1 : vector<16xf32> to vector<1x16xf32>
      tpu.vector_store %arg8[%swap3A_66, %swap3A_67], %swap3A_70 {strides = array<i32>} : memref<128x128xf32, #tpu.memory_space<vmem>>, vector<1x16xf32>,
      %swap3A_71 = arith.index_cast %scan3A_36 : i32 to index
      %swap3A_72 = arith.constant 112 : index
      %swap3A_73 = tpu.vector_load %arg8[%swap3A_71, %swap3A_72] {strides = array<i32>} : memref<128x128xf32, #tpu.memory_space<vmem>>, vector<1x16xf32>,
      %swap3A_74 = vector.shape_cast %swap3A_73 : vector<1x16xf32> to vector<16xf32>
      %swap3A_75 = vector.shape_cast %broadcast_in_dim3A_1 : vector<16xf32> to vector<1x16xf32>
      tpu.vector_store %arg8[%swap3A_71, %swap3A_72], %swap3A_75 {strides = array<i32>} : memref<128x128xf32, #tpu.memory_space<vmem>>, vector<1x16xf32>,
    }
    %scan3A_6 = arith.constant 128 : i32
    %mul3A_7 = arith.constant 640 : i32
    %mul3A_8 = arith.muli %arg1, %mul3A_7 : i32
    %add3A_9 = arith.constant 0 : i32
    %add3A_10 = arith.addi %mul3A_8, %add3A_9 : i32
    "tpu.region"() ({
      %run_scoped3A = tpu.sem_alloc : memref<!tpu.dma_semaphore, #tpu.memory_space<semaphore_mem>>
      %dma_start3A = arith.constant 0 : i32
      %dma_start3A_36 = tpu.memref_slice %arg9[%add3A_10, %dma_start3A] : memref<10240x128xf32, #tpu.memory_space<vmem_shared>> -> memref<128x128xf32, #tpu.memory_space<vmem_shared>>
      %dma_start3A_37 = arith.constant 0 : i32
      %dma_start3A_38 = tpu.memref_slice %arg9[%add3A_10, %dma_start3A_37] : memref<10240x128xf32, #tpu.memory_space<vmem_shared>> -> memref<128x128xf32, #tpu.memory_space<vmem_shared>>
      tpu.enqueue_dma source(%arg8 : memref<128x128xf32, #tpu.memory_space<vmem>>) target(%dma_start3A_38 : memref<128x128xf32, #tpu.memory_space<vmem_shared>>) target_semaphore(%run_scoped3A : memref<!tpu.dma_semaphore, #tpu.memory_space<semaphore_mem>>)
      %dma_wait3A = arith.constant 0 : i32
      %dma_wait3A_39 = tpu.memref_slice %arg9[%add3A_10, %dma_wait3A] : memref<10240x128xf32, #tpu.memory_space<vmem_shared>> -> memref<128x128xf32, #tpu.memory_space<vmem_shared>>
      %dma_wait3A_40 = arith.constant 0 : i32
      %dma_wait3A_41 = tpu.memref_slice %arg9[%add3A_10, %dma_wait3A_40] : memref<10240x128xf32, #tpu.memory_space<vmem_shared>> -> memref<128x128xf32, #tpu.memory_space<vmem_shared>>
      tpu.wait_dma2 semaphore(%run_scoped3A : memref<!tpu.dma_semaphore, #tpu.memory_space<semaphore_mem>>) src(%arg8 : memref<128x128xf32, #tpu.memory_space<vmem>>) dst(%dma_wait3A_41 : memref<128x128xf32, #tpu.memory_space<vmem_shared>>)
      tpu.yield
    }) : () -> ()
    %add3A_11 = arith.constant 128 : i32
    %add3A_12 = arith.addi %mul3A_8, %add3A_11 : i32
    "tpu.region"() ({
      %run_scoped3A = tpu.sem_alloc : memref<!tpu.dma_semaphore, #tpu.memory_space<semaphore_mem>>
      %dma_start3A = arith.constant 0 : i32
      %dma_start3A_36 = tpu.memref_slice %arg9[%add3A_12, %dma_start3A] : memref<10240x128xf32, #tpu.memory_space<vmem_shared>> -> memref<128x128xf32, #tpu.memory_space<vmem_shared>>
      %dma_start3A_37 = arith.constant 0 : i32
      %dma_start3A_38 = tpu.memref_slice %arg9[%add3A_12, %dma_start3A_37] : memref<10240x128xf32, #tpu.memory_space<vmem_shared>> -> memref<128x128xf32, #tpu.memory_space<vmem_shared>>
      tpu.enqueue_dma source(%arg8 : memref<128x128xf32, #tpu.memory_space<vmem>>) target(%dma_start3A_38 : memref<128x128xf32, #tpu.memory_space<vmem_shared>>) target_semaphore(%run_scoped3A : memref<!tpu.dma_semaphore, #tpu.memory_space<semaphore_mem>>)
      %dma_wait3A = arith.constant 0 : i32
      %dma_wait3A_39 = tpu.memref_slice %arg9[%add3A_12, %dma_wait3A] : memref<10240x128xf32, #tpu.memory_space<vmem_shared>> -> memref<128x128xf32, #tpu.memory_space<vmem_shared>>
      %dma_wait3A_40 = arith.constant 0 : i32
      %dma_wait3A_41 = tpu.memref_slice %arg9[%add3A_12, %dma_wait3A_40] : memref<10240x128xf32, #tpu.memory_space<vmem_shared>> -> memref<128x128xf32, #tpu.memory_space<vmem_shared>>
      tpu.wait_dma2 semaphore(%run_scoped3A : memref<!tpu.dma_semaphore, #tpu.memory_space<semaphore_mem>>) src(%arg8 : memref<128x128xf32, #tpu.memory_space<vmem>>) dst(%dma_wait3A_41 : memref<128x128xf32, #tpu.memory_space<vmem_shared>>)
      tpu.yield
    }) : () -> ()
    %add3A_13 = arith.constant 256 : i32
    %add3A_14 = arith.addi %mul3A_8, %add3A_13 : i32
    "tpu.region"() ({
      %run_scoped3A = tpu.sem_alloc : memref<!tpu.dma_semaphore, #tpu.memory_space<semaphore_mem>>
      %dma_start3A = arith.constant 0 : i32
      %dma_start3A_36 = tpu.memref_slice %arg9[%add3A_14, %dma_start3A] : memref<10240x128xf32, #tpu.memory_space<vmem_shared>> -> memref<128x128xf32, #tpu.memory_space<vmem_shared>>
      %dma_start3A_37 = arith.constant 0 : i32
      %dma_start3A_38 = tpu.memref_slice %arg9[%add3A_14, %dma_start3A_37] : memref<10240x128xf32, #tpu.memory_space<vmem_shared>> -> memref<128x128xf32, #tpu.memory_space<vmem_shared>>
      tpu.enqueue_dma source(%arg8 : memref<128x128xf32, #tpu.memory_space<vmem>>) target(%dma_start3A_38 : memref<128x128xf32, #tpu.memory_space<vmem_shared>>) target_semaphore(%run_scoped3A : memref<!tpu.dma_semaphore, #tpu.memory_space<semaphore_mem>>)
      %dma_wait3A = arith.constant 0 : i32
      %dma_wait3A_39 = tpu.memref_slice %arg9[%add3A_14, %dma_wait3A] : memref<10240x128xf32, #tpu.memory_space<vmem_shared>> -> memref<128x128xf32, #tpu.memory_space<vmem_shared>>
      %dma_wait3A_40 = arith.constant 0 : i32
      %dma_wait3A_41 = tpu.memref_slice %arg9[%add3A_14, %dma_wait3A_40] : memref<10240x128xf32, #tpu.memory_space<vmem_shared>> -> memref<128x128xf32, #tpu.memory_space<vmem_shared>>
      tpu.wait_dma2 semaphore(%run_scoped3A : memref<!tpu.dma_semaphore, #tpu.memory_space<semaphore_mem>>) src(%arg8 : memref<128x128xf32, #tpu.memory_space<vmem>>) dst(%dma_wait3A_41 : memref<128x128xf32, #tpu.memory_space<vmem_shared>>)
      tpu.yield
    }) : () -> ()
    %add3A_15 = arith.constant 384 : i32
    %add3A_16 = arith.addi %mul3A_8, %add3A_15 : i32
    "tpu.region"() ({
      %run_scoped3A = tpu.sem_alloc : memref<!tpu.dma_semaphore, #tpu.memory_space<semaphore_mem>>
      %dma_start3A = arith.constant 0 : i32
      %dma_start3A_36 = tpu.memref_slice %arg9[%add3A_16, %dma_start3A] : memref<10240x128xf32, #tpu.memory_space<vmem_shared>> -> memref<128x128xf32, #tpu.memory_space<vmem_shared>>
      %dma_start3A_37 = arith.constant 0 : i32
      %dma_start3A_38 = tpu.memref_slice %arg9[%add3A_16, %dma_start3A_37] : memref<10240x128xf32, #tpu.memory_space<vmem_shared>> -> memref<128x128xf32, #tpu.memory_space<vmem_shared>>
      tpu.enqueue_dma source(%arg8 : memref<128x128xf32, #tpu.memory_space<vmem>>) target(%dma_start3A_38 : memref<128x128xf32, #tpu.memory_space<vmem_shared>>) target_semaphore(%run_scoped3A : memref<!tpu.dma_semaphore, #tpu.memory_space<semaphore_mem>>)
      %dma_wait3A = arith.constant 0 : i32
      %dma_wait3A_39 = tpu.memref_slice %arg9[%add3A_16, %dma_wait3A] : memref<10240x128xf32, #tpu.memory_space<vmem_shared>> -> memref<128x128xf32, #tpu.memory_space<vmem_shared>>
      %dma_wait3A_40 = arith.constant 0 : i32
      %dma_wait3A_41 = tpu.memref_slice %arg9[%add3A_16, %dma_wait3A_40] : memref<10240x128xf32, #tpu.memory_space<vmem_shared>> -> memref<128x128xf32, #tpu.memory_space<vmem_shared>>
      tpu.wait_dma2 semaphore(%run_scoped3A : memref<!tpu.dma_semaphore, #tpu.memory_space<semaphore_mem>>) src(%arg8 : memref<128x128xf32, #tpu.memory_space<vmem>>) dst(%dma_wait3A_41 : memref<128x128xf32, #tpu.memory_space<vmem_shared>>)
      tpu.yield
    }) : () -> ()
    %add3A_17 = arith.constant 512 : i32
    %add3A_18 = arith.addi %mul3A_8, %add3A_17 : i32
    "tpu.region"() ({
      %run_scoped3A = tpu.sem_alloc : memref<!tpu.dma_semaphore, #tpu.memory_space<semaphore_mem>>
      %dma_start3A = arith.constant 0 : i32
      %dma_start3A_36 = tpu.memref_slice %arg9[%add3A_18, %dma_start3A] : memref<10240x128xf32, #tpu.memory_space<vmem_shared>> -> memref<128x128xf32, #tpu.memory_space<vmem_shared>>
      %dma_start3A_37 = arith.constant 0 : i32
      %dma_start3A_38 = tpu.memref_slice %arg9[%add3A_18, %dma_start3A_37] : memref<10240x128xf32, #tpu.memory_space<vmem_shared>> -> memref<128x128xf32, #tpu.memory_space<vmem_shared>>
      tpu.enqueue_dma source(%arg8 : memref<128x128xf32, #tpu.memory_space<vmem>>) target(%dma_start3A_38 : memref<128x128xf32, #tpu.memory_space<vmem_shared>>) target_semaphore(%run_scoped3A : memref<!tpu.dma_semaphore, #tpu.memory_space<semaphore_mem>>)
      %dma_wait3A = arith.constant 0 : i32
      %dma_wait3A_39 = tpu.memref_slice %arg9[%add3A_18, %dma_wait3A] : memref<10240x128xf32, #tpu.memory_space<vmem_shared>> -> memref<128x128xf32, #tpu.memory_space<vmem_shared>>
      %dma_wait3A_40 = arith.constant 0 : i32
      %dma_wait3A_41 = tpu.memref_slice %arg9[%add3A_18, %dma_wait3A_40] : memref<10240x128xf32, #tpu.memory_space<vmem_shared>> -> memref<128x128xf32, #tpu.memory_space<vmem_shared>>
      tpu.wait_dma2 semaphore(%run_scoped3A : memref<!tpu.dma_semaphore, #tpu.memory_space<semaphore_mem>>) src(%arg8 : memref<128x128xf32, #tpu.memory_space<vmem>>) dst(%dma_wait3A_41 : memref<128x128xf32, #tpu.memory_space<vmem_shared>>)
      tpu.yield
    }) : () -> ()
    %barrier3A = arith.constant 0 : index
    tpu.barrier barrier_id(%barrier3A)
    %scan3A_19 = arith.constant 0 : i32
    %scan3A_20 = arith.constant 0 : i32
    %scan3A_21 = arith.constant 79 : i32
    %scan3A_22 = arith.addi %scan3A_20, %scan3A_21 : i32
    %scan3A_23 = arith.constant 1 : i32
    scf.for %scan3A_36 = %scan3A_20 to %scan3A_22 step %scan3A_23  : i32 {
      %mul3A_37 = arith.constant 79 : i32
      %mul3A_38 = arith.muli %add3A, %mul3A_37 : i32
      %add3A_39 = arith.addi %mul3A_38, %scan3A_36 : i32
      %mul3A_40 = arith.constant 128 : i32
      %mul3A_41 = arith.muli %add3A_39, %mul3A_40 : i32
      "tpu.region"() ({
        %run_scoped3A = tpu.sem_alloc : memref<!tpu.dma_semaphore, #tpu.memory_space<semaphore_mem>>
        %dma_start3A_46 = tpu.memref_slice %arg3[%mul3A_41] : memref<323584xi32, #tpu.memory_space<hbm>> -> memref<128xi32, #tpu.memory_space<hbm>>
        %dma_start3A_47 = tpu.memref_slice %arg3[%mul3A_41] : memref<323584xi32, #tpu.memory_space<hbm>> -> memref<128xi32, #tpu.memory_space<hbm>>
        tpu.enqueue_dma source(%dma_start3A_47 : memref<128xi32, #tpu.memory_space<hbm>>) target(%arg6 : memref<128xi32, #tpu.memory_space<vmem>>) target_semaphore(%run_scoped3A : memref<!tpu.dma_semaphore, #tpu.memory_space<semaphore_mem>>)
        %dma_wait3A_48 = tpu.memref_slice %arg3[%mul3A_41] : memref<323584xi32, #tpu.memory_space<hbm>> -> memref<128xi32, #tpu.memory_space<hbm>>
        %dma_wait3A_49 = tpu.memref_slice %arg3[%mul3A_41] : memref<323584xi32, #tpu.memory_space<hbm>> -> memref<128xi32, #tpu.memory_space<hbm>>
        tpu.wait_dma2 semaphore(%run_scoped3A : memref<!tpu.dma_semaphore, #tpu.memory_space<semaphore_mem>>) src(%dma_wait3A_49 : memref<128xi32, #tpu.memory_space<hbm>>) dst(%arg6 : memref<128xi32, #tpu.memory_space<vmem>>)
        tpu.yield
      }) : () -> ()
      "tpu.region"() ({
        %run_scoped3A = tpu.sem_alloc : memref<!tpu.dma_semaphore, #tpu.memory_space<semaphore_mem>>
        %dma_start3A_46 = tpu.memref_slice %arg4[%mul3A_41] : memref<323584xi32, #tpu.memory_space<hbm>> -> memref<128xi32, #tpu.memory_space<hbm>>
        %dma_start3A_47 = tpu.memref_slice %arg4[%mul3A_41] : memref<323584xi32, #tpu.memory_space<hbm>> -> memref<128xi32, #tpu.memory_space<hbm>>
        tpu.enqueue_dma source(%dma_start3A_47 : memref<128xi32, #tpu.memory_space<hbm>>) target(%arg7 : memref<128xi32, #tpu.memory_space<vmem>>) target_semaphore(%run_scoped3A : memref<!tpu.dma_semaphore, #tpu.memory_space<semaphore_mem>>)
        %dma_wait3A_48 = tpu.memref_slice %arg4[%mul3A_41] : memref<323584xi32, #tpu.memory_space<hbm>> -> memref<128xi32, #tpu.memory_space<hbm>>
        %dma_wait3A_49 = tpu.memref_slice %arg4[%mul3A_41] : memref<323584xi32, #tpu.memory_space<hbm>> -> memref<128xi32, #tpu.memory_space<hbm>>
        tpu.wait_dma2 semaphore(%run_scoped3A : memref<!tpu.dma_semaphore, #tpu.memory_space<semaphore_mem>>) src(%dma_wait3A_49 : memref<128xi32, #tpu.memory_space<hbm>>) dst(%arg7 : memref<128xi32, #tpu.memory_space<vmem>>)
        tpu.yield
      }) : () -> ()
      %dma_start3A = arith.constant 0 : i32
      %dma_start3A_42 = arith.constant 0 : i32
      %dma_start3A_43 = tpu.memref_slice %arg2[%dma_start3A, %dma_start3A_42] : memref<10000x128xf32, #tpu.memory_space<hbm>> -> memref<10000x128xf32, #tpu.memory_space<hbm>>
      tpu.enqueue_indirect_dma source(%dma_start3A_43 : memref<10000x128xf32, #tpu.memory_space<hbm>>) target(%arg8 : memref<128x128xf32, #tpu.memory_space<vmem>>) offsets(%arg6 : memref<128xi32, #tpu.memory_space<vmem>>) semaphore(%arg10 : memref<!tpu.dma_semaphore, #tpu.memory_space<semaphore_mem>>)
      %dma_wait3A = arith.constant 0 : i32
      %dma_wait3A_44 = arith.constant 0 : i32
      %dma_wait3A_45 = tpu.memref_slice %arg2[%dma_wait3A, %dma_wait3A_44] : memref<10000x128xf32, #tpu.memory_space<hbm>> -> memref<10000x128xf32, #tpu.memory_space<hbm>>
      tpu.wait_indirect_dma semaphore(%arg10 : memref<!tpu.dma_semaphore, #tpu.memory_space<semaphore_mem>>) src(%dma_wait3A_45 : memref<10000x128xf32, #tpu.memory_space<hbm>>) dst(%arg8 : memref<128x128xf32, #tpu.memory_space<vmem>>)
      "tpu.region"() ({
        %run_scoped3A = tpu.sem_alloc : memref<!tpu.dma_semaphore, #tpu.memory_space<semaphore_mem>>
        %dma_start3A_46 = arith.constant 0 : i32
        %dma_start3A_47 = arith.constant 0 : i32
        %dma_start3A_48 = tpu.memref_slice %arg9[%dma_start3A_46, %dma_start3A_47] : memref<10240x128xf32, #tpu.memory_space<vmem_shared>> -> memref<10240x128xf32, #tpu.memory_space<vmem_shared>>
        tpu.enqueue_indirect_dma source(%arg8 : memref<128x128xf32, #tpu.memory_space<vmem>>) target(%dma_start3A_48 : memref<10240x128xf32, #tpu.memory_space<vmem_shared>>) offsets(%arg7 : memref<128xi32, #tpu.memory_space<vmem>>) semaphore(%run_scoped3A : memref<!tpu.dma_semaphore, #tpu.memory_space<semaphore_mem>>) {add = true}
        %dma_wait3A_49 = arith.constant 0 : i32
        %dma_wait3A_50 = arith.constant 0 : i32
        %dma_wait3A_51 = tpu.memref_slice %arg9[%dma_wait3A_49, %dma_wait3A_50] : memref<10240x128xf32, #tpu.memory_space<vmem_shared>> -> memref<10240x128xf32, #tpu.memory_space<vmem_shared>>
        tpu.wait_indirect_dma semaphore(%run_scoped3A : memref<!tpu.dma_semaphore, #tpu.memory_space<semaphore_mem>>) src(%arg8 : memref<128x128xf32, #tpu.memory_space<vmem>>) dst(%dma_wait3A_51 : memref<10240x128xf32, #tpu.memory_space<vmem_shared>>)
        tpu.yield
      }) : () -> ()
    }
    %scan3A_24 = arith.constant 79 : i32
    %barrier3A_25 = arith.constant 0 : index
    tpu.barrier barrier_id(%barrier3A_25)
    %add3A_26 = arith.constant 0 : i32
    %add3A_27 = arith.addi %mul3A_8, %add3A_26 : i32
    "tpu.region"() ({
      %run_scoped3A = tpu.sem_alloc : memref<!tpu.dma_semaphore, #tpu.memory_space<semaphore_mem>>
      %dma_start3A = arith.constant 0 : i32
      %dma_start3A_36 = tpu.memref_slice %arg9[%add3A_27, %dma_start3A] : memref<10240x128xf32, #tpu.memory_space<vmem_shared>> -> memref<128x128xf32, #tpu.memory_space<vmem_shared>>
      %dma_start3A_37 = arith.constant 0 : i32
      %dma_start3A_38 = tpu.memref_slice %arg9[%add3A_27, %dma_start3A_37] : memref<10240x128xf32, #tpu.memory_space<vmem_shared>> -> memref<128x128xf32, #tpu.memory_space<vmem_shared>>
      tpu.enqueue_dma source(%dma_start3A_38 : memref<128x128xf32, #tpu.memory_space<vmem_shared>>) target(%arg8 : memref<128x128xf32, #tpu.memory_space<vmem>>) target_semaphore(%run_scoped3A : memref<!tpu.dma_semaphore, #tpu.memory_space<semaphore_mem>>)
      %dma_wait3A = arith.constant 0 : i32
      %dma_wait3A_39 = tpu.memref_slice %arg9[%add3A_27, %dma_wait3A] : memref<10240x128xf32, #tpu.memory_space<vmem_shared>> -> memref<128x128xf32, #tpu.memory_space<vmem_shared>>
      %dma_wait3A_40 = arith.constant 0 : i32
      %dma_wait3A_41 = tpu.memref_slice %arg9[%add3A_27, %dma_wait3A_40] : memref<10240x128xf32, #tpu.memory_space<vmem_shared>> -> memref<128x128xf32, #tpu.memory_space<vmem_shared>>
      tpu.wait_dma2 semaphore(%run_scoped3A : memref<!tpu.dma_semaphore, #tpu.memory_space<semaphore_mem>>) src(%dma_wait3A_41 : memref<128x128xf32, #tpu.memory_space<vmem_shared>>) dst(%arg8 : memref<128x128xf32, #tpu.memory_space<vmem>>)
      tpu.yield
    }) : () -> ()
    "tpu.region"() ({
      %run_scoped3A = tpu.sem_alloc : memref<!tpu.dma_semaphore, #tpu.memory_space<semaphore_mem>>
      %dma_start3A = arith.constant 0 : i32
      %dma_start3A_36 = tpu.memref_slice %arg5[%arg0, %add3A_27, %dma_start3A] : memref<2x10240x128xf32, #tpu.memory_space<hbm>> -> memref<1x128x128xf32, #tpu.memory_space<hbm>>
      %dma_start3A_37 = tpu.memref_squeeze %dma_start3A_36 : memref<1x128x128xf32, #tpu.memory_space<hbm>> -> memref<128x128xf32, #tpu.memory_space<hbm>>
      %dma_start3A_38 = arith.constant 0 : i32
      %dma_start3A_39 = tpu.memref_slice %arg5[%arg0, %add3A_27, %dma_start3A_38] : memref<2x10240x128xf32, #tpu.memory_space<hbm>> -> memref<1x128x128xf32, #tpu.memory_space<hbm>>
      %dma_start3A_40 = tpu.memref_squeeze %dma_start3A_39 : memref<1x128x128xf32, #tpu.memory_space<hbm>> -> memref<128x128xf32, #tpu.memory_space<hbm>>
      tpu.enqueue_dma source(%arg8 : memref<128x128xf32, #tpu.memory_space<vmem>>) target(%dma_start3A_40 : memref<128x128xf32, #tpu.memory_space<hbm>>) target_semaphore(%run_scoped3A : memref<!tpu.dma_semaphore, #tpu.memory_space<semaphore_mem>>)
      %dma_wait3A = arith.constant 0 : i32
      %dma_wait3A_41 = tpu.memref_slice %arg5[%arg0, %add3A_27, %dma_wait3A] : memref<2x10240x128xf32, #tpu.memory_space<hbm>> -> memref<1x128x128xf32, #tpu.memory_space<hbm>>
      %dma_wait3A_42 = tpu.memref_squeeze %dma_wait3A_41 : memref<1x128x128xf32, #tpu.memory_space<hbm>> -> memref<128x128xf32, #tpu.memory_space<hbm>>
      %dma_wait3A_43 = arith.constant 0 : i32
      %dma_wait3A_44 = tpu.memref_slice %arg5[%arg0, %add3A_27, %dma_wait3A_43] : memref<2x10240x128xf32, #tpu.memory_space<hbm>> -> memref<1x128x128xf32, #tpu.memory_space<hbm>>
      %dma_wait3A_45 = tpu.memref_squeeze %dma_wait3A_44 : memref<1x128x128xf32, #tpu.memory_space<hbm>> -> memref<128x128xf32, #tpu.memory_space<hbm>>
      tpu.wait_dma2 semaphore(%run_scoped3A : memref<!tpu.dma_semaphore, #tpu.memory_space<semaphore_mem>>) src(%arg8 : memref<128x128xf32, #tpu.memory_space<vmem>>) dst(%dma_wait3A_45 : memref<128x128xf32, #tpu.memory_space<hbm>>)
      tpu.yield
    }) : () -> ()
    %add3A_28 = arith.constant 128 : i32
    %add3A_29 = arith.addi %mul3A_8, %add3A_28 : i32
    "tpu.region"() ({
      %run_scoped3A = tpu.sem_alloc : memref<!tpu.dma_semaphore, #tpu.memory_space<semaphore_mem>>
      %dma_start3A = arith.constant 0 : i32
      %dma_start3A_36 = tpu.memref_slice %arg9[%add3A_29, %dma_start3A] : memref<10240x128xf32, #tpu.memory_space<vmem_shared>> -> memref<128x128xf32, #tpu.memory_space<vmem_shared>>
      %dma_start3A_37 = arith.constant 0 : i32
      %dma_start3A_38 = tpu.memref_slice %arg9[%add3A_29, %dma_start3A_37] : memref<10240x128xf32, #tpu.memory_space<vmem_shared>> -> memref<128x128xf32, #tpu.memory_space<vmem_shared>>
      tpu.enqueue_dma source(%dma_start3A_38 : memref<128x128xf32, #tpu.memory_space<vmem_shared>>) target(%arg8 : memref<128x128xf32, #tpu.memory_space<vmem>>) target_semaphore(%run_scoped3A : memref<!tpu.dma_semaphore, #tpu.memory_space<semaphore_mem>>)
      %dma_wait3A = arith.constant 0 : i32
      %dma_wait3A_39 = tpu.memref_slice %arg9[%add3A_29, %dma_wait3A] : memref<10240x128xf32, #tpu.memory_space<vmem_shared>> -> memref<128x128xf32, #tpu.memory_space<vmem_shared>>
      %dma_wait3A_40 = arith.constant 0 : i32
      %dma_wait3A_41 = tpu.memref_slice %arg9[%add3A_29, %dma_wait3A_40] : memref<10240x128xf32, #tpu.memory_space<vmem_shared>> -> memref<128x128xf32, #tpu.memory_space<vmem_shared>>
      tpu.wait_dma2 semaphore(%run_scoped3A : memref<!tpu.dma_semaphore, #tpu.memory_space<semaphore_mem>>) src(%dma_wait3A_41 : memref<128x128xf32, #tpu.memory_space<vmem_shared>>) dst(%arg8 : memref<128x128xf32, #tpu.memory_space<vmem>>)
      tpu.yield
    }) : () -> ()
    "tpu.region"() ({
      %run_scoped3A = tpu.sem_alloc : memref<!tpu.dma_semaphore, #tpu.memory_space<semaphore_mem>>
      %dma_start3A = arith.constant 0 : i32
      %dma_start3A_36 = tpu.memref_slice %arg5[%arg0, %add3A_29, %dma_start3A] : memref<2x10240x128xf32, #tpu.memory_space<hbm>> -> memref<1x128x128xf32, #tpu.memory_space<hbm>>
      %dma_start3A_37 = tpu.memref_squeeze %dma_start3A_36 : memref<1x128x128xf32, #tpu.memory_space<hbm>> -> memref<128x128xf32, #tpu.memory_space<hbm>>
      %dma_start3A_38 = arith.constant 0 : i32
      %dma_start3A_39 = tpu.memref_slice %arg5[%arg0, %add3A_29, %dma_start3A_38] : memref<2x10240x128xf32, #tpu.memory_space<hbm>> -> memref<1x128x128xf32, #tpu.memory_space<hbm>>
      %dma_start3A_40 = tpu.memref_squeeze %dma_start3A_39 : memref<1x128x128xf32, #tpu.memory_space<hbm>> -> memref<128x128xf32, #tpu.memory_space<hbm>>
      tpu.enqueue_dma source(%arg8 : memref<128x128xf32, #tpu.memory_space<vmem>>) target(%dma_start3A_40 : memref<128x128xf32, #tpu.memory_space<hbm>>) target_semaphore(%run_scoped3A : memref<!tpu.dma_semaphore, #tpu.memory_space<semaphore_mem>>)
      %dma_wait3A = arith.constant 0 : i32
      %dma_wait3A_41 = tpu.memref_slice %arg5[%arg0, %add3A_29, %dma_wait3A] : memref<2x10240x128xf32, #tpu.memory_space<hbm>> -> memref<1x128x128xf32, #tpu.memory_space<hbm>>
      %dma_wait3A_42 = tpu.memref_squeeze %dma_wait3A_41 : memref<1x128x128xf32, #tpu.memory_space<hbm>> -> memref<128x128xf32, #tpu.memory_space<hbm>>
      %dma_wait3A_43 = arith.constant 0 : i32
      %dma_wait3A_44 = tpu.memref_slice %arg5[%arg0, %add3A_29, %dma_wait3A_43] : memref<2x10240x128xf32, #tpu.memory_space<hbm>> -> memref<1x128x128xf32, #tpu.memory_space<hbm>>
      %dma_wait3A_45 = tpu.memref_squeeze %dma_wait3A_44 : memref<1x128x128xf32, #tpu.memory_space<hbm>> -> memref<128x128xf32, #tpu.memory_space<hbm>>
      tpu.wait_dma2 semaphore(%run_scoped3A : memref<!tpu.dma_semaphore, #tpu.memory_space<semaphore_mem>>) src(%arg8 : memref<128x128xf32, #tpu.memory_space<vmem>>) dst(%dma_wait3A_45 : memref<128x128xf32, #tpu.memory_space<hbm>>)
      tpu.yield
    }) : () -> ()
    %add3A_30 = arith.constant 256 : i32
    %add3A_31 = arith.addi %mul3A_8, %add3A_30 : i32
    "tpu.region"() ({
      %run_scoped3A = tpu.sem_alloc : memref<!tpu.dma_semaphore, #tpu.memory_space<semaphore_mem>>
      %dma_start3A = arith.constant 0 : i32
      %dma_start3A_36 = tpu.memref_slice %arg9[%add3A_31, %dma_start3A] : memref<10240x128xf32, #tpu.memory_space<vmem_shared>> -> memref<128x128xf32, #tpu.memory_space<vmem_shared>>
      %dma_start3A_37 = arith.constant 0 : i32
      %dma_start3A_38 = tpu.memref_slice %arg9[%add3A_31, %dma_start3A_37] : memref<10240x128xf32, #tpu.memory_space<vmem_shared>> -> memref<128x128xf32, #tpu.memory_space<vmem_shared>>
      tpu.enqueue_dma source(%dma_start3A_38 : memref<128x128xf32, #tpu.memory_space<vmem_shared>>) target(%arg8 : memref<128x128xf32, #tpu.memory_space<vmem>>) target_semaphore(%run_scoped3A : memref<!tpu.dma_semaphore, #tpu.memory_space<semaphore_mem>>)
      %dma_wait3A = arith.constant 0 : i32
      %dma_wait3A_39 = tpu.memref_slice %arg9[%add3A_31, %dma_wait3A] : memref<10240x128xf32, #tpu.memory_space<vmem_shared>> -> memref<128x128xf32, #tpu.memory_space<vmem_shared>>
      %dma_wait3A_40 = arith.constant 0 : i32
      %dma_wait3A_41 = tpu.memref_slice %arg9[%add3A_31, %dma_wait3A_40] : memref<10240x128xf32, #tpu.memory_space<vmem_shared>> -> memref<128x128xf32, #tpu.memory_space<vmem_shared>>
      tpu.wait_dma2 semaphore(%run_scoped3A : memref<!tpu.dma_semaphore, #tpu.memory_space<semaphore_mem>>) src(%dma_wait3A_41 : memref<128x128xf32, #tpu.memory_space<vmem_shared>>) dst(%arg8 : memref<128x128xf32, #tpu.memory_space<vmem>>)
      tpu.yield
    }) : () -> ()
    "tpu.region"() ({
      %run_scoped3A = tpu.sem_alloc : memref<!tpu.dma_semaphore, #tpu.memory_space<semaphore_mem>>
      %dma_start3A = arith.constant 0 : i32
      %dma_start3A_36 = tpu.memref_slice %arg5[%arg0, %add3A_31, %dma_start3A] : memref<2x10240x128xf32, #tpu.memory_space<hbm>> -> memref<1x128x128xf32, #tpu.memory_space<hbm>>
      %dma_start3A_37 = tpu.memref_squeeze %dma_start3A_36 : memref<1x128x128xf32, #tpu.memory_space<hbm>> -> memref<128x128xf32, #tpu.memory_space<hbm>>
      %dma_start3A_38 = arith.constant 0 : i32
      %dma_start3A_39 = tpu.memref_slice %arg5[%arg0, %add3A_31, %dma_start3A_38] : memref<2x10240x128xf32, #tpu.memory_space<hbm>> -> memref<1x128x128xf32, #tpu.memory_space<hbm>>
      %dma_start3A_40 = tpu.memref_squeeze %dma_start3A_39 : memref<1x128x128xf32, #tpu.memory_space<hbm>> -> memref<128x128xf32, #tpu.memory_space<hbm>>
      tpu.enqueue_dma source(%arg8 : memref<128x128xf32, #tpu.memory_space<vmem>>) target(%dma_start3A_40 : memref<128x128xf32, #tpu.memory_space<hbm>>) target_semaphore(%run_scoped3A : memref<!tpu.dma_semaphore, #tpu.memory_space<semaphore_mem>>)
      %dma_wait3A = arith.constant 0 : i32
      %dma_wait3A_41 = tpu.memref_slice %arg5[%arg0, %add3A_31, %dma_wait3A] : memref<2x10240x128xf32, #tpu.memory_space<hbm>> -> memref<1x128x128xf32, #tpu.memory_space<hbm>>
      %dma_wait3A_42 = tpu.memref_squeeze %dma_wait3A_41 : memref<1x128x128xf32, #tpu.memory_space<hbm>> -> memref<128x128xf32, #tpu.memory_space<hbm>>
      %dma_wait3A_43 = arith.constant 0 : i32
      %dma_wait3A_44 = tpu.memref_slice %arg5[%arg0, %add3A_31, %dma_wait3A_43] : memref<2x10240x128xf32, #tpu.memory_space<hbm>> -> memref<1x128x128xf32, #tpu.memory_space<hbm>>
      %dma_wait3A_45 = tpu.memref_squeeze %dma_wait3A_44 : memref<1x128x128xf32, #tpu.memory_space<hbm>> -> memref<128x128xf32, #tpu.memory_space<hbm>>
      tpu.wait_dma2 semaphore(%run_scoped3A : memref<!tpu.dma_semaphore, #tpu.memory_space<semaphore_mem>>) src(%arg8 : memref<128x128xf32, #tpu.memory_space<vmem>>) dst(%dma_wait3A_45 : memref<128x128xf32, #tpu.memory_space<hbm>>)
      tpu.yield
    }) : () -> ()
    %add3A_32 = arith.constant 384 : i32
    %add3A_33 = arith.addi %mul3A_8, %add3A_32 : i32
    "tpu.region"() ({
      %run_scoped3A = tpu.sem_alloc : memref<!tpu.dma_semaphore, #tpu.memory_space<semaphore_mem>>
      %dma_start3A = arith.constant 0 : i32
      %dma_start3A_36 = tpu.memref_slice %arg9[%add3A_33, %dma_start3A] : memref<10240x128xf32, #tpu.memory_space<vmem_shared>> -> memref<128x128xf32, #tpu.memory_space<vmem_shared>>
      %dma_start3A_37 = arith.constant 0 : i32
      %dma_start3A_38 = tpu.memref_slice %arg9[%add3A_33, %dma_start3A_37] : memref<10240x128xf32, #tpu.memory_space<vmem_shared>> -> memref<128x128xf32, #tpu.memory_space<vmem_shared>>
      tpu.enqueue_dma source(%dma_start3A_38 : memref<128x128xf32, #tpu.memory_space<vmem_shared>>) target(%arg8 : memref<128x128xf32, #tpu.memory_space<vmem>>) target_semaphore(%run_scoped3A : memref<!tpu.dma_semaphore, #tpu.memory_space<semaphore_mem>>)
      %dma_wait3A = arith.constant 0 : i32
      %dma_wait3A_39 = tpu.memref_slice %arg9[%add3A_33, %dma_wait3A] : memref<10240x128xf32, #tpu.memory_space<vmem_shared>> -> memref<128x128xf32, #tpu.memory_space<vmem_shared>>
      %dma_wait3A_40 = arith.constant 0 : i32
      %dma_wait3A_41 = tpu.memref_slice %arg9[%add3A_33, %dma_wait3A_40] : memref<10240x128xf32, #tpu.memory_space<vmem_shared>> -> memref<128x128xf32, #tpu.memory_space<vmem_shared>>
      tpu.wait_dma2 semaphore(%run_scoped3A : memref<!tpu.dma_semaphore, #tpu.memory_space<semaphore_mem>>) src(%dma_wait3A_41 : memref<128x128xf32, #tpu.memory_space<vmem_shared>>) dst(%arg8 : memref<128x128xf32, #tpu.memory_space<vmem>>)
      tpu.yield
    }) : () -> ()
    "tpu.region"() ({
      %run_scoped3A = tpu.sem_alloc : memref<!tpu.dma_semaphore, #tpu.memory_space<semaphore_mem>>
      %dma_start3A = arith.constant 0 : i32
      %dma_start3A_36 = tpu.memref_slice %arg5[%arg0, %add3A_33, %dma_start3A] : memref<2x10240x128xf32, #tpu.memory_space<hbm>> -> memref<1x128x128xf32, #tpu.memory_space<hbm>>
      %dma_start3A_37 = tpu.memref_squeeze %dma_start3A_36 : memref<1x128x128xf32, #tpu.memory_space<hbm>> -> memref<128x128xf32, #tpu.memory_space<hbm>>
      %dma_start3A_38 = arith.constant 0 : i32
      %dma_start3A_39 = tpu.memref_slice %arg5[%arg0, %add3A_33, %dma_start3A_38] : memref<2x10240x128xf32, #tpu.memory_space<hbm>> -> memref<1x128x128xf32, #tpu.memory_space<hbm>>
      %dma_start3A_40 = tpu.memref_squeeze %dma_start3A_39 : memref<1x128x128xf32, #tpu.memory_space<hbm>> -> memref<128x128xf32, #tpu.memory_space<hbm>>
      tpu.enqueue_dma source(%arg8 : memref<128x128xf32, #tpu.memory_space<vmem>>) target(%dma_start3A_40 : memref<128x128xf32, #tpu.memory_space<hbm>>) target_semaphore(%run_scoped3A : memref<!tpu.dma_semaphore, #tpu.memory_space<semaphore_mem>>)
      %dma_wait3A = arith.constant 0 : i32
      %dma_wait3A_41 = tpu.memref_slice %arg5[%arg0, %add3A_33, %dma_wait3A] : memref<2x10240x128xf32, #tpu.memory_space<hbm>> -> memref<1x128x128xf32, #tpu.memory_space<hbm>>
      %dma_wait3A_42 = tpu.memref_squeeze %dma_wait3A_41 : memref<1x128x128xf32, #tpu.memory_space<hbm>> -> memref<128x128xf32, #tpu.memory_space<hbm>>
      %dma_wait3A_43 = arith.constant 0 : i32
      %dma_wait3A_44 = tpu.memref_slice %arg5[%arg0, %add3A_33, %dma_wait3A_43] : memref<2x10240x128xf32, #tpu.memory_space<hbm>> -> memref<1x128x128xf32, #tpu.memory_space<hbm>>
      %dma_wait3A_45 = tpu.memref_squeeze %dma_wait3A_44 : memref<1x128x128xf32, #tpu.memory_space<hbm>> -> memref<128x128xf32, #tpu.memory_space<hbm>>
      tpu.wait_dma2 semaphore(%run_scoped3A : memref<!tpu.dma_semaphore, #tpu.memory_space<semaphore_mem>>) src(%arg8 : memref<128x128xf32, #tpu.memory_space<vmem>>) dst(%dma_wait3A_45 : memref<128x128xf32, #tpu.memory_space<hbm>>)
      tpu.yield
    }) : () -> ()
    %add3A_34 = arith.constant 512 : i32
    %add3A_35 = arith.addi %mul3A_8, %add3A_34 : i32
    "tpu.region"() ({
      %run_scoped3A = tpu.sem_alloc : memref<!tpu.dma_semaphore, #tpu.memory_space<semaphore_mem>>
      %dma_start3A = arith.constant 0 : i32
      %dma_start3A_36 = tpu.memref_slice %arg9[%add3A_35, %dma_start3A] : memref<10240x128xf32, #tpu.memory_space<vmem_shared>> -> memref<128x128xf32, #tpu.memory_space<vmem_shared>>
      %dma_start3A_37 = arith.constant 0 : i32
      %dma_start3A_38 = tpu.memref_slice %arg9[%add3A_35, %dma_start3A_37] : memref<10240x128xf32, #tpu.memory_space<vmem_shared>> -> memref<128x128xf32, #tpu.memory_space<vmem_shared>>
      tpu.enqueue_dma source(%dma_start3A_38 : memref<128x128xf32, #tpu.memory_space<vmem_shared>>) target(%arg8 : memref<128x128xf32, #tpu.memory_space<vmem>>) target_semaphore(%run_scoped3A : memref<!tpu.dma_semaphore, #tpu.memory_space<semaphore_mem>>)
      %dma_wait3A = arith.constant 0 : i32
      %dma_wait3A_39 = tpu.memref_slice %arg9[%add3A_35, %dma_wait3A] : memref<10240x128xf32, #tpu.memory_space<vmem_shared>> -> memref<128x128xf32, #tpu.memory_space<vmem_shared>>
      %dma_wait3A_40 = arith.constant 0 : i32
      %dma_wait3A_41 = tpu.memref_slice %arg9[%add3A_35, %dma_wait3A_40] : memref<10240x128xf32, #tpu.memory_space<vmem_shared>> -> memref<128x128xf32, #tpu.memory_space<vmem_shared>>
      tpu.wait_dma2 semaphore(%run_scoped3A : memref<!tpu.dma_semaphore, #tpu.memory_space<semaphore_mem>>) src(%dma_wait3A_41 : memref<128x128xf32, #tpu.memory_space<vmem_shared>>) dst(%arg8 : memref<128x128xf32, #tpu.memory_space<vmem>>)
      tpu.yield
    }) : () -> ()
    "tpu.region"() ({
      %run_scoped3A = tpu.sem_alloc : memref<!tpu.dma_semaphore, #tpu.memory_space<semaphore_mem>>
      %dma_start3A = arith.constant 0 : i32
      %dma_start3A_36 = tpu.memref_slice %arg5[%arg0, %add3A_35, %dma_start3A] : memref<2x10240x128xf32, #tpu.memory_space<hbm>> -> memref<1x128x128xf32, #tpu.memory_space<hbm>>
      %dma_start3A_37 = tpu.memref_squeeze %dma_start3A_36 : memref<1x128x128xf32, #tpu.memory_space<hbm>> -> memref<128x128xf32, #tpu.memory_space<hbm>>
      %dma_start3A_38 = arith.constant 0 : i32
      %dma_start3A_39 = tpu.memref_slice %arg5[%arg0, %add3A_35, %dma_start3A_38] : memref<2x10240x128xf32, #tpu.memory_space<hbm>> -> memref<1x128x128xf32, #tpu.memory_space<hbm>>
      %dma_start3A_40 = tpu.memref_squeeze %dma_start3A_39 : memref<1x128x128xf32, #tpu.memory_space<hbm>> -> memref<128x128xf32, #tpu.memory_space<hbm>>
      tpu.enqueue_dma source(%arg8 : memref<128x128xf32, #tpu.memory_space<vmem>>) target(%dma_start3A_40 : memref<128x128xf32, #tpu.memory_space<hbm>>) target_semaphore(%run_scoped3A : memref<!tpu.dma_semaphore, #tpu.memory_space<semaphore_mem>>)
      %dma_wait3A = arith.constant 0 : i32
      %dma_wait3A_41 = tpu.memref_slice %arg5[%arg0, %add3A_35, %dma_wait3A] : memref<2x10240x128xf32, #tpu.memory_space<hbm>> -> memref<1x128x128xf32, #tpu.memory_space<hbm>>
      %dma_wait3A_42 = tpu.memref_squeeze %dma_wait3A_41 : memref<1x128x128xf32, #tpu.memory_space<hbm>> -> memref<128x128xf32, #tpu.memory_space<hbm>>
      %dma_wait3A_43 = arith.constant 0 : i32
      %dma_wait3A_44 = tpu.memref_slice %arg5[%arg0, %add3A_35, %dma_wait3A_43] : memref<2x10240x128xf32, #tpu.memory_space<hbm>> -> memref<1x128x128xf32, #tpu.memory_space<hbm>>
      %dma_wait3A_45 = tpu.memref_squeeze %dma_wait3A_44 : memref<1x128x128xf32, #tpu.memory_space<hbm>> -> memref<128x128xf32, #tpu.memory_space<hbm>>
      tpu.wait_dma2 semaphore(%run_scoped3A : memref<!tpu.dma_semaphore, #tpu.memory_space<semaphore_mem>>) src(%arg8 : memref<128x128xf32, #tpu.memory_space<vmem>>) dst(%dma_wait3A_45 : memref<128x128xf32, #tpu.memory_space<hbm>>)
      tpu.yield
    }) : () -> ()
    return
  }
}

#map = affine_map<(d0, d1) -> (0, 0)>
#map1 = affine_map<(d0, d1) -> (0)>
#map2 = affine_map<(d0, d1) -> (0, 0, 0)>
module attributes {stable_mosaic.version = 14 : i64} {
  func.func @body(%arg0: i32, %arg1: i32, %arg2: memref<10000x128xf32, #tpu.memory_space<hbm>>, %arg3: memref<323584xi32, #tpu.memory_space<hbm>>, %arg4: memref<323584xi32, #tpu.memory_space<hbm>>, %arg5: memref<2x10240x128xf32, #tpu.memory_space<hbm>>, %arg6: memref<128xi32, #tpu.memory_space<vmem>>, %arg7: memref<128xi32, #tpu.memory_space<vmem>>, %arg8: memref<128x128xf32, #tpu.memory_space<vmem>>, %arg9: memref<10240x128xf32, #tpu.memory_space<vmem_shared>>, %arg10: memref<!tpu.dma_semaphore, #tpu.memory_space<semaphore_mem>>) attributes {dimension_semantics = [#tpu.dimension_semantics<core_parallel>, #tpu.dimension_semantics<subcore_parallel>], iteration_bounds = array<i64: 2, 16>, scalar_prefetch = 0 : i64, scratch_operands = 5 : i64, tpu.core_type = #tpu.core_type<sc_vector_subcore>, window_params = [{transform_indices = #map}, {transform_indices = #map1}, {transform_indices = #map1}, {transform_indices = #map2}]} {
    %mul3A = arith.constant 2 : i32
    %mul3A_0 = arith.muli %arg1, %mul3A : i32
    %add3A = arith.addi %mul3A_0, %arg0 : i32
    %broadcast_in_dim3A = arith.constant 0.000000e+00 : f32
    %broadcast_in_dim3A_1 = vector.broadcast %broadcast_in_dim3A : f32 to vector<16xf32>
    %scan3A = arith.constant 0 : i32
    %scan3A_2 = arith.constant 0 : i32
    %scan3A_3 = arith.constant 128 : i32
    %scan3A_4 = arith.addi %scan3A_2, %scan3A_3 : i32
    %scan3A_5 = arith.constant 1 : i32
    scf.for %scan3A_36 = %scan3A_2 to %scan3A_4 step %scan3A_5  : i32 {
      %swap3A = arith.index_cast %scan3A_36 : i32 to index
      %swap3A_37 = arith.constant 0 : index
      %swap3A_38 = tpu.vector_load %arg8[%swap3A, %swap3A_37] {strides = array<i32>} : memref<128x128xf32, #tpu.memory_space<vmem>>, vector<1x16xf32>,
      %swap3A_39 = vector.shape_cast %swap3A_38 : vector<1x16xf32> to vector<16xf32>
      %swap3A_40 = vector.shape_cast %broadcast_in_dim3A_1 : vector<16xf32> to vector<1x16xf32>
      tpu.vector_store %arg8[%swap3A, %swap3A_37], %swap3A_40 {strides = array<i32>} : memref<128x128xf32, #tpu.memory_space<vmem>>, vector<1x16xf32>,
      %swap3A_41 = arith.index_cast %scan3A_36 : i32 to index
      %swap3A_42 = arith.constant 16 : index
      %swap3A_43 = tpu.vector_load %arg8[%swap3A_41, %swap3A_42] {strides = array<i32>} : memref<128x128xf32, #tpu.memory_space<vmem>>, vector<1x16xf32>,
      %swap3A_44 = vector.shape_cast %swap3A_43 : vector<1x16xf32> to vector<16xf32>
      %swap3A_45 = vector.shape_cast %broadcast_in_dim3A_1 : vector<16xf32> to vector<1x16xf32>
      tpu.vector_store %arg8[%swap3A_41, %swap3A_42], %swap3A_45 {strides = array<i32>} : memref<128x128xf32, #tpu.memory_space<vmem>>, vector<1x16xf32>,
      %swap3A_46 = arith.index_cast %scan3A_36 : i32 to index
      %swap3A_47 = arith.constant 32 : index
      %swap3A_48 = tpu.vector_load %arg8[%swap3A_46, %swap3A_47] {strides = array<i32>} : memref<128x128xf32, #tpu.memory_space<vmem>>, vector<1x16xf32>,
      %swap3A_49 = vector.shape_cast %swap3A_48 : vector<1x16xf32> to vector<16xf32>
      %swap3A_50 = vector.shape_cast %broadcast_in_dim3A_1 : vector<16xf32> to vector<1x16xf32>
      tpu.vector_store %arg8[%swap3A_46, %swap3A_47], %swap3A_50 {strides = array<i32>} : memref<128x128xf32, #tpu.memory_space<vmem>>, vector<1x16xf32>,
      %swap3A_51 = arith.index_cast %scan3A_36 : i32 to index
      %swap3A_52 = arith.constant 48 : index
      %swap3A_53 = tpu.vector_load %arg8[%swap3A_51, %swap3A_52] {strides = array<i32>} : memref<128x128xf32, #tpu.memory_space<vmem>>, vector<1x16xf32>,
      %swap3A_54 = vector.shape_cast %swap3A_53 : vector<1x16xf32> to vector<16xf32>
      %swap3A_55 = vector.shape_cast %broadcast_in_dim3A_1 : vector<16xf32> to vector<1x16xf32>
      tpu.vector_store %arg8[%swap3A_51, %swap3A_52], %swap3A_55 {strides = array<i32>} : memref<128x128xf32, #tpu.memory_space<vmem>>, vector<1x16xf32>,
      %swap3A_56 = arith.index_cast %scan3A_36 : i32 to index
      %swap3A_57 = arith.constant 64 : index
      %swap3A_58 = tpu.vector_load %arg8[%swap3A_56, %swap3A_57] {strides = array<i32>} : memref<128x128xf32, #tpu.memory_space<vmem>>, vector<1x16xf32>,
      %swap3A_59 = vector.shape_cast %swap3A_58 : vector<1x16xf32> to vector<16xf32>
      %swap3A_60 = vector.shape_cast %broadcast_in_dim3A_1 : vector<16xf32> to vector<1x16xf32>
      tpu.vector_store %arg8[%swap3A_56, %swap3A_57], %swap3A_60 {strides = array<i32>} : memref<128x128xf32, #tpu.memory_space<vmem>>, vector<1x16xf32>,
      %swap3A_61 = arith.index_cast %scan3A_36 : i32 to index
      %swap3A_62 = arith.constant 80 : index
      %swap3A_63 = tpu.vector_load %arg8[%swap3A_61, %swap3A_62] {strides = array<i32>} : memref<128x128xf32, #tpu.memory_space<vmem>>, vector<1x16xf32>,
      %swap3A_64 = vector.shape_cast %swap3A_63 : vector<1x16xf32> to vector<16xf32>
      %swap3A_65 = vector.shape_cast %broadcast_in_dim3A_1 : vector<16xf32> to vector<1x16xf32>
      tpu.vector_store %arg8[%swap3A_61, %swap3A_62], %swap3A_65 {strides = array<i32>} : memref<128x128xf32, #tpu.memory_space<vmem>>, vector<1x16xf32>,
      %swap3A_66 = arith.index_cast %scan3A_36 : i32 to index
      %swap3A_67 = arith.constant 96 : index
      %swap3A_68 = tpu.vector_load %arg8[%swap3A_66, %swap3A_67] {strides = array<i32>} : memref<128x128xf32, #tpu.memory_space<vmem>>, vector<1x16xf32>,
      %swap3A_69 = vector.shape_cast %swap3A_68 : vector<1x16xf32> to vector<16xf32>
      %swap3A_70 = vector.shape_cast %broadcast_in_dim3A_1 : vector<16xf32> to vector<1x16xf32>
      tpu.vector_store %arg8[%swap3A_66, %swap3A_67], %swap3A_70 {strides = array<i32>} : memref<128x128xf32, #tpu.memory_space<vmem>>, vector<1x16xf32>,
      %swap3A_71 = arith.index_cast %scan3A_36 : i32 to index
      %swap3A_72 = arith.constant 112 : index
      %swap3A_73 = tpu.vector_load %arg8[%swap3A_71, %swap3A_72] {strides = array<i32>} : memref<128x128xf32, #tpu.memory_space<vmem>>, vector<1x16xf32>,
      %swap3A_74 = vector.shape_cast %swap3A_73 : vector<1x16xf32> to vector<16xf32>
      %swap3A_75 = vector.shape_cast %broadcast_in_dim3A_1 : vector<16xf32> to vector<1x16xf32>
      tpu.vector_store %arg8[%swap3A_71, %swap3A_72], %swap3A_75 {strides = array<i32>} : memref<128x128xf32, #tpu.memory_space<vmem>>, vector<1x16xf32>,
    }
    %scan3A_6 = arith.constant 128 : i32
    %mul3A_7 = arith.constant 640 : i32
    %mul3A_8 = arith.muli %arg1, %mul3A_7 : i32
    %add3A_9 = arith.constant 0 : i32
    %add3A_10 = arith.addi %mul3A_8, %add3A_9 : i32
    "tpu.region"() ({
      %run_scoped3A = tpu.sem_alloc : memref<!tpu.dma_semaphore, #tpu.memory_space<semaphore_mem>>
      %dma_start3A = arith.constant 0 : i32
      %dma_start3A_36 = tpu.memref_slice %arg9[%add3A_10, %dma_start3A] : memref<10240x128xf32, #tpu.memory_space<vmem_shared>> -> memref<128x128xf32, #tpu.memory_space<vmem_shared>>
      %dma_start3A_37 = arith.constant 0 : i32
      %dma_start3A_38 = tpu.memref_slice %arg9[%add3A_10, %dma_start3A_37] : memref<10240x128xf32, #tpu.memory_space<vmem_shared>> -> memref<128x128xf32, #tpu.memory_space<vmem_shared>>
      tpu.enqueue_dma source(%arg8 : memref<128x128xf32, #tpu.memory_space<vmem>>) target(%dma_start3A_38 : memref<128x128xf32, #tpu.memory_space<vmem_shared>>) target_semaphore(%run_scoped3A : memref<!tpu.dma_semaphore, #tpu.memory_space<semaphore_mem>>)
      %dma_wait3A = arith.constant 0 : i32
      %dma_wait3A_39 = tpu.memref_slice %arg9[%add3A_10, %dma_wait3A] : memref<10240x128xf32, #tpu.memory_space<vmem_shared>> -> memref<128x128xf32, #tpu.memory_space<vmem_shared>>
      %dma_wait3A_40 = arith.constant 0 : i32
      %dma_wait3A_41 = tpu.memref_slice %arg9[%add3A_10, %dma_wait3A_40] : memref<10240x128xf32, #tpu.memory_space<vmem_shared>> -> memref<128x128xf32, #tpu.memory_space<vmem_shared>>
      tpu.wait_dma2 semaphore(%run_scoped3A : memref<!tpu.dma_semaphore, #tpu.memory_space<semaphore_mem>>) src(%arg8 : memref<128x128xf32, #tpu.memory_space<vmem>>) dst(%dma_wait3A_41 : memref<128x128xf32, #tpu.memory_space<vmem_shared>>)
      tpu.yield
    }) : () -> ()
    %add3A_11 = arith.constant 128 : i32
    %add3A_12 = arith.addi %mul3A_8, %add3A_11 : i32
    "tpu.region"() ({
      %run_scoped3A = tpu.sem_alloc : memref<!tpu.dma_semaphore, #tpu.memory_space<semaphore_mem>>
      %dma_start3A = arith.constant 0 : i32
      %dma_start3A_36 = tpu.memref_slice %arg9[%add3A_12, %dma_start3A] : memref<10240x128xf32, #tpu.memory_space<vmem_shared>> -> memref<128x128xf32, #tpu.memory_space<vmem_shared>>
      %dma_start3A_37 = arith.constant 0 : i32
      %dma_start3A_38 = tpu.memref_slice %arg9[%add3A_12, %dma_start3A_37] : memref<10240x128xf32, #tpu.memory_space<vmem_shared>> -> memref<128x128xf32, #tpu.memory_space<vmem_shared>>
      tpu.enqueue_dma source(%arg8 : memref<128x128xf32, #tpu.memory_space<vmem>>) target(%dma_start3A_38 : memref<128x128xf32, #tpu.memory_space<vmem_shared>>) target_semaphore(%run_scoped3A : memref<!tpu.dma_semaphore, #tpu.memory_space<semaphore_mem>>)
      %dma_wait3A = arith.constant 0 : i32
      %dma_wait3A_39 = tpu.memref_slice %arg9[%add3A_12, %dma_wait3A] : memref<10240x128xf32, #tpu.memory_space<vmem_shared>> -> memref<128x128xf32, #tpu.memory_space<vmem_shared>>
      %dma_wait3A_40 = arith.constant 0 : i32
      %dma_wait3A_41 = tpu.memref_slice %arg9[%add3A_12, %dma_wait3A_40] : memref<10240x128xf32, #tpu.memory_space<vmem_shared>> -> memref<128x128xf32, #tpu.memory_space<vmem_shared>>
      tpu.wait_dma2 semaphore(%run_scoped3A : memref<!tpu.dma_semaphore, #tpu.memory_space<semaphore_mem>>) src(%arg8 : memref<128x128xf32, #tpu.memory_space<vmem>>) dst(%dma_wait3A_41 : memref<128x128xf32, #tpu.memory_space<vmem_shared>>)
      tpu.yield
    }) : () -> ()
    %add3A_13 = arith.constant 256 : i32
    %add3A_14 = arith.addi %mul3A_8, %add3A_13 : i32
    "tpu.region"() ({
      %run_scoped3A = tpu.sem_alloc : memref<!tpu.dma_semaphore, #tpu.memory_space<semaphore_mem>>
      %dma_start3A = arith.constant 0 : i32
      %dma_start3A_36 = tpu.memref_slice %arg9[%add3A_14, %dma_start3A] : memref<10240x128xf32, #tpu.memory_space<vmem_shared>> -> memref<128x128xf32, #tpu.memory_space<vmem_shared>>
      %dma_start3A_37 = arith.constant 0 : i32
      %dma_start3A_38 = tpu.memref_slice %arg9[%add3A_14, %dma_start3A_37] : memref<10240x128xf32, #tpu.memory_space<vmem_shared>> -> memref<128x128xf32, #tpu.memory_space<vmem_shared>>
      tpu.enqueue_dma source(%arg8 : memref<128x128xf32, #tpu.memory_space<vmem>>) target(%dma_start3A_38 : memref<128x128xf32, #tpu.memory_space<vmem_shared>>) target_semaphore(%run_scoped3A : memref<!tpu.dma_semaphore, #tpu.memory_space<semaphore_mem>>)
      %dma_wait3A = arith.constant 0 : i32
      %dma_wait3A_39 = tpu.memref_slice %arg9[%add3A_14, %dma_wait3A] : memref<10240x128xf32, #tpu.memory_space<vmem_shared>> -> memref<128x128xf32, #tpu.memory_space<vmem_shared>>
      %dma_wait3A_40 = arith.constant 0 : i32
      %dma_wait3A_41 = tpu.memref_slice %arg9[%add3A_14, %dma_wait3A_40] : memref<10240x128xf32, #tpu.memory_space<vmem_shared>> -> memref<128x128xf32, #tpu.memory_space<vmem_shared>>
      tpu.wait_dma2 semaphore(%run_scoped3A : memref<!tpu.dma_semaphore, #tpu.memory_space<semaphore_mem>>) src(%arg8 : memref<128x128xf32, #tpu.memory_space<vmem>>) dst(%dma_wait3A_41 : memref<128x128xf32, #tpu.memory_space<vmem_shared>>)
      tpu.yield
    }) : () -> ()
    %add3A_15 = arith.constant 384 : i32
    %add3A_16 = arith.addi %mul3A_8, %add3A_15 : i32
    "tpu.region"() ({
      %run_scoped3A = tpu.sem_alloc : memref<!tpu.dma_semaphore, #tpu.memory_space<semaphore_mem>>
      %dma_start3A = arith.constant 0 : i32
      %dma_start3A_36 = tpu.memref_slice %arg9[%add3A_16, %dma_start3A] : memref<10240x128xf32, #tpu.memory_space<vmem_shared>> -> memref<128x128xf32, #tpu.memory_space<vmem_shared>>
      %dma_start3A_37 = arith.constant 0 : i32
      %dma_start3A_38 = tpu.memref_slice %arg9[%add3A_16, %dma_start3A_37] : memref<10240x128xf32, #tpu.memory_space<vmem_shared>> -> memref<128x128xf32, #tpu.memory_space<vmem_shared>>
      tpu.enqueue_dma source(%arg8 : memref<128x128xf32, #tpu.memory_space<vmem>>) target(%dma_start3A_38 : memref<128x128xf32, #tpu.memory_space<vmem_shared>>) target_semaphore(%run_scoped3A : memref<!tpu.dma_semaphore, #tpu.memory_space<semaphore_mem>>)
      %dma_wait3A = arith.constant 0 : i32
      %dma_wait3A_39 = tpu.memref_slice %arg9[%add3A_16, %dma_wait3A] : memref<10240x128xf32, #tpu.memory_space<vmem_shared>> -> memref<128x128xf32, #tpu.memory_space<vmem_shared>>
      %dma_wait3A_40 = arith.constant 0 : i32
      %dma_wait3A_41 = tpu.memref_slice %arg9[%add3A_16, %dma_wait3A_40] : memref<10240x128xf32, #tpu.memory_space<vmem_shared>> -> memref<128x128xf32, #tpu.memory_space<vmem_shared>>
      tpu.wait_dma2 semaphore(%run_scoped3A : memref<!tpu.dma_semaphore, #tpu.memory_space<semaphore_mem>>) src(%arg8 : memref<128x128xf32, #tpu.memory_space<vmem>>) dst(%dma_wait3A_41 : memref<128x128xf32, #tpu.memory_space<vmem_shared>>)
      tpu.yield
    }) : () -> ()
    %add3A_17 = arith.constant 512 : i32
    %add3A_18 = arith.addi %mul3A_8, %add3A_17 : i32
    "tpu.region"() ({
      %run_scoped3A = tpu.sem_alloc : memref<!tpu.dma_semaphore, #tpu.memory_space<semaphore_mem>>
      %dma_start3A = arith.constant 0 : i32
      %dma_start3A_36 = tpu.memref_slice %arg9[%add3A_18, %dma_start3A] : memref<10240x128xf32, #tpu.memory_space<vmem_shared>> -> memref<128x128xf32, #tpu.memory_space<vmem_shared>>
      %dma_start3A_37 = arith.constant 0 : i32
      %dma_start3A_38 = tpu.memref_slice %arg9[%add3A_18, %dma_start3A_37] : memref<10240x128xf32, #tpu.memory_space<vmem_shared>> -> memref<128x128xf32, #tpu.memory_space<vmem_shared>>
      tpu.enqueue_dma source(%arg8 : memref<128x128xf32, #tpu.memory_space<vmem>>) target(%dma_start3A_38 : memref<128x128xf32, #tpu.memory_space<vmem_shared>>) target_semaphore(%run_scoped3A : memref<!tpu.dma_semaphore, #tpu.memory_space<semaphore_mem>>)
      %dma_wait3A = arith.constant 0 : i32
      %dma_wait3A_39 = tpu.memref_slice %arg9[%add3A_18, %dma_wait3A] : memref<10240x128xf32, #tpu.memory_space<vmem_shared>> -> memref<128x128xf32, #tpu.memory_space<vmem_shared>>
      %dma_wait3A_40 = arith.constant 0 : i32
      %dma_wait3A_41 = tpu.memref_slice %arg9[%add3A_18, %dma_wait3A_40] : memref<10240x128xf32, #tpu.memory_space<vmem_shared>> -> memref<128x128xf32, #tpu.memory_space<vmem_shared>>
      tpu.wait_dma2 semaphore(%run_scoped3A : memref<!tpu.dma_semaphore, #tpu.memory_space<semaphore_mem>>) src(%arg8 : memref<128x128xf32, #tpu.memory_space<vmem>>) dst(%dma_wait3A_41 : memref<128x128xf32, #tpu.memory_space<vmem_shared>>)
      tpu.yield
    }) : () -> ()
    %barrier3A = arith.constant 0 : index
    tpu.barrier barrier_id(%barrier3A)
    %scan3A_19 = arith.constant 0 : i32
    %scan3A_20 = arith.constant 0 : i32
    %scan3A_21 = arith.constant 79 : i32
    %scan3A_22 = arith.addi %scan3A_20, %scan3A_21 : i32
    %scan3A_23 = arith.constant 1 : i32
    scf.for %scan3A_36 = %scan3A_20 to %scan3A_22 step %scan3A_23  : i32 {
      %mul3A_37 = arith.constant 79 : i32
      %mul3A_38 = arith.muli %add3A, %mul3A_37 : i32
      %add3A_39 = arith.addi %mul3A_38, %scan3A_36 : i32
      %mul3A_40 = arith.constant 128 : i32
      %mul3A_41 = arith.muli %add3A_39, %mul3A_40 : i32
      "tpu.region"() ({
        %run_scoped3A = tpu.sem_alloc : memref<!tpu.dma_semaphore, #tpu.memory_space<semaphore_mem>>
        %dma_start3A_46 = tpu.memref_slice %arg3[%mul3A_41] : memref<323584xi32, #tpu.memory_space<hbm>> -> memref<128xi32, #tpu.memory_space<hbm>>
        %dma_start3A_47 = tpu.memref_slice %arg3[%mul3A_41] : memref<323584xi32, #tpu.memory_space<hbm>> -> memref<128xi32, #tpu.memory_space<hbm>>
        tpu.enqueue_dma source(%dma_start3A_47 : memref<128xi32, #tpu.memory_space<hbm>>) target(%arg6 : memref<128xi32, #tpu.memory_space<vmem>>) target_semaphore(%run_scoped3A : memref<!tpu.dma_semaphore, #tpu.memory_space<semaphore_mem>>)
        %dma_wait3A_48 = tpu.memref_slice %arg3[%mul3A_41] : memref<323584xi32, #tpu.memory_space<hbm>> -> memref<128xi32, #tpu.memory_space<hbm>>
        %dma_wait3A_49 = tpu.memref_slice %arg3[%mul3A_41] : memref<323584xi32, #tpu.memory_space<hbm>> -> memref<128xi32, #tpu.memory_space<hbm>>
        tpu.wait_dma2 semaphore(%run_scoped3A : memref<!tpu.dma_semaphore, #tpu.memory_space<semaphore_mem>>) src(%dma_wait3A_49 : memref<128xi32, #tpu.memory_space<hbm>>) dst(%arg6 : memref<128xi32, #tpu.memory_space<vmem>>)
        tpu.yield
      }) : () -> ()
      "tpu.region"() ({
        %run_scoped3A = tpu.sem_alloc : memref<!tpu.dma_semaphore, #tpu.memory_space<semaphore_mem>>
        %dma_start3A_46 = tpu.memref_slice %arg4[%mul3A_41] : memref<323584xi32, #tpu.memory_space<hbm>> -> memref<128xi32, #tpu.memory_space<hbm>>
        %dma_start3A_47 = tpu.memref_slice %arg4[%mul3A_41] : memref<323584xi32, #tpu.memory_space<hbm>> -> memref<128xi32, #tpu.memory_space<hbm>>
        tpu.enqueue_dma source(%dma_start3A_47 : memref<128xi32, #tpu.memory_space<hbm>>) target(%arg7 : memref<128xi32, #tpu.memory_space<vmem>>) target_semaphore(%run_scoped3A : memref<!tpu.dma_semaphore, #tpu.memory_space<semaphore_mem>>)
        %dma_wait3A_48 = tpu.memref_slice %arg4[%mul3A_41] : memref<323584xi32, #tpu.memory_space<hbm>> -> memref<128xi32, #tpu.memory_space<hbm>>
        %dma_wait3A_49 = tpu.memref_slice %arg4[%mul3A_41] : memref<323584xi32, #tpu.memory_space<hbm>> -> memref<128xi32, #tpu.memory_space<hbm>>
        tpu.wait_dma2 semaphore(%run_scoped3A : memref<!tpu.dma_semaphore, #tpu.memory_space<semaphore_mem>>) src(%dma_wait3A_49 : memref<128xi32, #tpu.memory_space<hbm>>) dst(%arg7 : memref<128xi32, #tpu.memory_space<vmem>>)
        tpu.yield
      }) : () -> ()
      %dma_start3A = arith.constant 0 : i32
      %dma_start3A_42 = arith.constant 0 : i32
      %dma_start3A_43 = tpu.memref_slice %arg2[%dma_start3A, %dma_start3A_42] : memref<10000x128xf32, #tpu.memory_space<hbm>> -> memref<10000x128xf32, #tpu.memory_space<hbm>>
      tpu.enqueue_indirect_dma source(%dma_start3A_43 : memref<10000x128xf32, #tpu.memory_space<hbm>>) target(%arg8 : memref<128x128xf32, #tpu.memory_space<vmem>>) offsets(%arg6 : memref<128xi32, #tpu.memory_space<vmem>>) semaphore(%arg10 : memref<!tpu.dma_semaphore, #tpu.memory_space<semaphore_mem>>)
      %dma_wait3A = arith.constant 0 : i32
      %dma_wait3A_44 = arith.constant 0 : i32
      %dma_wait3A_45 = tpu.memref_slice %arg2[%dma_wait3A, %dma_wait3A_44] : memref<10000x128xf32, #tpu.memory_space<hbm>> -> memref<10000x128xf32, #tpu.memory_space<hbm>>
      tpu.wait_indirect_dma semaphore(%arg10 : memref<!tpu.dma_semaphore, #tpu.memory_space<semaphore_mem>>) src(%dma_wait3A_45 : memref<10000x128xf32, #tpu.memory_space<hbm>>) dst(%arg8 : memref<128x128xf32, #tpu.memory_space<vmem>>)
      "tpu.region"() ({
        %run_scoped3A = tpu.sem_alloc : memref<!tpu.dma_semaphore, #tpu.memory_space<semaphore_mem>>
        %dma_start3A_46 = arith.constant 0 : i32
        %dma_start3A_47 = arith.constant 0 : i32
        %dma_start3A_48 = tpu.memref_slice %arg9[%dma_start3A_46, %dma_start3A_47] : memref<10240x128xf32, #tpu.memory_space<vmem_shared>> -> memref<10240x128xf32, #tpu.memory_space<vmem_shared>>
        tpu.enqueue_indirect_dma source(%arg8 : memref<128x128xf32, #tpu.memory_space<vmem>>) target(%dma_start3A_48 : memref<10240x128xf32, #tpu.memory_space<vmem_shared>>) offsets(%arg7 : memref<128xi32, #tpu.memory_space<vmem>>) semaphore(%run_scoped3A : memref<!tpu.dma_semaphore, #tpu.memory_space<semaphore_mem>>) {add = true}
        %dma_wait3A_49 = arith.constant 0 : i32
        %dma_wait3A_50 = arith.constant 0 : i32
        %dma_wait3A_51 = tpu.memref_slice %arg9[%dma_wait3A_49, %dma_wait3A_50] : memref<10240x128xf32, #tpu.memory_space<vmem_shared>> -> memref<10240x128xf32, #tpu.memory_space<vmem_shared>>
        tpu.wait_indirect_dma semaphore(%run_scoped3A : memref<!tpu.dma_semaphore, #tpu.memory_space<semaphore_mem>>) src(%arg8 : memref<128x128xf32, #tpu.memory_space<vmem>>) dst(%dma_wait3A_51 : memref<10240x128xf32, #tpu.memory_space<vmem_shared>>)
        tpu.yield
      }) : () -> ()
    }
    %scan3A_24 = arith.constant 79 : i32
    %barrier3A_25 = arith.constant 0 : index
    tpu.barrier barrier_id(%barrier3A_25)
    %add3A_26 = arith.constant 0 : i32
    %add3A_27 = arith.addi %mul3A_8, %add3A_26 : i32
    "tpu.region"() ({
      %run_scoped3A = tpu.sem_alloc : memref<!tpu.dma_semaphore, #tpu.memory_space<semaphore_mem>>
      %dma_start3A = arith.constant 0 : i32
      %dma_start3A_36 = tpu.memref_slice %arg9[%add3A_27, %dma_start3A] : memref<10240x128xf32, #tpu.memory_space<vmem_shared>> -> memref<128x128xf32, #tpu.memory_space<vmem_shared>>
      %dma_start3A_37 = arith.constant 0 : i32
      %dma_start3A_38 = tpu.memref_slice %arg9[%add3A_27, %dma_start3A_37] : memref<10240x128xf32, #tpu.memory_space<vmem_shared>> -> memref<128x128xf32, #tpu.memory_space<vmem_shared>>
      tpu.enqueue_dma source(%dma_start3A_38 : memref<128x128xf32, #tpu.memory_space<vmem_shared>>) target(%arg8 : memref<128x128xf32, #tpu.memory_space<vmem>>) target_semaphore(%run_scoped3A : memref<!tpu.dma_semaphore, #tpu.memory_space<semaphore_mem>>)
      %dma_wait3A = arith.constant 0 : i32
      %dma_wait3A_39 = tpu.memref_slice %arg9[%add3A_27, %dma_wait3A] : memref<10240x128xf32, #tpu.memory_space<vmem_shared>> -> memref<128x128xf32, #tpu.memory_space<vmem_shared>>
      %dma_wait3A_40 = arith.constant 0 : i32
      %dma_wait3A_41 = tpu.memref_slice %arg9[%add3A_27, %dma_wait3A_40] : memref<10240x128xf32, #tpu.memory_space<vmem_shared>> -> memref<128x128xf32, #tpu.memory_space<vmem_shared>>
      tpu.wait_dma2 semaphore(%run_scoped3A : memref<!tpu.dma_semaphore, #tpu.memory_space<semaphore_mem>>) src(%dma_wait3A_41 : memref<128x128xf32, #tpu.memory_space<vmem_shared>>) dst(%arg8 : memref<128x128xf32, #tpu.memory_space<vmem>>)
      tpu.yield
    }) : () -> ()
    "tpu.region"() ({
      %run_scoped3A = tpu.sem_alloc : memref<!tpu.dma_semaphore, #tpu.memory_space<semaphore_mem>>
      %dma_start3A = arith.constant 0 : i32
      %dma_start3A_36 = tpu.memref_slice %arg5[%arg0, %add3A_27, %dma_start3A] : memref<2x10240x128xf32, #tpu.memory_space<hbm>> -> memref<1x128x128xf32, #tpu.memory_space<hbm>>
      %dma_start3A_37 = tpu.memref_squeeze %dma_start3A_36 : memref<1x128x128xf32, #tpu.memory_space<hbm>> -> memref<128x128xf32, #tpu.memory_space<hbm>>
      %dma_start3A_38 = arith.constant 0 : i32
      %dma_start3A_39 = tpu.memref_slice %arg5[%arg0, %add3A_27, %dma_start3A_38] : memref<2x10240x128xf32, #tpu.memory_space<hbm>> -> memref<1x128x128xf32, #tpu.memory_space<hbm>>
      %dma_start3A_40 = tpu.memref_squeeze %dma_start3A_39 : memref<1x128x128xf32, #tpu.memory_space<hbm>> -> memref<128x128xf32, #tpu.memory_space<hbm>>
      tpu.enqueue_dma source(%arg8 : memref<128x128xf32, #tpu.memory_space<vmem>>) target(%dma_start3A_40 : memref<128x128xf32, #tpu.memory_space<hbm>>) target_semaphore(%run_scoped3A : memref<!tpu.dma_semaphore, #tpu.memory_space<semaphore_mem>>)
      %dma_wait3A = arith.constant 0 : i32
      %dma_wait3A_41 = tpu.memref_slice %arg5[%arg0, %add3A_27, %dma_wait3A] : memref<2x10240x128xf32, #tpu.memory_space<hbm>> -> memref<1x128x128xf32, #tpu.memory_space<hbm>>
      %dma_wait3A_42 = tpu.memref_squeeze %dma_wait3A_41 : memref<1x128x128xf32, #tpu.memory_space<hbm>> -> memref<128x128xf32, #tpu.memory_space<hbm>>
      %dma_wait3A_43 = arith.constant 0 : i32
      %dma_wait3A_44 = tpu.memref_slice %arg5[%arg0, %add3A_27, %dma_wait3A_43] : memref<2x10240x128xf32, #tpu.memory_space<hbm>> -> memref<1x128x128xf32, #tpu.memory_space<hbm>>
      %dma_wait3A_45 = tpu.memref_squeeze %dma_wait3A_44 : memref<1x128x128xf32, #tpu.memory_space<hbm>> -> memref<128x128xf32, #tpu.memory_space<hbm>>
      tpu.wait_dma2 semaphore(%run_scoped3A : memref<!tpu.dma_semaphore, #tpu.memory_space<semaphore_mem>>) src(%arg8 : memref<128x128xf32, #tpu.memory_space<vmem>>) dst(%dma_wait3A_45 : memref<128x128xf32, #tpu.memory_space<hbm>>)
      tpu.yield
    }) : () -> ()
    %add3A_28 = arith.constant 128 : i32
    %add3A_29 = arith.addi %mul3A_8, %add3A_28 : i32
    "tpu.region"() ({
      %run_scoped3A = tpu.sem_alloc : memref<!tpu.dma_semaphore, #tpu.memory_space<semaphore_mem>>
      %dma_start3A = arith.constant 0 : i32
      %dma_start3A_36 = tpu.memref_slice %arg9[%add3A_29, %dma_start3A] : memref<10240x128xf32, #tpu.memory_space<vmem_shared>> -> memref<128x128xf32, #tpu.memory_space<vmem_shared>>
      %dma_start3A_37 = arith.constant 0 : i32
      %dma_start3A_38 = tpu.memref_slice %arg9[%add3A_29, %dma_start3A_37] : memref<10240x128xf32, #tpu.memory_space<vmem_shared>> -> memref<128x128xf32, #tpu.memory_space<vmem_shared>>
      tpu.enqueue_dma source(%dma_start3A_38 : memref<128x128xf32, #tpu.memory_space<vmem_shared>>) target(%arg8 : memref<128x128xf32, #tpu.memory_space<vmem>>) target_semaphore(%run_scoped3A : memref<!tpu.dma_semaphore, #tpu.memory_space<semaphore_mem>>)
      %dma_wait3A = arith.constant 0 : i32
      %dma_wait3A_39 = tpu.memref_slice %arg9[%add3A_29, %dma_wait3A] : memref<10240x128xf32, #tpu.memory_space<vmem_shared>> -> memref<128x128xf32, #tpu.memory_space<vmem_shared>>
      %dma_wait3A_40 = arith.constant 0 : i32
      %dma_wait3A_41 = tpu.memref_slice %arg9[%add3A_29, %dma_wait3A_40] : memref<10240x128xf32, #tpu.memory_space<vmem_shared>> -> memref<128x128xf32, #tpu.memory_space<vmem_shared>>
      tpu.wait_dma2 semaphore(%run_scoped3A : memref<!tpu.dma_semaphore, #tpu.memory_space<semaphore_mem>>) src(%dma_wait3A_41 : memref<128x128xf32, #tpu.memory_space<vmem_shared>>) dst(%arg8 : memref<128x128xf32, #tpu.memory_space<vmem>>)
      tpu.yield
    }) : () -> ()
    "tpu.region"() ({
      %run_scoped3A = tpu.sem_alloc : memref<!tpu.dma_semaphore, #tpu.memory_space<semaphore_mem>>
      %dma_start3A = arith.constant 0 : i32
      %dma_start3A_36 = tpu.memref_slice %arg5[%arg0, %add3A_29, %dma_start3A] : memref<2x10240x128xf32, #tpu.memory_space<hbm>> -> memref<1x128x128xf32, #tpu.memory_space<hbm>>
      %dma_start3A_37 = tpu.memref_squeeze %dma_start3A_36 : memref<1x128x128xf32, #tpu.memory_space<hbm>> -> memref<128x128xf32, #tpu.memory_space<hbm>>
      %dma_start3A_38 = arith.constant 0 : i32
      %dma_start3A_39 = tpu.memref_slice %arg5[%arg0, %add3A_29, %dma_start3A_38] : memref<2x10240x128xf32, #tpu.memory_space<hbm>> -> memref<1x128x128xf32, #tpu.memory_space<hbm>>
      %dma_start3A_40 = tpu.memref_squeeze %dma_start3A_39 : memref<1x128x128xf32, #tpu.memory_space<hbm>> -> memref<128x128xf32, #tpu.memory_space<hbm>>
      tpu.enqueue_dma source(%arg8 : memref<128x128xf32, #tpu.memory_space<vmem>>) target(%dma_start3A_40 : memref<128x128xf32, #tpu.memory_space<hbm>>) target_semaphore(%run_scoped3A : memref<!tpu.dma_semaphore, #tpu.memory_space<semaphore_mem>>)
      %dma_wait3A = arith.constant 0 : i32
      %dma_wait3A_41 = tpu.memref_slice %arg5[%arg0, %add3A_29, %dma_wait3A] : memref<2x10240x128xf32, #tpu.memory_space<hbm>> -> memref<1x128x128xf32, #tpu.memory_space<hbm>>
      %dma_wait3A_42 = tpu.memref_squeeze %dma_wait3A_41 : memref<1x128x128xf32, #tpu.memory_space<hbm>> -> memref<128x128xf32, #tpu.memory_space<hbm>>
      %dma_wait3A_43 = arith.constant 0 : i32
      %dma_wait3A_44 = tpu.memref_slice %arg5[%arg0, %add3A_29, %dma_wait3A_43] : memref<2x10240x128xf32, #tpu.memory_space<hbm>> -> memref<1x128x128xf32, #tpu.memory_space<hbm>>
      %dma_wait3A_45 = tpu.memref_squeeze %dma_wait3A_44 : memref<1x128x128xf32, #tpu.memory_space<hbm>> -> memref<128x128xf32, #tpu.memory_space<hbm>>
      tpu.wait_dma2 semaphore(%run_scoped3A : memref<!tpu.dma_semaphore, #tpu.memory_space<semaphore_mem>>) src(%arg8 : memref<128x128xf32, #tpu.memory_space<vmem>>) dst(%dma_wait3A_45 : memref<128x128xf32, #tpu.memory_space<hbm>>)
      tpu.yield
    }) : () -> ()
    %add3A_30 = arith.constant 256 : i32
    %add3A_31 = arith.addi %mul3A_8, %add3A_30 : i32
    "tpu.region"() ({
      %run_scoped3A = tpu.sem_alloc : memref<!tpu.dma_semaphore, #tpu.memory_space<semaphore_mem>>
      %dma_start3A = arith.constant 0 : i32
      %dma_start3A_36 = tpu.memref_slice %arg9[%add3A_31, %dma_start3A] : memref<10240x128xf32, #tpu.memory_space<vmem_shared>> -> memref<128x128xf32, #tpu.memory_space<vmem_shared>>
      %dma_start3A_37 = arith.constant 0 : i32
      %dma_start3A_38 = tpu.memref_slice %arg9[%add3A_31, %dma_start3A_37] : memref<10240x128xf32, #tpu.memory_space<vmem_shared>> -> memref<128x128xf32, #tpu.memory_space<vmem_shared>>
      tpu.enqueue_dma source(%dma_start3A_38 : memref<128x128xf32, #tpu.memory_space<vmem_shared>>) target(%arg8 : memref<128x128xf32, #tpu.memory_space<vmem>>) target_semaphore(%run_scoped3A : memref<!tpu.dma_semaphore, #tpu.memory_space<semaphore_mem>>)
      %dma_wait3A = arith.constant 0 : i32
      %dma_wait3A_39 = tpu.memref_slice %arg9[%add3A_31, %dma_wait3A] : memref<10240x128xf32, #tpu.memory_space<vmem_shared>> -> memref<128x128xf32, #tpu.memory_space<vmem_shared>>
      %dma_wait3A_40 = arith.constant 0 : i32
      %dma_wait3A_41 = tpu.memref_slice %arg9[%add3A_31, %dma_wait3A_40] : memref<10240x128xf32, #tpu.memory_space<vmem_shared>> -> memref<128x128xf32, #tpu.memory_space<vmem_shared>>
      tpu.wait_dma2 semaphore(%run_scoped3A : memref<!tpu.dma_semaphore, #tpu.memory_space<semaphore_mem>>) src(%dma_wait3A_41 : memref<128x128xf32, #tpu.memory_space<vmem_shared>>) dst(%arg8 : memref<128x128xf32, #tpu.memory_space<vmem>>)
      tpu.yield
    }) : () -> ()
    "tpu.region"() ({
      %run_scoped3A = tpu.sem_alloc : memref<!tpu.dma_semaphore, #tpu.memory_space<semaphore_mem>>
      %dma_start3A = arith.constant 0 : i32
      %dma_start3A_36 = tpu.memref_slice %arg5[%arg0, %add3A_31, %dma_start3A] : memref<2x10240x128xf32, #tpu.memory_space<hbm>> -> memref<1x128x128xf32, #tpu.memory_space<hbm>>
      %dma_start3A_37 = tpu.memref_squeeze %dma_start3A_36 : memref<1x128x128xf32, #tpu.memory_space<hbm>> -> memref<128x128xf32, #tpu.memory_space<hbm>>
      %dma_start3A_38 = arith.constant 0 : i32
      %dma_start3A_39 = tpu.memref_slice %arg5[%arg0, %add3A_31, %dma_start3A_38] : memref<2x10240x128xf32, #tpu.memory_space<hbm>> -> memref<1x128x128xf32, #tpu.memory_space<hbm>>
      %dma_start3A_40 = tpu.memref_squeeze %dma_start3A_39 : memref<1x128x128xf32, #tpu.memory_space<hbm>> -> memref<128x128xf32, #tpu.memory_space<hbm>>
      tpu.enqueue_dma source(%arg8 : memref<128x128xf32, #tpu.memory_space<vmem>>) target(%dma_start3A_40 : memref<128x128xf32, #tpu.memory_space<hbm>>) target_semaphore(%run_scoped3A : memref<!tpu.dma_semaphore, #tpu.memory_space<semaphore_mem>>)
      %dma_wait3A = arith.constant 0 : i32
      %dma_wait3A_41 = tpu.memref_slice %arg5[%arg0, %add3A_31, %dma_wait3A] : memref<2x10240x128xf32, #tpu.memory_space<hbm>> -> memref<1x128x128xf32, #tpu.memory_space<hbm>>
      %dma_wait3A_42 = tpu.memref_squeeze %dma_wait3A_41 : memref<1x128x128xf32, #tpu.memory_space<hbm>> -> memref<128x128xf32, #tpu.memory_space<hbm>>
      %dma_wait3A_43 = arith.constant 0 : i32
      %dma_wait3A_44 = tpu.memref_slice %arg5[%arg0, %add3A_31, %dma_wait3A_43] : memref<2x10240x128xf32, #tpu.memory_space<hbm>> -> memref<1x128x128xf32, #tpu.memory_space<hbm>>
      %dma_wait3A_45 = tpu.memref_squeeze %dma_wait3A_44 : memref<1x128x128xf32, #tpu.memory_space<hbm>> -> memref<128x128xf32, #tpu.memory_space<hbm>>
      tpu.wait_dma2 semaphore(%run_scoped3A : memref<!tpu.dma_semaphore, #tpu.memory_space<semaphore_mem>>) src(%arg8 : memref<128x128xf32, #tpu.memory_space<vmem>>) dst(%dma_wait3A_45 : memref<128x128xf32, #tpu.memory_space<hbm>>)
      tpu.yield
    }) : () -> ()
    %add3A_32 = arith.constant 384 : i32
    %add3A_33 = arith.addi %mul3A_8, %add3A_32 : i32
    "tpu.region"() ({
      %run_scoped3A = tpu.sem_alloc : memref<!tpu.dma_semaphore, #tpu.memory_space<semaphore_mem>>
      %dma_start3A = arith.constant 0 : i32
      %dma_start3A_36 = tpu.memref_slice %arg9[%add3A_33, %dma_start3A] : memref<10240x128xf32, #tpu.memory_space<vmem_shared>> -> memref<128x128xf32, #tpu.memory_space<vmem_shared>>
      %dma_start3A_37 = arith.constant 0 : i32
      %dma_start3A_38 = tpu.memref_slice %arg9[%add3A_33, %dma_start3A_37] : memref<10240x128xf32, #tpu.memory_space<vmem_shared>> -> memref<128x128xf32, #tpu.memory_space<vmem_shared>>
      tpu.enqueue_dma source(%dma_start3A_38 : memref<128x128xf32, #tpu.memory_space<vmem_shared>>) target(%arg8 : memref<128x128xf32, #tpu.memory_space<vmem>>) target_semaphore(%run_scoped3A : memref<!tpu.dma_semaphore, #tpu.memory_space<semaphore_mem>>)
      %dma_wait3A = arith.constant 0 : i32
      %dma_wait3A_39 = tpu.memref_slice %arg9[%add3A_33, %dma_wait3A] : memref<10240x128xf32, #tpu.memory_space<vmem_shared>> -> memref<128x128xf32, #tpu.memory_space<vmem_shared>>
      %dma_wait3A_40 = arith.constant 0 : i32
      %dma_wait3A_41 = tpu.memref_slice %arg9[%add3A_33, %dma_wait3A_40] : memref<10240x128xf32, #tpu.memory_space<vmem_shared>> -> memref<128x128xf32, #tpu.memory_space<vmem_shared>>
      tpu.wait_dma2 semaphore(%run_scoped3A : memref<!tpu.dma_semaphore, #tpu.memory_space<semaphore_mem>>) src(%dma_wait3A_41 : memref<128x128xf32, #tpu.memory_space<vmem_shared>>) dst(%arg8 : memref<128x128xf32, #tpu.memory_space<vmem>>)
      tpu.yield
    }) : () -> ()
    "tpu.region"() ({
      %run_scoped3A = tpu.sem_alloc : memref<!tpu.dma_semaphore, #tpu.memory_space<semaphore_mem>>
      %dma_start3A = arith.constant 0 : i32
      %dma_start3A_36 = tpu.memref_slice %arg5[%arg0, %add3A_33, %dma_start3A] : memref<2x10240x128xf32, #tpu.memory_space<hbm>> -> memref<1x128x128xf32, #tpu.memory_space<hbm>>
      %dma_start3A_37 = tpu.memref_squeeze %dma_start3A_36 : memref<1x128x128xf32, #tpu.memory_space<hbm>> -> memref<128x128xf32, #tpu.memory_space<hbm>>
      %dma_start3A_38 = arith.constant 0 : i32
      %dma_start3A_39 = tpu.memref_slice %arg5[%arg0, %add3A_33, %dma_start3A_38] : memref<2x10240x128xf32, #tpu.memory_space<hbm>> -> memref<1x128x128xf32, #tpu.memory_space<hbm>>
      %dma_start3A_40 = tpu.memref_squeeze %dma_start3A_39 : memref<1x128x128xf32, #tpu.memory_space<hbm>> -> memref<128x128xf32, #tpu.memory_space<hbm>>
      tpu.enqueue_dma source(%arg8 : memref<128x128xf32, #tpu.memory_space<vmem>>) target(%dma_start3A_40 : memref<128x128xf32, #tpu.memory_space<hbm>>) target_semaphore(%run_scoped3A : memref<!tpu.dma_semaphore, #tpu.memory_space<semaphore_mem>>)
      %dma_wait3A = arith.constant 0 : i32
      %dma_wait3A_41 = tpu.memref_slice %arg5[%arg0, %add3A_33, %dma_wait3A] : memref<2x10240x128xf32, #tpu.memory_space<hbm>> -> memref<1x128x128xf32, #tpu.memory_space<hbm>>
      %dma_wait3A_42 = tpu.memref_squeeze %dma_wait3A_41 : memref<1x128x128xf32, #tpu.memory_space<hbm>> -> memref<128x128xf32, #tpu.memory_space<hbm>>
      %dma_wait3A_43 = arith.constant 0 : i32
      %dma_wait3A_44 = tpu.memref_slice %arg5[%arg0, %add3A_33, %dma_wait3A_43] : memref<2x10240x128xf32, #tpu.memory_space<hbm>> -> memref<1x128x128xf32, #tpu.memory_space<hbm>>
      %dma_wait3A_45 = tpu.memref_squeeze %dma_wait3A_44 : memref<1x128x128xf32, #tpu.memory_space<hbm>> -> memref<128x128xf32, #tpu.memory_space<hbm>>
      tpu.wait_dma2 semaphore(%run_scoped3A : memref<!tpu.dma_semaphore, #tpu.memory_space<semaphore_mem>>) src(%arg8 : memref<128x128xf32, #tpu.memory_space<vmem>>) dst(%dma_wait3A_45 : memref<128x128xf32, #tpu.memory_space<hbm>>)
      tpu.yield
    }) : () -> ()
    %add3A_34 = arith.constant 512 : i32
    %add3A_35 = arith.addi %mul3A_8, %add3A_34 : i32
    "tpu.region"() ({
      %run_scoped3A = tpu.sem_alloc : memref<!tpu.dma_semaphore, #tpu.memory_space<semaphore_mem>>
      %dma_start3A = arith.constant 0 : i32
      %dma_start3A_36 = tpu.memref_slice %arg9[%add3A_35, %dma_start3A] : memref<10240x128xf32, #tpu.memory_space<vmem_shared>> -> memref<128x128xf32, #tpu.memory_space<vmem_shared>>
      %dma_start3A_37 = arith.constant 0 : i32
      %dma_start3A_38 = tpu.memref_slice %arg9[%add3A_35, %dma_start3A_37] : memref<10240x128xf32, #tpu.memory_space<vmem_shared>> -> memref<128x128xf32, #tpu.memory_space<vmem_shared>>
      tpu.enqueue_dma source(%dma_start3A_38 : memref<128x128xf32, #tpu.memory_space<vmem_shared>>) target(%arg8 : memref<128x128xf32, #tpu.memory_space<vmem>>) target_semaphore(%run_scoped3A : memref<!tpu.dma_semaphore, #tpu.memory_space<semaphore_mem>>)
      %dma_wait3A = arith.constant 0 : i32
      %dma_wait3A_39 = tpu.memref_slice %arg9[%add3A_35, %dma_wait3A] : memref<10240x128xf32, #tpu.memory_space<vmem_shared>> -> memref<128x128xf32, #tpu.memory_space<vmem_shared>>
      %dma_wait3A_40 = arith.constant 0 : i32
      %dma_wait3A_41 = tpu.memref_slice %arg9[%add3A_35, %dma_wait3A_40] : memref<10240x128xf32, #tpu.memory_space<vmem_shared>> -> memref<128x128xf32, #tpu.memory_space<vmem_shared>>
      tpu.wait_dma2 semaphore(%run_scoped3A : memref<!tpu.dma_semaphore, #tpu.memory_space<semaphore_mem>>) src(%dma_wait3A_41 : memref<128x128xf32, #tpu.memory_space<vmem_shared>>) dst(%arg8 : memref<128x128xf32, #tpu.memory_space<vmem>>)
      tpu.yield
    }) : () -> ()
    "tpu.region"() ({
      %run_scoped3A = tpu.sem_alloc : memref<!tpu.dma_semaphore, #tpu.memory_space<semaphore_mem>>
      %dma_start3A = arith.constant 0 : i32
      %dma_start3A_36 = tpu.memref_slice %arg5[%arg0, %add3A_35, %dma_start3A] : memref<2x10240x128xf32, #tpu.memory_space<hbm>> -> memref<1x128x128xf32, #tpu.memory_space<hbm>>
      %dma_start3A_37 = tpu.memref_squeeze %dma_start3A_36 : memref<1x128x128xf32, #tpu.memory_space<hbm>> -> memref<128x128xf32, #tpu.memory_space<hbm>>
      %dma_start3A_38 = arith.constant 0 : i32
      %dma_start3A_39 = tpu.memref_slice %arg5[%arg0, %add3A_35, %dma_start3A_38] : memref<2x10240x128xf32, #tpu.memory_space<hbm>> -> memref<1x128x128xf32, #tpu.memory_space<hbm>>
      %dma_start3A_40 = tpu.memref_squeeze %dma_start3A_39 : memref<1x128x128xf32, #tpu.memory_space<hbm>> -> memref<128x128xf32, #tpu.memory_space<hbm>>
      tpu.enqueue_dma source(%arg8 : memref<128x128xf32, #tpu.memory_space<vmem>>) target(%dma_start3A_40 : memref<128x128xf32, #tpu.memory_space<hbm>>) target_semaphore(%run_scoped3A : memref<!tpu.dma_semaphore, #tpu.memory_space<semaphore_mem>>)
      %dma_wait3A = arith.constant 0 : i32
      %dma_wait3A_41 = tpu.memref_slice %arg5[%arg0, %add3A_35, %dma_wait3A] : memref<2x10240x128xf32, #tpu.memory_space<hbm>> -> memref<1x128x128xf32, #tpu.memory_space<hbm>>
      %dma_wait3A_42 = tpu.memref_squeeze %dma_wait3A_41 : memref<1x128x128xf32, #tpu.memory_space<hbm>> -> memref<128x128xf32, #tpu.memory_space<hbm>>
      %dma_wait3A_43 = arith.constant 0 : i32
      %dma_wait3A_44 = tpu.memref_slice %arg5[%arg0, %add3A_35, %dma_wait3A_43] : memref<2x10240x128xf32, #tpu.memory_space<hbm>> -> memref<1x128x128xf32, #tpu.memory_space<hbm>>
      %dma_wait3A_45 = tpu.memref_squeeze %dma_wait3A_44 : memref<1x128x128xf32, #tpu.memory_space<hbm>> -> memref<128x128xf32, #tpu.memory_space<hbm>>
      tpu.wait_dma2 semaphore(%run_scoped3A : memref<!tpu.dma_semaphore, #tpu.memory_space<semaphore_mem>>) src(%arg8 : memref<128x128xf32, #tpu.memory_space<vmem>>) dst(%dma_wait3A_45 : memref<128x128xf32, #tpu.memory_space<hbm>>)
      tpu.yield
    }) : () -> ()
    return
  }
}

module attributes {stable_mosaic.version = 14 : i64} {
  func.func @body(%arg0: i32, %arg1: memref<2000x128xf32, #tpu.memory_space<vmem>>, %arg2: memref<128x128xf32, #tpu.memory_space<vmem>>, %arg3: memref<128x128xf32, #tpu.memory_space<vmem>>, %arg4: memref<1x128xf32, #tpu.memory_space<vmem>>, %arg5: memref<2000x128xf32, #tpu.memory_space<vmem>>, %arg6: memref<2000x128xf32, #tpu.memory_space<vmem>>) attributes {dimension_semantics = [#tpu.dimension_semantics<arbitrary>], iteration_bounds = array<i64: 5>, scalar_prefetch = 0 : i64, scratch_operands = 0 : i64, tpu.core_type = #tpu.core_type<tc>, window_params = [{transform_indices = @transform_0, window_bounds = array<i64: 2000, 128>}, {pipeline_mode = #tpu.pipeline_mode<synchronous>, transform_indices = @transform_1, window_bounds = array<i64: 128, 128>}, {pipeline_mode = #tpu.pipeline_mode<synchronous>, transform_indices = @transform_2, window_bounds = array<i64: 128, 128>}, {pipeline_mode = #tpu.pipeline_mode<synchronous>, transform_indices = @transform_3, window_bounds = array<i64: 1, 128>}, {transform_indices = @transform_4, window_bounds = array<i64: 2000, 128>}, {transform_indices = @transform_5, window_bounds = array<i64: 2000, 128>}]} {
    %get3A = arith.constant 0 : index
    %get3A_0 = arith.constant 0 : index
    %get3A_1 = vector.load %arg1[%get3A, %get3A_0] : memref<2000x128xf32, #tpu.memory_space<vmem>>, vector<2000x128xf32>
    %get3A_2 = arith.constant 0 : index
    %get3A_3 = arith.constant 0 : index
    %get3A_4 = vector.load %arg2[%get3A_2, %get3A_3] : memref<128x128xf32, #tpu.memory_space<vmem>>, vector<128x128xf32>
    %dot_general3A = arith.constant dense<0.000000e+00> : vector<2000x128xf32>
    %dot_general3A_5 = tpu.matmul %get3A_1, %get3A_4, %dot_general3A {dimension_numbers = #tpu.dot_dimension_numbers<[1], [0], [0], [1], [0, 0, 1, 1], [], []>, transpose_lhs_hint = false} : vector<2000x128xf32>, vector<128x128xf32>, vector<2000x128xf32> -> vector<2000x128xf32>
    %swap3A = arith.constant 0 : index
    %swap3A_6 = arith.constant 0 : index
    %swap3A_7 = vector.load %arg5[%swap3A, %swap3A_6] : memref<2000x128xf32, #tpu.memory_space<vmem>>, vector<2000x128xf32>
    tpu.vector_store %arg5[%swap3A, %swap3A_6], %dot_general3A_5 {strides = array<i32>} : memref<2000x128xf32, #tpu.memory_space<vmem>>, vector<2000x128xf32>,
    %get3A_8 = arith.constant 0 : index
    %get3A_9 = arith.constant 0 : index
    %get3A_10 = vector.load %arg3[%get3A_8, %get3A_9] : memref<128x128xf32, #tpu.memory_space<vmem>>, vector<128x128xf32>
    %dot_general3A_11 = arith.constant dense<0.000000e+00> : vector<2000x128xf32>
    %dot_general3A_12 = tpu.matmul %get3A_1, %get3A_10, %dot_general3A_11 {dimension_numbers = #tpu.dot_dimension_numbers<[1], [0], [0], [1], [0, 0, 1, 1], [], []>, transpose_lhs_hint = false} : vector<2000x128xf32>, vector<128x128xf32>, vector<2000x128xf32> -> vector<2000x128xf32>
    %get3A_13 = arith.constant 0 : index
    %get3A_14 = arith.constant 0 : index
    %get3A_15 = vector.load %arg4[%get3A_13, %get3A_14] : memref<1x128xf32, #tpu.memory_space<vmem>>, vector<1x128xf32>
    %add3A = vector.broadcast %get3A_15 : vector<1x128xf32> to vector<2000x128xf32>
    %add3A_16 = arith.addf %dot_general3A_12, %add3A : vector<2000x128xf32>
    %swap3A_17 = arith.constant 0 : index
    %swap3A_18 = arith.constant 0 : index
    %swap3A_19 = vector.load %arg6[%swap3A_17, %swap3A_18] : memref<2000x128xf32, #tpu.memory_space<vmem>>, vector<2000x128xf32>
    tpu.vector_store %arg6[%swap3A_17, %swap3A_18], %add3A_16 {strides = array<i32>} : memref<2000x128xf32, #tpu.memory_space<vmem>>, vector<2000x128xf32>,
    return
  }
  func.func @transform_0(%arg0: i32) -> (i32, i32) {
    %c0_i32 = arith.constant 0 : i32
    %c0_i32_0 = arith.constant 0 : i32
    return %arg0, %c0_i32 : i32, i32
  }
  func.func @transform_1(%arg0: i32) -> (i32, i32) {
    %c0_i32 = arith.constant 0 : i32
    %c0_i32_0 = arith.constant 0 : i32
    %c0_i32_1 = arith.constant 0 : i32
    return %c0_i32, %c0_i32_0 : i32, i32
  }
  func.func @transform_2(%arg0: i32) -> (i32, i32) {
    %c0_i32 = arith.constant 0 : i32
    %c0_i32_0 = arith.constant 0 : i32
    %c0_i32_1 = arith.constant 0 : i32
    return %c0_i32, %c0_i32_0 : i32, i32
  }
  func.func @transform_3(%arg0: i32) -> (i32, i32) {
    %c0_i32 = arith.constant 0 : i32
    %c0_i32_0 = arith.constant 0 : i32
    %c0_i32_1 = arith.constant 0 : i32
    return %c0_i32, %c0_i32_0 : i32, i32
  }
  func.func @transform_4(%arg0: i32) -> (i32, i32) {
    %c0_i32 = arith.constant 0 : i32
    %c0_i32_0 = arith.constant 0 : i32
    return %arg0, %c0_i32 : i32, i32
  }
  func.func @transform_5(%arg0: i32) -> (i32, i32) {
    %c0_i32 = arith.constant 0 : i32
    %c0_i32_0 = arith.constant 0 : i32
    return %arg0, %c0_i32 : i32, i32
  }
}

module attributes {stable_mosaic.version = 14 : i64} {
  func.func @body(%arg0: i32, %arg1: memref<2x2000x128xf32, #tpu.memory_space<vmem>>, %arg2: memref<2x2000x128xf32, #tpu.memory_space<vmem>>, %arg3: memref<2000x128xf32, #tpu.memory_space<vmem>>, %arg4: memref<128x128xf32, #tpu.memory_space<vmem>>, %arg5: memref<128x128xf32, #tpu.memory_space<vmem>>, %arg6: memref<1x128xf32, #tpu.memory_space<vmem>>, %arg7: memref<2000x128xf32, #tpu.memory_space<vmem>>, %arg8: memref<2000x128xf32, #tpu.memory_space<vmem>>) attributes {dimension_semantics = [#tpu.dimension_semantics<arbitrary>], iteration_bounds = array<i64: 5>, scalar_prefetch = 0 : i64, scratch_operands = 0 : i64, tpu.core_type = #tpu.core_type<tc>, window_params = [{transform_indices = @transform_0, window_bounds = array<i64: 2, 2000, 128>}, {transform_indices = @transform_1, window_bounds = array<i64: 2, 2000, 128>}, {transform_indices = @transform_2, window_bounds = array<i64: 2000, 128>}, {pipeline_mode = #tpu.pipeline_mode<synchronous>, transform_indices = @transform_3, window_bounds = array<i64: 128, 128>}, {pipeline_mode = #tpu.pipeline_mode<synchronous>, transform_indices = @transform_4, window_bounds = array<i64: 128, 128>}, {pipeline_mode = #tpu.pipeline_mode<synchronous>, transform_indices = @transform_5, window_bounds = array<i64: 1, 128>}, {transform_indices = @transform_6, window_bounds = array<i64: 2000, 128>}, {transform_indices = @transform_7, window_bounds = array<i64: 2000, 128>}]} {
    %get3A = arith.constant 0 : index
    %get3A_0 = arith.constant 0 : index
    %get3A_1 = arith.constant 0 : index
    %get3A_2 = vector.load %arg1[%get3A, %get3A_0, %get3A_1] : memref<2x2000x128xf32, #tpu.memory_space<vmem>>, vector<1x2000x128xf32>
    %get3A_3 = vector.shape_cast %get3A_2 : vector<1x2000x128xf32> to vector<2000x128xf32>
    %get3A_4 = arith.constant 1 : index
    %get3A_5 = arith.constant 0 : index
    %get3A_6 = arith.constant 0 : index
    %get3A_7 = vector.load %arg1[%get3A_4, %get3A_5, %get3A_6] : memref<2x2000x128xf32, #tpu.memory_space<vmem>>, vector<1x2000x128xf32>
    %get3A_8 = vector.shape_cast %get3A_7 : vector<1x2000x128xf32> to vector<2000x128xf32>
    %add3A = arith.addf %get3A_3, %get3A_8 : vector<2000x128xf32>
    %get3A_9 = arith.constant 0 : index
    %get3A_10 = arith.constant 0 : index
    %get3A_11 = arith.constant 0 : index
    %get3A_12 = vector.load %arg2[%get3A_9, %get3A_10, %get3A_11] : memref<2x2000x128xf32, #tpu.memory_space<vmem>>, vector<1x2000x1xf32>
    %get3A_13 = vector.shape_cast %get3A_12 : vector<1x2000x1xf32> to vector<2000x1xf32>
    %get3A_14 = arith.constant 1 : index
    %get3A_15 = arith.constant 0 : index
    %get3A_16 = arith.constant 0 : index
    %get3A_17 = vector.load %arg2[%get3A_14, %get3A_15, %get3A_16] : memref<2x2000x128xf32, #tpu.memory_space<vmem>>, vector<1x2000x1xf32>
    %get3A_18 = vector.shape_cast %get3A_17 : vector<1x2000x1xf32> to vector<2000x1xf32>
    %add3A_19 = arith.addf %get3A_13, %get3A_18 : vector<2000x1xf32>
    %max3A = arith.constant 1.000000e+00 : f32
    %max3A_20 = vector.broadcast %max3A : f32 to vector<2000x1xf32>
    %max3A_21 = arith.maximumf %add3A_19, %max3A_20 : vector<2000x1xf32>
    %div3A = arith.constant 1.000000e+00 : f32
    %div3A_22 = vector.broadcast %div3A : f32 to vector<2000x1xf32>
    %div3A_23 = arith.divf %div3A_22, %max3A_21 : vector<2000x1xf32>
    %mul3A = vector.broadcast %div3A_23 : vector<2000x1xf32> to vector<2000x128xf32>
    %mul3A_24 = arith.mulf %add3A, %mul3A : vector<2000x128xf32>
    %get3A_25 = arith.constant 0 : index
    %get3A_26 = arith.constant 0 : index
    %get3A_27 = vector.load %arg3[%get3A_25, %get3A_26] : memref<2000x128xf32, #tpu.memory_space<vmem>>, vector<2000x128xf32>
    %add3A_28 = arith.addf %mul3A_24, %get3A_27 : vector<2000x128xf32>
    %max3A_29 = arith.constant 0.000000e+00 : f32
    %max3A_30 = vector.broadcast %max3A_29 : f32 to vector<2000x128xf32>
    %max3A_31 = arith.maximumf %add3A_28, %max3A_30 : vector<2000x128xf32>
    %get3A_32 = arith.constant 0 : index
    %get3A_33 = arith.constant 0 : index
    %get3A_34 = vector.load %arg4[%get3A_32, %get3A_33] : memref<128x128xf32, #tpu.memory_space<vmem>>, vector<128x128xf32>
    %dot_general3A = arith.constant dense<0.000000e+00> : vector<2000x128xf32>
    %dot_general3A_35 = tpu.matmul %max3A_31, %get3A_34, %dot_general3A {dimension_numbers = #tpu.dot_dimension_numbers<[1], [0], [0], [1], [0, 0, 1, 1], [], []>, transpose_lhs_hint = false} : vector<2000x128xf32>, vector<128x128xf32>, vector<2000x128xf32> -> vector<2000x128xf32>
    %swap3A = arith.constant 0 : index
    %swap3A_36 = arith.constant 0 : index
    %swap3A_37 = vector.load %arg7[%swap3A, %swap3A_36] : memref<2000x128xf32, #tpu.memory_space<vmem>>, vector<2000x128xf32>
    tpu.vector_store %arg7[%swap3A, %swap3A_36], %dot_general3A_35 {strides = array<i32>} : memref<2000x128xf32, #tpu.memory_space<vmem>>, vector<2000x128xf32>,
    %get3A_38 = arith.constant 0 : index
    %get3A_39 = arith.constant 0 : index
    %get3A_40 = vector.load %arg5[%get3A_38, %get3A_39] : memref<128x128xf32, #tpu.memory_space<vmem>>, vector<128x128xf32>
    %dot_general3A_41 = arith.constant dense<0.000000e+00> : vector<2000x128xf32>
    %dot_general3A_42 = tpu.matmul %max3A_31, %get3A_40, %dot_general3A_41 {dimension_numbers = #tpu.dot_dimension_numbers<[1], [0], [0], [1], [0, 0, 1, 1], [], []>, transpose_lhs_hint = false} : vector<2000x128xf32>, vector<128x128xf32>, vector<2000x128xf32> -> vector<2000x128xf32>
    %get3A_43 = arith.constant 0 : index
    %get3A_44 = arith.constant 0 : index
    %get3A_45 = vector.load %arg6[%get3A_43, %get3A_44] : memref<1x128xf32, #tpu.memory_space<vmem>>, vector<1x128xf32>
    %add3A_46 = vector.broadcast %get3A_45 : vector<1x128xf32> to vector<2000x128xf32>
    %add3A_47 = arith.addf %dot_general3A_42, %add3A_46 : vector<2000x128xf32>
    %swap3A_48 = arith.constant 0 : index
    %swap3A_49 = arith.constant 0 : index
    %swap3A_50 = vector.load %arg8[%swap3A_48, %swap3A_49] : memref<2000x128xf32, #tpu.memory_space<vmem>>, vector<2000x128xf32>
    tpu.vector_store %arg8[%swap3A_48, %swap3A_49], %add3A_47 {strides = array<i32>} : memref<2000x128xf32, #tpu.memory_space<vmem>>, vector<2000x128xf32>,
    return
  }
  func.func @transform_0(%arg0: i32) -> (i32, i32, i32) {
    %c0_i32 = arith.constant 0 : i32
    %c0_i32_0 = arith.constant 0 : i32
    %c0_i32_1 = arith.constant 0 : i32
    return %c0_i32, %arg0, %c0_i32_0 : i32, i32, i32
  }
  func.func @transform_1(%arg0: i32) -> (i32, i32, i32) {
    %c0_i32 = arith.constant 0 : i32
    %c0_i32_0 = arith.constant 0 : i32
    %c0_i32_1 = arith.constant 0 : i32
    return %c0_i32, %arg0, %c0_i32_0 : i32, i32, i32
  }
  func.func @transform_2(%arg0: i32) -> (i32, i32) {
    %c0_i32 = arith.constant 0 : i32
    %c0_i32_0 = arith.constant 0 : i32
    return %arg0, %c0_i32 : i32, i32
  }
  func.func @transform_3(%arg0: i32) -> (i32, i32) {
    %c0_i32 = arith.constant 0 : i32
    %c0_i32_0 = arith.constant 0 : i32
    %c0_i32_1 = arith.constant 0 : i32
    return %c0_i32, %c0_i32_0 : i32, i32
  }
  func.func @transform_4(%arg0: i32) -> (i32, i32) {
    %c0_i32 = arith.constant 0 : i32
    %c0_i32_0 = arith.constant 0 : i32
    %c0_i32_1 = arith.constant 0 : i32
    return %c0_i32, %c0_i32_0 : i32, i32
  }
  func.func @transform_5(%arg0: i32) -> (i32, i32) {
    %c0_i32 = arith.constant 0 : i32
    %c0_i32_0 = arith.constant 0 : i32
    %c0_i32_1 = arith.constant 0 : i32
    return %c0_i32, %c0_i32_0 : i32, i32
  }
  func.func @transform_6(%arg0: i32) -> (i32, i32) {
    %c0_i32 = arith.constant 0 : i32
    %c0_i32_0 = arith.constant 0 : i32
    return %arg0, %c0_i32 : i32, i32
  }
  func.func @transform_7(%arg0: i32) -> (i32, i32) {
    %c0_i32 = arith.constant 0 : i32
    %c0_i32_0 = arith.constant 0 : i32
    return %arg0, %c0_i32 : i32, i32
  }
}

module attributes {stable_mosaic.version = 14 : i64} {
  func.func @body(%arg0: i32, %arg1: memref<2x2000x128xf32, #tpu.memory_space<vmem>>, %arg2: memref<2x2000x128xf32, #tpu.memory_space<vmem>>, %arg3: memref<2000x128xf32, #tpu.memory_space<vmem>>, %arg4: memref<2000x17xf32, #tpu.memory_space<vmem>>) attributes {dimension_semantics = [#tpu.dimension_semantics<arbitrary>], iteration_bounds = array<i64: 5>, scalar_prefetch = 0 : i64, scratch_operands = 0 : i64, tpu.core_type = #tpu.core_type<tc>, window_params = [{transform_indices = @transform_0, window_bounds = array<i64: 2, 2000, 128>}, {transform_indices = @transform_1, window_bounds = array<i64: 2, 2000, 128>}, {transform_indices = @transform_2, window_bounds = array<i64: 2000, 128>}, {transform_indices = @transform_3, window_bounds = array<i64: 2000, 17>}]} {
    %get3A = arith.constant 0 : index
    %get3A_0 = arith.constant 0 : index
    %get3A_1 = arith.constant 0 : index
    %get3A_2 = vector.load %arg1[%get3A, %get3A_0, %get3A_1] : memref<2x2000x128xf32, #tpu.memory_space<vmem>>, vector<1x2000x128xf32>
    %get3A_3 = vector.shape_cast %get3A_2 : vector<1x2000x128xf32> to vector<2000x128xf32>
    %get3A_4 = arith.constant 1 : index
    %get3A_5 = arith.constant 0 : index
    %get3A_6 = arith.constant 0 : index
    %get3A_7 = vector.load %arg1[%get3A_4, %get3A_5, %get3A_6] : memref<2x2000x128xf32, #tpu.memory_space<vmem>>, vector<1x2000x128xf32>
    %get3A_8 = vector.shape_cast %get3A_7 : vector<1x2000x128xf32> to vector<2000x128xf32>
    %add3A = arith.addf %get3A_3, %get3A_8 : vector<2000x128xf32>
    %get3A_9 = arith.constant 0 : index
    %get3A_10 = arith.constant 0 : index
    %get3A_11 = arith.constant 0 : index
    %get3A_12 = vector.load %arg2[%get3A_9, %get3A_10, %get3A_11] : memref<2x2000x128xf32, #tpu.memory_space<vmem>>, vector<1x2000x1xf32>
    %get3A_13 = vector.shape_cast %get3A_12 : vector<1x2000x1xf32> to vector<2000x1xf32>
    %get3A_14 = arith.constant 1 : index
    %get3A_15 = arith.constant 0 : index
    %get3A_16 = arith.constant 0 : index
    %get3A_17 = vector.load %arg2[%get3A_14, %get3A_15, %get3A_16] : memref<2x2000x128xf32, #tpu.memory_space<vmem>>, vector<1x2000x1xf32>
    %get3A_18 = vector.shape_cast %get3A_17 : vector<1x2000x1xf32> to vector<2000x1xf32>
    %add3A_19 = arith.addf %get3A_13, %get3A_18 : vector<2000x1xf32>
    %max3A = arith.constant 1.000000e+00 : f32
    %max3A_20 = vector.broadcast %max3A : f32 to vector<2000x1xf32>
    %max3A_21 = arith.maximumf %add3A_19, %max3A_20 : vector<2000x1xf32>
    %div3A = arith.constant 1.000000e+00 : f32
    %div3A_22 = vector.broadcast %div3A : f32 to vector<2000x1xf32>
    %div3A_23 = arith.divf %div3A_22, %max3A_21 : vector<2000x1xf32>
    %mul3A = vector.broadcast %div3A_23 : vector<2000x1xf32> to vector<2000x128xf32>
    %mul3A_24 = arith.mulf %add3A, %mul3A : vector<2000x128xf32>
    %get3A_25 = arith.constant 0 : index
    %get3A_26 = arith.constant 0 : index
    %get3A_27 = vector.load %arg3[%get3A_25, %get3A_26] : memref<2000x128xf32, #tpu.memory_space<vmem>>, vector<2000x128xf32>
    %add3A_28 = arith.addf %mul3A_24, %get3A_27 : vector<2000x128xf32>
    %max3A_29 = arith.constant 0.000000e+00 : f32
    %max3A_30 = vector.broadcast %max3A_29 : f32 to vector<2000x128xf32>
    %max3A_31 = arith.maximumf %add3A_28, %max3A_30 : vector<2000x128xf32>
    %slice3A = vector.extract_strided_slice %max3A_31 {offsets = [0, 0], sizes = [2000, 17], strides = [1, 1]} : vector<2000x128xf32> to vector<2000x17xf32>
    %swap3A = arith.constant 0 : index
    %swap3A_32 = arith.constant 0 : index
    %swap3A_33 = vector.load %arg4[%swap3A, %swap3A_32] : memref<2000x17xf32, #tpu.memory_space<vmem>>, vector<2000x17xf32>
    tpu.vector_store %arg4[%swap3A, %swap3A_32], %slice3A {strides = array<i32>} : memref<2000x17xf32, #tpu.memory_space<vmem>>, vector<2000x17xf32>,
    return
  }
  func.func @transform_0(%arg0: i32) -> (i32, i32, i32) {
    %c0_i32 = arith.constant 0 : i32
    %c0_i32_0 = arith.constant 0 : i32
    %c0_i32_1 = arith.constant 0 : i32
    return %c0_i32, %arg0, %c0_i32_0 : i32, i32, i32
  }
  func.func @transform_1(%arg0: i32) -> (i32, i32, i32) {
    %c0_i32 = arith.constant 0 : i32
    %c0_i32_0 = arith.constant 0 : i32
    %c0_i32_1 = arith.constant 0 : i32
    return %c0_i32, %arg0, %c0_i32_0 : i32, i32, i32
  }
  func.func @transform_2(%arg0: i32) -> (i32, i32) {
    %c0_i32 = arith.constant 0 : i32
    %c0_i32_0 = arith.constant 0 : i32
    return %arg0, %c0_i32 : i32, i32
  }
  func.func @transform_3(%arg0: i32) -> (i32, i32) {
    %c0_i32 = arith.constant 0 : i32
    %c0_i32_0 = arith.constant 0 : i32
    return %arg0, %c0_i32 : i32, i32
  }
}

</mosaic_0001>

<sc_bundles>
// kernel: kernel.14.cloned.1.call-start
scs
__scs_entry_jumppad:
0x0: {  	(pc) =	sbr.rel $0x88, $3  }
0x1: {  	(tag) =	ssettag $0x0;
	lr =	simm.s32 $0x1  }
0x2: {  	[smem:$0x3F90] =	sst lr;
	_ =	strace $0xD0000000  }
0x3: {  	_ = 	snop  }
0x4: {  	_ = 	snop  }
0x5: {  	_ = 	snop  }
0x6: {  	_ = 	snop  }
0x7: {  	_ = 	snop  }
__scs_overlays_trampoline_lowered:
0x8: {  	[smem:$0x3F9F] =	sst s0  }
0x9: {  	[smem:$0x3FA0] =	sst s1  }
0xa: {  	[smem:$0x3FA1] =	sst s2  }
0xb: {  	[smem:$0x3FA2] =	sst s3  }
0xc: {  	[smem:$0x3FA3] =	sst s4  }
0xd: {  	[smem:$0x3FA4] =	sst s5  }
0xe: {  	[smem:$0x3FA5] =	sst s6  }
0xf: {  	[smem:$0x3FA6] =	sst s7  }
0x10: {  	[smem:$0x3FA7] =	sst s8  }
0x11: {  	[smem:$0x3FA8] =	sst s9;
	s0 =	simm.s32 @!p0 $0x0  }
0x12: {  	s1 =	sld [smem:$0x3F8E];
	s0 =	simm.s32 @p0 $0x1  }
0x13: {  	[smem:$0x3FA9] =	sst s0;
	s0 =	simm.s32 @!p1 $0x0  }
0x14: {  	s2 =	sld [smem:$0x3F8D];
	s0 =	simm.s32 @p1 $0x1  }
0x15: {  	[smem:$0x3FAA] =	sst s0;
	s0 =	simm.s32 @!p2 $0x0  }
0x16: {  	s3 =	sld [smem:$0x3FDB];
	s0 =	simm.s32 @p2 $0x1  }
0x17: {  	s4 =	simm.s32 $0x1BF5;
	[smem:$0x3FAC] =	sst s0  }
0x18: {  	s0 =	sld [smem:$0x3F8F];
	_ =	swait.ge [sflag:s4], $0x0  }
0x19: {  	s7 =	sld [smem:$0x3F90]  }
0x1a: {  	s8 =	sadd.s32 $0xFFFFE003, lr  }
0x1b: {  	s9 =	sadd.s32 $0xFFFFFEF7, lr;
	s5 =	simm.s32 $0xFFFFFFFF;
	p2 =	slt.u32 s8, $0xFFFFF086  }
0x1c: {  	p1 =	slt.u32 s9, $0xF7A;
	s5 =	simm.s32 @!p2 $0x0  }
0x1d: {  	s5 =	simm.s32 @p1 $0x1;
	p0 =	seq.s32 s7, s2  }
0x1e: {  	s7 =	smul.u32 @!p0 $0xF7A, s2;
	p2 =	seq.s32 @!p0 s5, $0x0  }
0x1f: {  	s9 =	smul.u32 $0xF7A, s1;
	s8 =	simm.s32 @!p0 $0x1BF5;
	p2 =	por !p2, p0  }
0x20: {  	[sflag:s8] =	ssyncset.s32 @!p0 $0xFFFFF086;
	s6 =	sadd.s32 @!p0 s3, s7;
	s7 =	simm.s32 @!p0 $0x108  }
0x21: {  	s3 =	sadd.s32 s3, s9;
	s6 =	sadd.s32 @!p0 $0x88, s6;
	s7 =	simm.s32 @p2 $0x1082  }
0x22: {  	[simem:s7], [sflag:s8] =	dma.local @!p0 [hbm:s6], $0xF7A  }
0x23: {  	s9 =	sor.u32 $0xD0000000, s2;
	s6 =	simm.s32 $0x108;
	_ =	swait.ge @!p0 [sflag:s8], $0x0  }
0x24: {  	s3 =	sadd.s32 $0x88, s3;
	s6 =	simm.s32 @!p1 $0x1082;
	[sflag:s4] =	ssyncset.s32 $0xFFFFF086  }
0x25: {  	[simem:s6], [sflag:s4] =	dma.local [hbm:s3], $0xF7A  }
0x26: {  	[smem:$0x3F90] =	sst s1;
	(tag) =	ssettag s2;
	_ =	strace s9  }
0x27: {  	s1 =	sld [smem:$0x3FA0]  }
0x28: {  	s2 =	sld [smem:$0x3FA1]  }
0x29: {  	s4 =	sld [smem:$0x3FA3]  }
0x2a: {  	p0 =	seq.s32 s5, $0x0;
	s5 =	sld [smem:$0x3FA4]  }
0x2b: {  	s6 =	sld [smem:$0x3FA5]  }
0x2c: {  	s7 =	sld [smem:$0x3FA6]  }
0x2d: {  	s3 =	simm.s32 $0x108;
	s8 =	sld [smem:$0x3FA7]  }
0x2e: {  	s3 =	simm.s32 @!p0 $0x1082;
	s9 =	sld [smem:$0x3FA8]  }
0x2f: {  	lr =	sadd.s32 s0, s3;
	s0 =	sld [smem:$0x3F9F]  }
0x30: {  	s3 =	sld [smem:$0x3FA2]  }
0x31: {  	[smem:$0x3FAB] =	sst s10  }
0x32: {  	s10 =	sld [smem:$0x3FA9];
	_ =	sdelay $0x3  }
0x33: {  	p0 =	seq.s32 s10, $0x1;
	s10 =	sld [smem:$0x3FAB];
	_ =	sdelay $0x3  }
0x34: {  	[smem:$0x3FAB] =	sst s10  }
0x35: {  	s10 =	sld [smem:$0x3FAA];
	_ =	sdelay $0x3  }
0x36: {  	p1 =	seq.s32 s10, $0x1;
	s10 =	sld [smem:$0x3FAB];
	_ =	sdelay $0x3  }
0x37: {  	[smem:$0x3FAB] =	sst s10  }
0x38: {  	s10 =	sld [smem:$0x3FAC]  }
0x39: {  	_ = 	snop;
	(pc) =	sbr.ind lr, $3  }
0x3a: {  	_ = 	snop  }
0x3b: {  	_ = 	snop  }
0x3c: {  	p2 =	seq.s32 s10, $0x1;
	s10 =	sld [smem:$0x3FAB]  }
0x3d: {  	_ =	shalt  }
0x3e: {  	_ =	shalt  }
0x3f: {  	_ =	shalt  }
0x40: {  	_ =	shalt  }
0x41: {  	_ =	shalt  }
0x42: {  	_ =	shalt  }
0x43: {  	_ =	shalt  }
0x44: {  	_ =	shalt  }
0x45: {  	_ =	shalt  }
0x46: {  	_ =	shalt  }
0x47: {  	_ =	shalt  }
0x48: {  	_ =	shalt  }
0x49: {  	_ =	shalt  }
0x4a: {  	_ =	shalt  }
0x4b: {  	_ =	shalt  }
0x4c: {  	_ =	shalt  }
0x4d: {  	_ =	shalt  }
0x4e: {  	_ =	shalt  }
0x4f: {  	_ =	shalt  }
0x50: {  	_ =	shalt  }
0x51: {  	_ =	shalt  }
0x52: {  	_ =	shalt  }
0x53: {  	_ =	shalt  }
0x54: {  	_ =	shalt  }
0x55: {  	_ =	shalt  }
0x56: {  	_ =	shalt  }
0x57: {  	_ =	shalt  }
0x58: {  	_ =	shalt  }
0x59: {  	_ =	shalt  }
0x5a: {  	_ =	shalt  }
0x5b: {  	_ =	shalt  }
0x5c: {  	_ =	shalt  }
0x5d: {  	_ =	shalt  }
0x5e: {  	_ =	shalt  }
0x5f: {  	_ =	shalt  }
0x60: {  	_ =	shalt  }
0x61: {  	_ =	shalt  }
0x62: {  	_ =	shalt  }
0x63: {  	_ =	shalt  }
0x64: {  	_ =	shalt  }
0x65: {  	_ =	shalt  }
0x66: {  	_ =	shalt  }
0x67: {  	_ =	shalt  }
0x68: {  	_ =	shalt  }
0x69: {  	_ =	shalt  }
0x6a: {  	_ =	shalt  }
0x6b: {  	_ =	shalt  }
0x6c: {  	_ =	shalt  }
0x6d: {  	_ =	shalt  }
0x6e: {  	_ =	shalt  }
0x6f: {  	_ =	shalt  }
0x70: {  	_ =	shalt  }
0x71: {  	_ =	shalt  }
0x72: {  	_ =	shalt  }
0x73: {  	_ =	shalt  }
0x74: {  	_ =	shalt  }
0x75: {  	_ =	shalt  }
0x76: {  	_ =	shalt  }
0x77: {  	_ =	shalt  }
0x78: {  	_ =	shalt  }
0x79: {  	_ =	shalt  }
0x7a: {  	_ =	shalt  }
0x7b: {  	_ =	shalt  }
0x7c: {  	_ =	shalt  }
0x7d: {  	_ =	shalt  }
0x7e: {  	_ =	shalt  }
0x7f: {  	_ =	shalt  }
0x80: {  	_ =	shalt  }
0x81: {  	_ =	shalt  }
0x82: {  	_ =	shalt  }
0x83: {  	_ =	shalt  }
0x84: {  	_ =	shalt  }
0x85: {  	_ =	shalt  }
0x86: {  	_ =	shalt  }
0x87: {  	_ =	shalt  }
.Lfunc_end0:
.L_simem_size_0:
called_computation_lowered:
.L_overlay_start_0:
0x88: {  	s2 =	sld [smem:$0x3FD9]  }
0x89: {  	s3 =	sld [smem:$0x3FFE];
	_ =	sdelay $0x1  }
0x8a: {  	s1 =	srdreg.scid  }
0x8b: {  	s0 =	sand.u32 $0x1, s1  }
0x8c: {  	s17 =	sshll.u32 s0, $0xA;
	s2 =	sadd.s32 s3, s2  }
0x8d: {  	s2 =	sadd.s32 s2, s17  }
0x8e: {  	[smem:$0x3FB7] =	sst s2  }
0x8f: {  	_ = 	snop  }
0x90: {  	(tm) =	ssettm $0x1  }
0x91: {  	s18 =	sld [smem:$0x3FFB];
	_ =	sdelay $0x3  }
0x92: {  	_ =	strace s18  }
0x93: {  	s2 =	sld [smem:$0x3FFC];
	_ =	sdelay $0x3  }
0x94: {  	_ =	strace s2  }
0x95: {  	s2 =	sld [smem:$0x3FFD];
	_ =	sdelay $0x3  }
0x96: {  	_ =	strace s2  }
0x97: {  	_ =	strace $0x8FFFFFFF  }
0x98: {  	s19 =	sld [smem:$0x3FDB];
	_ =	sdelay $0x1  }
0x99: {  	s20 =	simm.s32 $_scs_section_size  }
0x9a: {  	s4 =	simm.s32 $_size__tile_overlayer_lowered;
	s5 =	simm.s32 $_tile_overlayer_lowered  }
0x9b: {  	s6 =	simm.s32 $0x1BFF;
	s21 =	sshll.u32 s5, $0x1;
	s3 =	sadd.s32 s20, s19  }
0x9c: {  	s22 =	simm.s32 $0x0;
	s4 =	sshll.u32 s4, $0x1;
	s5 =	sadd.s32 s21, s3  }
0x9d: {  	[timem:s22], [sflag:s6] =	dma.local [hbm:s5], s4  }
0x9e: {  	_ =	swait.ge [sflag:s6], s4  }
0x9f: {  	s4 =	ssub.s32 $0x0, s4;
	[sflag:s6] =	ssyncset.done $0x0  }
0xa0: {  	[sflag:s6] =	ssyncadd.s32 s4;
	_ =	sdelay $0x1  }
0xa1: {  	s23 =	simm.s32 $0x1B8B  }
0xa2: {  	_ =	swait.ge [sflag:s23], $0x1  }
0xa3: {  	[sflag:s23] =	ssyncset.done $0x0  }
0xa4: {  	[sflag:s23] =	ssyncadd.s32 $0xFFFFFFFF  }
0xa5: {  	s4 =	sld [smem:$0x0]  }
0xa6: {  	s5 =	sand.u32 $0xFFFFFFFE, s1  }
0xa7: {  	p0 =	sne.s32 s1, s5  }
0xa8: {  	s5 =	sshll.u32 @p0 s5, $0xE  }
0xa9: {  	s5 =	sadd.s32 @p0 $0x11B8D, s5;
	s6 =	sshll.u32 @p0 s4, $0x11  }
0xaa: {  	s5 =	sor.u32 @p0 s6, s5  }
0xab: {  	[sflag:s5] =	ssyncadd.remote.s32 @p0 $0x1;
	_ =	sdelay $0x1  }
0xac: {  	s5 =	simm.s32 @p0 $0x1B8D  }
0xad: {  	_ =	swait.eq @p0 [sflag:s5], $0x1  }
0xae: {  	[sflag:s5] =	ssyncadd.s32 @p0 $0xFFFFFFFF  }
0xaf: {  	s6 =	sshll.u32 @!p0 s1, $0xE  }
0xb0: {  	s6 =	sor.u32 @!p0 $0x4000, s6;
	s5 =	simm.s32 @!p0 $0x1B8D  }
0xb1: {  	s4 =	sshll.u32 @!p0 s4, $0x11;
	s6 =	sadd.s32 @!p0 $0x11B8D, s6;
	_ =	swait.eq @!p0 [sflag:s5], $0x1  }
0xb2: {  	s4 =	sor.u32 @!p0 s4, s6;
	[sflag:s5] =	ssyncadd.s32 @!p0 $0xFFFFFFFF  }
0xb3: {  	s25 =	simm.s32 $0x1B8E;
	s24 =	sld [smem:$0x3FFE];
	[sflag:s4] =	ssyncadd.remote.s32 @!p0 $0x1  }
0xb4: {  	s26 =	simm.s32 $execute0_lowered;
	[smem:$0x3FD2] =	sst s25  }
0xb5: {  	s5 =	sshll.u32 s26, $0x1;
	_ =	strace $0x80000049;
	[dreg:$0x1] =	wrdreg $0xFFFFFFFF  }
0xb6: {  	s28 =	simm.s32 $_size_execute0_lowered;
	s3 =	sadd.s32 s3, s5;
	[dreg:$0x0] =	wrdreg $0x0  }
0xb7: {  	s5 =	sshll.u32 s28, $0x1;
	[dreg:$0x2] =	wrdreg s3  }
0xb8: {  	[dreg:$0x3] =	wrdreg s5  }
0xb9: {  	[dreg:$0x4] =	wrdreg $0xC0  }
0xba: {  	_ =	task [dreg:s22], $0x5FFFF  }
0xbb: {  	[dreg:$0x1] =	wrdreg $0xFFFFFFFF  }
0xbc: {  	[dreg:$0x0] =	wrdreg $0x60  }
0xbd: {  	[dreg:$0x2] =	wrdreg s24  }
0xbe: {  	[dreg:$0x3] =	wrdreg $0x40800  }
0xbf: {  	[dreg:$0x4] =	wrdreg $0x9  }
0xc0: {  	_ =	task.clear_ibuf [dreg:s22], $0x5FFFF;
	_ =	strace $0x90000049  }
0xc1: {  	s29 =	simm.s32 $0x9;
	_ =	strace $0x8000004B  }
0xc2: {  	_ =	swait.ge [sflag:s29], $0x1  }
0xc3: {  	[sflag:s29] =	ssyncadd.s32 $0xFFFFFFFF  }
0xc4: {  	_ =	strace $0x9000004B  }
0xc5: {  	_ =	sfence  }
0xc6: {  	s30 =	sld [smem:$0x0];
	_ =	sdelay $0x2  }
0xc7: {  	s31 =	sshll.u32 s1, $0xD;
	s1 =	sshrl.u32 s1, $0x2  }
0xc8: {  	s4 =	sand.u32 $0x4000, s31;
	s1 =	sadd.s32 s1, s30  }
0xc9: {  	s0 =	sor.u32 s4, s0;
	s1 =	sshll.u32 s1, $0x11  }
0xca: {  	s0 =	sor.u32 s1, s0  }
0xcb: {  	s0 =	sadd.s32 $0x8F2B, s0  }
0xcc: {  	[sflag:s0] =	ssyncadd.remote.s32 $0x1  }
0xcd: {  	_ =	sfence.sel $0xFFFF  }
0xce: {  	[dreg:$0x0] =	wrdreg $0xFFFFFFFF;
	(pc) =	sbr.abs _section_cstart, $3  }
0xcf: {  	[dreg:$0x1] =	wrdreg $0xFFFFFFFF  }
0xd0: {  	_ =	task.clear_ibuf [dreg:s22], $0x2FFFF;
	_ =	strace $0x9FFFFFFF  }
0xd1: {  	(tm) =	ssettm $0x7FFFFFFF  }
tec
execute0_lowered:
.L_overlay_start_1:
0x0: {  	(tag) =	ssettag $0x1  }
0x1: {  	s4 =	rddreg [dreg:$0x0]  }
0x2: {  	s2 =	rddreg [dreg:$0x1];
	s1 =	stileid.u32  }
0x3: {  	s0 =	rddreg [dreg:$0x2];
	s5 =	smul.u32 $0x9E0, s1  }
0x4: {  	s3 =	simm.s32 $0x0;
	s6 =	srdreg.scid;
	s24 =	smul.u32 $0x50000, s1  }
0x5: {  	[smem:$0x7FF] =	sst s3;
	s11 =	sand.u32 $0x1, s6;
	s8 =	smul.u32 $0x14000, s1  }
0x6: {  	s14 =	sadd.s32 $0x8F000, s4;
	_ =	strace $0x8000004A;
	s17 =	smul.u32 $0x140000, s11  }
0x7: {  	s25 =	ssub.s32 $0x2, s11;
	s28 =	smul.u32 $0x4F0, s11;
	s13 =	sadd.s32 s5, s4  }
0x8: {  	s26 =	sshrl.u32 s25, $0x1;
	s6 =	sshrl.u32 s24, $0x2;
	s9 =	sadd.s32 $0x4000, s8  }
0x9: {  	s12 =	sadd.s32 $0x8000, s8;
	s16 =	sadd.s32 $0xC000, s8;
	s18 =	sadd.s32 $0x10000, s8  }
0xa: {  	s15 =	ssub.s32 s25, s26;
	s4 =	sadd.s32 s6, s2;
	s5 =	sadd.s32 s9, s2  }
0xb: {  	s6 =	sadd.s32 s12, s2;
	s7 =	sadd.s32 s16, s2;
	s10 =	sadd.s32 s8, s17  }
0xc: {  	s9 =	sadd.s32 s17, s9;
	s8 =	sadd.s32 s18, s2;
	s12 =	sadd.s32 s17, s12  }
0xd: {  	s16 =	sadd.s32 s17, s16;
	s30 =	sadd.s32 s17, s18;
	s31 =	sadd.s32 s28, s13  }
0xe: {  	s17 =	simm.s32 $0x1;
	s18 =	simm.s32 $0x0;
	s10 =	sshrl.u32 s10, $0x3  }
0xf: {  	s19 =	sshrl.u32 s9, $0x3;
	s12 =	sshrl.u32 s12, $0x3;
	s29 =	sshrl.u32 s16, $0x3  }
0x10: {  	s16 =	sshrl.u32 s30, $0x3;
	s9 =	sadd.s32 s14, s10;
	s10 =	sadd.s32 s14, s19  }
0x11: {  	s11 =	sadd.s32 s14, s12;
	s12 =	sadd.s32 s14, s29;
	s13 =	sadd.s32 s14, s16  }
0x12: {  	v0 =	vimm.f32 $0.0e+00;
	v1 =	vimm.f32 $1.000000000e+00;
	s14 =	smax.u32 s15, $0x1;
	s15 =	sadd.s32 $0x4200, s31;
	s16 =	simm.s32 $0x80  }
.LBB2_1:
0x13: {  	s19 =	simm.s32 $0x0;
	s20 =	simm.s32 $0x200  }
.LBB2_2:
0x14: {  	p0 =	sne.s32 s20, $0xFE00;
	[tilespmem:s19+$0xF0] =	vst v0  }
0x15: {  	[tilespmem:s19+$0x80] =	vst v0  }
0x16: {  	[tilespmem:s19+$0x90] =	vst v0  }
.Ltmp0:
0x17: {  	[tilespmem:s19+$0xA0] =	vst v0;
	(pc) =	sbr.rel @p0 .LBB2_2-.Ltmp0, $4  }
0x18: {  	[tilespmem:s19+$0xB0] =	vst v0  }
0x19: {  	[tilespmem:s19+$0xC0] =	vst v0  }
0x1a: {  	[tilespmem:s19+$0xD0] =	vst v0  }
0x1b: {  	[tilespmem:s19+$0xE0] =	vst v0;
	s19 =	sshra.s32 s20, $0x2;
	s20 =	sadd.s32 $0x200, s20  }
0x1c: {  	[tilespmem:s19+$0xF0] =	vst v0  }
0x1d: {  	[tilespmem:s19+$0x80] =	vst v0  }
0x1e: {  	[tilespmem:s19+$0x90] =	vst v0  }
0x1f: {  	[tilespmem:s19+$0xA0] =	vst v0  }
0x20: {  	[tilespmem:s19+$0xB0] =	vst v0  }
0x21: {  	[tilespmem:s19+$0xC0] =	vst v0  }
0x22: {  	[tilespmem:s19+$0xD0] =	vst v0  }
0x23: {  	[tilespmem:s19+$0xE0] =	vst v0  }
0x24: {  	[spmem:s4] =	stream.linear.scatter [tilespmem:s16], [sflag:$0x1], $0x4000, $0x38;
	[tilespmem:$0x18080] =	vst v63  }
0x25: {  	_ =	swait.ge [sflag:s17], $0x4000  }
0x26: {  	[sflag:s17] =	ssyncset.done $0x0  }
0x27: {  	[sflag:s17] =	ssyncadd.s32 $0xFFFFC000  }
0x28: {  	[spmem:s5] =	stream.linear.scatter [tilespmem:s16], [sflag:$0x1], $0x4000, $0x38;
	[tilespmem:$0x18080] =	vst v63  }
0x29: {  	_ =	swait.ge [sflag:s17], $0x4000  }
0x2a: {  	[sflag:s17] =	ssyncset.done $0x0  }
0x2b: {  	[sflag:s17] =	ssyncadd.s32 $0xFFFFC000  }
0x2c: {  	[spmem:s6] =	stream.linear.scatter [tilespmem:s16], [sflag:$0x1], $0x4000, $0x38;
	[tilespmem:$0x18080] =	vst v63  }
0x2d: {  	_ =	swait.ge [sflag:s17], $0x4000  }
0x2e: {  	[sflag:s17] =	ssyncset.done $0x0  }
0x2f: {  	[sflag:s17] =	ssyncadd.s32 $0xFFFFC000  }
0x30: {  	[spmem:s7] =	stream.linear.scatter [tilespmem:s16], [sflag:$0x1], $0x4000, $0x38;
	[tilespmem:$0x18080] =	vst v63  }
0x31: {  	_ =	swait.ge [sflag:s17], $0x4000  }
0x32: {  	[sflag:s17] =	ssyncset.done $0x0  }
0x33: {  	[sflag:s17] =	ssyncadd.s32 $0xFFFFC000  }
0x34: {  	[spmem:s8] =	stream.linear.scatter [tilespmem:s16], [sflag:$0x1], $0x4000, $0x38;
	[tilespmem:$0x18080] =	vst v63  }
0x35: {  	_ =	swait.ge [sflag:s17], $0x4000  }
0x36: {  	[sflag:s17] =	ssyncset.done $0x0  }
0x37: {  	s19 =	simm.s32 $0x0;
	s20 =	simm.s32 $0x200;
	[sflag:s17] =	ssyncadd.s32 $0xFFFFC000  }
.LBB2_4:
0x38: {  	p0 =	sne.s32 s20, $0xFE00;
	[tilespmem:s19+$0xF0] =	vst v1  }
0x39: {  	[tilespmem:s19+$0x80] =	vst v1  }
0x3a: {  	[tilespmem:s19+$0x90] =	vst v1  }
.Ltmp1:
0x3b: {  	[tilespmem:s19+$0xA0] =	vst v1;
	(pc) =	sbr.rel @p0 .LBB2_4-.Ltmp1, $4  }
0x3c: {  	[tilespmem:s19+$0xB0] =	vst v1  }
0x3d: {  	[tilespmem:s19+$0xC0] =	vst v1  }
0x3e: {  	[tilespmem:s19+$0xD0] =	vst v1  }
0x3f: {  	[tilespmem:s19+$0xE0] =	vst v1;
	s19 =	sshra.s32 s20, $0x2;
	s20 =	sadd.s32 $0x200, s20  }
0x40: {  	[tilespmem:s19+$0xF0] =	vst v1  }
0x41: {  	[tilespmem:s19+$0x80] =	vst v1  }
0x42: {  	[tilespmem:s19+$0x90] =	vst v1  }
0x43: {  	[tilespmem:s19+$0xA0] =	vst v1  }
0x44: {  	[tilespmem:s19+$0xB0] =	vst v1  }
0x45: {  	[tilespmem:s19+$0xC0] =	vst v1  }
0x46: {  	[tilespmem:s19+$0xD0] =	vst v1  }
0x47: {  	[tilespmem:s19+$0xE0] =	vst v1  }
0x48: {  	s31 =	sadd.s32 $0x0, s15;
	[bflag:$0x0] =	sbarrier.arrive $0xFFFF  }
0x49: {  	[tilespmem:s3], [sflag:$0x1] =	stream.linear.gather [hbm4b:s31+s3], $0x80, $0x38;
	[tilespmem:$0x18080] =	vst v63  }
0x4a: {  	_ =	swait.ge [sflag:s17], $0x80  }
0x4b: {  	[sflag:s17] =	ssyncset.done $0x0  }
0x4c: {  	[sflag:s17] =	ssyncadd.s32 $0xFFFFFF80  }
0x4d: {  	[spmem:s2] =	stream.indirect.scatter.add.f32 [tilespmem:s16], [sflag:$0x1], $0x80, s3, s16, $0xb8;
	[tilespmem:$0x18080] =	vst v63  }
0x4e: {  	_ =	swait.ge [sflag:s17], $0x4000  }
0x4f: {  	s19 =	simm.s32 $0x10;
	s20 =	simm.s32 $0x20;
	[sflag:s17] =	ssyncset.done $0x0  }
.LBB2_6:
0x50: {  	s21 =	sadd.s32 s19, s15  }
0x51: {  	[sflag:s17] =	ssyncadd.s32 $0xFFFFC000;
	s19 =	smov.u32 s20;
	s22 =	sadd.s32 $0x10, s20  }
0x52: {  	[tilespmem:s3], [sflag:$0x1] =	stream.linear.gather [hbm4b:s21+s3], $0x80, $0x38;
	[tilespmem:$0x18080] =	vst v63  }
0x53: {  	p0 =	sne.s32 s20, $0x4E0;
	_ =	swait.ge [sflag:s17], $0x80  }
.Ltmp2:
0x54: {  	[sflag:s17] =	ssyncset.done $0x0;
	(pc) =	sbr.rel @p0 .LBB2_6-.Ltmp2, $4  }
0x55: {  	[sflag:s17] =	ssyncadd.s32 $0xFFFFFF80  }
0x56: {  	[spmem:s2] =	stream.indirect.scatter.add.f32 [tilespmem:s16], [sflag:$0x1], $0x80, s3, s16, $0xb8;
	[tilespmem:$0x18080] =	vst v63  }
0x57: {  	_ =	swait.ge [sflag:s17], $0x4000  }
0x58: {  	s20 =	smov.u32 s22;
	[sflag:s17] =	ssyncset.done $0x0  }
0x59: {  	s19 =	sadd.s32 s19, s15;
	[sflag:s17] =	ssyncadd.s32 $0xFFFFC000  }
0x5a: {  	[tilespmem:s3], [sflag:$0x1] =	stream.linear.gather [hbm4b:s19+s3], $0x80, $0x38;
	[tilespmem:$0x18080] =	vst v63  }
0x5b: {  	_ =	swait.ge [sflag:s17], $0x80  }
0x5c: {  	[sflag:s17] =	ssyncset.done $0x0  }
0x5d: {  	[sflag:s17] =	ssyncadd.s32 $0xFFFFFF80  }
0x5e: {  	[spmem:s2] =	stream.indirect.scatter.add.f32 [tilespmem:s16], [sflag:$0x1], $0x80, s3, s16, $0xb8;
	[tilespmem:$0x18080] =	vst v63  }
0x5f: {  	_ =	swait.ge [sflag:s17], $0x4000  }
0x60: {  	[sflag:s17] =	ssyncset.done $0x0  }
0x61: {  	[sflag:s17] =	ssyncadd.s32 $0xFFFFC000  }
0x62: {  	[bflag:$0x0] =	sbarrier.arrive $0xFFFF  }
0x63: {  	[tilespmem:s16], [sflag:$0x1] =	stream.linear.gather [spmem:s4], $0x4000, $0x38;
	[tilespmem:$0x18080] =	vst v63  }
0x64: {  	_ =	swait.ge [sflag:s17], $0x4000  }
0x65: {  	[sflag:s17] =	ssyncset.done $0x0  }
0x66: {  	[sflag:s17] =	ssyncadd.s32 $0xFFFFC000  }
0x67: {  	[hbm4b:s9+s3] =	stream.linear.scatter [tilespmem:s16], [sflag:$0x1], $0x4000, $0x38;
	[tilespmem:$0x18080] =	vst v63  }
0x68: {  	_ =	swait.ge [sflag:s17], $0x4000  }
0x69: {  	[sflag:s17] =	ssyncset.done $0x0  }
0x6a: {  	[sflag:s17] =	ssyncadd.s32 $0xFFFFC000  }
0x6b: {  	[tilespmem:s16], [sflag:$0x1] =	stream.linear.gather [spmem:s5], $0x4000, $0x38;
	[tilespmem:$0x18080] =	vst v63  }
0x6c: {  	_ =	swait.ge [sflag:s17], $0x4000  }
0x6d: {  	[sflag:s17] =	ssyncset.done $0x0  }
0x6e: {  	[sflag:s17] =	ssyncadd.s32 $0xFFFFC000  }
0x6f: {  	[hbm4b:s10+s3] =	stream.linear.scatter [tilespmem:s16], [sflag:$0x1], $0x4000, $0x38;
	[tilespmem:$0x18080] =	vst v63  }
0x70: {  	_ =	swait.ge [sflag:s17], $0x4000  }
0x71: {  	[sflag:s17] =	ssyncset.done $0x0  }
0x72: {  	[sflag:s17] =	ssyncadd.s32 $0xFFFFC000  }
0x73: {  	[tilespmem:s16], [sflag:$0x1] =	stream.linear.gather [spmem:s6], $0x4000, $0x38;
	[tilespmem:$0x18080] =	vst v63  }
0x74: {  	_ =	swait.ge [sflag:s17], $0x4000  }
0x75: {  	[sflag:s17] =	ssyncset.done $0x0  }
0x76: {  	[sflag:s17] =	ssyncadd.s32 $0xFFFFC000  }
0x77: {  	[hbm4b:s11+s3] =	stream.linear.scatter [tilespmem:s16], [sflag:$0x1], $0x4000, $0x38;
	[tilespmem:$0x18080] =	vst v63  }
0x78: {  	_ =	swait.ge [sflag:s17], $0x4000  }
0x79: {  	[sflag:s17] =	ssyncset.done $0x0  }
0x7a: {  	[sflag:s17] =	ssyncadd.s32 $0xFFFFC000  }
0x7b: {  	[tilespmem:s16], [sflag:$0x1] =	stream.linear.gather [spmem:s7], $0x4000, $0x38;
	[tilespmem:$0x18080] =	vst v63  }
0x7c: {  	_ =	swait.ge [sflag:s17], $0x4000  }
0x7d: {  	[sflag:s17] =	ssyncset.done $0x0  }
0x7e: {  	[sflag:s17] =	ssyncadd.s32 $0xFFFFC000  }
0x7f: {  	[hbm4b:s12+s3] =	stream.linear.scatter [tilespmem:s16], [sflag:$0x1], $0x4000, $0x38;
	[tilespmem:$0x18080] =	vst v63  }
0x80: {  	_ =	swait.ge [sflag:s17], $0x4000  }
0x81: {  	[sflag:s17] =	ssyncset.done $0x0  }
0x82: {  	[sflag:s17] =	ssyncadd.s32 $0xFFFFC000  }
0x83: {  	[tilespmem:s16], [sflag:$0x1] =	stream.linear.gather [spmem:s8], $0x4000, $0x38;
	[tilespmem:$0x18080] =	vst v63  }
0x84: {  	s18 =	sadd.s32 $0x1, s18;
	_ =	swait.ge [sflag:s17], $0x4000  }
0x85: {  	p0 =	sne.s32 s18, s14;
	[sflag:s17] =	ssyncset.done $0x0  }
.Ltmp3:
0x86: {  	[sflag:s17] =	ssyncadd.s32 $0xFFFFC000;
	(pc) =	sbr.rel @p0 .LBB2_1-.Ltmp3, $4  }
0x87: {  	[hbm4b:s13+s3] =	stream.linear.scatter [tilespmem:s16], [sflag:$0x1], $0x4000, $0x38;
	[tilespmem:$0x18080] =	vst v63  }
0x88: {  	_ =	swait.ge [sflag:s17], $0x4000  }
0x89: {  	[sflag:s17] =	ssyncset.done $0x0  }
0x8a: {  	[sflag:s17] =	ssyncadd.s32 $0xFFFFC000  }
0x8b: {  	_ =	sfence.sel $0x180000  }
0x8c: {  	[bflag:$0x0] =	sbarrier.arrive $0xFFFF  }
0x8d: {  	p0 =	sne.s32 s1, $0x0;
	_ =	strace $0x9000004A  }
0x8e: {  	s0 =	sadd.s32 @!p0 $0x100000, s0;
	[bflag:$0x2] =	sbarrier.arrive $0xFFFF  }
0x8f: {  	[sflag:s0] =	ssyncadd.tile.s32 @!p0 $0x1;
	_ =	shalt  }
.Lfunc_end2:
_tile_overlayer_lowered:
.L_overlay_start_2:
0x90: {  	(tag) =	ssettag $0x2  }
0x91: {  	s0 =	rddreg [dreg:$0x0];
	s2 =	stileid.u32  }
0x92: {  	s1 =	rddreg [dreg:$0x1];
	p0 =	sne.s32 s2, $0x0  }
0x93: {  	s3 =	rddreg [dreg:$0x2];
	[bflag:$0x3] =	sbarrier.arrive $0xFFFF;
	s2 =	simm.s32 @!p0 $0x1C01  }
0x94: {  	[timem:s3], [sflag:s2] =	dma.local @!p0 [hbm:s0], s1  }
0x95: {  	s0 =	simm.s32 @!p0 $0x1  }
0x96: {  	_ =	swait.ge @!p0 [sflag:s0], s1  }
0x97: {  	s1 =	ssub.s32 @!p0 $0x0, s1;
	[sflag:s0] =	ssyncset.done @!p0 $0x0  }
0x98: {  	[sflag:s0] =	ssyncadd.s32 @!p0 s1  }
0x99: {  	[bflag:$0x3] =	sbarrier.arrive $0xFFFF  }
0x9a: {  	_ =	shalt  }

// kernel: kernel.17.cloned.1.call-start
scs
__scs_entry_jumppad:
0x0: {  	(pc) =	sbr.rel $0x88, $3  }
0x1: {  	(tag) =	ssettag $0x0;
	lr =	simm.s32 $0x1  }
0x2: {  	[smem:$0x3F90] =	sst lr;
	_ =	strace $0xD0000000  }
0x3: {  	_ = 	snop  }
0x4: {  	_ = 	snop  }
0x5: {  	_ = 	snop  }
0x6: {  	_ = 	snop  }
0x7: {  	_ = 	snop  }
__scs_overlays_trampoline_lowered:
0x8: {  	[smem:$0x3F9F] =	sst s0  }
0x9: {  	[smem:$0x3FA0] =	sst s1  }
0xa: {  	[smem:$0x3FA1] =	sst s2  }
0xb: {  	[smem:$0x3FA2] =	sst s3  }
0xc: {  	[smem:$0x3FA3] =	sst s4  }
0xd: {  	[smem:$0x3FA4] =	sst s5  }
0xe: {  	[smem:$0x3FA5] =	sst s6  }
0xf: {  	[smem:$0x3FA6] =	sst s7  }
0x10: {  	[smem:$0x3FA7] =	sst s8  }
0x11: {  	[smem:$0x3FA8] =	sst s9;
	s0 =	simm.s32 @!p0 $0x0  }
0x12: {  	s1 =	sld [smem:$0x3F8E];
	s0 =	simm.s32 @p0 $0x1  }
0x13: {  	[smem:$0x3FA9] =	sst s0;
	s0 =	simm.s32 @!p1 $0x0  }
0x14: {  	s2 =	sld [smem:$0x3F8D];
	s0 =	simm.s32 @p1 $0x1  }
0x15: {  	[smem:$0x3FAA] =	sst s0;
	s0 =	simm.s32 @!p2 $0x0  }
0x16: {  	s3 =	sld [smem:$0x3FDB];
	s0 =	simm.s32 @p2 $0x1  }
0x17: {  	s4 =	simm.s32 $0x1BF5;
	[smem:$0x3FAC] =	sst s0  }
0x18: {  	s0 =	sld [smem:$0x3F8F];
	_ =	swait.ge [sflag:s4], $0x0  }
0x19: {  	s7 =	sld [smem:$0x3F90]  }
0x1a: {  	s8 =	sadd.s32 $0xFFFFE003, lr  }
0x1b: {  	s9 =	sadd.s32 $0xFFFFFEF7, lr;
	s5 =	simm.s32 $0xFFFFFFFF;
	p2 =	slt.u32 s8, $0xFFFFF086  }
0x1c: {  	p1 =	slt.u32 s9, $0xF7A;
	s5 =	simm.s32 @!p2 $0x0  }
0x1d: {  	s5 =	simm.s32 @p1 $0x1;
	p0 =	seq.s32 s7, s2  }
0x1e: {  	s7 =	smul.u32 @!p0 $0xF7A, s2;
	p2 =	seq.s32 @!p0 s5, $0x0  }
0x1f: {  	s9 =	smul.u32 $0xF7A, s1;
	s8 =	simm.s32 @!p0 $0x1BF5;
	p2 =	por !p2, p0  }
0x20: {  	[sflag:s8] =	ssyncset.s32 @!p0 $0xFFFFF086;
	s6 =	sadd.s32 @!p0 s3, s7;
	s7 =	simm.s32 @!p0 $0x108  }
0x21: {  	s3 =	sadd.s32 s3, s9;
	s6 =	sadd.s32 @!p0 $0x88, s6;
	s7 =	simm.s32 @p2 $0x1082  }
0x22: {  	[simem:s7], [sflag:s8] =	dma.local @!p0 [hbm:s6], $0xF7A  }
0x23: {  	s9 =	sor.u32 $0xD0000000, s2;
	s6 =	simm.s32 $0x108;
	_ =	swait.ge @!p0 [sflag:s8], $0x0  }
0x24: {  	s3 =	sadd.s32 $0x88, s3;
	s6 =	simm.s32 @!p1 $0x1082;
	[sflag:s4] =	ssyncset.s32 $0xFFFFF086  }
0x25: {  	[simem:s6], [sflag:s4] =	dma.local [hbm:s3], $0xF7A  }
0x26: {  	[smem:$0x3F90] =	sst s1;
	(tag) =	ssettag s2;
	_ =	strace s9  }
0x27: {  	s1 =	sld [smem:$0x3FA0]  }
0x28: {  	s2 =	sld [smem:$0x3FA1]  }
0x29: {  	s4 =	sld [smem:$0x3FA3]  }
0x2a: {  	p0 =	seq.s32 s5, $0x0;
	s5 =	sld [smem:$0x3FA4]  }
0x2b: {  	s6 =	sld [smem:$0x3FA5]  }
0x2c: {  	s7 =	sld [smem:$0x3FA6]  }
0x2d: {  	s3 =	simm.s32 $0x108;
	s8 =	sld [smem:$0x3FA7]  }
0x2e: {  	s3 =	simm.s32 @!p0 $0x1082;
	s9 =	sld [smem:$0x3FA8]  }
0x2f: {  	lr =	sadd.s32 s0, s3;
	s0 =	sld [smem:$0x3F9F]  }
0x30: {  	s3 =	sld [smem:$0x3FA2]  }
0x31: {  	[smem:$0x3FAB] =	sst s10  }
0x32: {  	s10 =	sld [smem:$0x3FA9];
	_ =	sdelay $0x3  }
0x33: {  	p0 =	seq.s32 s10, $0x1;
	s10 =	sld [smem:$0x3FAB];
	_ =	sdelay $0x3  }
0x34: {  	[smem:$0x3FAB] =	sst s10  }
0x35: {  	s10 =	sld [smem:$0x3FAA];
	_ =	sdelay $0x3  }
0x36: {  	p1 =	seq.s32 s10, $0x1;
	s10 =	sld [smem:$0x3FAB];
	_ =	sdelay $0x3  }
0x37: {  	[smem:$0x3FAB] =	sst s10  }
0x38: {  	s10 =	sld [smem:$0x3FAC]  }
0x39: {  	_ = 	snop;
	(pc) =	sbr.ind lr, $3  }
0x3a: {  	_ = 	snop  }
0x3b: {  	_ = 	snop  }
0x3c: {  	p2 =	seq.s32 s10, $0x1;
	s10 =	sld [smem:$0x3FAB]  }
0x3d: {  	_ =	shalt  }
0x3e: {  	_ =	shalt  }
0x3f: {  	_ =	shalt  }
0x40: {  	_ =	shalt  }
0x41: {  	_ =	shalt  }
0x42: {  	_ =	shalt  }
0x43: {  	_ =	shalt  }
0x44: {  	_ =	shalt  }
0x45: {  	_ =	shalt  }
0x46: {  	_ =	shalt  }
0x47: {  	_ =	shalt  }
0x48: {  	_ =	shalt  }
0x49: {  	_ =	shalt  }
0x4a: {  	_ =	shalt  }
0x4b: {  	_ =	shalt  }
0x4c: {  	_ =	shalt  }
0x4d: {  	_ =	shalt  }
0x4e: {  	_ =	shalt  }
0x4f: {  	_ =	shalt  }
0x50: {  	_ =	shalt  }
0x51: {  	_ =	shalt  }
0x52: {  	_ =	shalt  }
0x53: {  	_ =	shalt  }
0x54: {  	_ =	shalt  }
0x55: {  	_ =	shalt  }
0x56: {  	_ =	shalt  }
0x57: {  	_ =	shalt  }
0x58: {  	_ =	shalt  }
0x59: {  	_ =	shalt  }
0x5a: {  	_ =	shalt  }
0x5b: {  	_ =	shalt  }
0x5c: {  	_ =	shalt  }
0x5d: {  	_ =	shalt  }
0x5e: {  	_ =	shalt  }
0x5f: {  	_ =	shalt  }
0x60: {  	_ =	shalt  }
0x61: {  	_ =	shalt  }
0x62: {  	_ =	shalt  }
0x63: {  	_ =	shalt  }
0x64: {  	_ =	shalt  }
0x65: {  	_ =	shalt  }
0x66: {  	_ =	shalt  }
0x67: {  	_ =	shalt  }
0x68: {  	_ =	shalt  }
0x69: {  	_ =	shalt  }
0x6a: {  	_ =	shalt  }
0x6b: {  	_ =	shalt  }
0x6c: {  	_ =	shalt  }
0x6d: {  	_ =	shalt  }
0x6e: {  	_ =	shalt  }
0x6f: {  	_ =	shalt  }
0x70: {  	_ =	shalt  }
0x71: {  	_ =	shalt  }
0x72: {  	_ =	shalt  }
0x73: {  	_ =	shalt  }
0x74: {  	_ =	shalt  }
0x75: {  	_ =	shalt  }
0x76: {  	_ =	shalt  }
0x77: {  	_ =	shalt  }
0x78: {  	_ =	shalt  }
0x79: {  	_ =	shalt  }
0x7a: {  	_ =	shalt  }
0x7b: {  	_ =	shalt  }
0x7c: {  	_ =	shalt  }
0x7d: {  	_ =	shalt  }
0x7e: {  	_ =	shalt  }
0x7f: {  	_ =	shalt  }
0x80: {  	_ =	shalt  }
0x81: {  	_ =	shalt  }
0x82: {  	_ =	shalt  }
0x83: {  	_ =	shalt  }
0x84: {  	_ =	shalt  }
0x85: {  	_ =	shalt  }
0x86: {  	_ =	shalt  }
0x87: {  	_ =	shalt  }
.Lfunc_end0:
.L_simem_size_0:
called_computation.1_lowered:
.L_overlay_start_0:
0x88: {  	s2 =	sld [smem:$0x3FD9]  }
0x89: {  	s3 =	sld [smem:$0x3FFE];
	_ =	sdelay $0x1  }
0x8a: {  	s1 =	srdreg.scid  }
0x8b: {  	s0 =	sand.u32 $0x1, s1  }
0x8c: {  	s16 =	sshll.u32 s0, $0xA;
	s2 =	sadd.s32 s3, s2  }
0x8d: {  	s2 =	sadd.s32 s2, s16  }
0x8e: {  	[smem:$0x3FB7] =	sst s2  }
0x8f: {  	_ = 	snop  }
0x90: {  	(tm) =	ssettm $0x1  }
0x91: {  	s17 =	sld [smem:$0x3FFB];
	_ =	sdelay $0x3  }
0x92: {  	_ =	strace s17  }
0x93: {  	s2 =	sld [smem:$0x3FFC];
	_ =	sdelay $0x3  }
0x94: {  	_ =	strace s2  }
0x95: {  	s2 =	sld [smem:$0x3FFD];
	_ =	sdelay $0x3  }
0x96: {  	_ =	strace s2  }
0x97: {  	_ =	strace $0x8FFFFFFF  }
0x98: {  	s18 =	sld [smem:$0x3FDB];
	_ =	sdelay $0x1  }
0x99: {  	s19 =	simm.s32 $_scs_section_size  }
0x9a: {  	s4 =	simm.s32 $_size__tile_overlayer_lowered;
	s5 =	simm.s32 $_tile_overlayer_lowered  }
0x9b: {  	s22 =	simm.s32 $0x1BFF;
	s21 =	sshll.u32 s5, $0x1;
	s2 =	sadd.s32 s19, s18  }
0x9c: {  	s6 =	simm.s32 $0x0;
	s20 =	sshll.u32 s4, $0x1;
	s4 =	sadd.s32 s21, s2  }
0x9d: {  	[timem:s6], [sflag:s22] =	dma.local [hbm:s4], s20  }
0x9e: {  	_ =	swait.ge [sflag:s22], s20  }
0x9f: {  	s3 =	ssub.s32 $0x0, s20;
	[sflag:s22] =	ssyncset.done $0x0  }
0xa0: {  	[sflag:s22] =	ssyncadd.s32 s3;
	_ =	sdelay $0x1  }
0xa1: {  	s23 =	simm.s32 $0x1B8B  }
0xa2: {  	_ =	swait.ge [sflag:s23], $0x1  }
0xa3: {  	[sflag:s23] =	ssyncset.done $0x0  }
0xa4: {  	s25 =	simm.s32 $0x1B8E;
	s24 =	sld [smem:$0x3FFE];
	[sflag:s23] =	ssyncadd.s32 $0xFFFFFFFF  }
0xa5: {  	s26 =	simm.s32 $execute0_lowered;
	[smem:$0x3FD2] =	sst s25  }
0xa6: {  	s4 =	sshll.u32 s26, $0x1;
	_ =	strace $0x80000046;
	[dreg:$0x1] =	wrdreg $0xFFFFFFFF  }
0xa7: {  	s28 =	simm.s32 $_size_execute0_lowered;
	s2 =	sadd.s32 s2, s4;
	[dreg:$0x0] =	wrdreg $0x0  }
0xa8: {  	s4 =	sshll.u32 s28, $0x1;
	[dreg:$0x2] =	wrdreg s2  }
0xa9: {  	[dreg:$0x3] =	wrdreg s4  }
0xaa: {  	[dreg:$0x4] =	wrdreg $0xC0  }
0xab: {  	_ =	task [dreg:s6], $0x5FFFF  }
0xac: {  	[dreg:$0x1] =	wrdreg $0xFFFFFFFF  }
0xad: {  	[dreg:$0x0] =	wrdreg $0x60  }
0xae: {  	[dreg:$0x2] =	wrdreg s24  }
0xaf: {  	[dreg:$0x3] =	wrdreg $0x41000  }
0xb0: {  	[dreg:$0x4] =	wrdreg $0xA  }
0xb1: {  	_ =	task.clear_ibuf [dreg:s6], $0x5FFFF;
	_ =	strace $0x90000046  }
0xb2: {  	s29 =	simm.s32 $0xA;
	_ =	strace $0x80000048  }
0xb3: {  	_ =	swait.ge [sflag:s29], $0x1  }
0xb4: {  	[sflag:s29] =	ssyncadd.s32 $0xFFFFFFFF  }
0xb5: {  	_ =	strace $0x90000048  }
0xb6: {  	_ =	sfence  }
0xb7: {  	s30 =	sld [smem:$0x0];
	_ =	sdelay $0x2  }
0xb8: {  	s31 =	sshll.u32 s1, $0xD;
	s1 =	sshrl.u32 s1, $0x2  }
0xb9: {  	s3 =	sand.u32 $0x4000, s31;
	s1 =	sadd.s32 s1, s30  }
0xba: {  	s0 =	sor.u32 s3, s0;
	s1 =	sshll.u32 s1, $0x11  }
0xbb: {  	s0 =	sor.u32 s1, s0  }
0xbc: {  	s0 =	sadd.s32 $0x8F2B, s0  }
0xbd: {  	[sflag:s0] =	ssyncadd.remote.s32 $0x1  }
0xbe: {  	_ =	sfence.sel $0xFFFF  }
0xbf: {  	[dreg:$0x0] =	wrdreg $0xFFFFFFFF;
	(pc) =	sbr.abs _section_cstart, $3  }
0xc0: {  	[dreg:$0x1] =	wrdreg $0xFFFFFFFF  }
0xc1: {  	_ =	task.clear_ibuf [dreg:s6], $0x2FFFF;
	_ =	strace $0x9FFFFFFF  }
0xc2: {  	(tm) =	ssettm $0x7FFFFFFF  }
0xc3: {  	_ =	shalt  }
tec
execute0_lowered:
.L_overlay_start_1:
0x0: {  	(tag) =	ssettag $0x1  }
0x1: {  	s5 =	rddreg [dreg:$0x0]  }
0x2: {  	s2 =	rddreg [dreg:$0x1]  }
0x3: {  	s0 =	rddreg [dreg:$0x2]  }
0x4: {  	s3 =	simm.s32 $0x0;
	s1 =	stileid.u32;
	s7 =	srdreg.scid  }
0x5: {  	s21 =	simm.s32 $0x1;
	s22 =	simm.s32 $0x0;
	s6 =	smul.u32 $0x9E0, s1  }
0x6: {  	[smem:$0x7FF] =	sst s3;
	s4 =	sadd.s32 $0x17E00, s5;
	s24 =	smul.u32 $0x50000, s1  }
0x7: {  	s12 =	sand.u32 $0x1, s7;
	s9 =	smul.u32 $0x14000, s1;
	s15 =	sadd.s32 $0x3F000, s5  }
0x8: {  	_ =	strace $0x80000047;
	s25 =	ssub.s32 $0x2, s12;
	s18 =	smul.u32 $0x140000, s12  }
0x9: {  	s28 =	smul.u32 $0x4F0, s12;
	s14 =	sadd.s32 s6, s5;
	s26 =	sshrl.u32 s25, $0x1  }
0xa: {  	s7 =	sshrl.u32 s24, $0x2;
	s10 =	sadd.s32 $0x4000, s9;
	s13 =	sadd.s32 $0x8000, s9  }
0xb: {  	s17 =	sadd.s32 $0xC000, s9;
	s19 =	sadd.s32 $0x10000, s9;
	s16 =	ssub.s32 s25, s26  }
0xc: {  	s5 =	sadd.s32 s7, s2;
	s6 =	sadd.s32 s10, s2;
	s7 =	sadd.s32 s13, s2  }
0xd: {  	s8 =	sadd.s32 s17, s2;
	s11 =	sadd.s32 s9, s18;
	s10 =	sadd.s32 s18, s10  }
0xe: {  	s9 =	sadd.s32 s19, s2;
	s13 =	sadd.s32 s18, s13;
	s17 =	sadd.s32 s18, s17  }
0xf: {  	s30 =	sadd.s32 s18, s19;
	s31 =	sadd.s32 s28, s14;
	s18 =	simm.s32 $0x100  }
0x10: {  	s19 =	simm.s32 $0x2;
	s11 =	sshrl.u32 s11, $0x3;
	s20 =	sshrl.u32 s10, $0x3  }
0x11: {  	s13 =	sshrl.u32 s13, $0x3;
	s29 =	sshrl.u32 s17, $0x3;
	s17 =	sshrl.u32 s30, $0x3  }
0x12: {  	s10 =	sadd.s32 s15, s11;
	s11 =	sadd.s32 s15, s20;
	s12 =	sadd.s32 s15, s13  }
0x13: {  	s13 =	sadd.s32 s15, s29;
	s14 =	sadd.s32 s15, s17;
	s15 =	smax.u32 s16, $0x1  }
0x14: {  	v0 =	vimm.f32 $0.0e+00;
	s16 =	sadd.s32 $0x4200, s31;
	s17 =	sadd.s32 $0xE000, s31;
	s20 =	simm.s32 $0x80  }
.LBB2_1:
0x15: {  	s23 =	simm.s32 $0x0;
	s24 =	simm.s32 $0x200  }
.LBB2_2:
0x16: {  	p0 =	sne.s32 s24, $0xFE00;
	[tilespmem:s23+$0x170] =	vst v0  }
0x17: {  	[tilespmem:s23+$0x100] =	vst v0  }
0x18: {  	[tilespmem:s23+$0x110] =	vst v0  }
.Ltmp0:
0x19: {  	[tilespmem:s23+$0x120] =	vst v0;
	(pc) =	sbr.rel @p0 .LBB2_2-.Ltmp0, $4  }
0x1a: {  	[tilespmem:s23+$0x130] =	vst v0  }
0x1b: {  	[tilespmem:s23+$0x140] =	vst v0  }
0x1c: {  	[tilespmem:s23+$0x150] =	vst v0  }
0x1d: {  	[tilespmem:s23+$0x160] =	vst v0;
	s23 =	sshra.s32 s24, $0x2;
	s24 =	sadd.s32 $0x200, s24  }
0x1e: {  	[tilespmem:s23+$0x170] =	vst v0  }
0x1f: {  	[tilespmem:s23+$0x100] =	vst v0  }
0x20: {  	[tilespmem:s23+$0x110] =	vst v0  }
0x21: {  	[tilespmem:s23+$0x120] =	vst v0  }
0x22: {  	[tilespmem:s23+$0x130] =	vst v0  }
0x23: {  	[tilespmem:s23+$0x140] =	vst v0  }
0x24: {  	[tilespmem:s23+$0x150] =	vst v0  }
0x25: {  	[tilespmem:s23+$0x160] =	vst v0  }
0x26: {  	[spmem:s5] =	stream.linear.scatter [tilespmem:s18], [sflag:$0x2], $0x4000, $0x38;
	[tilespmem:$0x18100] =	vst v63  }
0x27: {  	_ =	swait.ge [sflag:s19], $0x4000  }
0x28: {  	[sflag:s19] =	ssyncset.done $0x0  }
0x29: {  	[sflag:s19] =	ssyncadd.s32 $0xFFFFC000  }
0x2a: {  	[spmem:s6] =	stream.linear.scatter [tilespmem:s18], [sflag:$0x2], $0x4000, $0x38;
	[tilespmem:$0x18100] =	vst v63  }
0x2b: {  	_ =	swait.ge [sflag:s19], $0x4000  }
0x2c: {  	[sflag:s19] =	ssyncset.done $0x0  }
0x2d: {  	[sflag:s19] =	ssyncadd.s32 $0xFFFFC000  }
0x2e: {  	[spmem:s7] =	stream.linear.scatter [tilespmem:s18], [sflag:$0x2], $0x4000, $0x38;
	[tilespmem:$0x18100] =	vst v63  }
0x2f: {  	_ =	swait.ge [sflag:s19], $0x4000  }
0x30: {  	[sflag:s19] =	ssyncset.done $0x0  }
0x31: {  	[sflag:s19] =	ssyncadd.s32 $0xFFFFC000  }
0x32: {  	[spmem:s8] =	stream.linear.scatter [tilespmem:s18], [sflag:$0x2], $0x4000, $0x38;
	[tilespmem:$0x18100] =	vst v63  }
0x33: {  	_ =	swait.ge [sflag:s19], $0x4000  }
0x34: {  	[sflag:s19] =	ssyncset.done $0x0  }
0x35: {  	[sflag:s19] =	ssyncadd.s32 $0xFFFFC000  }
0x36: {  	[spmem:s9] =	stream.linear.scatter [tilespmem:s18], [sflag:$0x2], $0x4000, $0x38;
	[tilespmem:$0x18100] =	vst v63  }
0x37: {  	_ =	swait.ge [sflag:s19], $0x4000  }
0x38: {  	[sflag:s19] =	ssyncset.done $0x0  }
0x39: {  	[sflag:s19] =	ssyncadd.s32 $0xFFFFC000  }
0x3a: {  	s30 =	sadd.s32 $0x0, s17;
	[bflag:$0x0] =	sbarrier.arrive $0xFFFF  }
0x3b: {  	[tilespmem:s3], [sflag:$0x2] =	stream.linear.gather [hbm4b:s30+s3], $0x80, $0x38;
	[tilespmem:$0x18100] =	vst v63  }
0x3c: {  	_ =	swait.ge [sflag:s19], $0x80  }
0x3d: {  	[sflag:s19] =	ssyncset.done $0x0  }
0x3e: {  	s31 =	sadd.s32 $0x0, s16;
	[sflag:s19] =	ssyncadd.s32 $0xFFFFFF80  }
0x3f: {  	[tilespmem:s20], [sflag:$0x2] =	stream.linear.gather [hbm4b:s31+s3], $0x80, $0x38;
	[tilespmem:$0x18100] =	vst v63  }
0x40: {  	_ =	swait.ge [sflag:s19], $0x80  }
0x41: {  	[sflag:s19] =	ssyncset.done $0x0  }
0x42: {  	[sflag:s19] =	ssyncadd.s32 $0xFFFFFF80  }
0x43: {  	[tilespmem:s18], [sflag:$0x1] =	stream.indirect.gather [hbm4b:s4+s20], $0x80, s3, s20, $0xb8;
	[tilespmem:$0x18100] =	vst v63  }
0x44: {  	_ =	swait.ge [sflag:s21], $0x4000  }
0x45: {  	[sflag:s21] =	ssyncset.done $0x0  }
0x46: {  	[sflag:s21] =	ssyncadd.s32 $0xFFFFC000  }
0x47: {  	[spmem:s2] =	stream.indirect.scatter.add.f32 [tilespmem:s18], [sflag:$0x2], $0x80, s20, s20, $0xb8;
	[tilespmem:$0x18100] =	vst v63  }
0x48: {  	_ =	swait.ge [sflag:s19], $0x4000  }
0x49: {  	s23 =	simm.s32 $0x10;
	s24 =	simm.s32 $0x20;
	[sflag:s19] =	ssyncset.done $0x0  }
.LBB2_4:
0x4a: {  	s25 =	sadd.s32 s23, s17  }
0x4b: {  	[sflag:s19] =	ssyncadd.s32 $0xFFFFC000;
	s26 =	smov.u32 s24;
	s28 =	sadd.s32 $0x10, s24  }
0x4c: {  	[tilespmem:s3], [sflag:$0x2] =	stream.linear.gather [hbm4b:s25+s3], $0x80, $0x38;
	[tilespmem:$0x18100] =	vst v63  }
0x4d: {  	p0 =	sne.s32 s24, $0x4E0;
	_ =	swait.ge [sflag:s19], $0x80  }
0x4e: {  	[sflag:s19] =	ssyncset.done $0x0  }
0x4f: {  	s24 =	sadd.s32 s23, s16;
	s23 =	smov.u32 s26;
	[sflag:s19] =	ssyncadd.s32 $0xFFFFFF80  }
0x50: {  	[tilespmem:s20], [sflag:$0x2] =	stream.linear.gather [hbm4b:s24+s3], $0x80, $0x38;
	[tilespmem:$0x18100] =	vst v63  }
0x51: {  	_ =	swait.ge [sflag:s19], $0x80  }
0x52: {  	[sflag:s19] =	ssyncset.done $0x0  }
0x53: {  	[sflag:s19] =	ssyncadd.s32 $0xFFFFFF80  }
0x54: {  	[tilespmem:s18], [sflag:$0x1] =	stream.indirect.gather [hbm4b:s4+s20], $0x80, s3, s20, $0xb8;
	[tilespmem:$0x18100] =	vst v63  }
0x55: {  	_ =	swait.ge [sflag:s21], $0x4000  }
.Ltmp1:
0x56: {  	[sflag:s21] =	ssyncset.done $0x0;
	(pc) =	sbr.rel @p0 .LBB2_4-.Ltmp1, $4  }
0x57: {  	[sflag:s21] =	ssyncadd.s32 $0xFFFFC000  }
0x58: {  	[spmem:s2] =	stream.indirect.scatter.add.f32 [tilespmem:s18], [sflag:$0x2], $0x80, s20, s20, $0xb8;
	[tilespmem:$0x18100] =	vst v63  }
0x59: {  	_ =	swait.ge [sflag:s19], $0x4000  }
0x5a: {  	s24 =	smov.u32 s28;
	[sflag:s19] =	ssyncset.done $0x0  }
0x5b: {  	s24 =	sadd.s32 s23, s17;
	[sflag:s19] =	ssyncadd.s32 $0xFFFFC000  }
0x5c: {  	[tilespmem:s3], [sflag:$0x2] =	stream.linear.gather [hbm4b:s24+s3], $0x80, $0x38;
	[tilespmem:$0x18100] =	vst v63  }
0x5d: {  	_ =	swait.ge [sflag:s19], $0x80  }
0x5e: {  	[sflag:s19] =	ssyncset.done $0x0  }
0x5f: {  	s31 =	sadd.s32 s23, s16;
	[sflag:s19] =	ssyncadd.s32 $0xFFFFFF80  }
0x60: {  	[tilespmem:s20], [sflag:$0x2] =	stream.linear.gather [hbm4b:s31+s3], $0x80, $0x38;
	[tilespmem:$0x18100] =	vst v63  }
0x61: {  	_ =	swait.ge [sflag:s19], $0x80  }
0x62: {  	[sflag:s19] =	ssyncset.done $0x0  }
0x63: {  	[sflag:s19] =	ssyncadd.s32 $0xFFFFFF80  }
0x64: {  	[tilespmem:s18], [sflag:$0x1] =	stream.indirect.gather [hbm4b:s4+s20], $0x80, s3, s20, $0xb8;
	[tilespmem:$0x18100] =	vst v63  }
0x65: {  	_ =	swait.ge [sflag:s21], $0x4000  }
0x66: {  	[sflag:s21] =	ssyncset.done $0x0  }
0x67: {  	[sflag:s21] =	ssyncadd.s32 $0xFFFFC000  }
0x68: {  	[spmem:s2] =	stream.indirect.scatter.add.f32 [tilespmem:s18], [sflag:$0x2], $0x80, s20, s20, $0xb8;
	[tilespmem:$0x18100] =	vst v63  }
0x69: {  	_ =	swait.ge [sflag:s19], $0x4000  }
0x6a: {  	[sflag:s19] =	ssyncset.done $0x0  }
0x6b: {  	[sflag:s19] =	ssyncadd.s32 $0xFFFFC000  }
0x6c: {  	[bflag:$0x0] =	sbarrier.arrive $0xFFFF  }
0x6d: {  	[tilespmem:s18], [sflag:$0x2] =	stream.linear.gather [spmem:s5], $0x4000, $0x38;
	[tilespmem:$0x18100] =	vst v63  }
0x6e: {  	_ =	swait.ge [sflag:s19], $0x4000  }
0x6f: {  	[sflag:s19] =	ssyncset.done $0x0  }
0x70: {  	[sflag:s19] =	ssyncadd.s32 $0xFFFFC000  }
0x71: {  	[hbm4b:s10+s3] =	stream.linear.scatter [tilespmem:s18], [sflag:$0x2], $0x4000, $0x38;
	[tilespmem:$0x18100] =	vst v63  }
0x72: {  	_ =	swait.ge [sflag:s19], $0x4000  }
0x73: {  	[sflag:s19] =	ssyncset.done $0x0  }
0x74: {  	[sflag:s19] =	ssyncadd.s32 $0xFFFFC000  }
0x75: {  	[tilespmem:s18], [sflag:$0x2] =	stream.linear.gather [spmem:s6], $0x4000, $0x38;
	[tilespmem:$0x18100] =	vst v63  }
0x76: {  	_ =	swait.ge [sflag:s19], $0x4000  }
0x77: {  	[sflag:s19] =	ssyncset.done $0x0  }
0x78: {  	[sflag:s19] =	ssyncadd.s32 $0xFFFFC000  }
0x79: {  	[hbm4b:s11+s3] =	stream.linear.scatter [tilespmem:s18], [sflag:$0x2], $0x4000, $0x38;
	[tilespmem:$0x18100] =	vst v63  }
0x7a: {  	_ =	swait.ge [sflag:s19], $0x4000  }
0x7b: {  	[sflag:s19] =	ssyncset.done $0x0  }
0x7c: {  	[sflag:s19] =	ssyncadd.s32 $0xFFFFC000  }
0x7d: {  	[tilespmem:s18], [sflag:$0x2] =	stream.linear.gather [spmem:s7], $0x4000, $0x38;
	[tilespmem:$0x18100] =	vst v63  }
0x7e: {  	_ =	swait.ge [sflag:s19], $0x4000  }
0x7f: {  	[sflag:s19] =	ssyncset.done $0x0  }
0x80: {  	[sflag:s19] =	ssyncadd.s32 $0xFFFFC000  }
0x81: {  	[hbm4b:s12+s3] =	stream.linear.scatter [tilespmem:s18], [sflag:$0x2], $0x4000, $0x38;
	[tilespmem:$0x18100] =	vst v63  }
0x82: {  	_ =	swait.ge [sflag:s19], $0x4000  }
0x83: {  	[sflag:s19] =	ssyncset.done $0x0  }
0x84: {  	[sflag:s19] =	ssyncadd.s32 $0xFFFFC000  }
0x85: {  	[tilespmem:s18], [sflag:$0x2] =	stream.linear.gather [spmem:s8], $0x4000, $0x38;
	[tilespmem:$0x18100] =	vst v63  }
0x86: {  	_ =	swait.ge [sflag:s19], $0x4000  }
0x87: {  	[sflag:s19] =	ssyncset.done $0x0  }
0x88: {  	[sflag:s19] =	ssyncadd.s32 $0xFFFFC000  }
0x89: {  	[hbm4b:s13+s3] =	stream.linear.scatter [tilespmem:s18], [sflag:$0x2], $0x4000, $0x38;
	[tilespmem:$0x18100] =	vst v63  }
0x8a: {  	_ =	swait.ge [sflag:s19], $0x4000  }
0x8b: {  	[sflag:s19] =	ssyncset.done $0x0  }
0x8c: {  	[sflag:s19] =	ssyncadd.s32 $0xFFFFC000  }
0x8d: {  	[tilespmem:s18], [sflag:$0x2] =	stream.linear.gather [spmem:s9], $0x4000, $0x38;
	[tilespmem:$0x18100] =	vst v63  }
0x8e: {  	s22 =	sadd.s32 $0x1, s22;
	_ =	swait.ge [sflag:s19], $0x4000  }
0x8f: {  	p0 =	sne.s32 s22, s15;
	[sflag:s19] =	ssyncset.done $0x0  }
.Ltmp2:
0x90: {  	[sflag:s19] =	ssyncadd.s32 $0xFFFFC000;
	(pc) =	sbr.rel @p0 .LBB2_1-.Ltmp2, $4  }
0x91: {  	[hbm4b:s14+s3] =	stream.linear.scatter [tilespmem:s18], [sflag:$0x2], $0x4000, $0x38;
	[tilespmem:$0x18100] =	vst v63  }
0x92: {  	_ =	swait.ge [sflag:s19], $0x4000  }
0x93: {  	[sflag:s19] =	ssyncset.done $0x0  }
0x94: {  	[sflag:s19] =	ssyncadd.s32 $0xFFFFC000  }
0x95: {  	_ =	sfence.sel $0x180000  }
0x96: {  	[bflag:$0x0] =	sbarrier.arrive $0xFFFF  }
0x97: {  	p0 =	sne.s32 s1, $0x0;
	_ =	strace $0x90000047  }
0x98: {  	s0 =	sadd.s32 @!p0 $0x100000, s0;
	[bflag:$0x2] =	sbarrier.arrive $0xFFFF  }
0x99: {  	[sflag:s0] =	ssyncadd.tile.s32 @!p0 $0x1;
	_ =	shalt  }
.Lfunc_end2:
_tile_overlayer_lowered:
.L_overlay_start_2:
0x9a: {  	(tag) =	ssettag $0x2  }
0x9b: {  	s0 =	rddreg [dreg:$0x0];
	s2 =	stileid.u32  }
0x9c: {  	s1 =	rddreg [dreg:$0x1];
	p0 =	sne.s32 s2, $0x0  }
0x9d: {  	s3 =	rddreg [dreg:$0x2];
	[bflag:$0x3] =	sbarrier.arrive $0xFFFF;
	s2 =	simm.s32 @!p0 $0x1C02  }
0x9e: {  	[timem:s3], [sflag:s2] =	dma.local @!p0 [hbm:s0], s1  }
0x9f: {  	s0 =	simm.s32 @!p0 $0x2  }
0xa0: {  	_ =	swait.ge @!p0 [sflag:s0], s1  }
0xa1: {  	s1 =	ssub.s32 @!p0 $0x0, s1;
	[sflag:s0] =	ssyncset.done @!p0 $0x0  }
0xa2: {  	[sflag:s0] =	ssyncadd.s32 @!p0 s1  }
0xa3: {  	[bflag:$0x3] =	sbarrier.arrive $0xFFFF  }
0xa4: {  	_ =	shalt  }

// kernel: kernel.20.cloned.1.call-start
scs
__scs_entry_jumppad:
0x0: {  	(pc) =	sbr.rel $0x88, $3  }
0x1: {  	(tag) =	ssettag $0x0;
	lr =	simm.s32 $0x1  }
0x2: {  	[smem:$0x3F90] =	sst lr;
	_ =	strace $0xD0000000  }
0x3: {  	_ = 	snop  }
0x4: {  	_ = 	snop  }
0x5: {  	_ = 	snop  }
0x6: {  	_ = 	snop  }
0x7: {  	_ = 	snop  }
__scs_overlays_trampoline_lowered:
0x8: {  	[smem:$0x3F9F] =	sst s0  }
0x9: {  	[smem:$0x3FA0] =	sst s1  }
0xa: {  	[smem:$0x3FA1] =	sst s2  }
0xb: {  	[smem:$0x3FA2] =	sst s3  }
0xc: {  	[smem:$0x3FA3] =	sst s4  }
0xd: {  	[smem:$0x3FA4] =	sst s5  }
0xe: {  	[smem:$0x3FA5] =	sst s6  }
0xf: {  	[smem:$0x3FA6] =	sst s7  }
0x10: {  	[smem:$0x3FA7] =	sst s8  }
0x11: {  	[smem:$0x3FA8] =	sst s9;
	s0 =	simm.s32 @!p0 $0x0  }
0x12: {  	s1 =	sld [smem:$0x3F8E];
	s0 =	simm.s32 @p0 $0x1  }
0x13: {  	[smem:$0x3FA9] =	sst s0;
	s0 =	simm.s32 @!p1 $0x0  }
0x14: {  	s2 =	sld [smem:$0x3F8D];
	s0 =	simm.s32 @p1 $0x1  }
0x15: {  	[smem:$0x3FAA] =	sst s0;
	s0 =	simm.s32 @!p2 $0x0  }
0x16: {  	s3 =	sld [smem:$0x3FDB];
	s0 =	simm.s32 @p2 $0x1  }
0x17: {  	s4 =	simm.s32 $0x1BF5;
	[smem:$0x3FAC] =	sst s0  }
0x18: {  	s0 =	sld [smem:$0x3F8F];
	_ =	swait.ge [sflag:s4], $0x0  }
0x19: {  	s7 =	sld [smem:$0x3F90]  }
0x1a: {  	s8 =	sadd.s32 $0xFFFFE003, lr  }
0x1b: {  	s9 =	sadd.s32 $0xFFFFFEF7, lr;
	s5 =	simm.s32 $0xFFFFFFFF;
	p2 =	slt.u32 s8, $0xFFFFF086  }
0x1c: {  	p1 =	slt.u32 s9, $0xF7A;
	s5 =	simm.s32 @!p2 $0x0  }
0x1d: {  	s5 =	simm.s32 @p1 $0x1;
	p0 =	seq.s32 s7, s2  }
0x1e: {  	s7 =	smul.u32 @!p0 $0xF7A, s2;
	p2 =	seq.s32 @!p0 s5, $0x0  }
0x1f: {  	s9 =	smul.u32 $0xF7A, s1;
	s8 =	simm.s32 @!p0 $0x1BF5;
	p2 =	por !p2, p0  }
0x20: {  	[sflag:s8] =	ssyncset.s32 @!p0 $0xFFFFF086;
	s6 =	sadd.s32 @!p0 s3, s7;
	s7 =	simm.s32 @!p0 $0x108  }
0x21: {  	s3 =	sadd.s32 s3, s9;
	s6 =	sadd.s32 @!p0 $0x88, s6;
	s7 =	simm.s32 @p2 $0x1082  }
0x22: {  	[simem:s7], [sflag:s8] =	dma.local @!p0 [hbm:s6], $0xF7A  }
0x23: {  	s9 =	sor.u32 $0xD0000000, s2;
	s6 =	simm.s32 $0x108;
	_ =	swait.ge @!p0 [sflag:s8], $0x0  }
0x24: {  	s3 =	sadd.s32 $0x88, s3;
	s6 =	simm.s32 @!p1 $0x1082;
	[sflag:s4] =	ssyncset.s32 $0xFFFFF086  }
0x25: {  	[simem:s6], [sflag:s4] =	dma.local [hbm:s3], $0xF7A  }
0x26: {  	[smem:$0x3F90] =	sst s1;
	(tag) =	ssettag s2;
	_ =	strace s9  }
0x27: {  	s1 =	sld [smem:$0x3FA0]  }
0x28: {  	s2 =	sld [smem:$0x3FA1]  }
0x29: {  	s4 =	sld [smem:$0x3FA3]  }
0x2a: {  	p0 =	seq.s32 s5, $0x0;
	s5 =	sld [smem:$0x3FA4]  }
0x2b: {  	s6 =	sld [smem:$0x3FA5]  }
0x2c: {  	s7 =	sld [smem:$0x3FA6]  }
0x2d: {  	s3 =	simm.s32 $0x108;
	s8 =	sld [smem:$0x3FA7]  }
0x2e: {  	s3 =	simm.s32 @!p0 $0x1082;
	s9 =	sld [smem:$0x3FA8]  }
0x2f: {  	lr =	sadd.s32 s0, s3;
	s0 =	sld [smem:$0x3F9F]  }
0x30: {  	s3 =	sld [smem:$0x3FA2]  }
0x31: {  	[smem:$0x3FAB] =	sst s10  }
0x32: {  	s10 =	sld [smem:$0x3FA9];
	_ =	sdelay $0x3  }
0x33: {  	p0 =	seq.s32 s10, $0x1;
	s10 =	sld [smem:$0x3FAB];
	_ =	sdelay $0x3  }
0x34: {  	[smem:$0x3FAB] =	sst s10  }
0x35: {  	s10 =	sld [smem:$0x3FAA];
	_ =	sdelay $0x3  }
0x36: {  	p1 =	seq.s32 s10, $0x1;
	s10 =	sld [smem:$0x3FAB];
	_ =	sdelay $0x3  }
0x37: {  	[smem:$0x3FAB] =	sst s10  }
0x38: {  	s10 =	sld [smem:$0x3FAC]  }
0x39: {  	_ = 	snop;
	(pc) =	sbr.ind lr, $3  }
0x3a: {  	_ = 	snop  }
0x3b: {  	_ = 	snop  }
0x3c: {  	p2 =	seq.s32 s10, $0x1;
	s10 =	sld [smem:$0x3FAB]  }
0x3d: {  	_ =	shalt  }
0x3e: {  	_ =	shalt  }
0x3f: {  	_ =	shalt  }
0x40: {  	_ =	shalt  }
0x41: {  	_ =	shalt  }
0x42: {  	_ =	shalt  }
0x43: {  	_ =	shalt  }
0x44: {  	_ =	shalt  }
0x45: {  	_ =	shalt  }
0x46: {  	_ =	shalt  }
0x47: {  	_ =	shalt  }
0x48: {  	_ =	shalt  }
0x49: {  	_ =	shalt  }
0x4a: {  	_ =	shalt  }
0x4b: {  	_ =	shalt  }
0x4c: {  	_ =	shalt  }
0x4d: {  	_ =	shalt  }
0x4e: {  	_ =	shalt  }
0x4f: {  	_ =	shalt  }
0x50: {  	_ =	shalt  }
0x51: {  	_ =	shalt  }
0x52: {  	_ =	shalt  }
0x53: {  	_ =	shalt  }
0x54: {  	_ =	shalt  }
0x55: {  	_ =	shalt  }
0x56: {  	_ =	shalt  }
0x57: {  	_ =	shalt  }
0x58: {  	_ =	shalt  }
0x59: {  	_ =	shalt  }
0x5a: {  	_ =	shalt  }
0x5b: {  	_ =	shalt  }
0x5c: {  	_ =	shalt  }
0x5d: {  	_ =	shalt  }
0x5e: {  	_ =	shalt  }
0x5f: {  	_ =	shalt  }
0x60: {  	_ =	shalt  }
0x61: {  	_ =	shalt  }
0x62: {  	_ =	shalt  }
0x63: {  	_ =	shalt  }
0x64: {  	_ =	shalt  }
0x65: {  	_ =	shalt  }
0x66: {  	_ =	shalt  }
0x67: {  	_ =	shalt  }
0x68: {  	_ =	shalt  }
0x69: {  	_ =	shalt  }
0x6a: {  	_ =	shalt  }
0x6b: {  	_ =	shalt  }
0x6c: {  	_ =	shalt  }
0x6d: {  	_ =	shalt  }
0x6e: {  	_ =	shalt  }
0x6f: {  	_ =	shalt  }
0x70: {  	_ =	shalt  }
0x71: {  	_ =	shalt  }
0x72: {  	_ =	shalt  }
0x73: {  	_ =	shalt  }
0x74: {  	_ =	shalt  }
0x75: {  	_ =	shalt  }
0x76: {  	_ =	shalt  }
0x77: {  	_ =	shalt  }
0x78: {  	_ =	shalt  }
0x79: {  	_ =	shalt  }
0x7a: {  	_ =	shalt  }
0x7b: {  	_ =	shalt  }
0x7c: {  	_ =	shalt  }
0x7d: {  	_ =	shalt  }
0x7e: {  	_ =	shalt  }
0x7f: {  	_ =	shalt  }
0x80: {  	_ =	shalt  }
0x81: {  	_ =	shalt  }
0x82: {  	_ =	shalt  }
0x83: {  	_ =	shalt  }
0x84: {  	_ =	shalt  }
0x85: {  	_ =	shalt  }
0x86: {  	_ =	shalt  }
0x87: {  	_ =	shalt  }
.Lfunc_end0:
.L_simem_size_0:
called_computation.2_lowered:
.L_overlay_start_0:
0x88: {  	s2 =	sld [smem:$0x3FD9]  }
0x89: {  	s3 =	sld [smem:$0x3FFE];
	_ =	sdelay $0x1  }
0x8a: {  	s1 =	srdreg.scid  }
0x8b: {  	s0 =	sand.u32 $0x1, s1  }
0x8c: {  	s16 =	sshll.u32 s0, $0xA;
	s2 =	sadd.s32 s3, s2  }
0x8d: {  	s2 =	sadd.s32 s2, s16  }
0x8e: {  	[smem:$0x3FB7] =	sst s2  }
0x8f: {  	_ = 	snop  }
0x90: {  	(tm) =	ssettm $0x1  }
0x91: {  	s17 =	sld [smem:$0x3FFB];
	_ =	sdelay $0x3  }
0x92: {  	_ =	strace s17  }
0x93: {  	s2 =	sld [smem:$0x3FFC];
	_ =	sdelay $0x3  }
0x94: {  	_ =	strace s2  }
0x95: {  	s2 =	sld [smem:$0x3FFD];
	_ =	sdelay $0x3  }
0x96: {  	_ =	strace s2  }
0x97: {  	_ =	strace $0x8FFFFFFF  }
0x98: {  	s18 =	sld [smem:$0x3FDB];
	_ =	sdelay $0x1  }
0x99: {  	s19 =	simm.s32 $_scs_section_size  }
0x9a: {  	s4 =	simm.s32 $_size__tile_overlayer_lowered;
	s5 =	simm.s32 $_tile_overlayer_lowered  }
0x9b: {  	s22 =	simm.s32 $0x1BFF;
	s21 =	sshll.u32 s5, $0x1;
	s2 =	sadd.s32 s19, s18  }
0x9c: {  	s6 =	simm.s32 $0x0;
	s20 =	sshll.u32 s4, $0x1;
	s4 =	sadd.s32 s21, s2  }
0x9d: {  	[timem:s6], [sflag:s22] =	dma.local [hbm:s4], s20  }
0x9e: {  	_ =	swait.ge [sflag:s22], s20  }
0x9f: {  	s3 =	ssub.s32 $0x0, s20;
	[sflag:s22] =	ssyncset.done $0x0  }
0xa0: {  	[sflag:s22] =	ssyncadd.s32 s3;
	_ =	sdelay $0x1  }
0xa1: {  	s23 =	simm.s32 $0x1B8B  }
0xa2: {  	_ =	swait.ge [sflag:s23], $0x1  }
0xa3: {  	[sflag:s23] =	ssyncset.done $0x0  }
0xa4: {  	s25 =	simm.s32 $0x1B8E;
	s24 =	sld [smem:$0x3FFE];
	[sflag:s23] =	ssyncadd.s32 $0xFFFFFFFF  }
0xa5: {  	s26 =	simm.s32 $execute0_lowered;
	[smem:$0x3FD2] =	sst s25  }
0xa6: {  	s4 =	sshll.u32 s26, $0x1;
	_ =	strace $0x8000004C;
	[dreg:$0x1] =	wrdreg $0xFFFFFFFF  }
0xa7: {  	s28 =	simm.s32 $_size_execute0_lowered;
	s2 =	sadd.s32 s2, s4;
	[dreg:$0x0] =	wrdreg $0x0  }
0xa8: {  	s4 =	sshll.u32 s28, $0x1;
	[dreg:$0x2] =	wrdreg s2  }
0xa9: {  	[dreg:$0x3] =	wrdreg s4  }
0xaa: {  	[dreg:$0x4] =	wrdreg $0xC0  }
0xab: {  	_ =	task [dreg:s6], $0x5FFFF  }
0xac: {  	[dreg:$0x1] =	wrdreg $0xFFFFFFFF  }
0xad: {  	[dreg:$0x0] =	wrdreg $0x60  }
0xae: {  	[dreg:$0x2] =	wrdreg s24  }
0xaf: {  	[dreg:$0x3] =	wrdreg $0x41000  }
0xb0: {  	[dreg:$0x4] =	wrdreg $0x9  }
0xb1: {  	_ =	task.clear_ibuf [dreg:s6], $0x5FFFF;
	_ =	strace $0x9000004C  }
0xb2: {  	s29 =	simm.s32 $0x9;
	_ =	strace $0x8000004E  }
0xb3: {  	_ =	swait.ge [sflag:s29], $0x1  }
0xb4: {  	[sflag:s29] =	ssyncadd.s32 $0xFFFFFFFF  }
0xb5: {  	_ =	strace $0x9000004E  }
0xb6: {  	_ =	sfence  }
0xb7: {  	s30 =	sld [smem:$0x0];
	_ =	sdelay $0x2  }
0xb8: {  	s31 =	sshll.u32 s1, $0xD;
	s1 =	sshrl.u32 s1, $0x2  }
0xb9: {  	s3 =	sand.u32 $0x4000, s31;
	s1 =	sadd.s32 s1, s30  }
0xba: {  	s0 =	sor.u32 s3, s0;
	s1 =	sshll.u32 s1, $0x11  }
0xbb: {  	s0 =	sor.u32 s1, s0  }
0xbc: {  	s0 =	sadd.s32 $0x8F2B, s0  }
0xbd: {  	[sflag:s0] =	ssyncadd.remote.s32 $0x1  }
0xbe: {  	_ =	sfence.sel $0xFFFF  }
0xbf: {  	[dreg:$0x0] =	wrdreg $0xFFFFFFFF;
	(pc) =	sbr.abs _section_cstart, $3  }
0xc0: {  	[dreg:$0x1] =	wrdreg $0xFFFFFFFF  }
0xc1: {  	_ =	task.clear_ibuf [dreg:s6], $0x2FFFF;
	_ =	strace $0x9FFFFFFF  }
0xc2: {  	(tm) =	ssettm $0x7FFFFFFF  }
0xc3: {  	_ =	shalt  }
tec
execute0_lowered:
.L_overlay_start_1:
0x0: {  	(tag) =	ssettag $0x1  }
0x1: {  	s5 =	rddreg [dreg:$0x0]  }
0x2: {  	s2 =	rddreg [dreg:$0x1]  }
0x3: {  	s0 =	rddreg [dreg:$0x2]  }
0x4: {  	s3 =	simm.s32 $0x0;
	s1 =	stileid.u32;
	s7 =	srdreg.scid  }
0x5: {  	s21 =	simm.s32 $0x1;
	s22 =	simm.s32 $0x0;
	s6 =	smul.u32 $0x9E0, s1  }
0x6: {  	[smem:$0x7FF] =	sst s3;
	s4 =	sadd.s32 $0x17E00, s5;
	s24 =	smul.u32 $0x50000, s1  }
0x7: {  	s12 =	sand.u32 $0x1, s7;
	s9 =	smul.u32 $0x14000, s1;
	s15 =	sadd.s32 $0x3F000, s5  }
0x8: {  	_ =	strace $0x8000004D;
	s25 =	ssub.s32 $0x2, s12;
	s18 =	smul.u32 $0x140000, s12  }
0x9: {  	s28 =	smul.u32 $0x4F0, s12;
	s14 =	sadd.s32 s6, s5;
	s26 =	sshrl.u32 s25, $0x1  }
0xa: {  	s7 =	sshrl.u32 s24, $0x2;
	s10 =	sadd.s32 $0x4000, s9;
	s13 =	sadd.s32 $0x8000, s9  }
0xb: {  	s17 =	sadd.s32 $0xC000, s9;
	s19 =	sadd.s32 $0x10000, s9;
	s16 =	ssub.s32 s25, s26  }
0xc: {  	s5 =	sadd.s32 s7, s2;
	s6 =	sadd.s32 s10, s2;
	s7 =	sadd.s32 s13, s2  }
0xd: {  	s8 =	sadd.s32 s17, s2;
	s11 =	sadd.s32 s9, s18;
	s10 =	sadd.s32 s18, s10  }
0xe: {  	s9 =	sadd.s32 s19, s2;
	s13 =	sadd.s32 s18, s13;
	s17 =	sadd.s32 s18, s17  }
0xf: {  	s30 =	sadd.s32 s18, s19;
	s31 =	sadd.s32 s28, s14;
	s18 =	simm.s32 $0x100  }
0x10: {  	s19 =	simm.s32 $0x2;
	s11 =	sshrl.u32 s11, $0x3;
	s20 =	sshrl.u32 s10, $0x3  }
0x11: {  	s13 =	sshrl.u32 s13, $0x3;
	s29 =	sshrl.u32 s17, $0x3;
	s17 =	sshrl.u32 s30, $0x3  }
0x12: {  	s10 =	sadd.s32 s15, s11;
	s11 =	sadd.s32 s15, s20;
	s12 =	sadd.s32 s15, s13  }
0x13: {  	s13 =	sadd.s32 s15, s29;
	s14 =	sadd.s32 s15, s17;
	s15 =	smax.u32 s16, $0x1  }
0x14: {  	v0 =	vimm.f32 $0.0e+00;
	s16 =	sadd.s32 $0x4200, s31;
	s17 =	sadd.s32 $0xE000, s31;
	s20 =	simm.s32 $0x80  }
.LBB2_1:
0x15: {  	s23 =	simm.s32 $0x0;
	s24 =	simm.s32 $0x200  }
.LBB2_2:
0x16: {  	p0 =	sne.s32 s24, $0xFE00;
	[tilespmem:s23+$0x170] =	vst v0  }
0x17: {  	[tilespmem:s23+$0x100] =	vst v0  }
0x18: {  	[tilespmem:s23+$0x110] =	vst v0  }
.Ltmp0:
0x19: {  	[tilespmem:s23+$0x120] =	vst v0;
	(pc) =	sbr.rel @p0 .LBB2_2-.Ltmp0, $4  }
0x1a: {  	[tilespmem:s23+$0x130] =	vst v0  }
0x1b: {  	[tilespmem:s23+$0x140] =	vst v0  }
0x1c: {  	[tilespmem:s23+$0x150] =	vst v0  }
0x1d: {  	[tilespmem:s23+$0x160] =	vst v0;
	s23 =	sshra.s32 s24, $0x2;
	s24 =	sadd.s32 $0x200, s24  }
0x1e: {  	[tilespmem:s23+$0x170] =	vst v0  }
0x1f: {  	[tilespmem:s23+$0x100] =	vst v0  }
0x20: {  	[tilespmem:s23+$0x110] =	vst v0  }
0x21: {  	[tilespmem:s23+$0x120] =	vst v0  }
0x22: {  	[tilespmem:s23+$0x130] =	vst v0  }
0x23: {  	[tilespmem:s23+$0x140] =	vst v0  }
0x24: {  	[tilespmem:s23+$0x150] =	vst v0  }
0x25: {  	[tilespmem:s23+$0x160] =	vst v0  }
0x26: {  	[spmem:s5] =	stream.linear.scatter [tilespmem:s18], [sflag:$0x2], $0x4000, $0x38;
	[tilespmem:$0x18100] =	vst v63  }
0x27: {  	_ =	swait.ge [sflag:s19], $0x4000  }
0x28: {  	[sflag:s19] =	ssyncset.done $0x0  }
0x29: {  	[sflag:s19] =	ssyncadd.s32 $0xFFFFC000  }
0x2a: {  	[spmem:s6] =	stream.linear.scatter [tilespmem:s18], [sflag:$0x2], $0x4000, $0x38;
	[tilespmem:$0x18100] =	vst v63  }
0x2b: {  	_ =	swait.ge [sflag:s19], $0x4000  }
0x2c: {  	[sflag:s19] =	ssyncset.done $0x0  }
0x2d: {  	[sflag:s19] =	ssyncadd.s32 $0xFFFFC000  }
0x2e: {  	[spmem:s7] =	stream.linear.scatter [tilespmem:s18], [sflag:$0x2], $0x4000, $0x38;
	[tilespmem:$0x18100] =	vst v63  }
0x2f: {  	_ =	swait.ge [sflag:s19], $0x4000  }
0x30: {  	[sflag:s19] =	ssyncset.done $0x0  }
0x31: {  	[sflag:s19] =	ssyncadd.s32 $0xFFFFC000  }
0x32: {  	[spmem:s8] =	stream.linear.scatter [tilespmem:s18], [sflag:$0x2], $0x4000, $0x38;
	[tilespmem:$0x18100] =	vst v63  }
0x33: {  	_ =	swait.ge [sflag:s19], $0x4000  }
0x34: {  	[sflag:s19] =	ssyncset.done $0x0  }
0x35: {  	[sflag:s19] =	ssyncadd.s32 $0xFFFFC000  }
0x36: {  	[spmem:s9] =	stream.linear.scatter [tilespmem:s18], [sflag:$0x2], $0x4000, $0x38;
	[tilespmem:$0x18100] =	vst v63  }
0x37: {  	_ =	swait.ge [sflag:s19], $0x4000  }
0x38: {  	[sflag:s19] =	ssyncset.done $0x0  }
0x39: {  	[sflag:s19] =	ssyncadd.s32 $0xFFFFC000  }
0x3a: {  	s30 =	sadd.s32 $0x0, s17;
	[bflag:$0x0] =	sbarrier.arrive $0xFFFF  }
0x3b: {  	[tilespmem:s3], [sflag:$0x2] =	stream.linear.gather [hbm4b:s30+s3], $0x80, $0x38;
	[tilespmem:$0x18100] =	vst v63  }
0x3c: {  	_ =	swait.ge [sflag:s19], $0x80  }
0x3d: {  	[sflag:s19] =	ssyncset.done $0x0  }
0x3e: {  	s31 =	sadd.s32 $0x0, s16;
	[sflag:s19] =	ssyncadd.s32 $0xFFFFFF80  }
0x3f: {  	[tilespmem:s20], [sflag:$0x2] =	stream.linear.gather [hbm4b:s31+s3], $0x80, $0x38;
	[tilespmem:$0x18100] =	vst v63  }
0x40: {  	_ =	swait.ge [sflag:s19], $0x80  }
0x41: {  	[sflag:s19] =	ssyncset.done $0x0  }
0x42: {  	[sflag:s19] =	ssyncadd.s32 $0xFFFFFF80  }
0x43: {  	[tilespmem:s18], [sflag:$0x1] =	stream.indirect.gather [hbm4b:s4+s20], $0x80, s3, s20, $0xb8;
	[tilespmem:$0x18100] =	vst v63  }
0x44: {  	_ =	swait.ge [sflag:s21], $0x4000  }
0x45: {  	[sflag:s21] =	ssyncset.done $0x0  }
0x46: {  	[sflag:s21] =	ssyncadd.s32 $0xFFFFC000  }
0x47: {  	[spmem:s2] =	stream.indirect.scatter.add.f32 [tilespmem:s18], [sflag:$0x2], $0x80, s20, s20, $0xb8;
	[tilespmem:$0x18100] =	vst v63  }
0x48: {  	_ =	swait.ge [sflag:s19], $0x4000  }
0x49: {  	s23 =	simm.s32 $0x10;
	s24 =	simm.s32 $0x20;
	[sflag:s19] =	ssyncset.done $0x0  }
.LBB2_4:
0x4a: {  	s25 =	sadd.s32 s23, s17  }
0x4b: {  	[sflag:s19] =	ssyncadd.s32 $0xFFFFC000;
	s26 =	smov.u32 s24;
	s28 =	sadd.s32 $0x10, s24  }
0x4c: {  	[tilespmem:s3], [sflag:$0x2] =	stream.linear.gather [hbm4b:s25+s3], $0x80, $0x38;
	[tilespmem:$0x18100] =	vst v63  }
0x4d: {  	p0 =	sne.s32 s24, $0x4E0;
	_ =	swait.ge [sflag:s19], $0x80  }
0x4e: {  	[sflag:s19] =	ssyncset.done $0x0  }
0x4f: {  	s24 =	sadd.s32 s23, s16;
	s23 =	smov.u32 s26;
	[sflag:s19] =	ssyncadd.s32 $0xFFFFFF80  }
0x50: {  	[tilespmem:s20], [sflag:$0x2] =	stream.linear.gather [hbm4b:s24+s3], $0x80, $0x38;
	[tilespmem:$0x18100] =	vst v63  }
0x51: {  	_ =	swait.ge [sflag:s19], $0x80  }
0x52: {  	[sflag:s19] =	ssyncset.done $0x0  }
0x53: {  	[sflag:s19] =	ssyncadd.s32 $0xFFFFFF80  }
0x54: {  	[tilespmem:s18], [sflag:$0x1] =	stream.indirect.gather [hbm4b:s4+s20], $0x80, s3, s20, $0xb8;
	[tilespmem:$0x18100] =	vst v63  }
0x55: {  	_ =	swait.ge [sflag:s21], $0x4000  }
.Ltmp1:
0x56: {  	[sflag:s21] =	ssyncset.done $0x0;
	(pc) =	sbr.rel @p0 .LBB2_4-.Ltmp1, $4  }
0x57: {  	[sflag:s21] =	ssyncadd.s32 $0xFFFFC000  }
0x58: {  	[spmem:s2] =	stream.indirect.scatter.add.f32 [tilespmem:s18], [sflag:$0x2], $0x80, s20, s20, $0xb8;
	[tilespmem:$0x18100] =	vst v63  }
0x59: {  	_ =	swait.ge [sflag:s19], $0x4000  }
0x5a: {  	s24 =	smov.u32 s28;
	[sflag:s19] =	ssyncset.done $0x0  }
0x5b: {  	s24 =	sadd.s32 s23, s17;
	[sflag:s19] =	ssyncadd.s32 $0xFFFFC000  }
0x5c: {  	[tilespmem:s3], [sflag:$0x2] =	stream.linear.gather [hbm4b:s24+s3], $0x80, $0x38;
	[tilespmem:$0x18100] =	vst v63  }
0x5d: {  	_ =	swait.ge [sflag:s19], $0x80  }
0x5e: {  	[sflag:s19] =	ssyncset.done $0x0  }
0x5f: {  	s31 =	sadd.s32 s23, s16;
	[sflag:s19] =	ssyncadd.s32 $0xFFFFFF80  }
0x60: {  	[tilespmem:s20], [sflag:$0x2] =	stream.linear.gather [hbm4b:s31+s3], $0x80, $0x38;
	[tilespmem:$0x18100] =	vst v63  }
0x61: {  	_ =	swait.ge [sflag:s19], $0x80  }
0x62: {  	[sflag:s19] =	ssyncset.done $0x0  }
0x63: {  	[sflag:s19] =	ssyncadd.s32 $0xFFFFFF80  }
0x64: {  	[tilespmem:s18], [sflag:$0x1] =	stream.indirect.gather [hbm4b:s4+s20], $0x80, s3, s20, $0xb8;
	[tilespmem:$0x18100] =	vst v63  }
0x65: {  	_ =	swait.ge [sflag:s21], $0x4000  }
0x66: {  	[sflag:s21] =	ssyncset.done $0x0  }
0x67: {  	[sflag:s21] =	ssyncadd.s32 $0xFFFFC000  }
0x68: {  	[spmem:s2] =	stream.indirect.scatter.add.f32 [tilespmem:s18], [sflag:$0x2], $0x80, s20, s20, $0xb8;
	[tilespmem:$0x18100] =	vst v63  }
0x69: {  	_ =	swait.ge [sflag:s19], $0x4000  }
0x6a: {  	[sflag:s19] =	ssyncset.done $0x0  }
0x6b: {  	[sflag:s19] =	ssyncadd.s32 $0xFFFFC000  }
0x6c: {  	[bflag:$0x0] =	sbarrier.arrive $0xFFFF  }
0x6d: {  	[tilespmem:s18], [sflag:$0x2] =	stream.linear.gather [spmem:s5], $0x4000, $0x38;
	[tilespmem:$0x18100] =	vst v63  }
0x6e: {  	_ =	swait.ge [sflag:s19], $0x4000  }
0x6f: {  	[sflag:s19] =	ssyncset.done $0x0  }
0x70: {  	[sflag:s19] =	ssyncadd.s32 $0xFFFFC000  }
0x71: {  	[hbm4b:s10+s3] =	stream.linear.scatter [tilespmem:s18], [sflag:$0x2], $0x4000, $0x38;
	[tilespmem:$0x18100] =	vst v63  }
0x72: {  	_ =	swait.ge [sflag:s19], $0x4000  }
0x73: {  	[sflag:s19] =	ssyncset.done $0x0  }
0x74: {  	[sflag:s19] =	ssyncadd.s32 $0xFFFFC000  }
0x75: {  	[tilespmem:s18], [sflag:$0x2] =	stream.linear.gather [spmem:s6], $0x4000, $0x38;
	[tilespmem:$0x18100] =	vst v63  }
0x76: {  	_ =	swait.ge [sflag:s19], $0x4000  }
0x77: {  	[sflag:s19] =	ssyncset.done $0x0  }
0x78: {  	[sflag:s19] =	ssyncadd.s32 $0xFFFFC000  }
0x79: {  	[hbm4b:s11+s3] =	stream.linear.scatter [tilespmem:s18], [sflag:$0x2], $0x4000, $0x38;
	[tilespmem:$0x18100] =	vst v63  }
0x7a: {  	_ =	swait.ge [sflag:s19], $0x4000  }
0x7b: {  	[sflag:s19] =	ssyncset.done $0x0  }
0x7c: {  	[sflag:s19] =	ssyncadd.s32 $0xFFFFC000  }
0x7d: {  	[tilespmem:s18], [sflag:$0x2] =	stream.linear.gather [spmem:s7], $0x4000, $0x38;
	[tilespmem:$0x18100] =	vst v63  }
0x7e: {  	_ =	swait.ge [sflag:s19], $0x4000  }
0x7f: {  	[sflag:s19] =	ssyncset.done $0x0  }
0x80: {  	[sflag:s19] =	ssyncadd.s32 $0xFFFFC000  }
0x81: {  	[hbm4b:s12+s3] =	stream.linear.scatter [tilespmem:s18], [sflag:$0x2], $0x4000, $0x38;
	[tilespmem:$0x18100] =	vst v63  }
0x82: {  	_ =	swait.ge [sflag:s19], $0x4000  }
0x83: {  	[sflag:s19] =	ssyncset.done $0x0  }
0x84: {  	[sflag:s19] =	ssyncadd.s32 $0xFFFFC000  }
0x85: {  	[tilespmem:s18], [sflag:$0x2] =	stream.linear.gather [spmem:s8], $0x4000, $0x38;
	[tilespmem:$0x18100] =	vst v63  }
0x86: {  	_ =	swait.ge [sflag:s19], $0x4000  }
0x87: {  	[sflag:s19] =	ssyncset.done $0x0  }
0x88: {  	[sflag:s19] =	ssyncadd.s32 $0xFFFFC000  }
0x89: {  	[hbm4b:s13+s3] =	stream.linear.scatter [tilespmem:s18], [sflag:$0x2], $0x4000, $0x38;
	[tilespmem:$0x18100] =	vst v63  }
0x8a: {  	_ =	swait.ge [sflag:s19], $0x4000  }
0x8b: {  	[sflag:s19] =	ssyncset.done $0x0  }
0x8c: {  	[sflag:s19] =	ssyncadd.s32 $0xFFFFC000  }
0x8d: {  	[tilespmem:s18], [sflag:$0x2] =	stream.linear.gather [spmem:s9], $0x4000, $0x38;
	[tilespmem:$0x18100] =	vst v63  }
0x8e: {  	s22 =	sadd.s32 $0x1, s22;
	_ =	swait.ge [sflag:s19], $0x4000  }
0x8f: {  	p0 =	sne.s32 s22, s15;
	[sflag:s19] =	ssyncset.done $0x0  }
.Ltmp2:
0x90: {  	[sflag:s19] =	ssyncadd.s32 $0xFFFFC000;
	(pc) =	sbr.rel @p0 .LBB2_1-.Ltmp2, $4  }
0x91: {  	[hbm4b:s14+s3] =	stream.linear.scatter [tilespmem:s18], [sflag:$0x2], $0x4000, $0x38;
	[tilespmem:$0x18100] =	vst v63  }
0x92: {  	_ =	swait.ge [sflag:s19], $0x4000  }
0x93: {  	[sflag:s19] =	ssyncset.done $0x0  }
0x94: {  	[sflag:s19] =	ssyncadd.s32 $0xFFFFC000  }
0x95: {  	_ =	sfence.sel $0x180000  }
0x96: {  	[bflag:$0x0] =	sbarrier.arrive $0xFFFF  }
0x97: {  	p0 =	sne.s32 s1, $0x0;
	_ =	strace $0x9000004D  }
0x98: {  	s0 =	sadd.s32 @!p0 $0x100000, s0;
	[bflag:$0x2] =	sbarrier.arrive $0xFFFF  }
0x99: {  	[sflag:s0] =	ssyncadd.tile.s32 @!p0 $0x1;
	_ =	shalt  }
.Lfunc_end2:
_tile_overlayer_lowered:
.L_overlay_start_2:
0x9a: {  	(tag) =	ssettag $0x2  }
0x9b: {  	s0 =	rddreg [dreg:$0x0];
	s2 =	stileid.u32  }
0x9c: {  	s1 =	rddreg [dreg:$0x1];
	p0 =	sne.s32 s2, $0x0  }
0x9d: {  	s3 =	rddreg [dreg:$0x2];
	[bflag:$0x3] =	sbarrier.arrive $0xFFFF;
	s2 =	simm.s32 @!p0 $0x1C02  }
0x9e: {  	[timem:s3], [sflag:s2] =	dma.local @!p0 [hbm:s0], s1  }
0x9f: {  	s0 =	simm.s32 @!p0 $0x2  }
0xa0: {  	_ =	swait.ge @!p0 [sflag:s0], s1  }
0xa1: {  	s1 =	ssub.s32 @!p0 $0x0, s1;
	[sflag:s0] =	ssyncset.done @!p0 $0x0  }
0xa2: {  	[sflag:s0] =	ssyncadd.s32 @!p0 s1  }
0xa3: {  	[bflag:$0x3] =	sbarrier.arrive $0xFFFF  }
0xa4: {  	_ =	shalt  }

// kernel: kernel.23.cloned.1.call-start
scs
__scs_entry_jumppad:
0x0: {  	(pc) =	sbr.rel $0x88, $3  }
0x1: {  	(tag) =	ssettag $0x0;
	lr =	simm.s32 $0x1  }
0x2: {  	[smem:$0x3F90] =	sst lr;
	_ =	strace $0xD0000000  }
0x3: {  	_ = 	snop  }
0x4: {  	_ = 	snop  }
0x5: {  	_ = 	snop  }
0x6: {  	_ = 	snop  }
0x7: {  	_ = 	snop  }
__scs_overlays_trampoline_lowered:
0x8: {  	[smem:$0x3F9F] =	sst s0  }
0x9: {  	[smem:$0x3FA0] =	sst s1  }
0xa: {  	[smem:$0x3FA1] =	sst s2  }
0xb: {  	[smem:$0x3FA2] =	sst s3  }
0xc: {  	[smem:$0x3FA3] =	sst s4  }
0xd: {  	[smem:$0x3FA4] =	sst s5  }
0xe: {  	[smem:$0x3FA5] =	sst s6  }
0xf: {  	[smem:$0x3FA6] =	sst s7  }
0x10: {  	[smem:$0x3FA7] =	sst s8  }
0x11: {  	[smem:$0x3FA8] =	sst s9;
	s0 =	simm.s32 @!p0 $0x0  }
0x12: {  	s1 =	sld [smem:$0x3F8E];
	s0 =	simm.s32 @p0 $0x1  }
0x13: {  	[smem:$0x3FA9] =	sst s0;
	s0 =	simm.s32 @!p1 $0x0  }
0x14: {  	s2 =	sld [smem:$0x3F8D];
	s0 =	simm.s32 @p1 $0x1  }
0x15: {  	[smem:$0x3FAA] =	sst s0;
	s0 =	simm.s32 @!p2 $0x0  }
0x16: {  	s3 =	sld [smem:$0x3FDB];
	s0 =	simm.s32 @p2 $0x1  }
0x17: {  	s4 =	simm.s32 $0x1BF5;
	[smem:$0x3FAC] =	sst s0  }
0x18: {  	s0 =	sld [smem:$0x3F8F];
	_ =	swait.ge [sflag:s4], $0x0  }
0x19: {  	s7 =	sld [smem:$0x3F90]  }
0x1a: {  	s8 =	sadd.s32 $0xFFFFE003, lr  }
0x1b: {  	s9 =	sadd.s32 $0xFFFFFEF7, lr;
	s5 =	simm.s32 $0xFFFFFFFF;
	p2 =	slt.u32 s8, $0xFFFFF086  }
0x1c: {  	p1 =	slt.u32 s9, $0xF7A;
	s5 =	simm.s32 @!p2 $0x0  }
0x1d: {  	s5 =	simm.s32 @p1 $0x1;
	p0 =	seq.s32 s7, s2  }
0x1e: {  	s7 =	smul.u32 @!p0 $0xF7A, s2;
	p2 =	seq.s32 @!p0 s5, $0x0  }
0x1f: {  	s9 =	smul.u32 $0xF7A, s1;
	s8 =	simm.s32 @!p0 $0x1BF5;
	p2 =	por !p2, p0  }
0x20: {  	[sflag:s8] =	ssyncset.s32 @!p0 $0xFFFFF086;
	s6 =	sadd.s32 @!p0 s3, s7;
	s7 =	simm.s32 @!p0 $0x108  }
0x21: {  	s3 =	sadd.s32 s3, s9;
	s6 =	sadd.s32 @!p0 $0x88, s6;
	s7 =	simm.s32 @p2 $0x1082  }
0x22: {  	[simem:s7], [sflag:s8] =	dma.local @!p0 [hbm:s6], $0xF7A  }
0x23: {  	s9 =	sor.u32 $0xD0000000, s2;
	s6 =	simm.s32 $0x108;
	_ =	swait.ge @!p0 [sflag:s8], $0x0  }
0x24: {  	s3 =	sadd.s32 $0x88, s3;
	s6 =	simm.s32 @!p1 $0x1082;
	[sflag:s4] =	ssyncset.s32 $0xFFFFF086  }
0x25: {  	[simem:s6], [sflag:s4] =	dma.local [hbm:s3], $0xF7A  }
0x26: {  	[smem:$0x3F90] =	sst s1;
	(tag) =	ssettag s2;
	_ =	strace s9  }
0x27: {  	s1 =	sld [smem:$0x3FA0]  }
0x28: {  	s2 =	sld [smem:$0x3FA1]  }
0x29: {  	s4 =	sld [smem:$0x3FA3]  }
0x2a: {  	p0 =	seq.s32 s5, $0x0;
	s5 =	sld [smem:$0x3FA4]  }
0x2b: {  	s6 =	sld [smem:$0x3FA5]  }
0x2c: {  	s7 =	sld [smem:$0x3FA6]  }
0x2d: {  	s3 =	simm.s32 $0x108;
	s8 =	sld [smem:$0x3FA7]  }
0x2e: {  	s3 =	simm.s32 @!p0 $0x1082;
	s9 =	sld [smem:$0x3FA8]  }
0x2f: {  	lr =	sadd.s32 s0, s3;
	s0 =	sld [smem:$0x3F9F]  }
0x30: {  	s3 =	sld [smem:$0x3FA2]  }
0x31: {  	[smem:$0x3FAB] =	sst s10  }
0x32: {  	s10 =	sld [smem:$0x3FA9];
	_ =	sdelay $0x3  }
0x33: {  	p0 =	seq.s32 s10, $0x1;
	s10 =	sld [smem:$0x3FAB];
	_ =	sdelay $0x3  }
0x34: {  	[smem:$0x3FAB] =	sst s10  }
0x35: {  	s10 =	sld [smem:$0x3FAA];
	_ =	sdelay $0x3  }
0x36: {  	p1 =	seq.s32 s10, $0x1;
	s10 =	sld [smem:$0x3FAB];
	_ =	sdelay $0x3  }
0x37: {  	[smem:$0x3FAB] =	sst s10  }
0x38: {  	s10 =	sld [smem:$0x3FAC]  }
0x39: {  	_ = 	snop;
	(pc) =	sbr.ind lr, $3  }
0x3a: {  	_ = 	snop  }
0x3b: {  	_ = 	snop  }
0x3c: {  	p2 =	seq.s32 s10, $0x1;
	s10 =	sld [smem:$0x3FAB]  }
0x3d: {  	_ =	shalt  }
0x3e: {  	_ =	shalt  }
0x3f: {  	_ =	shalt  }
0x40: {  	_ =	shalt  }
0x41: {  	_ =	shalt  }
0x42: {  	_ =	shalt  }
0x43: {  	_ =	shalt  }
0x44: {  	_ =	shalt  }
0x45: {  	_ =	shalt  }
0x46: {  	_ =	shalt  }
0x47: {  	_ =	shalt  }
0x48: {  	_ =	shalt  }
0x49: {  	_ =	shalt  }
0x4a: {  	_ =	shalt  }
0x4b: {  	_ =	shalt  }
0x4c: {  	_ =	shalt  }
0x4d: {  	_ =	shalt  }
0x4e: {  	_ =	shalt  }
0x4f: {  	_ =	shalt  }
0x50: {  	_ =	shalt  }
0x51: {  	_ =	shalt  }
0x52: {  	_ =	shalt  }
0x53: {  	_ =	shalt  }
0x54: {  	_ =	shalt  }
0x55: {  	_ =	shalt  }
0x56: {  	_ =	shalt  }
0x57: {  	_ =	shalt  }
0x58: {  	_ =	shalt  }
0x59: {  	_ =	shalt  }
0x5a: {  	_ =	shalt  }
0x5b: {  	_ =	shalt  }
0x5c: {  	_ =	shalt  }
0x5d: {  	_ =	shalt  }
0x5e: {  	_ =	shalt  }
0x5f: {  	_ =	shalt  }
0x60: {  	_ =	shalt  }
0x61: {  	_ =	shalt  }
0x62: {  	_ =	shalt  }
0x63: {  	_ =	shalt  }
0x64: {  	_ =	shalt  }
0x65: {  	_ =	shalt  }
0x66: {  	_ =	shalt  }
0x67: {  	_ =	shalt  }
0x68: {  	_ =	shalt  }
0x69: {  	_ =	shalt  }
0x6a: {  	_ =	shalt  }
0x6b: {  	_ =	shalt  }
0x6c: {  	_ =	shalt  }
0x6d: {  	_ =	shalt  }
0x6e: {  	_ =	shalt  }
0x6f: {  	_ =	shalt  }
0x70: {  	_ =	shalt  }
0x71: {  	_ =	shalt  }
0x72: {  	_ =	shalt  }
0x73: {  	_ =	shalt  }
0x74: {  	_ =	shalt  }
0x75: {  	_ =	shalt  }
0x76: {  	_ =	shalt  }
0x77: {  	_ =	shalt  }
0x78: {  	_ =	shalt  }
0x79: {  	_ =	shalt  }
0x7a: {  	_ =	shalt  }
0x7b: {  	_ =	shalt  }
0x7c: {  	_ =	shalt  }
0x7d: {  	_ =	shalt  }
0x7e: {  	_ =	shalt  }
0x7f: {  	_ =	shalt  }
0x80: {  	_ =	shalt  }
0x81: {  	_ =	shalt  }
0x82: {  	_ =	shalt  }
0x83: {  	_ =	shalt  }
0x84: {  	_ =	shalt  }
0x85: {  	_ =	shalt  }
0x86: {  	_ =	shalt  }
0x87: {  	_ =	shalt  }
.Lfunc_end0:
.L_simem_size_0:
called_computation.3_lowered:
.L_overlay_start_0:
0x88: {  	s2 =	sld [smem:$0x3FD9]  }
0x89: {  	s3 =	sld [smem:$0x3FFE];
	_ =	sdelay $0x1  }
0x8a: {  	s1 =	srdreg.scid  }
0x8b: {  	s0 =	sand.u32 $0x1, s1  }
0x8c: {  	s16 =	sshll.u32 s0, $0xA;
	s2 =	sadd.s32 s3, s2  }
0x8d: {  	s2 =	sadd.s32 s2, s16  }
0x8e: {  	[smem:$0x3FB7] =	sst s2  }
0x8f: {  	_ = 	snop  }
0x90: {  	(tm) =	ssettm $0x1  }
0x91: {  	s17 =	sld [smem:$0x3FFB];
	_ =	sdelay $0x3  }
0x92: {  	_ =	strace s17  }
0x93: {  	s2 =	sld [smem:$0x3FFC];
	_ =	sdelay $0x3  }
0x94: {  	_ =	strace s2  }
0x95: {  	s2 =	sld [smem:$0x3FFD];
	_ =	sdelay $0x3  }
0x96: {  	_ =	strace s2  }
0x97: {  	_ =	strace $0x8FFFFFFF  }
0x98: {  	s18 =	sld [smem:$0x3FDB];
	_ =	sdelay $0x1  }
0x99: {  	s19 =	simm.s32 $_scs_section_size  }
0x9a: {  	s4 =	simm.s32 $_size__tile_overlayer_lowered;
	s5 =	simm.s32 $_tile_overlayer_lowered  }
0x9b: {  	s22 =	simm.s32 $0x1BFF;
	s21 =	sshll.u32 s5, $0x1;
	s2 =	sadd.s32 s19, s18  }
0x9c: {  	s6 =	simm.s32 $0x0;
	s20 =	sshll.u32 s4, $0x1;
	s4 =	sadd.s32 s21, s2  }
0x9d: {  	[timem:s6], [sflag:s22] =	dma.local [hbm:s4], s20  }
0x9e: {  	_ =	swait.ge [sflag:s22], s20  }
0x9f: {  	s3 =	ssub.s32 $0x0, s20;
	[sflag:s22] =	ssyncset.done $0x0  }
0xa0: {  	[sflag:s22] =	ssyncadd.s32 s3;
	_ =	sdelay $0x1  }
0xa1: {  	s23 =	simm.s32 $0x1B8B  }
0xa2: {  	_ =	swait.ge [sflag:s23], $0x1  }
0xa3: {  	[sflag:s23] =	ssyncset.done $0x0  }
0xa4: {  	s25 =	simm.s32 $0x1B8E;
	s24 =	sld [smem:$0x3FFE];
	[sflag:s23] =	ssyncadd.s32 $0xFFFFFFFF  }
0xa5: {  	s26 =	simm.s32 $execute0_lowered;
	[smem:$0x3FD2] =	sst s25  }
0xa6: {  	s4 =	sshll.u32 s26, $0x1;
	_ =	strace $0x8000004F;
	[dreg:$0x1] =	wrdreg $0xFFFFFFFF  }
0xa7: {  	s28 =	simm.s32 $_size_execute0_lowered;
	s2 =	sadd.s32 s2, s4;
	[dreg:$0x0] =	wrdreg $0x0  }
0xa8: {  	s4 =	sshll.u32 s28, $0x1;
	[dreg:$0x2] =	wrdreg s2  }
0xa9: {  	[dreg:$0x3] =	wrdreg s4  }
0xaa: {  	[dreg:$0x4] =	wrdreg $0xC0  }
0xab: {  	_ =	task [dreg:s6], $0x5FFFF  }
0xac: {  	[dreg:$0x1] =	wrdreg $0xFFFFFFFF  }
0xad: {  	[dreg:$0x0] =	wrdreg $0x60  }
0xae: {  	[dreg:$0x2] =	wrdreg s24  }
0xaf: {  	[dreg:$0x3] =	wrdreg $0x41000  }
0xb0: {  	[dreg:$0x4] =	wrdreg $0x9  }
0xb1: {  	_ =	task.clear_ibuf [dreg:s6], $0x5FFFF;
	_ =	strace $0x9000004F  }
0xb2: {  	s29 =	simm.s32 $0x9;
	_ =	strace $0x80000051  }
0xb3: {  	_ =	swait.ge [sflag:s29], $0x1  }
0xb4: {  	[sflag:s29] =	ssyncadd.s32 $0xFFFFFFFF  }
0xb5: {  	_ =	strace $0x90000051  }
0xb6: {  	_ =	sfence  }
0xb7: {  	s30 =	sld [smem:$0x0];
	_ =	sdelay $0x2  }
0xb8: {  	s31 =	sshll.u32 s1, $0xD;
	s1 =	sshrl.u32 s1, $0x2  }
0xb9: {  	s3 =	sand.u32 $0x4000, s31;
	s1 =	sadd.s32 s1, s30  }
0xba: {  	s0 =	sor.u32 s3, s0;
	s1 =	sshll.u32 s1, $0x11  }
0xbb: {  	s0 =	sor.u32 s1, s0  }
0xbc: {  	s0 =	sadd.s32 $0x8F2B, s0  }
0xbd: {  	[sflag:s0] =	ssyncadd.remote.s32 $0x1  }
0xbe: {  	_ =	sfence.sel $0xFFFF  }
0xbf: {  	[dreg:$0x0] =	wrdreg $0xFFFFFFFF;
	(pc) =	sbr.abs _section_cstart, $3  }
0xc0: {  	[dreg:$0x1] =	wrdreg $0xFFFFFFFF  }
0xc1: {  	_ =	task.clear_ibuf [dreg:s6], $0x2FFFF;
	_ =	strace $0x9FFFFFFF  }
0xc2: {  	(tm) =	ssettm $0x7FFFFFFF  }
0xc3: {  	_ =	shalt  }
tec
execute0_lowered:
.L_overlay_start_1:
0x0: {  	(tag) =	ssettag $0x1  }
0x1: {  	s5 =	rddreg [dreg:$0x0]  }
0x2: {  	s2 =	rddreg [dreg:$0x1]  }
0x3: {  	s0 =	rddreg [dreg:$0x2]  }
0x4: {  	s3 =	simm.s32 $0x0;
	s1 =	stileid.u32;
	s7 =	srdreg.scid  }
0x5: {  	s21 =	simm.s32 $0x1;
	s22 =	simm.s32 $0x0;
	s6 =	smul.u32 $0x9E0, s1  }
0x6: {  	[smem:$0x7FF] =	sst s3;
	s4 =	sadd.s32 $0x17E00, s5;
	s24 =	smul.u32 $0x50000, s1  }
0x7: {  	s12 =	sand.u32 $0x1, s7;
	s9 =	smul.u32 $0x14000, s1;
	s15 =	sadd.s32 $0x3F000, s5  }
0x8: {  	_ =	strace $0x80000050;
	s25 =	ssub.s32 $0x2, s12;
	s18 =	smul.u32 $0x140000, s12  }
0x9: {  	s28 =	smul.u32 $0x4F0, s12;
	s14 =	sadd.s32 s6, s5;
	s26 =	sshrl.u32 s25, $0x1  }
0xa: {  	s7 =	sshrl.u32 s24, $0x2;
	s10 =	sadd.s32 $0x4000, s9;
	s13 =	sadd.s32 $0x8000, s9  }
0xb: {  	s17 =	sadd.s32 $0xC000, s9;
	s19 =	sadd.s32 $0x10000, s9;
	s16 =	ssub.s32 s25, s26  }
0xc: {  	s5 =	sadd.s32 s7, s2;
	s6 =	sadd.s32 s10, s2;
	s7 =	sadd.s32 s13, s2  }
0xd: {  	s8 =	sadd.s32 s17, s2;
	s11 =	sadd.s32 s9, s18;
	s10 =	sadd.s32 s18, s10  }
0xe: {  	s9 =	sadd.s32 s19, s2;
	s13 =	sadd.s32 s18, s13;
	s17 =	sadd.s32 s18, s17  }
0xf: {  	s30 =	sadd.s32 s18, s19;
	s31 =	sadd.s32 s28, s14;
	s18 =	simm.s32 $0x100  }
0x10: {  	s19 =	simm.s32 $0x2;
	s11 =	sshrl.u32 s11, $0x3;
	s20 =	sshrl.u32 s10, $0x3  }
0x11: {  	s13 =	sshrl.u32 s13, $0x3;
	s29 =	sshrl.u32 s17, $0x3;
	s17 =	sshrl.u32 s30, $0x3  }
0x12: {  	s10 =	sadd.s32 s15, s11;
	s11 =	sadd.s32 s15, s20;
	s12 =	sadd.s32 s15, s13  }
0x13: {  	s13 =	sadd.s32 s15, s29;
	s14 =	sadd.s32 s15, s17;
	s15 =	smax.u32 s16, $0x1  }
0x14: {  	v0 =	vimm.f32 $0.0e+00;
	s16 =	sadd.s32 $0x4200, s31;
	s17 =	sadd.s32 $0xE000, s31;
	s20 =	simm.s32 $0x80  }
.LBB2_1:
0x15: {  	s23 =	simm.s32 $0x0;
	s24 =	simm.s32 $0x200  }
.LBB2_2:
0x16: {  	p0 =	sne.s32 s24, $0xFE00;
	[tilespmem:s23+$0x170] =	vst v0  }
0x17: {  	[tilespmem:s23+$0x100] =	vst v0  }
0x18: {  	[tilespmem:s23+$0x110] =	vst v0  }
.Ltmp0:
0x19: {  	[tilespmem:s23+$0x120] =	vst v0;
	(pc) =	sbr.rel @p0 .LBB2_2-.Ltmp0, $4  }
0x1a: {  	[tilespmem:s23+$0x130] =	vst v0  }
0x1b: {  	[tilespmem:s23+$0x140] =	vst v0  }
0x1c: {  	[tilespmem:s23+$0x150] =	vst v0  }
0x1d: {  	[tilespmem:s23+$0x160] =	vst v0;
	s23 =	sshra.s32 s24, $0x2;
	s24 =	sadd.s32 $0x200, s24  }
0x1e: {  	[tilespmem:s23+$0x170] =	vst v0  }
0x1f: {  	[tilespmem:s23+$0x100] =	vst v0  }
0x20: {  	[tilespmem:s23+$0x110] =	vst v0  }
0x21: {  	[tilespmem:s23+$0x120] =	vst v0  }
0x22: {  	[tilespmem:s23+$0x130] =	vst v0  }
0x23: {  	[tilespmem:s23+$0x140] =	vst v0  }
0x24: {  	[tilespmem:s23+$0x150] =	vst v0  }
0x25: {  	[tilespmem:s23+$0x160] =	vst v0  }
0x26: {  	[spmem:s5] =	stream.linear.scatter [tilespmem:s18], [sflag:$0x2], $0x4000, $0x38;
	[tilespmem:$0x18100] =	vst v63  }
0x27: {  	_ =	swait.ge [sflag:s19], $0x4000  }
0x28: {  	[sflag:s19] =	ssyncset.done $0x0  }
0x29: {  	[sflag:s19] =	ssyncadd.s32 $0xFFFFC000  }
0x2a: {  	[spmem:s6] =	stream.linear.scatter [tilespmem:s18], [sflag:$0x2], $0x4000, $0x38;
	[tilespmem:$0x18100] =	vst v63  }
0x2b: {  	_ =	swait.ge [sflag:s19], $0x4000  }
0x2c: {  	[sflag:s19] =	ssyncset.done $0x0  }
0x2d: {  	[sflag:s19] =	ssyncadd.s32 $0xFFFFC000  }
0x2e: {  	[spmem:s7] =	stream.linear.scatter [tilespmem:s18], [sflag:$0x2], $0x4000, $0x38;
	[tilespmem:$0x18100] =	vst v63  }
0x2f: {  	_ =	swait.ge [sflag:s19], $0x4000  }
0x30: {  	[sflag:s19] =	ssyncset.done $0x0  }
0x31: {  	[sflag:s19] =	ssyncadd.s32 $0xFFFFC000  }
0x32: {  	[spmem:s8] =	stream.linear.scatter [tilespmem:s18], [sflag:$0x2], $0x4000, $0x38;
	[tilespmem:$0x18100] =	vst v63  }
0x33: {  	_ =	swait.ge [sflag:s19], $0x4000  }
0x34: {  	[sflag:s19] =	ssyncset.done $0x0  }
0x35: {  	[sflag:s19] =	ssyncadd.s32 $0xFFFFC000  }
0x36: {  	[spmem:s9] =	stream.linear.scatter [tilespmem:s18], [sflag:$0x2], $0x4000, $0x38;
	[tilespmem:$0x18100] =	vst v63  }
0x37: {  	_ =	swait.ge [sflag:s19], $0x4000  }
0x38: {  	[sflag:s19] =	ssyncset.done $0x0  }
0x39: {  	[sflag:s19] =	ssyncadd.s32 $0xFFFFC000  }
0x3a: {  	s30 =	sadd.s32 $0x0, s17;
	[bflag:$0x0] =	sbarrier.arrive $0xFFFF  }
0x3b: {  	[tilespmem:s3], [sflag:$0x2] =	stream.linear.gather [hbm4b:s30+s3], $0x80, $0x38;
	[tilespmem:$0x18100] =	vst v63  }
0x3c: {  	_ =	swait.ge [sflag:s19], $0x80  }
0x3d: {  	[sflag:s19] =	ssyncset.done $0x0  }
0x3e: {  	s31 =	sadd.s32 $0x0, s16;
	[sflag:s19] =	ssyncadd.s32 $0xFFFFFF80  }
0x3f: {  	[tilespmem:s20], [sflag:$0x2] =	stream.linear.gather [hbm4b:s31+s3], $0x80, $0x38;
	[tilespmem:$0x18100] =	vst v63  }
0x40: {  	_ =	swait.ge [sflag:s19], $0x80  }
0x41: {  	[sflag:s19] =	ssyncset.done $0x0  }
0x42: {  	[sflag:s19] =	ssyncadd.s32 $0xFFFFFF80  }
0x43: {  	[tilespmem:s18], [sflag:$0x1] =	stream.indirect.gather [hbm4b:s4+s20], $0x80, s3, s20, $0xb8;
	[tilespmem:$0x18100] =	vst v63  }
0x44: {  	_ =	swait.ge [sflag:s21], $0x4000  }
0x45: {  	[sflag:s21] =	ssyncset.done $0x0  }
0x46: {  	[sflag:s21] =	ssyncadd.s32 $0xFFFFC000  }
0x47: {  	[spmem:s2] =	stream.indirect.scatter.add.f32 [tilespmem:s18], [sflag:$0x2], $0x80, s20, s20, $0xb8;
	[tilespmem:$0x18100] =	vst v63  }
0x48: {  	_ =	swait.ge [sflag:s19], $0x4000  }
0x49: {  	s23 =	simm.s32 $0x10;
	s24 =	simm.s32 $0x20;
	[sflag:s19] =	ssyncset.done $0x0  }
.LBB2_4:
0x4a: {  	s25 =	sadd.s32 s23, s17  }
0x4b: {  	[sflag:s19] =	ssyncadd.s32 $0xFFFFC000;
	s26 =	smov.u32 s24;
	s28 =	sadd.s32 $0x10, s24  }
0x4c: {  	[tilespmem:s3], [sflag:$0x2] =	stream.linear.gather [hbm4b:s25+s3], $0x80, $0x38;
	[tilespmem:$0x18100] =	vst v63  }
0x4d: {  	p0 =	sne.s32 s24, $0x4E0;
	_ =	swait.ge [sflag:s19], $0x80  }
0x4e: {  	[sflag:s19] =	ssyncset.done $0x0  }
0x4f: {  	s24 =	sadd.s32 s23, s16;
	s23 =	smov.u32 s26;
	[sflag:s19] =	ssyncadd.s32 $0xFFFFFF80  }
0x50: {  	[tilespmem:s20], [sflag:$0x2] =	stream.linear.gather [hbm4b:s24+s3], $0x80, $0x38;
	[tilespmem:$0x18100] =	vst v63  }
0x51: {  	_ =	swait.ge [sflag:s19], $0x80  }
0x52: {  	[sflag:s19] =	ssyncset.done $0x0  }
0x53: {  	[sflag:s19] =	ssyncadd.s32 $0xFFFFFF80  }
0x54: {  	[tilespmem:s18], [sflag:$0x1] =	stream.indirect.gather [hbm4b:s4+s20], $0x80, s3, s20, $0xb8;
	[tilespmem:$0x18100] =	vst v63  }
0x55: {  	_ =	swait.ge [sflag:s21], $0x4000  }
.Ltmp1:
0x56: {  	[sflag:s21] =	ssyncset.done $0x0;
	(pc) =	sbr.rel @p0 .LBB2_4-.Ltmp1, $4  }
0x57: {  	[sflag:s21] =	ssyncadd.s32 $0xFFFFC000  }
0x58: {  	[spmem:s2] =	stream.indirect.scatter.add.f32 [tilespmem:s18], [sflag:$0x2], $0x80, s20, s20, $0xb8;
	[tilespmem:$0x18100] =	vst v63  }
0x59: {  	_ =	swait.ge [sflag:s19], $0x4000  }
0x5a: {  	s24 =	smov.u32 s28;
	[sflag:s19] =	ssyncset.done $0x0  }
0x5b: {  	s24 =	sadd.s32 s23, s17;
	[sflag:s19] =	ssyncadd.s32 $0xFFFFC000  }
0x5c: {  	[tilespmem:s3], [sflag:$0x2] =	stream.linear.gather [hbm4b:s24+s3], $0x80, $0x38;
	[tilespmem:$0x18100] =	vst v63  }
0x5d: {  	_ =	swait.ge [sflag:s19], $0x80  }
0x5e: {  	[sflag:s19] =	ssyncset.done $0x0  }
0x5f: {  	s31 =	sadd.s32 s23, s16;
	[sflag:s19] =	ssyncadd.s32 $0xFFFFFF80  }
0x60: {  	[tilespmem:s20], [sflag:$0x2] =	stream.linear.gather [hbm4b:s31+s3], $0x80, $0x38;
	[tilespmem:$0x18100] =	vst v63  }
0x61: {  	_ =	swait.ge [sflag:s19], $0x80  }
0x62: {  	[sflag:s19] =	ssyncset.done $0x0  }
0x63: {  	[sflag:s19] =	ssyncadd.s32 $0xFFFFFF80  }
0x64: {  	[tilespmem:s18], [sflag:$0x1] =	stream.indirect.gather [hbm4b:s4+s20], $0x80, s3, s20, $0xb8;
	[tilespmem:$0x18100] =	vst v63  }
0x65: {  	_ =	swait.ge [sflag:s21], $0x4000  }
0x66: {  	[sflag:s21] =	ssyncset.done $0x0  }
0x67: {  	[sflag:s21] =	ssyncadd.s32 $0xFFFFC000  }
0x68: {  	[spmem:s2] =	stream.indirect.scatter.add.f32 [tilespmem:s18], [sflag:$0x2], $0x80, s20, s20, $0xb8;
	[tilespmem:$0x18100] =	vst v63  }
0x69: {  	_ =	swait.ge [sflag:s19], $0x4000  }
0x6a: {  	[sflag:s19] =	ssyncset.done $0x0  }
0x6b: {  	[sflag:s19] =	ssyncadd.s32 $0xFFFFC000  }
0x6c: {  	[bflag:$0x0] =	sbarrier.arrive $0xFFFF  }
0x6d: {  	[tilespmem:s18], [sflag:$0x2] =	stream.linear.gather [spmem:s5], $0x4000, $0x38;
	[tilespmem:$0x18100] =	vst v63  }
0x6e: {  	_ =	swait.ge [sflag:s19], $0x4000  }
0x6f: {  	[sflag:s19] =	ssyncset.done $0x0  }
0x70: {  	[sflag:s19] =	ssyncadd.s32 $0xFFFFC000  }
0x71: {  	[hbm4b:s10+s3] =	stream.linear.scatter [tilespmem:s18], [sflag:$0x2], $0x4000, $0x38;
	[tilespmem:$0x18100] =	vst v63  }
0x72: {  	_ =	swait.ge [sflag:s19], $0x4000  }
0x73: {  	[sflag:s19] =	ssyncset.done $0x0  }
0x74: {  	[sflag:s19] =	ssyncadd.s32 $0xFFFFC000  }
0x75: {  	[tilespmem:s18], [sflag:$0x2] =	stream.linear.gather [spmem:s6], $0x4000, $0x38;
	[tilespmem:$0x18100] =	vst v63  }
0x76: {  	_ =	swait.ge [sflag:s19], $0x4000  }
0x77: {  	[sflag:s19] =	ssyncset.done $0x0  }
0x78: {  	[sflag:s19] =	ssyncadd.s32 $0xFFFFC000  }
0x79: {  	[hbm4b:s11+s3] =	stream.linear.scatter [tilespmem:s18], [sflag:$0x2], $0x4000, $0x38;
	[tilespmem:$0x18100] =	vst v63  }
0x7a: {  	_ =	swait.ge [sflag:s19], $0x4000  }
0x7b: {  	[sflag:s19] =	ssyncset.done $0x0  }
0x7c: {  	[sflag:s19] =	ssyncadd.s32 $0xFFFFC000  }
0x7d: {  	[tilespmem:s18], [sflag:$0x2] =	stream.linear.gather [spmem:s7], $0x4000, $0x38;
	[tilespmem:$0x18100] =	vst v63  }
0x7e: {  	_ =	swait.ge [sflag:s19], $0x4000  }
0x7f: {  	[sflag:s19] =	ssyncset.done $0x0  }
0x80: {  	[sflag:s19] =	ssyncadd.s32 $0xFFFFC000  }
0x81: {  	[hbm4b:s12+s3] =	stream.linear.scatter [tilespmem:s18], [sflag:$0x2], $0x4000, $0x38;
	[tilespmem:$0x18100] =	vst v63  }
0x82: {  	_ =	swait.ge [sflag:s19], $0x4000  }
0x83: {  	[sflag:s19] =	ssyncset.done $0x0  }
0x84: {  	[sflag:s19] =	ssyncadd.s32 $0xFFFFC000  }
0x85: {  	[tilespmem:s18], [sflag:$0x2] =	stream.linear.gather [spmem:s8], $0x4000, $0x38;
	[tilespmem:$0x18100] =	vst v63  }
0x86: {  	_ =	swait.ge [sflag:s19], $0x4000  }
0x87: {  	[sflag:s19] =	ssyncset.done $0x0  }
0x88: {  	[sflag:s19] =	ssyncadd.s32 $0xFFFFC000  }
0x89: {  	[hbm4b:s13+s3] =	stream.linear.scatter [tilespmem:s18], [sflag:$0x2], $0x4000, $0x38;
	[tilespmem:$0x18100] =	vst v63  }
0x8a: {  	_ =	swait.ge [sflag:s19], $0x4000  }
0x8b: {  	[sflag:s19] =	ssyncset.done $0x0  }
0x8c: {  	[sflag:s19] =	ssyncadd.s32 $0xFFFFC000  }
0x8d: {  	[tilespmem:s18], [sflag:$0x2] =	stream.linear.gather [spmem:s9], $0x4000, $0x38;
	[tilespmem:$0x18100] =	vst v63  }
0x8e: {  	s22 =	sadd.s32 $0x1, s22;
	_ =	swait.ge [sflag:s19], $0x4000  }
0x8f: {  	p0 =	sne.s32 s22, s15;
	[sflag:s19] =	ssyncset.done $0x0  }
.Ltmp2:
0x90: {  	[sflag:s19] =	ssyncadd.s32 $0xFFFFC000;
	(pc) =	sbr.rel @p0 .LBB2_1-.Ltmp2, $4  }
0x91: {  	[hbm4b:s14+s3] =	stream.linear.scatter [tilespmem:s18], [sflag:$0x2], $0x4000, $0x38;
	[tilespmem:$0x18100] =	vst v63  }
0x92: {  	_ =	swait.ge [sflag:s19], $0x4000  }
0x93: {  	[sflag:s19] =	ssyncset.done $0x0  }
0x94: {  	[sflag:s19] =	ssyncadd.s32 $0xFFFFC000  }
0x95: {  	_ =	sfence.sel $0x180000  }
0x96: {  	[bflag:$0x0] =	sbarrier.arrive $0xFFFF  }
0x97: {  	p0 =	sne.s32 s1, $0x0;
	_ =	strace $0x90000050  }
0x98: {  	s0 =	sadd.s32 @!p0 $0x100000, s0;
	[bflag:$0x2] =	sbarrier.arrive $0xFFFF  }
0x99: {  	[sflag:s0] =	ssyncadd.tile.s32 @!p0 $0x1;
	_ =	shalt  }
.Lfunc_end2:
_tile_overlayer_lowered:
.L_overlay_start_2:
0x9a: {  	(tag) =	ssettag $0x2  }
0x9b: {  	s0 =	rddreg [dreg:$0x0];
	s2 =	stileid.u32  }
0x9c: {  	s1 =	rddreg [dreg:$0x1];
	p0 =	sne.s32 s2, $0x0  }
0x9d: {  	s3 =	rddreg [dreg:$0x2];
	[bflag:$0x3] =	sbarrier.arrive $0xFFFF;
	s2 =	simm.s32 @!p0 $0x1C02  }
0x9e: {  	[timem:s3], [sflag:s2] =	dma.local @!p0 [hbm:s0], s1  }
0x9f: {  	s0 =	simm.s32 @!p0 $0x2  }
0xa0: {  	_ =	swait.ge @!p0 [sflag:s0], s1  }
0xa1: {  	s1 =	ssub.s32 @!p0 $0x0, s1;
	[sflag:s0] =	ssyncset.done @!p0 $0x0  }
0xa2: {  	[sflag:s0] =	ssyncadd.s32 @!p0 s1  }
0xa3: {  	[bflag:$0x3] =	sbarrier.arrive $0xFFFF  }
0xa4: {  	_ =	shalt  }

// kernel: kernel.26.cloned.1.call-start
scs
__scs_entry_jumppad:
0x0: {  	(pc) =	sbr.rel $0x88, $3  }
0x1: {  	(tag) =	ssettag $0x0;
	lr =	simm.s32 $0x1  }
0x2: {  	[smem:$0x3F90] =	sst lr;
	_ =	strace $0xD0000000  }
0x3: {  	_ = 	snop  }
0x4: {  	_ = 	snop  }
0x5: {  	_ = 	snop  }
0x6: {  	_ = 	snop  }
0x7: {  	_ = 	snop  }
__scs_overlays_trampoline_lowered:
0x8: {  	[smem:$0x3F9F] =	sst s0  }
0x9: {  	[smem:$0x3FA0] =	sst s1  }
0xa: {  	[smem:$0x3FA1] =	sst s2  }
0xb: {  	[smem:$0x3FA2] =	sst s3  }
0xc: {  	[smem:$0x3FA3] =	sst s4  }
0xd: {  	[smem:$0x3FA4] =	sst s5  }
0xe: {  	[smem:$0x3FA5] =	sst s6  }
0xf: {  	[smem:$0x3FA6] =	sst s7  }
0x10: {  	[smem:$0x3FA7] =	sst s8  }
0x11: {  	[smem:$0x3FA8] =	sst s9;
	s0 =	simm.s32 @!p0 $0x0  }
0x12: {  	s1 =	sld [smem:$0x3F8E];
	s0 =	simm.s32 @p0 $0x1  }
0x13: {  	[smem:$0x3FA9] =	sst s0;
	s0 =	simm.s32 @!p1 $0x0  }
0x14: {  	s2 =	sld [smem:$0x3F8D];
	s0 =	simm.s32 @p1 $0x1  }
0x15: {  	[smem:$0x3FAA] =	sst s0;
	s0 =	simm.s32 @!p2 $0x0  }
0x16: {  	s3 =	sld [smem:$0x3FDB];
	s0 =	simm.s32 @p2 $0x1  }
0x17: {  	s4 =	simm.s32 $0x1BF5;
	[smem:$0x3FAC] =	sst s0  }
0x18: {  	s0 =	sld [smem:$0x3F8F];
	_ =	swait.ge [sflag:s4], $0x0  }
0x19: {  	s7 =	sld [smem:$0x3F90]  }
0x1a: {  	s8 =	sadd.s32 $0xFFFFE003, lr  }
0x1b: {  	s9 =	sadd.s32 $0xFFFFFEF7, lr;
	s5 =	simm.s32 $0xFFFFFFFF;
	p2 =	slt.u32 s8, $0xFFFFF086  }
0x1c: {  	p1 =	slt.u32 s9, $0xF7A;
	s5 =	simm.s32 @!p2 $0x0  }
0x1d: {  	s5 =	simm.s32 @p1 $0x1;
	p0 =	seq.s32 s7, s2  }
0x1e: {  	s7 =	smul.u32 @!p0 $0xF7A, s2;
	p2 =	seq.s32 @!p0 s5, $0x0  }
0x1f: {  	s9 =	smul.u32 $0xF7A, s1;
	s8 =	simm.s32 @!p0 $0x1BF5;
	p2 =	por !p2, p0  }
0x20: {  	[sflag:s8] =	ssyncset.s32 @!p0 $0xFFFFF086;
	s6 =	sadd.s32 @!p0 s3, s7;
	s7 =	simm.s32 @!p0 $0x108  }
0x21: {  	s3 =	sadd.s32 s3, s9;
	s6 =	sadd.s32 @!p0 $0x88, s6;
	s7 =	simm.s32 @p2 $0x1082  }
0x22: {  	[simem:s7], [sflag:s8] =	dma.local @!p0 [hbm:s6], $0xF7A  }
0x23: {  	s9 =	sor.u32 $0xD0000000, s2;
	s6 =	simm.s32 $0x108;
	_ =	swait.ge @!p0 [sflag:s8], $0x0  }
0x24: {  	s3 =	sadd.s32 $0x88, s3;
	s6 =	simm.s32 @!p1 $0x1082;
	[sflag:s4] =	ssyncset.s32 $0xFFFFF086  }
0x25: {  	[simem:s6], [sflag:s4] =	dma.local [hbm:s3], $0xF7A  }
0x26: {  	[smem:$0x3F90] =	sst s1;
	(tag) =	ssettag s2;
	_ =	strace s9  }
0x27: {  	s1 =	sld [smem:$0x3FA0]  }
0x28: {  	s2 =	sld [smem:$0x3FA1]  }
0x29: {  	s4 =	sld [smem:$0x3FA3]  }
0x2a: {  	p0 =	seq.s32 s5, $0x0;
	s5 =	sld [smem:$0x3FA4]  }
0x2b: {  	s6 =	sld [smem:$0x3FA5]  }
0x2c: {  	s7 =	sld [smem:$0x3FA6]  }
0x2d: {  	s3 =	simm.s32 $0x108;
	s8 =	sld [smem:$0x3FA7]  }
0x2e: {  	s3 =	simm.s32 @!p0 $0x1082;
	s9 =	sld [smem:$0x3FA8]  }
0x2f: {  	lr =	sadd.s32 s0, s3;
	s0 =	sld [smem:$0x3F9F]  }
0x30: {  	s3 =	sld [smem:$0x3FA2]  }
0x31: {  	[smem:$0x3FAB] =	sst s10  }
0x32: {  	s10 =	sld [smem:$0x3FA9];
	_ =	sdelay $0x3  }
0x33: {  	p0 =	seq.s32 s10, $0x1;
	s10 =	sld [smem:$0x3FAB];
	_ =	sdelay $0x3  }
0x34: {  	[smem:$0x3FAB] =	sst s10  }
0x35: {  	s10 =	sld [smem:$0x3FAA];
	_ =	sdelay $0x3  }
0x36: {  	p1 =	seq.s32 s10, $0x1;
	s10 =	sld [smem:$0x3FAB];
	_ =	sdelay $0x3  }
0x37: {  	[smem:$0x3FAB] =	sst s10  }
0x38: {  	s10 =	sld [smem:$0x3FAC]  }
0x39: {  	_ = 	snop;
	(pc) =	sbr.ind lr, $3  }
0x3a: {  	_ = 	snop  }
0x3b: {  	_ = 	snop  }
0x3c: {  	p2 =	seq.s32 s10, $0x1;
	s10 =	sld [smem:$0x3FAB]  }
0x3d: {  	_ =	shalt  }
0x3e: {  	_ =	shalt  }
0x3f: {  	_ =	shalt  }
0x40: {  	_ =	shalt  }
0x41: {  	_ =	shalt  }
0x42: {  	_ =	shalt  }
0x43: {  	_ =	shalt  }
0x44: {  	_ =	shalt  }
0x45: {  	_ =	shalt  }
0x46: {  	_ =	shalt  }
0x47: {  	_ =	shalt  }
0x48: {  	_ =	shalt  }
0x49: {  	_ =	shalt  }
0x4a: {  	_ =	shalt  }
0x4b: {  	_ =	shalt  }
0x4c: {  	_ =	shalt  }
0x4d: {  	_ =	shalt  }
0x4e: {  	_ =	shalt  }
0x4f: {  	_ =	shalt  }
0x50: {  	_ =	shalt  }
0x51: {  	_ =	shalt  }
0x52: {  	_ =	shalt  }
0x53: {  	_ =	shalt  }
0x54: {  	_ =	shalt  }
0x55: {  	_ =	shalt  }
0x56: {  	_ =	shalt  }
0x57: {  	_ =	shalt  }
0x58: {  	_ =	shalt  }
0x59: {  	_ =	shalt  }
0x5a: {  	_ =	shalt  }
0x5b: {  	_ =	shalt  }
0x5c: {  	_ =	shalt  }
0x5d: {  	_ =	shalt  }
0x5e: {  	_ =	shalt  }
0x5f: {  	_ =	shalt  }
0x60: {  	_ =	shalt  }
0x61: {  	_ =	shalt  }
0x62: {  	_ =	shalt  }
0x63: {  	_ =	shalt  }
0x64: {  	_ =	shalt  }
0x65: {  	_ =	shalt  }
0x66: {  	_ =	shalt  }
0x67: {  	_ =	shalt  }
0x68: {  	_ =	shalt  }
0x69: {  	_ =	shalt  }
0x6a: {  	_ =	shalt  }
0x6b: {  	_ =	shalt  }
0x6c: {  	_ =	shalt  }
0x6d: {  	_ =	shalt  }
0x6e: {  	_ =	shalt  }
0x6f: {  	_ =	shalt  }
0x70: {  	_ =	shalt  }
0x71: {  	_ =	shalt  }
0x72: {  	_ =	shalt  }
0x73: {  	_ =	shalt  }
0x74: {  	_ =	shalt  }
0x75: {  	_ =	shalt  }
0x76: {  	_ =	shalt  }
0x77: {  	_ =	shalt  }
0x78: {  	_ =	shalt  }
0x79: {  	_ =	shalt  }
0x7a: {  	_ =	shalt  }
0x7b: {  	_ =	shalt  }
0x7c: {  	_ =	shalt  }
0x7d: {  	_ =	shalt  }
0x7e: {  	_ =	shalt  }
0x7f: {  	_ =	shalt  }
0x80: {  	_ =	shalt  }
0x81: {  	_ =	shalt  }
0x82: {  	_ =	shalt  }
0x83: {  	_ =	shalt  }
0x84: {  	_ =	shalt  }
0x85: {  	_ =	shalt  }
0x86: {  	_ =	shalt  }
0x87: {  	_ =	shalt  }
.Lfunc_end0:
.L_simem_size_0:
called_computation.4_lowered:
.L_overlay_start_0:
0x88: {  	s2 =	sld [smem:$0x3FD9]  }
0x89: {  	s3 =	sld [smem:$0x3FFE];
	_ =	sdelay $0x1  }
0x8a: {  	s1 =	srdreg.scid  }
0x8b: {  	s0 =	sand.u32 $0x1, s1  }
0x8c: {  	s16 =	sshll.u32 s0, $0xA;
	s2 =	sadd.s32 s3, s2  }
0x8d: {  	s2 =	sadd.s32 s2, s16  }
0x8e: {  	[smem:$0x3FB7] =	sst s2  }
0x8f: {  	_ = 	snop  }
0x90: {  	(tm) =	ssettm $0x1  }
0x91: {  	s17 =	sld [smem:$0x3FFB];
	_ =	sdelay $0x3  }
0x92: {  	_ =	strace s17  }
0x93: {  	s2 =	sld [smem:$0x3FFC];
	_ =	sdelay $0x3  }
0x94: {  	_ =	strace s2  }
0x95: {  	s2 =	sld [smem:$0x3FFD];
	_ =	sdelay $0x3  }
0x96: {  	_ =	strace s2  }
0x97: {  	_ =	strace $0x8FFFFFFF  }
0x98: {  	s18 =	sld [smem:$0x3FDB];
	_ =	sdelay $0x1  }
0x99: {  	s19 =	simm.s32 $_scs_section_size  }
0x9a: {  	s4 =	simm.s32 $_size__tile_overlayer_lowered;
	s5 =	simm.s32 $_tile_overlayer_lowered  }
0x9b: {  	s22 =	simm.s32 $0x1BFF;
	s21 =	sshll.u32 s5, $0x1;
	s2 =	sadd.s32 s19, s18  }
0x9c: {  	s6 =	simm.s32 $0x0;
	s20 =	sshll.u32 s4, $0x1;
	s4 =	sadd.s32 s21, s2  }
0x9d: {  	[timem:s6], [sflag:s22] =	dma.local [hbm:s4], s20  }
0x9e: {  	_ =	swait.ge [sflag:s22], s20  }
0x9f: {  	s3 =	ssub.s32 $0x0, s20;
	[sflag:s22] =	ssyncset.done $0x0  }
0xa0: {  	[sflag:s22] =	ssyncadd.s32 s3;
	_ =	sdelay $0x1  }
0xa1: {  	s23 =	simm.s32 $0x1B8B  }
0xa2: {  	_ =	swait.ge [sflag:s23], $0x1  }
0xa3: {  	[sflag:s23] =	ssyncset.done $0x0  }
0xa4: {  	s25 =	simm.s32 $0x1B8E;
	s24 =	sld [smem:$0x3FFE];
	[sflag:s23] =	ssyncadd.s32 $0xFFFFFFFF  }
0xa5: {  	s26 =	simm.s32 $execute0_lowered;
	[smem:$0x3FD2] =	sst s25  }
0xa6: {  	s4 =	sshll.u32 s26, $0x1;
	_ =	strace $0x80000052;
	[dreg:$0x1] =	wrdreg $0xFFFFFFFF  }
0xa7: {  	s28 =	simm.s32 $_size_execute0_lowered;
	s2 =	sadd.s32 s2, s4;
	[dreg:$0x0] =	wrdreg $0x0  }
0xa8: {  	s4 =	sshll.u32 s28, $0x1;
	[dreg:$0x2] =	wrdreg s2  }
0xa9: {  	[dreg:$0x3] =	wrdreg s4  }
0xaa: {  	[dreg:$0x4] =	wrdreg $0xC0  }
0xab: {  	_ =	task [dreg:s6], $0x5FFFF  }
0xac: {  	[dreg:$0x1] =	wrdreg $0xFFFFFFFF  }
0xad: {  	[dreg:$0x0] =	wrdreg $0x60  }
0xae: {  	[dreg:$0x2] =	wrdreg s24  }
0xaf: {  	[dreg:$0x3] =	wrdreg $0x41000  }
0xb0: {  	[dreg:$0x4] =	wrdreg $0x9  }
0xb1: {  	_ =	task.clear_ibuf [dreg:s6], $0x5FFFF;
	_ =	strace $0x90000052  }
0xb2: {  	s29 =	simm.s32 $0x9;
	_ =	strace $0x80000054  }
0xb3: {  	_ =	swait.ge [sflag:s29], $0x1  }
0xb4: {  	[sflag:s29] =	ssyncadd.s32 $0xFFFFFFFF  }
0xb5: {  	_ =	strace $0x90000054  }
0xb6: {  	_ =	sfence  }
0xb7: {  	s30 =	sld [smem:$0x0];
	_ =	sdelay $0x2  }
0xb8: {  	s31 =	sshll.u32 s1, $0xD;
	s1 =	sshrl.u32 s1, $0x2  }
0xb9: {  	s3 =	sand.u32 $0x4000, s31;
	s1 =	sadd.s32 s1, s30  }
0xba: {  	s0 =	sor.u32 s3, s0;
	s1 =	sshll.u32 s1, $0x11  }
0xbb: {  	s0 =	sor.u32 s1, s0  }
0xbc: {  	s0 =	sadd.s32 $0x8F2B, s0  }
0xbd: {  	[sflag:s0] =	ssyncadd.remote.s32 $0x1  }
0xbe: {  	_ =	sfence.sel $0xFFFF  }
0xbf: {  	[dreg:$0x0] =	wrdreg $0xFFFFFFFF;
	(pc) =	sbr.abs _section_cstart, $3  }
0xc0: {  	[dreg:$0x1] =	wrdreg $0xFFFFFFFF  }
0xc1: {  	_ =	task.clear_ibuf [dreg:s6], $0x2FFFF;
	_ =	strace $0x9FFFFFFF  }
0xc2: {  	(tm) =	ssettm $0x7FFFFFFF  }
0xc3: {  	_ =	shalt  }
tec
execute0_lowered:
.L_overlay_start_1:
0x0: {  	(tag) =	ssettag $0x1  }
0x1: {  	s5 =	rddreg [dreg:$0x0]  }
0x2: {  	s2 =	rddreg [dreg:$0x1]  }
0x3: {  	s0 =	rddreg [dreg:$0x2]  }
0x4: {  	s3 =	simm.s32 $0x0;
	s1 =	stileid.u32;
	s7 =	srdreg.scid  }
0x5: {  	s21 =	simm.s32 $0x1;
	s22 =	simm.s32 $0x0;
	s6 =	smul.u32 $0x9E0, s1  }
0x6: {  	[smem:$0x7FF] =	sst s3;
	s4 =	sadd.s32 $0x17E00, s5;
	s24 =	smul.u32 $0x50000, s1  }
0x7: {  	s12 =	sand.u32 $0x1, s7;
	s9 =	smul.u32 $0x14000, s1;
	s15 =	sadd.s32 $0x3F000, s5  }
0x8: {  	_ =	strace $0x80000053;
	s25 =	ssub.s32 $0x2, s12;
	s18 =	smul.u32 $0x140000, s12  }
0x9: {  	s28 =	smul.u32 $0x4F0, s12;
	s14 =	sadd.s32 s6, s5;
	s26 =	sshrl.u32 s25, $0x1  }
0xa: {  	s7 =	sshrl.u32 s24, $0x2;
	s10 =	sadd.s32 $0x4000, s9;
	s13 =	sadd.s32 $0x8000, s9  }
0xb: {  	s17 =	sadd.s32 $0xC000, s9;
	s19 =	sadd.s32 $0x10000, s9;
	s16 =	ssub.s32 s25, s26  }
0xc: {  	s5 =	sadd.s32 s7, s2;
	s6 =	sadd.s32 s10, s2;
	s7 =	sadd.s32 s13, s2  }
0xd: {  	s8 =	sadd.s32 s17, s2;
	s11 =	sadd.s32 s9, s18;
	s10 =	sadd.s32 s18, s10  }
0xe: {  	s9 =	sadd.s32 s19, s2;
	s13 =	sadd.s32 s18, s13;
	s17 =	sadd.s32 s18, s17  }
0xf: {  	s30 =	sadd.s32 s18, s19;
	s31 =	sadd.s32 s28, s14;
	s18 =	simm.s32 $0x100  }
0x10: {  	s19 =	simm.s32 $0x2;
	s11 =	sshrl.u32 s11, $0x3;
	s20 =	sshrl.u32 s10, $0x3  }
0x11: {  	s13 =	sshrl.u32 s13, $0x3;
	s29 =	sshrl.u32 s17, $0x3;
	s17 =	sshrl.u32 s30, $0x3  }
0x12: {  	s10 =	sadd.s32 s15, s11;
	s11 =	sadd.s32 s15, s20;
	s12 =	sadd.s32 s15, s13  }
0x13: {  	s13 =	sadd.s32 s15, s29;
	s14 =	sadd.s32 s15, s17;
	s15 =	smax.u32 s16, $0x1  }
0x14: {  	v0 =	vimm.f32 $0.0e+00;
	s16 =	sadd.s32 $0x4200, s31;
	s17 =	sadd.s32 $0xE000, s31;
	s20 =	simm.s32 $0x80  }
.LBB2_1:
0x15: {  	s23 =	simm.s32 $0x0;
	s24 =	simm.s32 $0x200  }
.LBB2_2:
0x16: {  	p0 =	sne.s32 s24, $0xFE00;
	[tilespmem:s23+$0x170] =	vst v0  }
0x17: {  	[tilespmem:s23+$0x100] =	vst v0  }
0x18: {  	[tilespmem:s23+$0x110] =	vst v0  }
.Ltmp0:
0x19: {  	[tilespmem:s23+$0x120] =	vst v0;
	(pc) =	sbr.rel @p0 .LBB2_2-.Ltmp0, $4  }
0x1a: {  	[tilespmem:s23+$0x130] =	vst v0  }
0x1b: {  	[tilespmem:s23+$0x140] =	vst v0  }
0x1c: {  	[tilespmem:s23+$0x150] =	vst v0  }
0x1d: {  	[tilespmem:s23+$0x160] =	vst v0;
	s23 =	sshra.s32 s24, $0x2;
	s24 =	sadd.s32 $0x200, s24  }
0x1e: {  	[tilespmem:s23+$0x170] =	vst v0  }
0x1f: {  	[tilespmem:s23+$0x100] =	vst v0  }
0x20: {  	[tilespmem:s23+$0x110] =	vst v0  }
0x21: {  	[tilespmem:s23+$0x120] =	vst v0  }
0x22: {  	[tilespmem:s23+$0x130] =	vst v0  }
0x23: {  	[tilespmem:s23+$0x140] =	vst v0  }
0x24: {  	[tilespmem:s23+$0x150] =	vst v0  }
0x25: {  	[tilespmem:s23+$0x160] =	vst v0  }
0x26: {  	[spmem:s5] =	stream.linear.scatter [tilespmem:s18], [sflag:$0x2], $0x4000, $0x38;
	[tilespmem:$0x18100] =	vst v63  }
0x27: {  	_ =	swait.ge [sflag:s19], $0x4000  }
0x28: {  	[sflag:s19] =	ssyncset.done $0x0  }
0x29: {  	[sflag:s19] =	ssyncadd.s32 $0xFFFFC000  }
0x2a: {  	[spmem:s6] =	stream.linear.scatter [tilespmem:s18], [sflag:$0x2], $0x4000, $0x38;
	[tilespmem:$0x18100] =	vst v63  }
0x2b: {  	_ =	swait.ge [sflag:s19], $0x4000  }
0x2c: {  	[sflag:s19] =	ssyncset.done $0x0  }
0x2d: {  	[sflag:s19] =	ssyncadd.s32 $0xFFFFC000  }
0x2e: {  	[spmem:s7] =	stream.linear.scatter [tilespmem:s18], [sflag:$0x2], $0x4000, $0x38;
	[tilespmem:$0x18100] =	vst v63  }
0x2f: {  	_ =	swait.ge [sflag:s19], $0x4000  }
0x30: {  	[sflag:s19] =	ssyncset.done $0x0  }
0x31: {  	[sflag:s19] =	ssyncadd.s32 $0xFFFFC000  }
0x32: {  	[spmem:s8] =	stream.linear.scatter [tilespmem:s18], [sflag:$0x2], $0x4000, $0x38;
	[tilespmem:$0x18100] =	vst v63  }
0x33: {  	_ =	swait.ge [sflag:s19], $0x4000  }
0x34: {  	[sflag:s19] =	ssyncset.done $0x0  }
0x35: {  	[sflag:s19] =	ssyncadd.s32 $0xFFFFC000  }
0x36: {  	[spmem:s9] =	stream.linear.scatter [tilespmem:s18], [sflag:$0x2], $0x4000, $0x38;
	[tilespmem:$0x18100] =	vst v63  }
0x37: {  	_ =	swait.ge [sflag:s19], $0x4000  }
0x38: {  	[sflag:s19] =	ssyncset.done $0x0  }
0x39: {  	[sflag:s19] =	ssyncadd.s32 $0xFFFFC000  }
0x3a: {  	s30 =	sadd.s32 $0x0, s17;
	[bflag:$0x0] =	sbarrier.arrive $0xFFFF  }
0x3b: {  	[tilespmem:s3], [sflag:$0x2] =	stream.linear.gather [hbm4b:s30+s3], $0x80, $0x38;
	[tilespmem:$0x18100] =	vst v63  }
0x3c: {  	_ =	swait.ge [sflag:s19], $0x80  }
0x3d: {  	[sflag:s19] =	ssyncset.done $0x0  }
0x3e: {  	s31 =	sadd.s32 $0x0, s16;
	[sflag:s19] =	ssyncadd.s32 $0xFFFFFF80  }
0x3f: {  	[tilespmem:s20], [sflag:$0x2] =	stream.linear.gather [hbm4b:s31+s3], $0x80, $0x38;
	[tilespmem:$0x18100] =	vst v63  }
0x40: {  	_ =	swait.ge [sflag:s19], $0x80  }
0x41: {  	[sflag:s19] =	ssyncset.done $0x0  }
0x42: {  	[sflag:s19] =	ssyncadd.s32 $0xFFFFFF80  }
0x43: {  	[tilespmem:s18], [sflag:$0x1] =	stream.indirect.gather [hbm4b:s4+s20], $0x80, s3, s20, $0xb8;
	[tilespmem:$0x18100] =	vst v63  }
0x44: {  	_ =	swait.ge [sflag:s21], $0x4000  }
0x45: {  	[sflag:s21] =	ssyncset.done $0x0  }
0x46: {  	[sflag:s21] =	ssyncadd.s32 $0xFFFFC000  }
0x47: {  	[spmem:s2] =	stream.indirect.scatter.add.f32 [tilespmem:s18], [sflag:$0x2], $0x80, s20, s20, $0xb8;
	[tilespmem:$0x18100] =	vst v63  }
0x48: {  	_ =	swait.ge [sflag:s19], $0x4000  }
0x49: {  	s23 =	simm.s32 $0x10;
	s24 =	simm.s32 $0x20;
	[sflag:s19] =	ssyncset.done $0x0  }
.LBB2_4:
0x4a: {  	s25 =	sadd.s32 s23, s17  }
0x4b: {  	[sflag:s19] =	ssyncadd.s32 $0xFFFFC000;
	s26 =	smov.u32 s24;
	s28 =	sadd.s32 $0x10, s24  }
0x4c: {  	[tilespmem:s3], [sflag:$0x2] =	stream.linear.gather [hbm4b:s25+s3], $0x80, $0x38;
	[tilespmem:$0x18100] =	vst v63  }
0x4d: {  	p0 =	sne.s32 s24, $0x4E0;
	_ =	swait.ge [sflag:s19], $0x80  }
0x4e: {  	[sflag:s19] =	ssyncset.done $0x0  }
0x4f: {  	s24 =	sadd.s32 s23, s16;
	s23 =	smov.u32 s26;
	[sflag:s19] =	ssyncadd.s32 $0xFFFFFF80  }
0x50: {  	[tilespmem:s20], [sflag:$0x2] =	stream.linear.gather [hbm4b:s24+s3], $0x80, $0x38;
	[tilespmem:$0x18100] =	vst v63  }
0x51: {  	_ =	swait.ge [sflag:s19], $0x80  }
0x52: {  	[sflag:s19] =	ssyncset.done $0x0  }
0x53: {  	[sflag:s19] =	ssyncadd.s32 $0xFFFFFF80  }
0x54: {  	[tilespmem:s18], [sflag:$0x1] =	stream.indirect.gather [hbm4b:s4+s20], $0x80, s3, s20, $0xb8;
	[tilespmem:$0x18100] =	vst v63  }
0x55: {  	_ =	swait.ge [sflag:s21], $0x4000  }
.Ltmp1:
0x56: {  	[sflag:s21] =	ssyncset.done $0x0;
	(pc) =	sbr.rel @p0 .LBB2_4-.Ltmp1, $4  }
0x57: {  	[sflag:s21] =	ssyncadd.s32 $0xFFFFC000  }
0x58: {  	[spmem:s2] =	stream.indirect.scatter.add.f32 [tilespmem:s18], [sflag:$0x2], $0x80, s20, s20, $0xb8;
	[tilespmem:$0x18100] =	vst v63  }
0x59: {  	_ =	swait.ge [sflag:s19], $0x4000  }
0x5a: {  	s24 =	smov.u32 s28;
	[sflag:s19] =	ssyncset.done $0x0  }
0x5b: {  	s24 =	sadd.s32 s23, s17;
	[sflag:s19] =	ssyncadd.s32 $0xFFFFC000  }
0x5c: {  	[tilespmem:s3], [sflag:$0x2] =	stream.linear.gather [hbm4b:s24+s3], $0x80, $0x38;
	[tilespmem:$0x18100] =	vst v63  }
0x5d: {  	_ =	swait.ge [sflag:s19], $0x80  }
0x5e: {  	[sflag:s19] =	ssyncset.done $0x0  }
0x5f: {  	s31 =	sadd.s32 s23, s16;
	[sflag:s19] =	ssyncadd.s32 $0xFFFFFF80  }
0x60: {  	[tilespmem:s20], [sflag:$0x2] =	stream.linear.gather [hbm4b:s31+s3], $0x80, $0x38;
	[tilespmem:$0x18100] =	vst v63  }
0x61: {  	_ =	swait.ge [sflag:s19], $0x80  }
0x62: {  	[sflag:s19] =	ssyncset.done $0x0  }
0x63: {  	[sflag:s19] =	ssyncadd.s32 $0xFFFFFF80  }
0x64: {  	[tilespmem:s18], [sflag:$0x1] =	stream.indirect.gather [hbm4b:s4+s20], $0x80, s3, s20, $0xb8;
	[tilespmem:$0x18100] =	vst v63  }
0x65: {  	_ =	swait.ge [sflag:s21], $0x4000  }
0x66: {  	[sflag:s21] =	ssyncset.done $0x0  }
0x67: {  	[sflag:s21] =	ssyncadd.s32 $0xFFFFC000  }
0x68: {  	[spmem:s2] =	stream.indirect.scatter.add.f32 [tilespmem:s18], [sflag:$0x2], $0x80, s20, s20, $0xb8;
	[tilespmem:$0x18100] =	vst v63  }
0x69: {  	_ =	swait.ge [sflag:s19], $0x4000  }
0x6a: {  	[sflag:s19] =	ssyncset.done $0x0  }
0x6b: {  	[sflag:s19] =	ssyncadd.s32 $0xFFFFC000  }
0x6c: {  	[bflag:$0x0] =	sbarrier.arrive $0xFFFF  }
0x6d: {  	[tilespmem:s18], [sflag:$0x2] =	stream.linear.gather [spmem:s5], $0x4000, $0x38;
	[tilespmem:$0x18100] =	vst v63  }
0x6e: {  	_ =	swait.ge [sflag:s19], $0x4000  }
0x6f: {  	[sflag:s19] =	ssyncset.done $0x0  }
0x70: {  	[sflag:s19] =	ssyncadd.s32 $0xFFFFC000  }
0x71: {  	[hbm4b:s10+s3] =	stream.linear.scatter [tilespmem:s18], [sflag:$0x2], $0x4000, $0x38;
	[tilespmem:$0x18100] =	vst v63  }
0x72: {  	_ =	swait.ge [sflag:s19], $0x4000  }
0x73: {  	[sflag:s19] =	ssyncset.done $0x0  }
0x74: {  	[sflag:s19] =	ssyncadd.s32 $0xFFFFC000  }
0x75: {  	[tilespmem:s18], [sflag:$0x2] =	stream.linear.gather [spmem:s6], $0x4000, $0x38;
	[tilespmem:$0x18100] =	vst v63  }
0x76: {  	_ =	swait.ge [sflag:s19], $0x4000  }
0x77: {  	[sflag:s19] =	ssyncset.done $0x0  }
0x78: {  	[sflag:s19] =	ssyncadd.s32 $0xFFFFC000  }
0x79: {  	[hbm4b:s11+s3] =	stream.linear.scatter [tilespmem:s18], [sflag:$0x2], $0x4000, $0x38;
	[tilespmem:$0x18100] =	vst v63  }
0x7a: {  	_ =	swait.ge [sflag:s19], $0x4000  }
0x7b: {  	[sflag:s19] =	ssyncset.done $0x0  }
0x7c: {  	[sflag:s19] =	ssyncadd.s32 $0xFFFFC000  }
0x7d: {  	[tilespmem:s18], [sflag:$0x2] =	stream.linear.gather [spmem:s7], $0x4000, $0x38;
	[tilespmem:$0x18100] =	vst v63  }
0x7e: {  	_ =	swait.ge [sflag:s19], $0x4000  }
0x7f: {  	[sflag:s19] =	ssyncset.done $0x0  }
0x80: {  	[sflag:s19] =	ssyncadd.s32 $0xFFFFC000  }
0x81: {  	[hbm4b:s12+s3] =	stream.linear.scatter [tilespmem:s18], [sflag:$0x2], $0x4000, $0x38;
	[tilespmem:$0x18100] =	vst v63  }
0x82: {  	_ =	swait.ge [sflag:s19], $0x4000  }
0x83: {  	[sflag:s19] =	ssyncset.done $0x0  }
0x84: {  	[sflag:s19] =	ssyncadd.s32 $0xFFFFC000  }
0x85: {  	[tilespmem:s18], [sflag:$0x2] =	stream.linear.gather [spmem:s8], $0x4000, $0x38;
	[tilespmem:$0x18100] =	vst v63  }
0x86: {  	_ =	swait.ge [sflag:s19], $0x4000  }
0x87: {  	[sflag:s19] =	ssyncset.done $0x0  }
0x88: {  	[sflag:s19] =	ssyncadd.s32 $0xFFFFC000  }
0x89: {  	[hbm4b:s13+s3] =	stream.linear.scatter [tilespmem:s18], [sflag:$0x2], $0x4000, $0x38;
	[tilespmem:$0x18100] =	vst v63  }
0x8a: {  	_ =	swait.ge [sflag:s19], $0x4000  }
0x8b: {  	[sflag:s19] =	ssyncset.done $0x0  }
0x8c: {  	[sflag:s19] =	ssyncadd.s32 $0xFFFFC000  }
0x8d: {  	[tilespmem:s18], [sflag:$0x2] =	stream.linear.gather [spmem:s9], $0x4000, $0x38;
	[tilespmem:$0x18100] =	vst v63  }
0x8e: {  	s22 =	sadd.s32 $0x1, s22;
	_ =	swait.ge [sflag:s19], $0x4000  }
0x8f: {  	p0 =	sne.s32 s22, s15;
	[sflag:s19] =	ssyncset.done $0x0  }
.Ltmp2:
0x90: {  	[sflag:s19] =	ssyncadd.s32 $0xFFFFC000;
	(pc) =	sbr.rel @p0 .LBB2_1-.Ltmp2, $4  }
0x91: {  	[hbm4b:s14+s3] =	stream.linear.scatter [tilespmem:s18], [sflag:$0x2], $0x4000, $0x38;
	[tilespmem:$0x18100] =	vst v63  }
0x92: {  	_ =	swait.ge [sflag:s19], $0x4000  }
0x93: {  	[sflag:s19] =	ssyncset.done $0x0  }
0x94: {  	[sflag:s19] =	ssyncadd.s32 $0xFFFFC000  }
0x95: {  	_ =	sfence.sel $0x180000  }
0x96: {  	[bflag:$0x0] =	sbarrier.arrive $0xFFFF  }
0x97: {  	p0 =	sne.s32 s1, $0x0;
	_ =	strace $0x90000053  }
0x98: {  	s0 =	sadd.s32 @!p0 $0x100000, s0;
	[bflag:$0x2] =	sbarrier.arrive $0xFFFF  }
0x99: {  	[sflag:s0] =	ssyncadd.tile.s32 @!p0 $0x1;
	_ =	shalt  }
.Lfunc_end2:
_tile_overlayer_lowered:
.L_overlay_start_2:
0x9a: {  	(tag) =	ssettag $0x2  }
0x9b: {  	s0 =	rddreg [dreg:$0x0];
	s2 =	stileid.u32  }
0x9c: {  	s1 =	rddreg [dreg:$0x1];
	p0 =	sne.s32 s2, $0x0  }
0x9d: {  	s3 =	rddreg [dreg:$0x2];
	[bflag:$0x3] =	sbarrier.arrive $0xFFFF;
	s2 =	simm.s32 @!p0 $0x1C02  }
0x9e: {  	[timem:s3], [sflag:s2] =	dma.local @!p0 [hbm:s0], s1  }
0x9f: {  	s0 =	simm.s32 @!p0 $0x2  }
0xa0: {  	_ =	swait.ge @!p0 [sflag:s0], s1  }
0xa1: {  	s1 =	ssub.s32 @!p0 $0x0, s1;
	[sflag:s0] =	ssyncset.done @!p0 $0x0  }
0xa2: {  	[sflag:s0] =	ssyncadd.s32 @!p0 s1  }
0xa3: {  	[bflag:$0x3] =	sbarrier.arrive $0xFFFF  }
0xa4: {  	_ =	shalt  }

// kernel: kernel.29.cloned.1.call-start
scs
__scs_entry_jumppad:
0x0: {  	(pc) =	sbr.rel $0x88, $3  }
0x1: {  	(tag) =	ssettag $0x0;
	lr =	simm.s32 $0x1  }
0x2: {  	[smem:$0x3F90] =	sst lr;
	_ =	strace $0xD0000000  }
0x3: {  	_ = 	snop  }
0x4: {  	_ = 	snop  }
0x5: {  	_ = 	snop  }
0x6: {  	_ = 	snop  }
0x7: {  	_ = 	snop  }
__scs_overlays_trampoline_lowered:
0x8: {  	[smem:$0x3F9F] =	sst s0  }
0x9: {  	[smem:$0x3FA0] =	sst s1  }
0xa: {  	[smem:$0x3FA1] =	sst s2  }
0xb: {  	[smem:$0x3FA2] =	sst s3  }
0xc: {  	[smem:$0x3FA3] =	sst s4  }
0xd: {  	[smem:$0x3FA4] =	sst s5  }
0xe: {  	[smem:$0x3FA5] =	sst s6  }
0xf: {  	[smem:$0x3FA6] =	sst s7  }
0x10: {  	[smem:$0x3FA7] =	sst s8  }
0x11: {  	[smem:$0x3FA8] =	sst s9;
	s0 =	simm.s32 @!p0 $0x0  }
0x12: {  	s1 =	sld [smem:$0x3F8E];
	s0 =	simm.s32 @p0 $0x1  }
0x13: {  	[smem:$0x3FA9] =	sst s0;
	s0 =	simm.s32 @!p1 $0x0  }
0x14: {  	s2 =	sld [smem:$0x3F8D];
	s0 =	simm.s32 @p1 $0x1  }
0x15: {  	[smem:$0x3FAA] =	sst s0;
	s0 =	simm.s32 @!p2 $0x0  }
0x16: {  	s3 =	sld [smem:$0x3FDB];
	s0 =	simm.s32 @p2 $0x1  }
0x17: {  	s4 =	simm.s32 $0x1BF5;
	[smem:$0x3FAC] =	sst s0  }
0x18: {  	s0 =	sld [smem:$0x3F8F];
	_ =	swait.ge [sflag:s4], $0x0  }
0x19: {  	s7 =	sld [smem:$0x3F90]  }
0x1a: {  	s8 =	sadd.s32 $0xFFFFE003, lr  }
0x1b: {  	s9 =	sadd.s32 $0xFFFFFEF7, lr;
	s5 =	simm.s32 $0xFFFFFFFF;
	p2 =	slt.u32 s8, $0xFFFFF086  }
0x1c: {  	p1 =	slt.u32 s9, $0xF7A;
	s5 =	simm.s32 @!p2 $0x0  }
0x1d: {  	s5 =	simm.s32 @p1 $0x1;
	p0 =	seq.s32 s7, s2  }
0x1e: {  	s7 =	smul.u32 @!p0 $0xF7A, s2;
	p2 =	seq.s32 @!p0 s5, $0x0  }
0x1f: {  	s9 =	smul.u32 $0xF7A, s1;
	s8 =	simm.s32 @!p0 $0x1BF5;
	p2 =	por !p2, p0  }
0x20: {  	[sflag:s8] =	ssyncset.s32 @!p0 $0xFFFFF086;
	s6 =	sadd.s32 @!p0 s3, s7;
	s7 =	simm.s32 @!p0 $0x108  }
0x21: {  	s3 =	sadd.s32 s3, s9;
	s6 =	sadd.s32 @!p0 $0x88, s6;
	s7 =	simm.s32 @p2 $0x1082  }
0x22: {  	[simem:s7], [sflag:s8] =	dma.local @!p0 [hbm:s6], $0xF7A  }
0x23: {  	s9 =	sor.u32 $0xD0000000, s2;
	s6 =	simm.s32 $0x108;
	_ =	swait.ge @!p0 [sflag:s8], $0x0  }
0x24: {  	s3 =	sadd.s32 $0x88, s3;
	s6 =	simm.s32 @!p1 $0x1082;
	[sflag:s4] =	ssyncset.s32 $0xFFFFF086  }
0x25: {  	[simem:s6], [sflag:s4] =	dma.local [hbm:s3], $0xF7A  }
0x26: {  	[smem:$0x3F90] =	sst s1;
	(tag) =	ssettag s2;
	_ =	strace s9  }
0x27: {  	s1 =	sld [smem:$0x3FA0]  }
0x28: {  	s2 =	sld [smem:$0x3FA1]  }
0x29: {  	s4 =	sld [smem:$0x3FA3]  }
0x2a: {  	p0 =	seq.s32 s5, $0x0;
	s5 =	sld [smem:$0x3FA4]  }
0x2b: {  	s6 =	sld [smem:$0x3FA5]  }
0x2c: {  	s7 =	sld [smem:$0x3FA6]  }
0x2d: {  	s3 =	simm.s32 $0x108;
	s8 =	sld [smem:$0x3FA7]  }
0x2e: {  	s3 =	simm.s32 @!p0 $0x1082;
	s9 =	sld [smem:$0x3FA8]  }
0x2f: {  	lr =	sadd.s32 s0, s3;
	s0 =	sld [smem:$0x3F9F]  }
0x30: {  	s3 =	sld [smem:$0x3FA2]  }
0x31: {  	[smem:$0x3FAB] =	sst s10  }
0x32: {  	s10 =	sld [smem:$0x3FA9];
	_ =	sdelay $0x3  }
0x33: {  	p0 =	seq.s32 s10, $0x1;
	s10 =	sld [smem:$0x3FAB];
	_ =	sdelay $0x3  }
0x34: {  	[smem:$0x3FAB] =	sst s10  }
0x35: {  	s10 =	sld [smem:$0x3FAA];
	_ =	sdelay $0x3  }
0x36: {  	p1 =	seq.s32 s10, $0x1;
	s10 =	sld [smem:$0x3FAB];
	_ =	sdelay $0x3  }
0x37: {  	[smem:$0x3FAB] =	sst s10  }
0x38: {  	s10 =	sld [smem:$0x3FAC]  }
0x39: {  	_ = 	snop;
	(pc) =	sbr.ind lr, $3  }
0x3a: {  	_ = 	snop  }
0x3b: {  	_ = 	snop  }
0x3c: {  	p2 =	seq.s32 s10, $0x1;
	s10 =	sld [smem:$0x3FAB]  }
0x3d: {  	_ =	shalt  }
0x3e: {  	_ =	shalt  }
0x3f: {  	_ =	shalt  }
0x40: {  	_ =	shalt  }
0x41: {  	_ =	shalt  }
0x42: {  	_ =	shalt  }
0x43: {  	_ =	shalt  }
0x44: {  	_ =	shalt  }
0x45: {  	_ =	shalt  }
0x46: {  	_ =	shalt  }
0x47: {  	_ =	shalt  }
0x48: {  	_ =	shalt  }
0x49: {  	_ =	shalt  }
0x4a: {  	_ =	shalt  }
0x4b: {  	_ =	shalt  }
0x4c: {  	_ =	shalt  }
0x4d: {  	_ =	shalt  }
0x4e: {  	_ =	shalt  }
0x4f: {  	_ =	shalt  }
0x50: {  	_ =	shalt  }
0x51: {  	_ =	shalt  }
0x52: {  	_ =	shalt  }
0x53: {  	_ =	shalt  }
0x54: {  	_ =	shalt  }
0x55: {  	_ =	shalt  }
0x56: {  	_ =	shalt  }
0x57: {  	_ =	shalt  }
0x58: {  	_ =	shalt  }
0x59: {  	_ =	shalt  }
0x5a: {  	_ =	shalt  }
0x5b: {  	_ =	shalt  }
0x5c: {  	_ =	shalt  }
0x5d: {  	_ =	shalt  }
0x5e: {  	_ =	shalt  }
0x5f: {  	_ =	shalt  }
0x60: {  	_ =	shalt  }
0x61: {  	_ =	shalt  }
0x62: {  	_ =	shalt  }
0x63: {  	_ =	shalt  }
0x64: {  	_ =	shalt  }
0x65: {  	_ =	shalt  }
0x66: {  	_ =	shalt  }
0x67: {  	_ =	shalt  }
0x68: {  	_ =	shalt  }
0x69: {  	_ =	shalt  }
0x6a: {  	_ =	shalt  }
0x6b: {  	_ =	shalt  }
0x6c: {  	_ =	shalt  }
0x6d: {  	_ =	shalt  }
0x6e: {  	_ =	shalt  }
0x6f: {  	_ =	shalt  }
0x70: {  	_ =	shalt  }
0x71: {  	_ =	shalt  }
0x72: {  	_ =	shalt  }
0x73: {  	_ =	shalt  }
0x74: {  	_ =	shalt  }
0x75: {  	_ =	shalt  }
0x76: {  	_ =	shalt  }
0x77: {  	_ =	shalt  }
0x78: {  	_ =	shalt  }
0x79: {  	_ =	shalt  }
0x7a: {  	_ =	shalt  }
0x7b: {  	_ =	shalt  }
0x7c: {  	_ =	shalt  }
0x7d: {  	_ =	shalt  }
0x7e: {  	_ =	shalt  }
0x7f: {  	_ =	shalt  }
0x80: {  	_ =	shalt  }
0x81: {  	_ =	shalt  }
0x82: {  	_ =	shalt  }
0x83: {  	_ =	shalt  }
0x84: {  	_ =	shalt  }
0x85: {  	_ =	shalt  }
0x86: {  	_ =	shalt  }
0x87: {  	_ =	shalt  }
.Lfunc_end0:
.L_simem_size_0:
called_computation.5_lowered:
.L_overlay_start_0:
0x88: {  	s2 =	sld [smem:$0x3FD9]  }
0x89: {  	s3 =	sld [smem:$0x3FFE];
	_ =	sdelay $0x1  }
0x8a: {  	s1 =	srdreg.scid  }
0x8b: {  	s0 =	sand.u32 $0x1, s1  }
0x8c: {  	s16 =	sshll.u32 s0, $0xA;
	s2 =	sadd.s32 s3, s2  }
0x8d: {  	s2 =	sadd.s32 s2, s16  }
0x8e: {  	[smem:$0x3FB7] =	sst s2  }
0x8f: {  	_ = 	snop  }
0x90: {  	(tm) =	ssettm $0x1  }
0x91: {  	s17 =	sld [smem:$0x3FFB];
	_ =	sdelay $0x3  }
0x92: {  	_ =	strace s17  }
0x93: {  	s2 =	sld [smem:$0x3FFC];
	_ =	sdelay $0x3  }
0x94: {  	_ =	strace s2  }
0x95: {  	s2 =	sld [smem:$0x3FFD];
	_ =	sdelay $0x3  }
0x96: {  	_ =	strace s2  }
0x97: {  	_ =	strace $0x8FFFFFFF  }
0x98: {  	s18 =	sld [smem:$0x3FDB];
	_ =	sdelay $0x1  }
0x99: {  	s19 =	simm.s32 $_scs_section_size  }
0x9a: {  	s4 =	simm.s32 $_size__tile_overlayer_lowered;
	s5 =	simm.s32 $_tile_overlayer_lowered  }
0x9b: {  	s22 =	simm.s32 $0x1BFF;
	s21 =	sshll.u32 s5, $0x1;
	s2 =	sadd.s32 s19, s18  }
0x9c: {  	s6 =	simm.s32 $0x0;
	s20 =	sshll.u32 s4, $0x1;
	s4 =	sadd.s32 s21, s2  }
0x9d: {  	[timem:s6], [sflag:s22] =	dma.local [hbm:s4], s20  }
0x9e: {  	_ =	swait.ge [sflag:s22], s20  }
0x9f: {  	s3 =	ssub.s32 $0x0, s20;
	[sflag:s22] =	ssyncset.done $0x0  }
0xa0: {  	[sflag:s22] =	ssyncadd.s32 s3;
	_ =	sdelay $0x1  }
0xa1: {  	s23 =	simm.s32 $0x1B8B  }
0xa2: {  	_ =	swait.ge [sflag:s23], $0x1  }
0xa3: {  	[sflag:s23] =	ssyncset.done $0x0  }
0xa4: {  	s25 =	simm.s32 $0x1B8E;
	s24 =	sld [smem:$0x3FFE];
	[sflag:s23] =	ssyncadd.s32 $0xFFFFFFFF  }
0xa5: {  	s26 =	simm.s32 $execute0_lowered;
	[smem:$0x3FD2] =	sst s25  }
0xa6: {  	s4 =	sshll.u32 s26, $0x1;
	_ =	strace $0x80000055;
	[dreg:$0x1] =	wrdreg $0xFFFFFFFF  }
0xa7: {  	s28 =	simm.s32 $_size_execute0_lowered;
	s2 =	sadd.s32 s2, s4;
	[dreg:$0x0] =	wrdreg $0x0  }
0xa8: {  	s4 =	sshll.u32 s28, $0x1;
	[dreg:$0x2] =	wrdreg s2  }
0xa9: {  	[dreg:$0x3] =	wrdreg s4  }
0xaa: {  	[dreg:$0x4] =	wrdreg $0xC0  }
0xab: {  	_ =	task [dreg:s6], $0x5FFFF  }
0xac: {  	[dreg:$0x1] =	wrdreg $0xFFFFFFFF  }
0xad: {  	[dreg:$0x0] =	wrdreg $0x60  }
0xae: {  	[dreg:$0x2] =	wrdreg s24  }
0xaf: {  	[dreg:$0x3] =	wrdreg $0x41000  }
0xb0: {  	[dreg:$0x4] =	wrdreg $0x9  }
0xb1: {  	_ =	task.clear_ibuf [dreg:s6], $0x5FFFF;
	_ =	strace $0x90000055  }
0xb2: {  	s29 =	simm.s32 $0x9;
	_ =	strace $0x80000057  }
0xb3: {  	_ =	swait.ge [sflag:s29], $0x1  }
0xb4: {  	[sflag:s29] =	ssyncadd.s32 $0xFFFFFFFF  }
0xb5: {  	_ =	strace $0x90000057  }
0xb6: {  	_ =	sfence  }
0xb7: {  	s30 =	sld [smem:$0x0];
	_ =	sdelay $0x2  }
0xb8: {  	s31 =	sshll.u32 s1, $0xD;
	s1 =	sshrl.u32 s1, $0x2  }
0xb9: {  	s3 =	sand.u32 $0x4000, s31;
	s1 =	sadd.s32 s1, s30  }
0xba: {  	s0 =	sor.u32 s3, s0;
	s1 =	sshll.u32 s1, $0x11  }
0xbb: {  	s0 =	sor.u32 s1, s0  }
0xbc: {  	s0 =	sadd.s32 $0x8F2B, s0  }
0xbd: {  	[sflag:s0] =	ssyncadd.remote.s32 $0x1  }
0xbe: {  	_ =	sfence.sel $0xFFFF  }
0xbf: {  	[dreg:$0x0] =	wrdreg $0xFFFFFFFF;
	(pc) =	sbr.abs _section_cstart, $3  }
0xc0: {  	[dreg:$0x1] =	wrdreg $0xFFFFFFFF  }
0xc1: {  	_ =	task.clear_ibuf [dreg:s6], $0x2FFFF;
	_ =	strace $0x9FFFFFFF  }
0xc2: {  	(tm) =	ssettm $0x7FFFFFFF  }
0xc3: {  	_ =	shalt  }
tec
execute0_lowered:
.L_overlay_start_1:
0x0: {  	(tag) =	ssettag $0x1  }
0x1: {  	s5 =	rddreg [dreg:$0x0]  }
0x2: {  	s2 =	rddreg [dreg:$0x1]  }
0x3: {  	s0 =	rddreg [dreg:$0x2]  }
0x4: {  	s3 =	simm.s32 $0x0;
	s1 =	stileid.u32;
	s7 =	srdreg.scid  }
0x5: {  	s21 =	simm.s32 $0x1;
	s22 =	simm.s32 $0x0;
	s6 =	smul.u32 $0x9E0, s1  }
0x6: {  	[smem:$0x7FF] =	sst s3;
	s4 =	sadd.s32 $0x17E00, s5;
	s24 =	smul.u32 $0x50000, s1  }
0x7: {  	s12 =	sand.u32 $0x1, s7;
	s9 =	smul.u32 $0x14000, s1;
	s15 =	sadd.s32 $0x3F000, s5  }
0x8: {  	_ =	strace $0x80000056;
	s25 =	ssub.s32 $0x2, s12;
	s18 =	smul.u32 $0x140000, s12  }
0x9: {  	s28 =	smul.u32 $0x4F0, s12;
	s14 =	sadd.s32 s6, s5;
	s26 =	sshrl.u32 s25, $0x1  }
0xa: {  	s7 =	sshrl.u32 s24, $0x2;
	s10 =	sadd.s32 $0x4000, s9;
	s13 =	sadd.s32 $0x8000, s9  }
0xb: {  	s17 =	sadd.s32 $0xC000, s9;
	s19 =	sadd.s32 $0x10000, s9;
	s16 =	ssub.s32 s25, s26  }
0xc: {  	s5 =	sadd.s32 s7, s2;
	s6 =	sadd.s32 s10, s2;
	s7 =	sadd.s32 s13, s2  }
0xd: {  	s8 =	sadd.s32 s17, s2;
	s11 =	sadd.s32 s9, s18;
	s10 =	sadd.s32 s18, s10  }
0xe: {  	s9 =	sadd.s32 s19, s2;
	s13 =	sadd.s32 s18, s13;
	s17 =	sadd.s32 s18, s17  }
0xf: {  	s30 =	sadd.s32 s18, s19;
	s31 =	sadd.s32 s28, s14;
	s18 =	simm.s32 $0x100  }
0x10: {  	s19 =	simm.s32 $0x2;
	s11 =	sshrl.u32 s11, $0x3;
	s20 =	sshrl.u32 s10, $0x3  }
0x11: {  	s13 =	sshrl.u32 s13, $0x3;
	s29 =	sshrl.u32 s17, $0x3;
	s17 =	sshrl.u32 s30, $0x3  }
0x12: {  	s10 =	sadd.s32 s15, s11;
	s11 =	sadd.s32 s15, s20;
	s12 =	sadd.s32 s15, s13  }
0x13: {  	s13 =	sadd.s32 s15, s29;
	s14 =	sadd.s32 s15, s17;
	s15 =	smax.u32 s16, $0x1  }
0x14: {  	v0 =	vimm.f32 $0.0e+00;
	s16 =	sadd.s32 $0x4200, s31;
	s17 =	sadd.s32 $0xE000, s31;
	s20 =	simm.s32 $0x80  }
.LBB2_1:
0x15: {  	s23 =	simm.s32 $0x0;
	s24 =	simm.s32 $0x200  }
.LBB2_2:
0x16: {  	p0 =	sne.s32 s24, $0xFE00;
	[tilespmem:s23+$0x170] =	vst v0  }
0x17: {  	[tilespmem:s23+$0x100] =	vst v0  }
0x18: {  	[tilespmem:s23+$0x110] =	vst v0  }
.Ltmp0:
0x19: {  	[tilespmem:s23+$0x120] =	vst v0;
	(pc) =	sbr.rel @p0 .LBB2_2-.Ltmp0, $4  }
0x1a: {  	[tilespmem:s23+$0x130] =	vst v0  }
0x1b: {  	[tilespmem:s23+$0x140] =	vst v0  }
0x1c: {  	[tilespmem:s23+$0x150] =	vst v0  }
0x1d: {  	[tilespmem:s23+$0x160] =	vst v0;
	s23 =	sshra.s32 s24, $0x2;
	s24 =	sadd.s32 $0x200, s24  }
0x1e: {  	[tilespmem:s23+$0x170] =	vst v0  }
0x1f: {  	[tilespmem:s23+$0x100] =	vst v0  }
0x20: {  	[tilespmem:s23+$0x110] =	vst v0  }
0x21: {  	[tilespmem:s23+$0x120] =	vst v0  }
0x22: {  	[tilespmem:s23+$0x130] =	vst v0  }
0x23: {  	[tilespmem:s23+$0x140] =	vst v0  }
0x24: {  	[tilespmem:s23+$0x150] =	vst v0  }
0x25: {  	[tilespmem:s23+$0x160] =	vst v0  }
0x26: {  	[spmem:s5] =	stream.linear.scatter [tilespmem:s18], [sflag:$0x2], $0x4000, $0x38;
	[tilespmem:$0x18100] =	vst v63  }
0x27: {  	_ =	swait.ge [sflag:s19], $0x4000  }
0x28: {  	[sflag:s19] =	ssyncset.done $0x0  }
0x29: {  	[sflag:s19] =	ssyncadd.s32 $0xFFFFC000  }
0x2a: {  	[spmem:s6] =	stream.linear.scatter [tilespmem:s18], [sflag:$0x2], $0x4000, $0x38;
	[tilespmem:$0x18100] =	vst v63  }
0x2b: {  	_ =	swait.ge [sflag:s19], $0x4000  }
0x2c: {  	[sflag:s19] =	ssyncset.done $0x0  }
0x2d: {  	[sflag:s19] =	ssyncadd.s32 $0xFFFFC000  }
0x2e: {  	[spmem:s7] =	stream.linear.scatter [tilespmem:s18], [sflag:$0x2], $0x4000, $0x38;
	[tilespmem:$0x18100] =	vst v63  }
0x2f: {  	_ =	swait.ge [sflag:s19], $0x4000  }
0x30: {  	[sflag:s19] =	ssyncset.done $0x0  }
0x31: {  	[sflag:s19] =	ssyncadd.s32 $0xFFFFC000  }
0x32: {  	[spmem:s8] =	stream.linear.scatter [tilespmem:s18], [sflag:$0x2], $0x4000, $0x38;
	[tilespmem:$0x18100] =	vst v63  }
0x33: {  	_ =	swait.ge [sflag:s19], $0x4000  }
0x34: {  	[sflag:s19] =	ssyncset.done $0x0  }
0x35: {  	[sflag:s19] =	ssyncadd.s32 $0xFFFFC000  }
0x36: {  	[spmem:s9] =	stream.linear.scatter [tilespmem:s18], [sflag:$0x2], $0x4000, $0x38;
	[tilespmem:$0x18100] =	vst v63  }
0x37: {  	_ =	swait.ge [sflag:s19], $0x4000  }
0x38: {  	[sflag:s19] =	ssyncset.done $0x0  }
0x39: {  	[sflag:s19] =	ssyncadd.s32 $0xFFFFC000  }
0x3a: {  	s30 =	sadd.s32 $0x0, s17;
	[bflag:$0x0] =	sbarrier.arrive $0xFFFF  }
0x3b: {  	[tilespmem:s3], [sflag:$0x2] =	stream.linear.gather [hbm4b:s30+s3], $0x80, $0x38;
	[tilespmem:$0x18100] =	vst v63  }
0x3c: {  	_ =	swait.ge [sflag:s19], $0x80  }
0x3d: {  	[sflag:s19] =	ssyncset.done $0x0  }
0x3e: {  	s31 =	sadd.s32 $0x0, s16;
	[sflag:s19] =	ssyncadd.s32 $0xFFFFFF80  }
0x3f: {  	[tilespmem:s20], [sflag:$0x2] =	stream.linear.gather [hbm4b:s31+s3], $0x80, $0x38;
	[tilespmem:$0x18100] =	vst v63  }
0x40: {  	_ =	swait.ge [sflag:s19], $0x80  }
0x41: {  	[sflag:s19] =	ssyncset.done $0x0  }
0x42: {  	[sflag:s19] =	ssyncadd.s32 $0xFFFFFF80  }
0x43: {  	[tilespmem:s18], [sflag:$0x1] =	stream.indirect.gather [hbm4b:s4+s20], $0x80, s3, s20, $0xb8;
	[tilespmem:$0x18100] =	vst v63  }
0x44: {  	_ =	swait.ge [sflag:s21], $0x4000  }
0x45: {  	[sflag:s21] =	ssyncset.done $0x0  }
0x46: {  	[sflag:s21] =	ssyncadd.s32 $0xFFFFC000  }
0x47: {  	[spmem:s2] =	stream.indirect.scatter.add.f32 [tilespmem:s18], [sflag:$0x2], $0x80, s20, s20, $0xb8;
	[tilespmem:$0x18100] =	vst v63  }
0x48: {  	_ =	swait.ge [sflag:s19], $0x4000  }
0x49: {  	s23 =	simm.s32 $0x10;
	s24 =	simm.s32 $0x20;
	[sflag:s19] =	ssyncset.done $0x0  }
.LBB2_4:
0x4a: {  	s25 =	sadd.s32 s23, s17  }
0x4b: {  	[sflag:s19] =	ssyncadd.s32 $0xFFFFC000;
	s26 =	smov.u32 s24;
	s28 =	sadd.s32 $0x10, s24  }
0x4c: {  	[tilespmem:s3], [sflag:$0x2] =	stream.linear.gather [hbm4b:s25+s3], $0x80, $0x38;
	[tilespmem:$0x18100] =	vst v63  }
0x4d: {  	p0 =	sne.s32 s24, $0x4E0;
	_ =	swait.ge [sflag:s19], $0x80  }
0x4e: {  	[sflag:s19] =	ssyncset.done $0x0  }
0x4f: {  	s24 =	sadd.s32 s23, s16;
	s23 =	smov.u32 s26;
	[sflag:s19] =	ssyncadd.s32 $0xFFFFFF80  }
0x50: {  	[tilespmem:s20], [sflag:$0x2] =	stream.linear.gather [hbm4b:s24+s3], $0x80, $0x38;
	[tilespmem:$0x18100] =	vst v63  }
0x51: {  	_ =	swait.ge [sflag:s19], $0x80  }
0x52: {  	[sflag:s19] =	ssyncset.done $0x0  }
0x53: {  	[sflag:s19] =	ssyncadd.s32 $0xFFFFFF80  }
0x54: {  	[tilespmem:s18], [sflag:$0x1] =	stream.indirect.gather [hbm4b:s4+s20], $0x80, s3, s20, $0xb8;
	[tilespmem:$0x18100] =	vst v63  }
0x55: {  	_ =	swait.ge [sflag:s21], $0x4000  }
.Ltmp1:
0x56: {  	[sflag:s21] =	ssyncset.done $0x0;
	(pc) =	sbr.rel @p0 .LBB2_4-.Ltmp1, $4  }
0x57: {  	[sflag:s21] =	ssyncadd.s32 $0xFFFFC000  }
0x58: {  	[spmem:s2] =	stream.indirect.scatter.add.f32 [tilespmem:s18], [sflag:$0x2], $0x80, s20, s20, $0xb8;
	[tilespmem:$0x18100] =	vst v63  }
0x59: {  	_ =	swait.ge [sflag:s19], $0x4000  }
0x5a: {  	s24 =	smov.u32 s28;
	[sflag:s19] =	ssyncset.done $0x0  }
0x5b: {  	s24 =	sadd.s32 s23, s17;
	[sflag:s19] =	ssyncadd.s32 $0xFFFFC000  }
0x5c: {  	[tilespmem:s3], [sflag:$0x2] =	stream.linear.gather [hbm4b:s24+s3], $0x80, $0x38;
	[tilespmem:$0x18100] =	vst v63  }
0x5d: {  	_ =	swait.ge [sflag:s19], $0x80  }
0x5e: {  	[sflag:s19] =	ssyncset.done $0x0  }
0x5f: {  	s31 =	sadd.s32 s23, s16;
	[sflag:s19] =	ssyncadd.s32 $0xFFFFFF80  }
0x60: {  	[tilespmem:s20], [sflag:$0x2] =	stream.linear.gather [hbm4b:s31+s3], $0x80, $0x38;
	[tilespmem:$0x18100] =	vst v63  }
0x61: {  	_ =	swait.ge [sflag:s19], $0x80  }
0x62: {  	[sflag:s19] =	ssyncset.done $0x0  }
0x63: {  	[sflag:s19] =	ssyncadd.s32 $0xFFFFFF80  }
0x64: {  	[tilespmem:s18], [sflag:$0x1] =	stream.indirect.gather [hbm4b:s4+s20], $0x80, s3, s20, $0xb8;
	[tilespmem:$0x18100] =	vst v63  }
0x65: {  	_ =	swait.ge [sflag:s21], $0x4000  }
0x66: {  	[sflag:s21] =	ssyncset.done $0x0  }
0x67: {  	[sflag:s21] =	ssyncadd.s32 $0xFFFFC000  }
0x68: {  	[spmem:s2] =	stream.indirect.scatter.add.f32 [tilespmem:s18], [sflag:$0x2], $0x80, s20, s20, $0xb8;
	[tilespmem:$0x18100] =	vst v63  }
0x69: {  	_ =	swait.ge [sflag:s19], $0x4000  }
0x6a: {  	[sflag:s19] =	ssyncset.done $0x0  }
0x6b: {  	[sflag:s19] =	ssyncadd.s32 $0xFFFFC000  }
0x6c: {  	[bflag:$0x0] =	sbarrier.arrive $0xFFFF  }
0x6d: {  	[tilespmem:s18], [sflag:$0x2] =	stream.linear.gather [spmem:s5], $0x4000, $0x38;
	[tilespmem:$0x18100] =	vst v63  }
0x6e: {  	_ =	swait.ge [sflag:s19], $0x4000  }
0x6f: {  	[sflag:s19] =	ssyncset.done $0x0  }
0x70: {  	[sflag:s19] =	ssyncadd.s32 $0xFFFFC000  }
0x71: {  	[hbm4b:s10+s3] =	stream.linear.scatter [tilespmem:s18], [sflag:$0x2], $0x4000, $0x38;
	[tilespmem:$0x18100] =	vst v63  }
0x72: {  	_ =	swait.ge [sflag:s19], $0x4000  }
0x73: {  	[sflag:s19] =	ssyncset.done $0x0  }
0x74: {  	[sflag:s19] =	ssyncadd.s32 $0xFFFFC000  }
0x75: {  	[tilespmem:s18], [sflag:$0x2] =	stream.linear.gather [spmem:s6], $0x4000, $0x38;
	[tilespmem:$0x18100] =	vst v63  }
0x76: {  	_ =	swait.ge [sflag:s19], $0x4000  }
0x77: {  	[sflag:s19] =	ssyncset.done $0x0  }
0x78: {  	[sflag:s19] =	ssyncadd.s32 $0xFFFFC000  }
0x79: {  	[hbm4b:s11+s3] =	stream.linear.scatter [tilespmem:s18], [sflag:$0x2], $0x4000, $0x38;
	[tilespmem:$0x18100] =	vst v63  }
0x7a: {  	_ =	swait.ge [sflag:s19], $0x4000  }
0x7b: {  	[sflag:s19] =	ssyncset.done $0x0  }
0x7c: {  	[sflag:s19] =	ssyncadd.s32 $0xFFFFC000  }
0x7d: {  	[tilespmem:s18], [sflag:$0x2] =	stream.linear.gather [spmem:s7], $0x4000, $0x38;
	[tilespmem:$0x18100] =	vst v63  }
0x7e: {  	_ =	swait.ge [sflag:s19], $0x4000  }
0x7f: {  	[sflag:s19] =	ssyncset.done $0x0  }
0x80: {  	[sflag:s19] =	ssyncadd.s32 $0xFFFFC000  }
0x81: {  	[hbm4b:s12+s3] =	stream.linear.scatter [tilespmem:s18], [sflag:$0x2], $0x4000, $0x38;
	[tilespmem:$0x18100] =	vst v63  }
0x82: {  	_ =	swait.ge [sflag:s19], $0x4000  }
0x83: {  	[sflag:s19] =	ssyncset.done $0x0  }
0x84: {  	[sflag:s19] =	ssyncadd.s32 $0xFFFFC000  }
0x85: {  	[tilespmem:s18], [sflag:$0x2] =	stream.linear.gather [spmem:s8], $0x4000, $0x38;
	[tilespmem:$0x18100] =	vst v63  }
0x86: {  	_ =	swait.ge [sflag:s19], $0x4000  }
0x87: {  	[sflag:s19] =	ssyncset.done $0x0  }
0x88: {  	[sflag:s19] =	ssyncadd.s32 $0xFFFFC000  }
0x89: {  	[hbm4b:s13+s3] =	stream.linear.scatter [tilespmem:s18], [sflag:$0x2], $0x4000, $0x38;
	[tilespmem:$0x18100] =	vst v63  }
0x8a: {  	_ =	swait.ge [sflag:s19], $0x4000  }
0x8b: {  	[sflag:s19] =	ssyncset.done $0x0  }
0x8c: {  	[sflag:s19] =	ssyncadd.s32 $0xFFFFC000  }
0x8d: {  	[tilespmem:s18], [sflag:$0x2] =	stream.linear.gather [spmem:s9], $0x4000, $0x38;
	[tilespmem:$0x18100] =	vst v63  }
0x8e: {  	s22 =	sadd.s32 $0x1, s22;
	_ =	swait.ge [sflag:s19], $0x4000  }
0x8f: {  	p0 =	sne.s32 s22, s15;
	[sflag:s19] =	ssyncset.done $0x0  }
.Ltmp2:
0x90: {  	[sflag:s19] =	ssyncadd.s32 $0xFFFFC000;
	(pc) =	sbr.rel @p0 .LBB2_1-.Ltmp2, $4  }
0x91: {  	[hbm4b:s14+s3] =	stream.linear.scatter [tilespmem:s18], [sflag:$0x2], $0x4000, $0x38;
	[tilespmem:$0x18100] =	vst v63  }
0x92: {  	_ =	swait.ge [sflag:s19], $0x4000  }
0x93: {  	[sflag:s19] =	ssyncset.done $0x0  }
0x94: {  	[sflag:s19] =	ssyncadd.s32 $0xFFFFC000  }
0x95: {  	_ =	sfence.sel $0x180000  }
0x96: {  	[bflag:$0x0] =	sbarrier.arrive $0xFFFF  }
0x97: {  	p0 =	sne.s32 s1, $0x0;
	_ =	strace $0x90000056  }
0x98: {  	s0 =	sadd.s32 @!p0 $0x100000, s0;
	[bflag:$0x2] =	sbarrier.arrive $0xFFFF  }
0x99: {  	[sflag:s0] =	ssyncadd.tile.s32 @!p0 $0x1;
	_ =	shalt  }
.Lfunc_end2:
_tile_overlayer_lowered:
.L_overlay_start_2:
0x9a: {  	(tag) =	ssettag $0x2  }
0x9b: {  	s0 =	rddreg [dreg:$0x0];
	s2 =	stileid.u32  }
0x9c: {  	s1 =	rddreg [dreg:$0x1];
	p0 =	sne.s32 s2, $0x0  }
0x9d: {  	s3 =	rddreg [dreg:$0x2];
	[bflag:$0x3] =	sbarrier.arrive $0xFFFF;
	s2 =	simm.s32 @!p0 $0x1C02  }
0x9e: {  	[timem:s3], [sflag:s2] =	dma.local @!p0 [hbm:s0], s1  }
0x9f: {  	s0 =	simm.s32 @!p0 $0x2  }
0xa0: {  	_ =	swait.ge @!p0 [sflag:s0], s1  }
0xa1: {  	s1 =	ssub.s32 @!p0 $0x0, s1;
	[sflag:s0] =	ssyncset.done @!p0 $0x0  }
0xa2: {  	[sflag:s0] =	ssyncadd.s32 @!p0 s1  }
0xa3: {  	[bflag:$0x3] =	sbarrier.arrive $0xFFFF  }
0xa4: {  	_ =	shalt  }

</sc_bundles>
